<compile_context>
chip_gen: v7x
topology: tpu7x:2x2x1
jax: 0.10.2.dev20260603
libtpu: 0.0.44.dev20260713+nightly
codegen_flags: <defaults>
</compile_context>

<pallas_src>
import functools

import jax
import jax.numpy as jnp
from jax import lax
from jax.experimental import pallas as pl
from jax.experimental.pallas import tpu as pltpu

_BIG = 1e9
_THR = 0.8


def _boxes_body(m_ref, out_ref):
    m = m_ref[...]
    x_any = jnp.max(m, axis=1) > 0.0
    y_any = jnp.max(m, axis=2) > 0.0
    xs = lax.broadcasted_iota(jnp.int32, x_any.shape, 1).astype(jnp.float32)
    ys = lax.broadcasted_iota(jnp.int32, y_any.shape, 1).astype(jnp.float32)
    xmin = jnp.min(jnp.where(x_any, xs, _BIG), axis=1)
    xmax = jnp.max(jnp.where(x_any, xs, -_BIG), axis=1)
    ymin = jnp.min(jnp.where(y_any, ys, _BIG), axis=1)
    ymax = jnp.max(jnp.where(y_any, ys, -_BIG), axis=1)
    z = jnp.zeros_like(xmin)
    out_ref[...] = jnp.stack([xmin, ymin, xmax, ymax, z, z, z, z], axis=1)


def _masks_to_boxes(masks, n_pad, bn, interpret=False):
    n, h, w = masks.shape
    grid = n_pad // bn
    return pl.pallas_call(
        _boxes_body,
        grid=(grid,),
        in_specs=[pl.BlockSpec((bn, h, w), lambda i: (i, 0, 0))],
        out_specs=pl.BlockSpec((bn, 8), lambda i: (i, 0)),
        out_shape=jax.ShapeDtypeStruct((n_pad, 8), jnp.float32),
        interpret=interpret,
    )(masks)


def _pair_mask(x1c, y1c, x2c, y2c, ac, labc, x1r, y1r, x2r, y2r, ar, labr):
    ww = jnp.maximum(jnp.minimum(x2c, x2r) - jnp.maximum(x1c, x1r), 0.0)
    hh = jnp.maximum(jnp.minimum(y2c, y2r) - jnp.maximum(y1c, y1r), 0.0)
    inter = ww * hh
    iou = inter / (ac + ar - inter + 1e-12)
    cond = (iou > _THR) & (labc == labr)
    return cond


def _nms_body(tcol_ref, trow_ref, flags_ref, out_ref, supp_ref, *, n_pad, blk):
    nb = n_pad // blk
    kcols = []

    def col_slices(b):
        t = tcol_ref[pl.ds(b * blk, blk), :]
        return (t[:, 0:1], t[:, 1:2], t[:, 2:3], t[:, 3:4],
                (t[:, 2:3] - t[:, 0:1]) * (t[:, 3:4] - t[:, 1:2]), t[:, 4:5])

    def row_slices(b):
        r = trow_ref[:, pl.ds(b * blk, blk)]
        return (r[0:1, :], r[1:2, :], r[2:3, :], r[3:4, :],
                (r[2:3, :] - r[0:1, :]) * (r[3:4, :] - r[1:2, :]), r[4:5, :])

    for b in range(nb):
        cs = col_slices(b)
        supp_ref[...] = jnp.zeros((blk, 1), jnp.float32)
        for p in range(b):
            @pl.when(flags_ref[b * nb + p] != 0)
            def _():
                rs = row_slices(p)
                m = _pair_mask(*cs, *rs).astype(jnp.float32)
                supp_ref[...] += jnp.dot(m, kcols[p],
                                         preferred_element_type=jnp.float32)
        supp = supp_ref[...]
        rs = row_slices(b)
        tri = (lax.broadcasted_iota(jnp.int32, (blk, blk), 0)
               > lax.broadcasted_iota(jnp.int32, (blk, blk), 1))
        mb = (_pair_mask(*cs, *rs) & tri).astype(jnp.float32)
        k0 = jnp.where(supp > 0.0, 0.0, 1.0)

        def cond_fn(carry):
            return carry[1]

        def body_fn(carry):
            k, _ = carry
            s = jnp.dot(mb, k, preferred_element_type=jnp.float32)
            knew = jnp.where(s > 0.0, 0.0, k0)
            return knew, jnp.any(knew != k)

        kfin, _ = lax.while_loop(cond_fn, body_fn, (k0, True))
        kcols.append(kfin)

    out_ref[...] = jnp.concatenate(kcols, axis=0)


def _nms(sorted_col, sorted_row, flags, n_pad, blk, interpret=False):
    body = functools.partial(_nms_body, n_pad=n_pad, blk=blk)
    return pl.pallas_call(
        body,
        in_specs=[
            pl.BlockSpec(memory_space=pltpu.VMEM),
            pl.BlockSpec(memory_space=pltpu.VMEM),
            pl.BlockSpec(memory_space=pltpu.SMEM),
        ],
        out_specs=pl.BlockSpec(memory_space=pltpu.VMEM),
        scratch_shapes=[pltpu.VMEM((blk, 1), jnp.float32)],
        out_shape=jax.ShapeDtypeStruct((n_pad, 1), jnp.float32),
        interpret=interpret,
    )(sorted_col, sorted_row, flags)


def _filter_body(m_ref, p_ref, k_ref, mo_ref, po_ref):
    k = k_ref[...]
    mo_ref[...] = m_ref[...] * k[:, :, None]
    po_ref[...] = p_ref[...] * k


def _filter(masks, points_pad, keepf, n_pad, bn, interpret=False):
    n, h, w = masks.shape
    grid = n_pad // bn
    return pl.pallas_call(
        _filter_body,
        grid=(grid,),
        in_specs=[
            pl.BlockSpec((bn, h, w), lambda i: (i, 0, 0)),
            pl.BlockSpec((bn, 4), lambda i: (i, 0)),
            pl.BlockSpec((bn, 1), lambda i: (i, 0)),
        ],
        out_specs=[
            pl.BlockSpec((bn, h, w), lambda i: (i, 0, 0)),
            pl.BlockSpec((bn, 4), lambda i: (i, 0)),
        ],
        out_shape=[
            jax.ShapeDtypeStruct((n, h, w), jnp.float32),
            jax.ShapeDtypeStruct((n_pad, 4), jnp.float32),
        ],
        interpret=interpret,
    )(masks, points_pad, keepf)


def _run(all_pred_masks, scores, points, labels, interpret=False):
    n, h, w = all_pred_masks.shape
    blk = 512
    n_pad = ((n + blk - 1) // blk) * blk
    pad = n_pad - n

    boxes8 = _masks_to_boxes(all_pred_masks, n_pad, 128, interpret=interpret)

    labf = jnp.concatenate(
        [labels.astype(jnp.float32), jnp.full((pad,), 2e9, jnp.float32)])
    scf = jnp.concatenate([scores, jnp.zeros((pad,), jnp.float32)])
    arr = boxes8.at[:, 4].set(labf)
    order = jnp.lexsort((-scf, labf))
    sorted_col = jnp.take(arr, order, axis=0)
    sorted_row = sorted_col.T

    nb = n_pad // blk
    labs_sorted = sorted_col[:, 4].reshape(nb, blk)
    labmin = jnp.min(labs_sorted, axis=1)
    labmax = jnp.max(labs_sorted, axis=1)
    flags = (labmax[None, :] >= labmin[:, None]).astype(jnp.int32).reshape(-1)

    keep_sorted = _nms(sorted_col, sorted_row, flags, n_pad, blk,
                       interpret=interpret)[:, 0]
    keepf = jnp.zeros((n_pad,), jnp.float32).at[order].set(keep_sorted)

    points_pad = jnp.concatenate(
        [points, jnp.zeros((pad, 4), jnp.float32)], axis=0)
    masks_out, points_out = _filter(all_pred_masks, points_pad,
                                    keepf[:, None], n_pad, 128,
                                    interpret=interpret)
    return masks_out, points_out[:n], keepf[:n] > 0.5


def kernel(all_pred_masks, scores, points, labels):
    return _run(all_pred_masks, scores, points, labels, interpret=False)

# --- scband reference (transcript-rebuilt; emitter-appended) ---
"""Pipeline reference for scband-class-overlap-mask-filter-62319975465460 (READ-ONLY COPY).

The authoritative reference and input builder live on the scoring server;
editing this copy changes nothing except your own understanding.
"""

import jax, jax.numpy as jnp
import numpy as np

N, H, W = 5000, 64, 64
NUM_CLASSES = 10
THRESHOLD_IOU = 0.8


def setup_inputs() -> dict:
    rng = np.random.default_rng(0)
    # Build N rectangular binary masks (realistic instance masks) so that
    # masks_to_boxes and NMS are meaningful (overlapping boxes exist).
    cx = rng.uniform(8.0, W - 8.0, N)
    cy = rng.uniform(8.0, H - 8.0, N)
    bw = rng.uniform(4.0, 24.0, N)
    bh = rng.uniform(4.0, 24.0, N)
    x1 = np.clip(cx - bw / 2.0, 0, W - 1)
    x2 = np.clip(cx + bw / 2.0, 1, W)
    y1 = np.clip(cy - bh / 2.0, 0, H - 1)
    y2 = np.clip(cy + bh / 2.0, 1, H)
    xs = np.arange(W)
    ys = np.arange(H)
    masks = ((xs[None, None, :] >= x1[:, None, None]) & (xs[None, None, :] < x2[:, None, None]) &
             (ys[None, :, None] >= y1[:, None, None]) & (ys[None, :, None] < y2[:, None, None])).astype(np.float32)
    scores = rng.uniform(0.0, 1.0, N).astype(np.float32)
    # foreground points: [x, y, score, is_foreground]
    points = np.stack([cx, cy, scores, np.ones(N)], axis=1).astype(np.float32)
    labels = rng.integers(0, NUM_CLASSES, N).astype(np.int64)
    return {
        'all_pred_masks': jnp.asarray(masks),
        'scores': jnp.asarray(scores),
        'points': jnp.asarray(points),
        'labels': jnp.asarray(labels),
    }


def masks_to_boxes(masks):
    # Faithful port of torchvision.ops.masks_to_boxes for [N, H, W] masks.
    n, h, w = masks.shape
    xs = jnp.arange(w, dtype=jnp.float32)
    ys = jnp.arange(h, dtype=jnp.float32)
    m = masks > 0
    x_any = jnp.any(m, axis=1)  # [N, W]
    y_any = jnp.any(m, axis=2)  # [N, H]
    big = 1e9
    xmin = jnp.min(jnp.where(x_any, xs[None, :], big), axis=1)
    xmax = jnp.max(jnp.where(x_any, xs[None, :], -big), axis=1)
    ymin = jnp.min(jnp.where(y_any, ys[None, :], big), axis=1)
    ymax = jnp.max(jnp.where(y_any, ys[None, :], -big), axis=1)
    return jnp.stack([xmin, ymin, xmax, ymax], axis=1)


def nms_keep(boxes, scores, iou_threshold):
    # Greedy NMS (torchvision semantics, area = (x2-x1)*(y2-y1)).
    n = boxes.shape[0]
    order = jnp.argsort(-scores)
    b = boxes[order]
    x1, y1, x2, y2 = b[:, 0], b[:, 1], b[:, 2], b[:, 3]
    areas = (x2 - x1) * (y2 - y1)
    idx = jnp.arange(n)

    def body(i, keep):
        xx1 = jnp.maximum(x1[i], x1)
        yy1 = jnp.maximum(y1[i], y1)
        xx2 = jnp.minimum(x2[i], x2)
        yy2 = jnp.minimum(y2[i], y2)
        ww = jnp.maximum(xx2 - xx1, 0.0)
        hh = jnp.maximum(yy2 - yy1, 0.0)
        inter = ww * hh
        iou = inter / (areas[i] + areas - inter + 1e-12)
        suppress = keep[i] & (iou > iou_threshold) & (idx > i)
        return keep & (~suppress)

    keep_sorted = jax.lax.fori_loop(0, n, body, jnp.ones(n, dtype=bool))
    # scatter back to original index order
    keep = jnp.zeros(n, dtype=bool).at[order].set(keep_sorted)
    return keep


def batched_nms_keep(boxes, scores, labels, iou_threshold):
    # torchvision batched_nms coordinate-offset trick: boxes of different
    # classes never overlap after offsetting by label * (max_coord + 1).
    max_coordinate = jnp.max(boxes)
    offsets = labels.astype(jnp.float32) * (max_coordinate + 1.0)
    boxes_for_nms = boxes + offsets[:, None]
    return nms_keep(boxes_for_nms, scores, iou_threshold)


def reference(all_pred_masks, scores, points, labels):
    boxes = masks_to_boxes(all_pred_masks)
    keep = batched_nms_keep(boxes, scores, labels, THRESHOLD_IOU)
    # Fixed-shape formulation of gather-by-keep: suppressed entries zeroed.
    masks_out = all_pred_masks * keep[:, None, None].astype(all_pred_masks.dtype)
    points_out = points * keep[:, None].astype(points.dtype)
    return masks_out, points_out, keep

if __name__ == "__main__":
    import jax
    _d = setup_inputs()
    print(jax.jit(kernel)(*tuple(_d.values())))

</pallas_src>

<mosaic_0001>
module attributes {stable_mosaic.version = 14 : i64} {
  func.func @_boxes_body(%arg0: i32, %arg1: memref<128x64x64xf32, #tpu.memory_space<vmem>>, %arg2: memref<128x8xf32, #tpu.memory_space<vmem>>) attributes {dimension_semantics = [#tpu.dimension_semantics<arbitrary>], iteration_bounds = array<i64: 40>, scalar_prefetch = 0 : i64, scratch_operands = 0 : i64, tpu.core_type = #tpu.core_type<tc>, window_params = [{transform_indices = @transform_0, window_bounds = array<i64: 128, 64, 64>}, {transform_indices = @transform_1, window_bounds = array<i64: 128, 8>}]} {
    %get3A = arith.constant 0 : index
    %get3A_0 = arith.constant 0 : index
    %get3A_1 = arith.constant 0 : index
    %get3A_2 = vector.load %arg1[%get3A, %get3A_0, %get3A_1] : memref<128x64x64xf32, #tpu.memory_space<vmem>>, vector<128x64x64xf32>
    %reduce_max3A = arith.constant dense<0xFF800000> : vector<128x64xf32>
    %reduce_max3A_3 = vector.multi_reduction <maximumf>, %get3A_2, %reduce_max3A [1] : vector<128x64x64xf32> to vector<128x64xf32>
    %gt3A = arith.constant 0.000000e+00 : f32
    %gt3A_4 = vector.broadcast %gt3A : f32 to vector<128x64xf32>
    %gt3A_5 = arith.cmpf ogt, %reduce_max3A_3, %gt3A_4 : vector<128x64xf32>
    %reduce_max3A_6 = arith.constant dense<0xFF800000> : vector<128x64xf32>
    %reduce_max3A_7 = vector.multi_reduction <maximumf>, %get3A_2, %reduce_max3A_6 [2] : vector<128x64x64xf32> to vector<128x64xf32>
    %gt3A_8 = arith.constant 0.000000e+00 : f32
    %gt3A_9 = vector.broadcast %gt3A_8 : f32 to vector<128x64xf32>
    %gt3A_10 = arith.cmpf ogt, %reduce_max3A_7, %gt3A_9 : vector<128x64xf32>
    %iota3A = tpu.iota {dimensions = array<i32: 1>} : vector<128x64xi32>
    %convert_element_type3A = arith.sitofp %iota3A : vector<128x64xi32> to vector<128x64xf32>
    %iota3A_11 = tpu.iota {dimensions = array<i32: 1>} : vector<128x64xi32>
    %convert_element_type3A_12 = arith.sitofp %iota3A_11 : vector<128x64xi32> to vector<128x64xf32>
    %jit3A = arith.constant 1.000000e+09 : f32
    %broadcast_in_dim3A = vector.broadcast %jit3A : f32 to vector<128x64xf32>
    %select_n3A = arith.select %gt3A_5, %convert_element_type3A, %broadcast_in_dim3A : vector<128x64xi1>, vector<128x64xf32>
    %reduce_min3A = arith.constant dense<0x7F800000> : vector<128xf32>
    %reduce_min3A_13 = vector.multi_reduction <minimumf>, %select_n3A, %reduce_min3A [1] : vector<128x64xf32> to vector<128xf32>
    %jit3A_14 = arith.constant -1.000000e+09 : f32
    %broadcast_in_dim3A_15 = vector.broadcast %jit3A_14 : f32 to vector<128x64xf32>
    %select_n3A_16 = arith.select %gt3A_5, %convert_element_type3A, %broadcast_in_dim3A_15 : vector<128x64xi1>, vector<128x64xf32>
    %reduce_max3A_17 = arith.constant dense<0xFF800000> : vector<128xf32>
    %reduce_max3A_18 = vector.multi_reduction <maximumf>, %select_n3A_16, %reduce_max3A_17 [1] : vector<128x64xf32> to vector<128xf32>
    %jit3A_19 = arith.constant 1.000000e+09 : f32
    %broadcast_in_dim3A_20 = vector.broadcast %jit3A_19 : f32 to vector<128x64xf32>
    %select_n3A_21 = arith.select %gt3A_10, %convert_element_type3A_12, %broadcast_in_dim3A_20 : vector<128x64xi1>, vector<128x64xf32>
    %reduce_min3A_22 = arith.constant dense<0x7F800000> : vector<128xf32>
    %reduce_min3A_23 = vector.multi_reduction <minimumf>, %select_n3A_21, %reduce_min3A_22 [1] : vector<128x64xf32> to vector<128xf32>
    %jit3A_24 = arith.constant -1.000000e+09 : f32
    %broadcast_in_dim3A_25 = vector.broadcast %jit3A_24 : f32 to vector<128x64xf32>
    %select_n3A_26 = arith.select %gt3A_10, %convert_element_type3A_12, %broadcast_in_dim3A_25 : vector<128x64xi1>, vector<128x64xf32>
    %reduce_max3A_27 = arith.constant dense<0xFF800000> : vector<128xf32>
    %reduce_max3A_28 = vector.multi_reduction <maximumf>, %select_n3A_26, %reduce_max3A_27 [1] : vector<128x64xf32> to vector<128xf32>
    %broadcast_in_dim3A_29 = arith.constant 0.000000e+00 : f32
    %broadcast_in_dim3A_30 = vector.broadcast %broadcast_in_dim3A_29 : f32 to vector<128xf32>
    %stack3A = vector.shape_cast %reduce_min3A_13 : vector<128xf32> to vector<128x1xf32>
    %stack3A_31 = vector.shape_cast %reduce_min3A_23 : vector<128xf32> to vector<128x1xf32>
    %stack3A_32 = vector.shape_cast %reduce_max3A_18 : vector<128xf32> to vector<128x1xf32>
    %stack3A_33 = vector.shape_cast %reduce_max3A_28 : vector<128xf32> to vector<128x1xf32>
    %stack3A_34 = vector.shape_cast %broadcast_in_dim3A_30 : vector<128xf32> to vector<128x1xf32>
    %stack3A_35 = vector.shape_cast %broadcast_in_dim3A_30 : vector<128xf32> to vector<128x1xf32>
    %stack3A_36 = vector.shape_cast %broadcast_in_dim3A_30 : vector<128xf32> to vector<128x1xf32>
    %stack3A_37 = vector.shape_cast %broadcast_in_dim3A_30 : vector<128xf32> to vector<128x1xf32>
    %stack3A_38 = tpu.concatenate %stack3A, %stack3A_31, %stack3A_32, %stack3A_33, %stack3A_34, %stack3A_35, %stack3A_36, %stack3A_37 in 1 : vector<128x1xf32>, vector<128x1xf32>, vector<128x1xf32>, vector<128x1xf32>, vector<128x1xf32>, vector<128x1xf32>, vector<128x1xf32>, vector<128x1xf32> -> vector<128x8xf32>
    %swap3A = arith.constant 0 : index
    %swap3A_39 = arith.constant 0 : index
    %swap3A_40 = vector.load %arg2[%swap3A, %swap3A_39] : memref<128x8xf32, #tpu.memory_space<vmem>>, vector<128x8xf32>
    tpu.vector_store %arg2[%swap3A, %swap3A_39], %stack3A_38 {strides = array<i32>} : memref<128x8xf32, #tpu.memory_space<vmem>>, vector<128x8xf32>,
    return
  }
  func.func @transform_0(%arg0: i32) -> (i32, i32, i32) {
    %c0_i32 = arith.constant 0 : i32
    %c0_i32_0 = arith.constant 0 : i32
    %c0_i32_1 = arith.constant 0 : i32
    return %arg0, %c0_i32, %c0_i32_0 : i32, i32, i32
  }
  func.func @transform_1(%arg0: i32) -> (i32, i32) {
    %c0_i32 = arith.constant 0 : i32
    %c0_i32_0 = arith.constant 0 : i32
    return %arg0, %c0_i32 : i32, i32
  }
}

module attributes {stable_mosaic.version = 14 : i64} {
  func.func @_nms_body(%arg0: memref<5120x8xf32, #tpu.memory_space<vmem>>, %arg1: memref<8x5120xf32, #tpu.memory_space<vmem>>, %arg2: memref<100xi32, #tpu.memory_space<smem>>, %arg3: memref<5120x1xf32, #tpu.memory_space<vmem>>, %arg4: memref<512x1xf32, #tpu.memory_space<vmem>>) attributes {dimension_semantics = [], scalar_prefetch = 0 : i64, scratch_operands = 1 : i64, tpu.core_type = #tpu.core_type<tc>} {
    %get3A = arith.constant 0 : index
    %get3A_0 = arith.constant 0 : index
    %get3A_1 = vector.load %arg0[%get3A, %get3A_0] : memref<5120x8xf32, #tpu.memory_space<vmem>>, vector<512x8xf32>
    %slice3A = vector.extract_strided_slice %get3A_1 {offsets = [0, 0], sizes = [512, 1], strides = [1, 1]} : vector<512x8xf32> to vector<512x1xf32>
    %slice3A_2 = vector.extract_strided_slice %get3A_1 {offsets = [0, 1], sizes = [512, 1], strides = [1, 1]} : vector<512x8xf32> to vector<512x1xf32>
    %slice3A_3 = vector.extract_strided_slice %get3A_1 {offsets = [0, 2], sizes = [512, 1], strides = [1, 1]} : vector<512x8xf32> to vector<512x1xf32>
    %slice3A_4 = vector.extract_strided_slice %get3A_1 {offsets = [0, 3], sizes = [512, 1], strides = [1, 1]} : vector<512x8xf32> to vector<512x1xf32>
    %slice3A_5 = vector.extract_strided_slice %get3A_1 {offsets = [0, 2], sizes = [512, 1], strides = [1, 1]} : vector<512x8xf32> to vector<512x1xf32>
    %slice3A_6 = vector.extract_strided_slice %get3A_1 {offsets = [0, 0], sizes = [512, 1], strides = [1, 1]} : vector<512x8xf32> to vector<512x1xf32>
    %sub3A = arith.subf %slice3A_5, %slice3A_6 : vector<512x1xf32>
    %slice3A_7 = vector.extract_strided_slice %get3A_1 {offsets = [0, 3], sizes = [512, 1], strides = [1, 1]} : vector<512x8xf32> to vector<512x1xf32>
    %slice3A_8 = vector.extract_strided_slice %get3A_1 {offsets = [0, 1], sizes = [512, 1], strides = [1, 1]} : vector<512x8xf32> to vector<512x1xf32>
    %sub3A_9 = arith.subf %slice3A_7, %slice3A_8 : vector<512x1xf32>
    %mul3A = arith.mulf %sub3A, %sub3A_9 : vector<512x1xf32>
    %slice3A_10 = vector.extract_strided_slice %get3A_1 {offsets = [0, 4], sizes = [512, 1], strides = [1, 1]} : vector<512x8xf32> to vector<512x1xf32>
    %broadcast_in_dim3A = arith.constant 0.000000e+00 : f32
    %broadcast_in_dim3A_11 = vector.broadcast %broadcast_in_dim3A : f32 to vector<512x1xf32>
    %swap3A = arith.constant 0 : index
    %swap3A_12 = arith.constant 0 : index
    %swap3A_13 = vector.load %arg4[%swap3A, %swap3A_12] : memref<512x1xf32, #tpu.memory_space<vmem>>, vector<512x1xf32>
    tpu.vector_store %arg4[%swap3A, %swap3A_12], %broadcast_in_dim3A_11 {strides = array<i32>} : memref<512x1xf32, #tpu.memory_space<vmem>>, vector<512x1xf32>,
    %get3A_14 = arith.constant 0 : index
    %get3A_15 = arith.constant 0 : index
    %get3A_16 = vector.load %arg4[%get3A_14, %get3A_15] : memref<512x1xf32, #tpu.memory_space<vmem>>, vector<512x1xf32>
    %get3A_17 = arith.constant 0 : index
    %get3A_18 = arith.constant 0 : index
    %get3A_19 = vector.load %arg1[%get3A_17, %get3A_18] : memref<8x5120xf32, #tpu.memory_space<vmem>>, vector<8x512xf32>
    %slice3A_20 = vector.extract_strided_slice %get3A_19 {offsets = [0, 0], sizes = [1, 512], strides = [1, 1]} : vector<8x512xf32> to vector<1x512xf32>
    %slice3A_21 = vector.extract_strided_slice %get3A_19 {offsets = [1, 0], sizes = [1, 512], strides = [1, 1]} : vector<8x512xf32> to vector<1x512xf32>
    %slice3A_22 = vector.extract_strided_slice %get3A_19 {offsets = [2, 0], sizes = [1, 512], strides = [1, 1]} : vector<8x512xf32> to vector<1x512xf32>
    %slice3A_23 = vector.extract_strided_slice %get3A_19 {offsets = [3, 0], sizes = [1, 512], strides = [1, 1]} : vector<8x512xf32> to vector<1x512xf32>
    %slice3A_24 = vector.extract_strided_slice %get3A_19 {offsets = [2, 0], sizes = [1, 512], strides = [1, 1]} : vector<8x512xf32> to vector<1x512xf32>
    %slice3A_25 = vector.extract_strided_slice %get3A_19 {offsets = [0, 0], sizes = [1, 512], strides = [1, 1]} : vector<8x512xf32> to vector<1x512xf32>
    %sub3A_26 = arith.subf %slice3A_24, %slice3A_25 : vector<1x512xf32>
    %slice3A_27 = vector.extract_strided_slice %get3A_19 {offsets = [3, 0], sizes = [1, 512], strides = [1, 1]} : vector<8x512xf32> to vector<1x512xf32>
    %slice3A_28 = vector.extract_strided_slice %get3A_19 {offsets = [1, 0], sizes = [1, 512], strides = [1, 1]} : vector<8x512xf32> to vector<1x512xf32>
    %sub3A_29 = arith.subf %slice3A_27, %slice3A_28 : vector<1x512xf32>
    %mul3A_30 = arith.mulf %sub3A_26, %sub3A_29 : vector<1x512xf32>
    %slice3A_31 = vector.extract_strided_slice %get3A_19 {offsets = [4, 0], sizes = [1, 512], strides = [1, 1]} : vector<8x512xf32> to vector<1x512xf32>
    %iota3A = tpu.iota {dimensions = array<i32: 0>} : vector<512x512xi32>
    %iota3A_32 = tpu.iota {dimensions = array<i32: 1>} : vector<512x512xi32>
    %gt3A = arith.cmpi sgt, %iota3A, %iota3A_32 : vector<512x512xi32>
    %min3A = vector.broadcast %slice3A_3 : vector<512x1xf32> to vector<512x512xf32>
    %min3A_33 = vector.broadcast %slice3A_22 : vector<1x512xf32> to vector<512x512xf32>
    %min3A_34 = arith.minimumf %min3A, %min3A_33 : vector<512x512xf32>
    %max3A = vector.broadcast %slice3A : vector<512x1xf32> to vector<512x512xf32>
    %max3A_35 = vector.broadcast %slice3A_20 : vector<1x512xf32> to vector<512x512xf32>
    %max3A_36 = arith.maximumf %max3A, %max3A_35 : vector<512x512xf32>
    %sub3A_37 = arith.subf %min3A_34, %max3A_36 : vector<512x512xf32>
    %max3A_38 = arith.constant 0.000000e+00 : f32
    %max3A_39 = vector.broadcast %max3A_38 : f32 to vector<512x512xf32>
    %max3A_40 = arith.maximumf %sub3A_37, %max3A_39 : vector<512x512xf32>
    %min3A_41 = vector.broadcast %slice3A_4 : vector<512x1xf32> to vector<512x512xf32>
    %min3A_42 = vector.broadcast %slice3A_23 : vector<1x512xf32> to vector<512x512xf32>
    %min3A_43 = arith.minimumf %min3A_41, %min3A_42 : vector<512x512xf32>
    %max3A_44 = vector.broadcast %slice3A_2 : vector<512x1xf32> to vector<512x512xf32>
    %max3A_45 = vector.broadcast %slice3A_21 : vector<1x512xf32> to vector<512x512xf32>
    %max3A_46 = arith.maximumf %max3A_44, %max3A_45 : vector<512x512xf32>
    %sub3A_47 = arith.subf %min3A_43, %max3A_46 : vector<512x512xf32>
    %max3A_48 = arith.constant 0.000000e+00 : f32
    %max3A_49 = vector.broadcast %max3A_48 : f32 to vector<512x512xf32>
    %max3A_50 = arith.maximumf %sub3A_47, %max3A_49 : vector<512x512xf32>
    %mul3A_51 = arith.mulf %max3A_40, %max3A_50 : vector<512x512xf32>
    %add3A = vector.broadcast %mul3A : vector<512x1xf32> to vector<512x512xf32>
    %add3A_52 = vector.broadcast %mul3A_30 : vector<1x512xf32> to vector<512x512xf32>
    %add3A_53 = arith.addf %add3A, %add3A_52 : vector<512x512xf32>
    %sub3A_54 = arith.subf %add3A_53, %mul3A_51 : vector<512x512xf32>
    %add3A_55 = arith.constant 9.99999996E-13 : f32
    %add3A_56 = vector.broadcast %add3A_55 : f32 to vector<512x512xf32>
    %add3A_57 = arith.addf %sub3A_54, %add3A_56 : vector<512x512xf32>
    %div3A = arith.divf %mul3A_51, %add3A_57 : vector<512x512xf32>
    %gt3A_58 = arith.constant 8.000000e-01 : f32
    %gt3A_59 = vector.broadcast %gt3A_58 : f32 to vector<512x512xf32>
    %gt3A_60 = arith.cmpf ogt, %div3A, %gt3A_59 : vector<512x512xf32>
    %eq3A = vector.broadcast %slice3A_10 : vector<512x1xf32> to vector<512x512xf32>
    %eq3A_61 = vector.broadcast %slice3A_31 : vector<1x512xf32> to vector<512x512xf32>
    %eq3A_62 = arith.cmpf oeq, %eq3A, %eq3A_61 : vector<512x512xf32>
    %and3A = arith.andi %gt3A_60, %eq3A_62 : vector<512x512xi1>
    %and3A_63 = arith.andi %and3A, %gt3A : vector<512x512xi1>
    %convert_element_type3A = arith.extui %and3A_63 : vector<512x512xi1> to vector<512x512xi32>
    %convert_element_type3A_64 = arith.sitofp %convert_element_type3A : vector<512x512xi32> to vector<512x512xf32>
    %gt3A_65 = arith.constant 0.000000e+00 : f32
    %gt3A_66 = vector.broadcast %gt3A_65 : f32 to vector<512x1xf32>
    %gt3A_67 = arith.cmpf ogt, %get3A_16, %gt3A_66 : vector<512x1xf32>
    %jit3A = arith.constant 0.000000e+00 : f32
    %jit3A_68 = arith.constant 1.000000e+00 : f32
    %broadcast_in_dim3A_69 = vector.broadcast %jit3A : f32 to vector<512x1xf32>
    %broadcast_in_dim3A_70 = vector.broadcast %jit3A_68 : f32 to vector<512x1xf32>
    %select_n3A = arith.select %gt3A_67, %broadcast_in_dim3A_69, %broadcast_in_dim3A_70 : vector<512x1xi1>, vector<512x1xf32>
    %while3A = arith.constant true
    %while3A_71:2 = scf.while (%while3A_1198 = %select_n3A, %while3A_1199 = %while3A) : (vector<512x1xf32>, i1) -> (vector<512x1xf32>, i1) {
      scf.condition(%while3A_1199) %while3A_1198, %while3A_1199 : vector<512x1xf32>, i1
    } do {
    ^bb0(%while3A_1198: vector<512x1xf32>, %while3A_1199: i1):
      %dot_general3A = arith.constant dense<0.000000e+00> : vector<512x1xf32>
      %dot_general3A_1200 = tpu.matmul %convert_element_type3A_64, %while3A_1198, %dot_general3A {dimension_numbers = #tpu.dot_dimension_numbers<[1], [0], [0], [1], [0, 0, 1, 1], [], []>, transpose_lhs_hint = false} : vector<512x512xf32>, vector<512x1xf32>, vector<512x1xf32> -> vector<512x1xf32>
      %gt3A_1201 = arith.constant 0.000000e+00 : f32
      %gt3A_1202 = vector.broadcast %gt3A_1201 : f32 to vector<512x1xf32>
      %gt3A_1203 = arith.cmpf ogt, %dot_general3A_1200, %gt3A_1202 : vector<512x1xf32>
      %jit3A_1204 = arith.constant 0.000000e+00 : f32
      %broadcast_in_dim3A_1205 = vector.broadcast %jit3A_1204 : f32 to vector<512x1xf32>
      %select_n3A_1206 = arith.select %gt3A_1203, %broadcast_in_dim3A_1205, %select_n3A : vector<512x1xi1>, vector<512x1xf32>
      %ne3A_1207 = arith.cmpf one, %select_n3A_1206, %while3A_1198 : vector<512x1xf32>
      %reduce_or3A = arith.constant 1.000000e+00 : f32
      %reduce_or3A_1208 = arith.constant 0.000000e+00 : f32
      %reduce_or3A_1209 = vector.broadcast %reduce_or3A : f32 to vector<512x1xf32>
      %reduce_or3A_1210 = vector.broadcast %reduce_or3A_1208 : f32 to vector<512x1xf32>
      %reduce_or3A_1211 = arith.select %ne3A_1207, %reduce_or3A_1209, %reduce_or3A_1210 : vector<512x1xi1>, vector<512x1xf32>
      %reduce_or3A_1212 = vector.shape_cast %reduce_or3A_1211 : vector<512x1xf32> to vector<1x512x1xf32>
      %reduce_or3A_1213 = arith.constant dense<0xFF800000> : vector<1xf32>
      %reduce_or3A_1214 = vector.multi_reduction <maximumf>, %reduce_or3A_1212, %reduce_or3A_1213 [1, 2] : vector<1x512x1xf32> to vector<1xf32>
      %reduce_or3A_1215 = vector.shape_cast %reduce_or3A_1214 : vector<1xf32> to vector<1x1x1xf32>
      %reduce_or3A_1216 = vector.extract %reduce_or3A_1215[0, 0, 0] : f32 from vector<1x1x1xf32>
      %reduce_or3A_1217 = arith.constant 0.000000e+00 : f32
      %reduce_or3A_1218 = arith.cmpf ogt, %reduce_or3A_1216, %reduce_or3A_1217 : f32
      scf.yield %select_n3A_1206, %reduce_or3A_1218 : vector<512x1xf32>, i1
    }
    %get3A_72 = arith.constant 512 : index
    %get3A_73 = arith.constant 0 : index
    %get3A_74 = vector.load %arg0[%get3A_72, %get3A_73] : memref<5120x8xf32, #tpu.memory_space<vmem>>, vector<512x8xf32>
    %slice3A_75 = vector.extract_strided_slice %get3A_74 {offsets = [0, 0], sizes = [512, 1], strides = [1, 1]} : vector<512x8xf32> to vector<512x1xf32>
    %slice3A_76 = vector.extract_strided_slice %get3A_74 {offsets = [0, 1], sizes = [512, 1], strides = [1, 1]} : vector<512x8xf32> to vector<512x1xf32>
    %slice3A_77 = vector.extract_strided_slice %get3A_74 {offsets = [0, 2], sizes = [512, 1], strides = [1, 1]} : vector<512x8xf32> to vector<512x1xf32>
    %slice3A_78 = vector.extract_strided_slice %get3A_74 {offsets = [0, 3], sizes = [512, 1], strides = [1, 1]} : vector<512x8xf32> to vector<512x1xf32>
    %slice3A_79 = vector.extract_strided_slice %get3A_74 {offsets = [0, 2], sizes = [512, 1], strides = [1, 1]} : vector<512x8xf32> to vector<512x1xf32>
    %slice3A_80 = vector.extract_strided_slice %get3A_74 {offsets = [0, 0], sizes = [512, 1], strides = [1, 1]} : vector<512x8xf32> to vector<512x1xf32>
    %sub3A_81 = arith.subf %slice3A_79, %slice3A_80 : vector<512x1xf32>
    %slice3A_82 = vector.extract_strided_slice %get3A_74 {offsets = [0, 3], sizes = [512, 1], strides = [1, 1]} : vector<512x8xf32> to vector<512x1xf32>
    %slice3A_83 = vector.extract_strided_slice %get3A_74 {offsets = [0, 1], sizes = [512, 1], strides = [1, 1]} : vector<512x8xf32> to vector<512x1xf32>
    %sub3A_84 = arith.subf %slice3A_82, %slice3A_83 : vector<512x1xf32>
    %mul3A_85 = arith.mulf %sub3A_81, %sub3A_84 : vector<512x1xf32>
    %slice3A_86 = vector.extract_strided_slice %get3A_74 {offsets = [0, 4], sizes = [512, 1], strides = [1, 1]} : vector<512x8xf32> to vector<512x1xf32>
    %broadcast_in_dim3A_87 = arith.constant 0.000000e+00 : f32
    %broadcast_in_dim3A_88 = vector.broadcast %broadcast_in_dim3A_87 : f32 to vector<512x1xf32>
    %swap3A_89 = arith.constant 0 : index
    %swap3A_90 = arith.constant 0 : index
    %swap3A_91 = vector.load %arg4[%swap3A_89, %swap3A_90] : memref<512x1xf32, #tpu.memory_space<vmem>>, vector<512x1xf32>
    tpu.vector_store %arg4[%swap3A_89, %swap3A_90], %broadcast_in_dim3A_88 {strides = array<i32>} : memref<512x1xf32, #tpu.memory_space<vmem>>, vector<512x1xf32>,
    %get3A_92 = arith.constant 10 : index
    %get3A_93 = memref.load %arg2[%get3A_92] : memref<100xi32, #tpu.memory_space<smem>>
    %ne3A = arith.constant 0 : i32
    %ne3A_94 = arith.cmpi ne, %get3A_93, %ne3A : i32
    %convert_element_type3A_95 = arith.extui %ne3A_94 : i1 to i32
    %cond3A = arith.constant 0 : i32
    %cond3A_96 = arith.cmpi ne, %convert_element_type3A_95, %cond3A : i32
    scf.if %cond3A_96 {
      %get3A_1198 = arith.constant 0 : index
      %get3A_1199 = arith.constant 0 : index
      %get3A_1200 = vector.load %arg1[%get3A_1198, %get3A_1199] : memref<8x5120xf32, #tpu.memory_space<vmem>>, vector<8x512xf32>
      %slice3A_1201 = vector.extract_strided_slice %get3A_1200 {offsets = [0, 0], sizes = [1, 512], strides = [1, 1]} : vector<8x512xf32> to vector<1x512xf32>
      %slice3A_1202 = vector.extract_strided_slice %get3A_1200 {offsets = [1, 0], sizes = [1, 512], strides = [1, 1]} : vector<8x512xf32> to vector<1x512xf32>
      %slice3A_1203 = vector.extract_strided_slice %get3A_1200 {offsets = [2, 0], sizes = [1, 512], strides = [1, 1]} : vector<8x512xf32> to vector<1x512xf32>
      %slice3A_1204 = vector.extract_strided_slice %get3A_1200 {offsets = [3, 0], sizes = [1, 512], strides = [1, 1]} : vector<8x512xf32> to vector<1x512xf32>
      %slice3A_1205 = vector.extract_strided_slice %get3A_1200 {offsets = [2, 0], sizes = [1, 512], strides = [1, 1]} : vector<8x512xf32> to vector<1x512xf32>
      %slice3A_1206 = vector.extract_strided_slice %get3A_1200 {offsets = [0, 0], sizes = [1, 512], strides = [1, 1]} : vector<8x512xf32> to vector<1x512xf32>
      %sub3A_1207 = arith.subf %slice3A_1205, %slice3A_1206 : vector<1x512xf32>
      %slice3A_1208 = vector.extract_strided_slice %get3A_1200 {offsets = [3, 0], sizes = [1, 512], strides = [1, 1]} : vector<8x512xf32> to vector<1x512xf32>
      %slice3A_1209 = vector.extract_strided_slice %get3A_1200 {offsets = [1, 0], sizes = [1, 512], strides = [1, 1]} : vector<8x512xf32> to vector<1x512xf32>
      %sub3A_1210 = arith.subf %slice3A_1208, %slice3A_1209 : vector<1x512xf32>
      %mul3A_1211 = arith.mulf %sub3A_1207, %sub3A_1210 : vector<1x512xf32>
      %slice3A_1212 = vector.extract_strided_slice %get3A_1200 {offsets = [4, 0], sizes = [1, 512], strides = [1, 1]} : vector<8x512xf32> to vector<1x512xf32>
      %min3A_1213 = vector.broadcast %slice3A_77 : vector<512x1xf32> to vector<512x512xf32>
      %min3A_1214 = vector.broadcast %slice3A_1203 : vector<1x512xf32> to vector<512x512xf32>
      %min3A_1215 = arith.minimumf %min3A_1213, %min3A_1214 : vector<512x512xf32>
      %max3A_1216 = vector.broadcast %slice3A_75 : vector<512x1xf32> to vector<512x512xf32>
      %max3A_1217 = vector.broadcast %slice3A_1201 : vector<1x512xf32> to vector<512x512xf32>
      %max3A_1218 = arith.maximumf %max3A_1216, %max3A_1217 : vector<512x512xf32>
      %sub3A_1219 = arith.subf %min3A_1215, %max3A_1218 : vector<512x512xf32>
      %max3A_1220 = arith.constant 0.000000e+00 : f32
      %max3A_1221 = vector.broadcast %max3A_1220 : f32 to vector<512x512xf32>
      %max3A_1222 = arith.maximumf %sub3A_1219, %max3A_1221 : vector<512x512xf32>
      %min3A_1223 = vector.broadcast %slice3A_78 : vector<512x1xf32> to vector<512x512xf32>
      %min3A_1224 = vector.broadcast %slice3A_1204 : vector<1x512xf32> to vector<512x512xf32>
      %min3A_1225 = arith.minimumf %min3A_1223, %min3A_1224 : vector<512x512xf32>
      %max3A_1226 = vector.broadcast %slice3A_76 : vector<512x1xf32> to vector<512x512xf32>
      %max3A_1227 = vector.broadcast %slice3A_1202 : vector<1x512xf32> to vector<512x512xf32>
      %max3A_1228 = arith.maximumf %max3A_1226, %max3A_1227 : vector<512x512xf32>
      %sub3A_1229 = arith.subf %min3A_1225, %max3A_1228 : vector<512x512xf32>
      %max3A_1230 = arith.constant 0.000000e+00 : f32
      %max3A_1231 = vector.broadcast %max3A_1230 : f32 to vector<512x512xf32>
      %max3A_1232 = arith.maximumf %sub3A_1229, %max3A_1231 : vector<512x512xf32>
      %mul3A_1233 = arith.mulf %max3A_1222, %max3A_1232 : vector<512x512xf32>
      %add3A_1234 = vector.broadcast %mul3A_85 : vector<512x1xf32> to vector<512x512xf32>
      %add3A_1235 = vector.broadcast %mul3A_1211 : vector<1x512xf32> to vector<512x512xf32>
      %add3A_1236 = arith.addf %add3A_1234, %add3A_1235 : vector<512x512xf32>
      %sub3A_1237 = arith.subf %add3A_1236, %mul3A_1233 : vector<512x512xf32>
      %add3A_1238 = arith.constant 9.99999996E-13 : f32
      %add3A_1239 = vector.broadcast %add3A_1238 : f32 to vector<512x512xf32>
      %add3A_1240 = arith.addf %sub3A_1237, %add3A_1239 : vector<512x512xf32>
      %div3A_1241 = arith.divf %mul3A_1233, %add3A_1240 : vector<512x512xf32>
      %gt3A_1242 = arith.constant 8.000000e-01 : f32
      %gt3A_1243 = vector.broadcast %gt3A_1242 : f32 to vector<512x512xf32>
      %gt3A_1244 = arith.cmpf ogt, %div3A_1241, %gt3A_1243 : vector<512x512xf32>
      %eq3A_1245 = vector.broadcast %slice3A_86 : vector<512x1xf32> to vector<512x512xf32>
      %eq3A_1246 = vector.broadcast %slice3A_1212 : vector<1x512xf32> to vector<512x512xf32>
      %eq3A_1247 = arith.cmpf oeq, %eq3A_1245, %eq3A_1246 : vector<512x512xf32>
      %and3A_1248 = arith.andi %gt3A_1244, %eq3A_1247 : vector<512x512xi1>
      %convert_element_type3A_1249 = arith.extui %and3A_1248 : vector<512x512xi1> to vector<512x512xi32>
      %convert_element_type3A_1250 = arith.sitofp %convert_element_type3A_1249 : vector<512x512xi32> to vector<512x512xf32>
      %get3A_1251 = arith.constant 0 : index
      %get3A_1252 = arith.constant 0 : index
      %get3A_1253 = vector.load %arg4[%get3A_1251, %get3A_1252] : memref<512x1xf32, #tpu.memory_space<vmem>>, vector<512x1xf32>
      %dot_general3A = arith.constant dense<0.000000e+00> : vector<512x1xf32>
      %dot_general3A_1254 = tpu.matmul %convert_element_type3A_1250, %while3A_71#0, %dot_general3A {dimension_numbers = #tpu.dot_dimension_numbers<[1], [0], [0], [1], [0, 0, 1, 1], [], []>, transpose_lhs_hint = false} : vector<512x512xf32>, vector<512x1xf32>, vector<512x1xf32> -> vector<512x1xf32>
      %add3A_1255 = arith.addf %get3A_1253, %dot_general3A_1254 : vector<512x1xf32>
      %swap3A_1256 = arith.constant 0 : index
      %swap3A_1257 = arith.constant 0 : index
      %swap3A_1258 = vector.load %arg4[%swap3A_1256, %swap3A_1257] : memref<512x1xf32, #tpu.memory_space<vmem>>, vector<512x1xf32>
      tpu.vector_store %arg4[%swap3A_1256, %swap3A_1257], %add3A_1255 {strides = array<i32>} : memref<512x1xf32, #tpu.memory_space<vmem>>, vector<512x1xf32>,
    } else {
    }
    %get3A_97 = arith.constant 0 : index
    %get3A_98 = arith.constant 0 : index
    %get3A_99 = vector.load %arg4[%get3A_97, %get3A_98] : memref<512x1xf32, #tpu.memory_space<vmem>>, vector<512x1xf32>
    %get3A_100 = arith.constant 0 : index
    %get3A_101 = arith.constant 512 : index
    %get3A_102 = vector.load %arg1[%get3A_100, %get3A_101] : memref<8x5120xf32, #tpu.memory_space<vmem>>, vector<8x512xf32>
    %slice3A_103 = vector.extract_strided_slice %get3A_102 {offsets = [0, 0], sizes = [1, 512], strides = [1, 1]} : vector<8x512xf32> to vector<1x512xf32>
    %slice3A_104 = vector.extract_strided_slice %get3A_102 {offsets = [1, 0], sizes = [1, 512], strides = [1, 1]} : vector<8x512xf32> to vector<1x512xf32>
    %slice3A_105 = vector.extract_strided_slice %get3A_102 {offsets = [2, 0], sizes = [1, 512], strides = [1, 1]} : vector<8x512xf32> to vector<1x512xf32>
    %slice3A_106 = vector.extract_strided_slice %get3A_102 {offsets = [3, 0], sizes = [1, 512], strides = [1, 1]} : vector<8x512xf32> to vector<1x512xf32>
    %slice3A_107 = vector.extract_strided_slice %get3A_102 {offsets = [2, 0], sizes = [1, 512], strides = [1, 1]} : vector<8x512xf32> to vector<1x512xf32>
    %slice3A_108 = vector.extract_strided_slice %get3A_102 {offsets = [0, 0], sizes = [1, 512], strides = [1, 1]} : vector<8x512xf32> to vector<1x512xf32>
    %sub3A_109 = arith.subf %slice3A_107, %slice3A_108 : vector<1x512xf32>
    %slice3A_110 = vector.extract_strided_slice %get3A_102 {offsets = [3, 0], sizes = [1, 512], strides = [1, 1]} : vector<8x512xf32> to vector<1x512xf32>
    %slice3A_111 = vector.extract_strided_slice %get3A_102 {offsets = [1, 0], sizes = [1, 512], strides = [1, 1]} : vector<8x512xf32> to vector<1x512xf32>
    %sub3A_112 = arith.subf %slice3A_110, %slice3A_111 : vector<1x512xf32>
    %mul3A_113 = arith.mulf %sub3A_109, %sub3A_112 : vector<1x512xf32>
    %slice3A_114 = vector.extract_strided_slice %get3A_102 {offsets = [4, 0], sizes = [1, 512], strides = [1, 1]} : vector<8x512xf32> to vector<1x512xf32>
    %iota3A_115 = tpu.iota {dimensions = array<i32: 0>} : vector<512x512xi32>
    %iota3A_116 = tpu.iota {dimensions = array<i32: 1>} : vector<512x512xi32>
    %gt3A_117 = arith.cmpi sgt, %iota3A_115, %iota3A_116 : vector<512x512xi32>
    %min3A_118 = vector.broadcast %slice3A_77 : vector<512x1xf32> to vector<512x512xf32>
    %min3A_119 = vector.broadcast %slice3A_105 : vector<1x512xf32> to vector<512x512xf32>
    %min3A_120 = arith.minimumf %min3A_118, %min3A_119 : vector<512x512xf32>
    %max3A_121 = vector.broadcast %slice3A_75 : vector<512x1xf32> to vector<512x512xf32>
    %max3A_122 = vector.broadcast %slice3A_103 : vector<1x512xf32> to vector<512x512xf32>
    %max3A_123 = arith.maximumf %max3A_121, %max3A_122 : vector<512x512xf32>
    %sub3A_124 = arith.subf %min3A_120, %max3A_123 : vector<512x512xf32>
    %max3A_125 = arith.constant 0.000000e+00 : f32
    %max3A_126 = vector.broadcast %max3A_125 : f32 to vector<512x512xf32>
    %max3A_127 = arith.maximumf %sub3A_124, %max3A_126 : vector<512x512xf32>
    %min3A_128 = vector.broadcast %slice3A_78 : vector<512x1xf32> to vector<512x512xf32>
    %min3A_129 = vector.broadcast %slice3A_106 : vector<1x512xf32> to vector<512x512xf32>
    %min3A_130 = arith.minimumf %min3A_128, %min3A_129 : vector<512x512xf32>
    %max3A_131 = vector.broadcast %slice3A_76 : vector<512x1xf32> to vector<512x512xf32>
    %max3A_132 = vector.broadcast %slice3A_104 : vector<1x512xf32> to vector<512x512xf32>
    %max3A_133 = arith.maximumf %max3A_131, %max3A_132 : vector<512x512xf32>
    %sub3A_134 = arith.subf %min3A_130, %max3A_133 : vector<512x512xf32>
    %max3A_135 = arith.constant 0.000000e+00 : f32
    %max3A_136 = vector.broadcast %max3A_135 : f32 to vector<512x512xf32>
    %max3A_137 = arith.maximumf %sub3A_134, %max3A_136 : vector<512x512xf32>
    %mul3A_138 = arith.mulf %max3A_127, %max3A_137 : vector<512x512xf32>
    %add3A_139 = vector.broadcast %mul3A_85 : vector<512x1xf32> to vector<512x512xf32>
    %add3A_140 = vector.broadcast %mul3A_113 : vector<1x512xf32> to vector<512x512xf32>
    %add3A_141 = arith.addf %add3A_139, %add3A_140 : vector<512x512xf32>
    %sub3A_142 = arith.subf %add3A_141, %mul3A_138 : vector<512x512xf32>
    %add3A_143 = arith.constant 9.99999996E-13 : f32
    %add3A_144 = vector.broadcast %add3A_143 : f32 to vector<512x512xf32>
    %add3A_145 = arith.addf %sub3A_142, %add3A_144 : vector<512x512xf32>
    %div3A_146 = arith.divf %mul3A_138, %add3A_145 : vector<512x512xf32>
    %gt3A_147 = arith.constant 8.000000e-01 : f32
    %gt3A_148 = vector.broadcast %gt3A_147 : f32 to vector<512x512xf32>
    %gt3A_149 = arith.cmpf ogt, %div3A_146, %gt3A_148 : vector<512x512xf32>
    %eq3A_150 = vector.broadcast %slice3A_86 : vector<512x1xf32> to vector<512x512xf32>
    %eq3A_151 = vector.broadcast %slice3A_114 : vector<1x512xf32> to vector<512x512xf32>
    %eq3A_152 = arith.cmpf oeq, %eq3A_150, %eq3A_151 : vector<512x512xf32>
    %and3A_153 = arith.andi %gt3A_149, %eq3A_152 : vector<512x512xi1>
    %and3A_154 = arith.andi %and3A_153, %gt3A_117 : vector<512x512xi1>
    %convert_element_type3A_155 = arith.extui %and3A_154 : vector<512x512xi1> to vector<512x512xi32>
    %convert_element_type3A_156 = arith.sitofp %convert_element_type3A_155 : vector<512x512xi32> to vector<512x512xf32>
    %gt3A_157 = arith.constant 0.000000e+00 : f32
    %gt3A_158 = vector.broadcast %gt3A_157 : f32 to vector<512x1xf32>
    %gt3A_159 = arith.cmpf ogt, %get3A_99, %gt3A_158 : vector<512x1xf32>
    %jit3A_160 = arith.constant 0.000000e+00 : f32
    %jit3A_161 = arith.constant 1.000000e+00 : f32
    %broadcast_in_dim3A_162 = vector.broadcast %jit3A_160 : f32 to vector<512x1xf32>
    %broadcast_in_dim3A_163 = vector.broadcast %jit3A_161 : f32 to vector<512x1xf32>
    %select_n3A_164 = arith.select %gt3A_159, %broadcast_in_dim3A_162, %broadcast_in_dim3A_163 : vector<512x1xi1>, vector<512x1xf32>
    %while3A_165 = arith.constant true
    %while3A_166:2 = scf.while (%while3A_1198 = %select_n3A_164, %while3A_1199 = %while3A_165) : (vector<512x1xf32>, i1) -> (vector<512x1xf32>, i1) {
      scf.condition(%while3A_1199) %while3A_1198, %while3A_1199 : vector<512x1xf32>, i1
    } do {
    ^bb0(%while3A_1198: vector<512x1xf32>, %while3A_1199: i1):
      %dot_general3A = arith.constant dense<0.000000e+00> : vector<512x1xf32>
      %dot_general3A_1200 = tpu.matmul %convert_element_type3A_156, %while3A_1198, %dot_general3A {dimension_numbers = #tpu.dot_dimension_numbers<[1], [0], [0], [1], [0, 0, 1, 1], [], []>, transpose_lhs_hint = false} : vector<512x512xf32>, vector<512x1xf32>, vector<512x1xf32> -> vector<512x1xf32>
      %gt3A_1201 = arith.constant 0.000000e+00 : f32
      %gt3A_1202 = vector.broadcast %gt3A_1201 : f32 to vector<512x1xf32>
      %gt3A_1203 = arith.cmpf ogt, %dot_general3A_1200, %gt3A_1202 : vector<512x1xf32>
      %jit3A_1204 = arith.constant 0.000000e+00 : f32
      %broadcast_in_dim3A_1205 = vector.broadcast %jit3A_1204 : f32 to vector<512x1xf32>
      %select_n3A_1206 = arith.select %gt3A_1203, %broadcast_in_dim3A_1205, %select_n3A_164 : vector<512x1xi1>, vector<512x1xf32>
      %ne3A_1207 = arith.cmpf one, %select_n3A_1206, %while3A_1198 : vector<512x1xf32>
      %reduce_or3A = arith.constant 1.000000e+00 : f32
      %reduce_or3A_1208 = arith.constant 0.000000e+00 : f32
      %reduce_or3A_1209 = vector.broadcast %reduce_or3A : f32 to vector<512x1xf32>
      %reduce_or3A_1210 = vector.broadcast %reduce_or3A_1208 : f32 to vector<512x1xf32>
      %reduce_or3A_1211 = arith.select %ne3A_1207, %reduce_or3A_1209, %reduce_or3A_1210 : vector<512x1xi1>, vector<512x1xf32>
      %reduce_or3A_1212 = vector.shape_cast %reduce_or3A_1211 : vector<512x1xf32> to vector<1x512x1xf32>
      %reduce_or3A_1213 = arith.constant dense<0xFF800000> : vector<1xf32>
      %reduce_or3A_1214 = vector.multi_reduction <maximumf>, %reduce_or3A_1212, %reduce_or3A_1213 [1, 2] : vector<1x512x1xf32> to vector<1xf32>
      %reduce_or3A_1215 = vector.shape_cast %reduce_or3A_1214 : vector<1xf32> to vector<1x1x1xf32>
      %reduce_or3A_1216 = vector.extract %reduce_or3A_1215[0, 0, 0] : f32 from vector<1x1x1xf32>
      %reduce_or3A_1217 = arith.constant 0.000000e+00 : f32
      %reduce_or3A_1218 = arith.cmpf ogt, %reduce_or3A_1216, %reduce_or3A_1217 : f32
      scf.yield %select_n3A_1206, %reduce_or3A_1218 : vector<512x1xf32>, i1
    }
    %get3A_167 = arith.constant 1024 : index
    %get3A_168 = arith.constant 0 : index
    %get3A_169 = vector.load %arg0[%get3A_167, %get3A_168] : memref<5120x8xf32, #tpu.memory_space<vmem>>, vector<512x8xf32>
    %slice3A_170 = vector.extract_strided_slice %get3A_169 {offsets = [0, 0], sizes = [512, 1], strides = [1, 1]} : vector<512x8xf32> to vector<512x1xf32>
    %slice3A_171 = vector.extract_strided_slice %get3A_169 {offsets = [0, 1], sizes = [512, 1], strides = [1, 1]} : vector<512x8xf32> to vector<512x1xf32>
    %slice3A_172 = vector.extract_strided_slice %get3A_169 {offsets = [0, 2], sizes = [512, 1], strides = [1, 1]} : vector<512x8xf32> to vector<512x1xf32>
    %slice3A_173 = vector.extract_strided_slice %get3A_169 {offsets = [0, 3], sizes = [512, 1], strides = [1, 1]} : vector<512x8xf32> to vector<512x1xf32>
    %slice3A_174 = vector.extract_strided_slice %get3A_169 {offsets = [0, 2], sizes = [512, 1], strides = [1, 1]} : vector<512x8xf32> to vector<512x1xf32>
    %slice3A_175 = vector.extract_strided_slice %get3A_169 {offsets = [0, 0], sizes = [512, 1], strides = [1, 1]} : vector<512x8xf32> to vector<512x1xf32>
    %sub3A_176 = arith.subf %slice3A_174, %slice3A_175 : vector<512x1xf32>
    %slice3A_177 = vector.extract_strided_slice %get3A_169 {offsets = [0, 3], sizes = [512, 1], strides = [1, 1]} : vector<512x8xf32> to vector<512x1xf32>
    %slice3A_178 = vector.extract_strided_slice %get3A_169 {offsets = [0, 1], sizes = [512, 1], strides = [1, 1]} : vector<512x8xf32> to vector<512x1xf32>
    %sub3A_179 = arith.subf %slice3A_177, %slice3A_178 : vector<512x1xf32>
    %mul3A_180 = arith.mulf %sub3A_176, %sub3A_179 : vector<512x1xf32>
    %slice3A_181 = vector.extract_strided_slice %get3A_169 {offsets = [0, 4], sizes = [512, 1], strides = [1, 1]} : vector<512x8xf32> to vector<512x1xf32>
    %broadcast_in_dim3A_182 = arith.constant 0.000000e+00 : f32
    %broadcast_in_dim3A_183 = vector.broadcast %broadcast_in_dim3A_182 : f32 to vector<512x1xf32>
    %swap3A_184 = arith.constant 0 : index
    %swap3A_185 = arith.constant 0 : index
    %swap3A_186 = vector.load %arg4[%swap3A_184, %swap3A_185] : memref<512x1xf32, #tpu.memory_space<vmem>>, vector<512x1xf32>
    tpu.vector_store %arg4[%swap3A_184, %swap3A_185], %broadcast_in_dim3A_183 {strides = array<i32>} : memref<512x1xf32, #tpu.memory_space<vmem>>, vector<512x1xf32>,
    %get3A_187 = arith.constant 20 : index
    %get3A_188 = memref.load %arg2[%get3A_187] : memref<100xi32, #tpu.memory_space<smem>>
    %ne3A_189 = arith.constant 0 : i32
    %ne3A_190 = arith.cmpi ne, %get3A_188, %ne3A_189 : i32
    %convert_element_type3A_191 = arith.extui %ne3A_190 : i1 to i32
    %cond3A_192 = arith.constant 0 : i32
    %cond3A_193 = arith.cmpi ne, %convert_element_type3A_191, %cond3A_192 : i32
    scf.if %cond3A_193 {
      %get3A_1198 = arith.constant 0 : index
      %get3A_1199 = arith.constant 0 : index
      %get3A_1200 = vector.load %arg1[%get3A_1198, %get3A_1199] : memref<8x5120xf32, #tpu.memory_space<vmem>>, vector<8x512xf32>
      %slice3A_1201 = vector.extract_strided_slice %get3A_1200 {offsets = [0, 0], sizes = [1, 512], strides = [1, 1]} : vector<8x512xf32> to vector<1x512xf32>
      %slice3A_1202 = vector.extract_strided_slice %get3A_1200 {offsets = [1, 0], sizes = [1, 512], strides = [1, 1]} : vector<8x512xf32> to vector<1x512xf32>
      %slice3A_1203 = vector.extract_strided_slice %get3A_1200 {offsets = [2, 0], sizes = [1, 512], strides = [1, 1]} : vector<8x512xf32> to vector<1x512xf32>
      %slice3A_1204 = vector.extract_strided_slice %get3A_1200 {offsets = [3, 0], sizes = [1, 512], strides = [1, 1]} : vector<8x512xf32> to vector<1x512xf32>
      %slice3A_1205 = vector.extract_strided_slice %get3A_1200 {offsets = [2, 0], sizes = [1, 512], strides = [1, 1]} : vector<8x512xf32> to vector<1x512xf32>
      %slice3A_1206 = vector.extract_strided_slice %get3A_1200 {offsets = [0, 0], sizes = [1, 512], strides = [1, 1]} : vector<8x512xf32> to vector<1x512xf32>
      %sub3A_1207 = arith.subf %slice3A_1205, %slice3A_1206 : vector<1x512xf32>
      %slice3A_1208 = vector.extract_strided_slice %get3A_1200 {offsets = [3, 0], sizes = [1, 512], strides = [1, 1]} : vector<8x512xf32> to vector<1x512xf32>
      %slice3A_1209 = vector.extract_strided_slice %get3A_1200 {offsets = [1, 0], sizes = [1, 512], strides = [1, 1]} : vector<8x512xf32> to vector<1x512xf32>
      %sub3A_1210 = arith.subf %slice3A_1208, %slice3A_1209 : vector<1x512xf32>
      %mul3A_1211 = arith.mulf %sub3A_1207, %sub3A_1210 : vector<1x512xf32>
      %slice3A_1212 = vector.extract_strided_slice %get3A_1200 {offsets = [4, 0], sizes = [1, 512], strides = [1, 1]} : vector<8x512xf32> to vector<1x512xf32>
      %min3A_1213 = vector.broadcast %slice3A_172 : vector<512x1xf32> to vector<512x512xf32>
      %min3A_1214 = vector.broadcast %slice3A_1203 : vector<1x512xf32> to vector<512x512xf32>
      %min3A_1215 = arith.minimumf %min3A_1213, %min3A_1214 : vector<512x512xf32>
      %max3A_1216 = vector.broadcast %slice3A_170 : vector<512x1xf32> to vector<512x512xf32>
      %max3A_1217 = vector.broadcast %slice3A_1201 : vector<1x512xf32> to vector<512x512xf32>
      %max3A_1218 = arith.maximumf %max3A_1216, %max3A_1217 : vector<512x512xf32>
      %sub3A_1219 = arith.subf %min3A_1215, %max3A_1218 : vector<512x512xf32>
      %max3A_1220 = arith.constant 0.000000e+00 : f32
      %max3A_1221 = vector.broadcast %max3A_1220 : f32 to vector<512x512xf32>
      %max3A_1222 = arith.maximumf %sub3A_1219, %max3A_1221 : vector<512x512xf32>
      %min3A_1223 = vector.broadcast %slice3A_173 : vector<512x1xf32> to vector<512x512xf32>
      %min3A_1224 = vector.broadcast %slice3A_1204 : vector<1x512xf32> to vector<512x512xf32>
      %min3A_1225 = arith.minimumf %min3A_1223, %min3A_1224 : vector<512x512xf32>
      %max3A_1226 = vector.broadcast %slice3A_171 : vector<512x1xf32> to vector<512x512xf32>
      %max3A_1227 = vector.broadcast %slice3A_1202 : vector<1x512xf32> to vector<512x512xf32>
      %max3A_1228 = arith.maximumf %max3A_1226, %max3A_1227 : vector<512x512xf32>
      %sub3A_1229 = arith.subf %min3A_1225, %max3A_1228 : vector<512x512xf32>
      %max3A_1230 = arith.constant 0.000000e+00 : f32
      %max3A_1231 = vector.broadcast %max3A_1230 : f32 to vector<512x512xf32>
      %max3A_1232 = arith.maximumf %sub3A_1229, %max3A_1231 : vector<512x512xf32>
      %mul3A_1233 = arith.mulf %max3A_1222, %max3A_1232 : vector<512x512xf32>
      %add3A_1234 = vector.broadcast %mul3A_180 : vector<512x1xf32> to vector<512x512xf32>
      %add3A_1235 = vector.broadcast %mul3A_1211 : vector<1x512xf32> to vector<512x512xf32>
      %add3A_1236 = arith.addf %add3A_1234, %add3A_1235 : vector<512x512xf32>
      %sub3A_1237 = arith.subf %add3A_1236, %mul3A_1233 : vector<512x512xf32>
      %add3A_1238 = arith.constant 9.99999996E-13 : f32
      %add3A_1239 = vector.broadcast %add3A_1238 : f32 to vector<512x512xf32>
      %add3A_1240 = arith.addf %sub3A_1237, %add3A_1239 : vector<512x512xf32>
      %div3A_1241 = arith.divf %mul3A_1233, %add3A_1240 : vector<512x512xf32>
      %gt3A_1242 = arith.constant 8.000000e-01 : f32
      %gt3A_1243 = vector.broadcast %gt3A_1242 : f32 to vector<512x512xf32>
      %gt3A_1244 = arith.cmpf ogt, %div3A_1241, %gt3A_1243 : vector<512x512xf32>
      %eq3A_1245 = vector.broadcast %slice3A_181 : vector<512x1xf32> to vector<512x512xf32>
      %eq3A_1246 = vector.broadcast %slice3A_1212 : vector<1x512xf32> to vector<512x512xf32>
      %eq3A_1247 = arith.cmpf oeq, %eq3A_1245, %eq3A_1246 : vector<512x512xf32>
      %and3A_1248 = arith.andi %gt3A_1244, %eq3A_1247 : vector<512x512xi1>
      %convert_element_type3A_1249 = arith.extui %and3A_1248 : vector<512x512xi1> to vector<512x512xi32>
      %convert_element_type3A_1250 = arith.sitofp %convert_element_type3A_1249 : vector<512x512xi32> to vector<512x512xf32>
      %get3A_1251 = arith.constant 0 : index
      %get3A_1252 = arith.constant 0 : index
      %get3A_1253 = vector.load %arg4[%get3A_1251, %get3A_1252] : memref<512x1xf32, #tpu.memory_space<vmem>>, vector<512x1xf32>
      %dot_general3A = arith.constant dense<0.000000e+00> : vector<512x1xf32>
      %dot_general3A_1254 = tpu.matmul %convert_element_type3A_1250, %while3A_71#0, %dot_general3A {dimension_numbers = #tpu.dot_dimension_numbers<[1], [0], [0], [1], [0, 0, 1, 1], [], []>, transpose_lhs_hint = false} : vector<512x512xf32>, vector<512x1xf32>, vector<512x1xf32> -> vector<512x1xf32>
      %add3A_1255 = arith.addf %get3A_1253, %dot_general3A_1254 : vector<512x1xf32>
      %swap3A_1256 = arith.constant 0 : index
      %swap3A_1257 = arith.constant 0 : index
      %swap3A_1258 = vector.load %arg4[%swap3A_1256, %swap3A_1257] : memref<512x1xf32, #tpu.memory_space<vmem>>, vector<512x1xf32>
      tpu.vector_store %arg4[%swap3A_1256, %swap3A_1257], %add3A_1255 {strides = array<i32>} : memref<512x1xf32, #tpu.memory_space<vmem>>, vector<512x1xf32>,
    } else {
    }
    %get3A_194 = arith.constant 21 : index
    %get3A_195 = memref.load %arg2[%get3A_194] : memref<100xi32, #tpu.memory_space<smem>>
    %ne3A_196 = arith.constant 0 : i32
    %ne3A_197 = arith.cmpi ne, %get3A_195, %ne3A_196 : i32
    %convert_element_type3A_198 = arith.extui %ne3A_197 : i1 to i32
    %cond3A_199 = arith.constant 0 : i32
    %cond3A_200 = arith.cmpi ne, %convert_element_type3A_198, %cond3A_199 : i32
    scf.if %cond3A_200 {
      %get3A_1198 = arith.constant 0 : index
      %get3A_1199 = arith.constant 512 : index
      %get3A_1200 = vector.load %arg1[%get3A_1198, %get3A_1199] : memref<8x5120xf32, #tpu.memory_space<vmem>>, vector<8x512xf32>
      %slice3A_1201 = vector.extract_strided_slice %get3A_1200 {offsets = [0, 0], sizes = [1, 512], strides = [1, 1]} : vector<8x512xf32> to vector<1x512xf32>
      %slice3A_1202 = vector.extract_strided_slice %get3A_1200 {offsets = [1, 0], sizes = [1, 512], strides = [1, 1]} : vector<8x512xf32> to vector<1x512xf32>
      %slice3A_1203 = vector.extract_strided_slice %get3A_1200 {offsets = [2, 0], sizes = [1, 512], strides = [1, 1]} : vector<8x512xf32> to vector<1x512xf32>
      %slice3A_1204 = vector.extract_strided_slice %get3A_1200 {offsets = [3, 0], sizes = [1, 512], strides = [1, 1]} : vector<8x512xf32> to vector<1x512xf32>
      %slice3A_1205 = vector.extract_strided_slice %get3A_1200 {offsets = [2, 0], sizes = [1, 512], strides = [1, 1]} : vector<8x512xf32> to vector<1x512xf32>
      %slice3A_1206 = vector.extract_strided_slice %get3A_1200 {offsets = [0, 0], sizes = [1, 512], strides = [1, 1]} : vector<8x512xf32> to vector<1x512xf32>
      %sub3A_1207 = arith.subf %slice3A_1205, %slice3A_1206 : vector<1x512xf32>
      %slice3A_1208 = vector.extract_strided_slice %get3A_1200 {offsets = [3, 0], sizes = [1, 512], strides = [1, 1]} : vector<8x512xf32> to vector<1x512xf32>
      %slice3A_1209 = vector.extract_strided_slice %get3A_1200 {offsets = [1, 0], sizes = [1, 512], strides = [1, 1]} : vector<8x512xf32> to vector<1x512xf32>
      %sub3A_1210 = arith.subf %slice3A_1208, %slice3A_1209 : vector<1x512xf32>
      %mul3A_1211 = arith.mulf %sub3A_1207, %sub3A_1210 : vector<1x512xf32>
      %slice3A_1212 = vector.extract_strided_slice %get3A_1200 {offsets = [4, 0], sizes = [1, 512], strides = [1, 1]} : vector<8x512xf32> to vector<1x512xf32>
      %min3A_1213 = vector.broadcast %slice3A_172 : vector<512x1xf32> to vector<512x512xf32>
      %min3A_1214 = vector.broadcast %slice3A_1203 : vector<1x512xf32> to vector<512x512xf32>
      %min3A_1215 = arith.minimumf %min3A_1213, %min3A_1214 : vector<512x512xf32>
      %max3A_1216 = vector.broadcast %slice3A_170 : vector<512x1xf32> to vector<512x512xf32>
      %max3A_1217 = vector.broadcast %slice3A_1201 : vector<1x512xf32> to vector<512x512xf32>
      %max3A_1218 = arith.maximumf %max3A_1216, %max3A_1217 : vector<512x512xf32>
      %sub3A_1219 = arith.subf %min3A_1215, %max3A_1218 : vector<512x512xf32>
      %max3A_1220 = arith.constant 0.000000e+00 : f32
      %max3A_1221 = vector.broadcast %max3A_1220 : f32 to vector<512x512xf32>
      %max3A_1222 = arith.maximumf %sub3A_1219, %max3A_1221 : vector<512x512xf32>
      %min3A_1223 = vector.broadcast %slice3A_173 : vector<512x1xf32> to vector<512x512xf32>
      %min3A_1224 = vector.broadcast %slice3A_1204 : vector<1x512xf32> to vector<512x512xf32>
      %min3A_1225 = arith.minimumf %min3A_1223, %min3A_1224 : vector<512x512xf32>
      %max3A_1226 = vector.broadcast %slice3A_171 : vector<512x1xf32> to vector<512x512xf32>
      %max3A_1227 = vector.broadcast %slice3A_1202 : vector<1x512xf32> to vector<512x512xf32>
      %max3A_1228 = arith.maximumf %max3A_1226, %max3A_1227 : vector<512x512xf32>
      %sub3A_1229 = arith.subf %min3A_1225, %max3A_1228 : vector<512x512xf32>
      %max3A_1230 = arith.constant 0.000000e+00 : f32
      %max3A_1231 = vector.broadcast %max3A_1230 : f32 to vector<512x512xf32>
      %max3A_1232 = arith.maximumf %sub3A_1229, %max3A_1231 : vector<512x512xf32>
      %mul3A_1233 = arith.mulf %max3A_1222, %max3A_1232 : vector<512x512xf32>
      %add3A_1234 = vector.broadcast %mul3A_180 : vector<512x1xf32> to vector<512x512xf32>
      %add3A_1235 = vector.broadcast %mul3A_1211 : vector<1x512xf32> to vector<512x512xf32>
      %add3A_1236 = arith.addf %add3A_1234, %add3A_1235 : vector<512x512xf32>
      %sub3A_1237 = arith.subf %add3A_1236, %mul3A_1233 : vector<512x512xf32>
      %add3A_1238 = arith.constant 9.99999996E-13 : f32
      %add3A_1239 = vector.broadcast %add3A_1238 : f32 to vector<512x512xf32>
      %add3A_1240 = arith.addf %sub3A_1237, %add3A_1239 : vector<512x512xf32>
      %div3A_1241 = arith.divf %mul3A_1233, %add3A_1240 : vector<512x512xf32>
      %gt3A_1242 = arith.constant 8.000000e-01 : f32
      %gt3A_1243 = vector.broadcast %gt3A_1242 : f32 to vector<512x512xf32>
      %gt3A_1244 = arith.cmpf ogt, %div3A_1241, %gt3A_1243 : vector<512x512xf32>
      %eq3A_1245 = vector.broadcast %slice3A_181 : vector<512x1xf32> to vector<512x512xf32>
      %eq3A_1246 = vector.broadcast %slice3A_1212 : vector<1x512xf32> to vector<512x512xf32>
      %eq3A_1247 = arith.cmpf oeq, %eq3A_1245, %eq3A_1246 : vector<512x512xf32>
      %and3A_1248 = arith.andi %gt3A_1244, %eq3A_1247 : vector<512x512xi1>
      %convert_element_type3A_1249 = arith.extui %and3A_1248 : vector<512x512xi1> to vector<512x512xi32>
      %convert_element_type3A_1250 = arith.sitofp %convert_element_type3A_1249 : vector<512x512xi32> to vector<512x512xf32>
      %get3A_1251 = arith.constant 0 : index
      %get3A_1252 = arith.constant 0 : index
      %get3A_1253 = vector.load %arg4[%get3A_1251, %get3A_1252] : memref<512x1xf32, #tpu.memory_space<vmem>>, vector<512x1xf32>
      %dot_general3A = arith.constant dense<0.000000e+00> : vector<512x1xf32>
      %dot_general3A_1254 = tpu.matmul %convert_element_type3A_1250, %while3A_166#0, %dot_general3A {dimension_numbers = #tpu.dot_dimension_numbers<[1], [0], [0], [1], [0, 0, 1, 1], [], []>, transpose_lhs_hint = false} : vector<512x512xf32>, vector<512x1xf32>, vector<512x1xf32> -> vector<512x1xf32>
      %add3A_1255 = arith.addf %get3A_1253, %dot_general3A_1254 : vector<512x1xf32>
      %swap3A_1256 = arith.constant 0 : index
      %swap3A_1257 = arith.constant 0 : index
      %swap3A_1258 = vector.load %arg4[%swap3A_1256, %swap3A_1257] : memref<512x1xf32, #tpu.memory_space<vmem>>, vector<512x1xf32>
      tpu.vector_store %arg4[%swap3A_1256, %swap3A_1257], %add3A_1255 {strides = array<i32>} : memref<512x1xf32, #tpu.memory_space<vmem>>, vector<512x1xf32>,
    } else {
    }
    %get3A_201 = arith.constant 0 : index
    %get3A_202 = arith.constant 0 : index
    %get3A_203 = vector.load %arg4[%get3A_201, %get3A_202] : memref<512x1xf32, #tpu.memory_space<vmem>>, vector<512x1xf32>
    %get3A_204 = arith.constant 0 : index
    %get3A_205 = arith.constant 1024 : index
    %get3A_206 = vector.load %arg1[%get3A_204, %get3A_205] : memref<8x5120xf32, #tpu.memory_space<vmem>>, vector<8x512xf32>
    %slice3A_207 = vector.extract_strided_slice %get3A_206 {offsets = [0, 0], sizes = [1, 512], strides = [1, 1]} : vector<8x512xf32> to vector<1x512xf32>
    %slice3A_208 = vector.extract_strided_slice %get3A_206 {offsets = [1, 0], sizes = [1, 512], strides = [1, 1]} : vector<8x512xf32> to vector<1x512xf32>
    %slice3A_209 = vector.extract_strided_slice %get3A_206 {offsets = [2, 0], sizes = [1, 512], strides = [1, 1]} : vector<8x512xf32> to vector<1x512xf32>
    %slice3A_210 = vector.extract_strided_slice %get3A_206 {offsets = [3, 0], sizes = [1, 512], strides = [1, 1]} : vector<8x512xf32> to vector<1x512xf32>
    %slice3A_211 = vector.extract_strided_slice %get3A_206 {offsets = [2, 0], sizes = [1, 512], strides = [1, 1]} : vector<8x512xf32> to vector<1x512xf32>
    %slice3A_212 = vector.extract_strided_slice %get3A_206 {offsets = [0, 0], sizes = [1, 512], strides = [1, 1]} : vector<8x512xf32> to vector<1x512xf32>
    %sub3A_213 = arith.subf %slice3A_211, %slice3A_212 : vector<1x512xf32>
    %slice3A_214 = vector.extract_strided_slice %get3A_206 {offsets = [3, 0], sizes = [1, 512], strides = [1, 1]} : vector<8x512xf32> to vector<1x512xf32>
    %slice3A_215 = vector.extract_strided_slice %get3A_206 {offsets = [1, 0], sizes = [1, 512], strides = [1, 1]} : vector<8x512xf32> to vector<1x512xf32>
    %sub3A_216 = arith.subf %slice3A_214, %slice3A_215 : vector<1x512xf32>
    %mul3A_217 = arith.mulf %sub3A_213, %sub3A_216 : vector<1x512xf32>
    %slice3A_218 = vector.extract_strided_slice %get3A_206 {offsets = [4, 0], sizes = [1, 512], strides = [1, 1]} : vector<8x512xf32> to vector<1x512xf32>
    %iota3A_219 = tpu.iota {dimensions = array<i32: 0>} : vector<512x512xi32>
    %iota3A_220 = tpu.iota {dimensions = array<i32: 1>} : vector<512x512xi32>
    %gt3A_221 = arith.cmpi sgt, %iota3A_219, %iota3A_220 : vector<512x512xi32>
    %min3A_222 = vector.broadcast %slice3A_172 : vector<512x1xf32> to vector<512x512xf32>
    %min3A_223 = vector.broadcast %slice3A_209 : vector<1x512xf32> to vector<512x512xf32>
    %min3A_224 = arith.minimumf %min3A_222, %min3A_223 : vector<512x512xf32>
    %max3A_225 = vector.broadcast %slice3A_170 : vector<512x1xf32> to vector<512x512xf32>
    %max3A_226 = vector.broadcast %slice3A_207 : vector<1x512xf32> to vector<512x512xf32>
    %max3A_227 = arith.maximumf %max3A_225, %max3A_226 : vector<512x512xf32>
    %sub3A_228 = arith.subf %min3A_224, %max3A_227 : vector<512x512xf32>
    %max3A_229 = arith.constant 0.000000e+00 : f32
    %max3A_230 = vector.broadcast %max3A_229 : f32 to vector<512x512xf32>
    %max3A_231 = arith.maximumf %sub3A_228, %max3A_230 : vector<512x512xf32>
    %min3A_232 = vector.broadcast %slice3A_173 : vector<512x1xf32> to vector<512x512xf32>
    %min3A_233 = vector.broadcast %slice3A_210 : vector<1x512xf32> to vector<512x512xf32>
    %min3A_234 = arith.minimumf %min3A_232, %min3A_233 : vector<512x512xf32>
    %max3A_235 = vector.broadcast %slice3A_171 : vector<512x1xf32> to vector<512x512xf32>
    %max3A_236 = vector.broadcast %slice3A_208 : vector<1x512xf32> to vector<512x512xf32>
    %max3A_237 = arith.maximumf %max3A_235, %max3A_236 : vector<512x512xf32>
    %sub3A_238 = arith.subf %min3A_234, %max3A_237 : vector<512x512xf32>
    %max3A_239 = arith.constant 0.000000e+00 : f32
    %max3A_240 = vector.broadcast %max3A_239 : f32 to vector<512x512xf32>
    %max3A_241 = arith.maximumf %sub3A_238, %max3A_240 : vector<512x512xf32>
    %mul3A_242 = arith.mulf %max3A_231, %max3A_241 : vector<512x512xf32>
    %add3A_243 = vector.broadcast %mul3A_180 : vector<512x1xf32> to vector<512x512xf32>
    %add3A_244 = vector.broadcast %mul3A_217 : vector<1x512xf32> to vector<512x512xf32>
    %add3A_245 = arith.addf %add3A_243, %add3A_244 : vector<512x512xf32>
    %sub3A_246 = arith.subf %add3A_245, %mul3A_242 : vector<512x512xf32>
    %add3A_247 = arith.constant 9.99999996E-13 : f32
    %add3A_248 = vector.broadcast %add3A_247 : f32 to vector<512x512xf32>
    %add3A_249 = arith.addf %sub3A_246, %add3A_248 : vector<512x512xf32>
    %div3A_250 = arith.divf %mul3A_242, %add3A_249 : vector<512x512xf32>
    %gt3A_251 = arith.constant 8.000000e-01 : f32
    %gt3A_252 = vector.broadcast %gt3A_251 : f32 to vector<512x512xf32>
    %gt3A_253 = arith.cmpf ogt, %div3A_250, %gt3A_252 : vector<512x512xf32>
    %eq3A_254 = vector.broadcast %slice3A_181 : vector<512x1xf32> to vector<512x512xf32>
    %eq3A_255 = vector.broadcast %slice3A_218 : vector<1x512xf32> to vector<512x512xf32>
    %eq3A_256 = arith.cmpf oeq, %eq3A_254, %eq3A_255 : vector<512x512xf32>
    %and3A_257 = arith.andi %gt3A_253, %eq3A_256 : vector<512x512xi1>
    %and3A_258 = arith.andi %and3A_257, %gt3A_221 : vector<512x512xi1>
    %convert_element_type3A_259 = arith.extui %and3A_258 : vector<512x512xi1> to vector<512x512xi32>
    %convert_element_type3A_260 = arith.sitofp %convert_element_type3A_259 : vector<512x512xi32> to vector<512x512xf32>
    %gt3A_261 = arith.constant 0.000000e+00 : f32
    %gt3A_262 = vector.broadcast %gt3A_261 : f32 to vector<512x1xf32>
    %gt3A_263 = arith.cmpf ogt, %get3A_203, %gt3A_262 : vector<512x1xf32>
    %jit3A_264 = arith.constant 0.000000e+00 : f32
    %jit3A_265 = arith.constant 1.000000e+00 : f32
    %broadcast_in_dim3A_266 = vector.broadcast %jit3A_264 : f32 to vector<512x1xf32>
    %broadcast_in_dim3A_267 = vector.broadcast %jit3A_265 : f32 to vector<512x1xf32>
    %select_n3A_268 = arith.select %gt3A_263, %broadcast_in_dim3A_266, %broadcast_in_dim3A_267 : vector<512x1xi1>, vector<512x1xf32>
    %while3A_269 = arith.constant true
    %while3A_270:2 = scf.while (%while3A_1198 = %select_n3A_268, %while3A_1199 = %while3A_269) : (vector<512x1xf32>, i1) -> (vector<512x1xf32>, i1) {
      scf.condition(%while3A_1199) %while3A_1198, %while3A_1199 : vector<512x1xf32>, i1
    } do {
    ^bb0(%while3A_1198: vector<512x1xf32>, %while3A_1199: i1):
      %dot_general3A = arith.constant dense<0.000000e+00> : vector<512x1xf32>
      %dot_general3A_1200 = tpu.matmul %convert_element_type3A_260, %while3A_1198, %dot_general3A {dimension_numbers = #tpu.dot_dimension_numbers<[1], [0], [0], [1], [0, 0, 1, 1], [], []>, transpose_lhs_hint = false} : vector<512x512xf32>, vector<512x1xf32>, vector<512x1xf32> -> vector<512x1xf32>
      %gt3A_1201 = arith.constant 0.000000e+00 : f32
      %gt3A_1202 = vector.broadcast %gt3A_1201 : f32 to vector<512x1xf32>
      %gt3A_1203 = arith.cmpf ogt, %dot_general3A_1200, %gt3A_1202 : vector<512x1xf32>
      %jit3A_1204 = arith.constant 0.000000e+00 : f32
      %broadcast_in_dim3A_1205 = vector.broadcast %jit3A_1204 : f32 to vector<512x1xf32>
      %select_n3A_1206 = arith.select %gt3A_1203, %broadcast_in_dim3A_1205, %select_n3A_268 : vector<512x1xi1>, vector<512x1xf32>
      %ne3A_1207 = arith.cmpf one, %select_n3A_1206, %while3A_1198 : vector<512x1xf32>
      %reduce_or3A = arith.constant 1.000000e+00 : f32
      %reduce_or3A_1208 = arith.constant 0.000000e+00 : f32
      %reduce_or3A_1209 = vector.broadcast %reduce_or3A : f32 to vector<512x1xf32>
      %reduce_or3A_1210 = vector.broadcast %reduce_or3A_1208 : f32 to vector<512x1xf32>
      %reduce_or3A_1211 = arith.select %ne3A_1207, %reduce_or3A_1209, %reduce_or3A_1210 : vector<512x1xi1>, vector<512x1xf32>
      %reduce_or3A_1212 = vector.shape_cast %reduce_or3A_1211 : vector<512x1xf32> to vector<1x512x1xf32>
      %reduce_or3A_1213 = arith.constant dense<0xFF800000> : vector<1xf32>
      %reduce_or3A_1214 = vector.multi_reduction <maximumf>, %reduce_or3A_1212, %reduce_or3A_1213 [1, 2] : vector<1x512x1xf32> to vector<1xf32>
      %reduce_or3A_1215 = vector.shape_cast %reduce_or3A_1214 : vector<1xf32> to vector<1x1x1xf32>
      %reduce_or3A_1216 = vector.extract %reduce_or3A_1215[0, 0, 0] : f32 from vector<1x1x1xf32>
      %reduce_or3A_1217 = arith.constant 0.000000e+00 : f32
      %reduce_or3A_1218 = arith.cmpf ogt, %reduce_or3A_1216, %reduce_or3A_1217 : f32
      scf.yield %select_n3A_1206, %reduce_or3A_1218 : vector<512x1xf32>, i1
    }
    %get3A_271 = arith.constant 1536 : index
    %get3A_272 = arith.constant 0 : index
    %get3A_273 = vector.load %arg0[%get3A_271, %get3A_272] : memref<5120x8xf32, #tpu.memory_space<vmem>>, vector<512x8xf32>
    %slice3A_274 = vector.extract_strided_slice %get3A_273 {offsets = [0, 0], sizes = [512, 1], strides = [1, 1]} : vector<512x8xf32> to vector<512x1xf32>
    %slice3A_275 = vector.extract_strided_slice %get3A_273 {offsets = [0, 1], sizes = [512, 1], strides = [1, 1]} : vector<512x8xf32> to vector<512x1xf32>
    %slice3A_276 = vector.extract_strided_slice %get3A_273 {offsets = [0, 2], sizes = [512, 1], strides = [1, 1]} : vector<512x8xf32> to vector<512x1xf32>
    %slice3A_277 = vector.extract_strided_slice %get3A_273 {offsets = [0, 3], sizes = [512, 1], strides = [1, 1]} : vector<512x8xf32> to vector<512x1xf32>
    %slice3A_278 = vector.extract_strided_slice %get3A_273 {offsets = [0, 2], sizes = [512, 1], strides = [1, 1]} : vector<512x8xf32> to vector<512x1xf32>
    %slice3A_279 = vector.extract_strided_slice %get3A_273 {offsets = [0, 0], sizes = [512, 1], strides = [1, 1]} : vector<512x8xf32> to vector<512x1xf32>
    %sub3A_280 = arith.subf %slice3A_278, %slice3A_279 : vector<512x1xf32>
    %slice3A_281 = vector.extract_strided_slice %get3A_273 {offsets = [0, 3], sizes = [512, 1], strides = [1, 1]} : vector<512x8xf32> to vector<512x1xf32>
    %slice3A_282 = vector.extract_strided_slice %get3A_273 {offsets = [0, 1], sizes = [512, 1], strides = [1, 1]} : vector<512x8xf32> to vector<512x1xf32>
    %sub3A_283 = arith.subf %slice3A_281, %slice3A_282 : vector<512x1xf32>
    %mul3A_284 = arith.mulf %sub3A_280, %sub3A_283 : vector<512x1xf32>
    %slice3A_285 = vector.extract_strided_slice %get3A_273 {offsets = [0, 4], sizes = [512, 1], strides = [1, 1]} : vector<512x8xf32> to vector<512x1xf32>
    %broadcast_in_dim3A_286 = arith.constant 0.000000e+00 : f32
    %broadcast_in_dim3A_287 = vector.broadcast %broadcast_in_dim3A_286 : f32 to vector<512x1xf32>
    %swap3A_288 = arith.constant 0 : index
    %swap3A_289 = arith.constant 0 : index
    %swap3A_290 = vector.load %arg4[%swap3A_288, %swap3A_289] : memref<512x1xf32, #tpu.memory_space<vmem>>, vector<512x1xf32>
    tpu.vector_store %arg4[%swap3A_288, %swap3A_289], %broadcast_in_dim3A_287 {strides = array<i32>} : memref<512x1xf32, #tpu.memory_space<vmem>>, vector<512x1xf32>,
    %get3A_291 = arith.constant 30 : index
    %get3A_292 = memref.load %arg2[%get3A_291] : memref<100xi32, #tpu.memory_space<smem>>
    %ne3A_293 = arith.constant 0 : i32
    %ne3A_294 = arith.cmpi ne, %get3A_292, %ne3A_293 : i32
    %convert_element_type3A_295 = arith.extui %ne3A_294 : i1 to i32
    %cond3A_296 = arith.constant 0 : i32
    %cond3A_297 = arith.cmpi ne, %convert_element_type3A_295, %cond3A_296 : i32
    scf.if %cond3A_297 {
      %get3A_1198 = arith.constant 0 : index
      %get3A_1199 = arith.constant 0 : index
      %get3A_1200 = vector.load %arg1[%get3A_1198, %get3A_1199] : memref<8x5120xf32, #tpu.memory_space<vmem>>, vector<8x512xf32>
      %slice3A_1201 = vector.extract_strided_slice %get3A_1200 {offsets = [0, 0], sizes = [1, 512], strides = [1, 1]} : vector<8x512xf32> to vector<1x512xf32>
      %slice3A_1202 = vector.extract_strided_slice %get3A_1200 {offsets = [1, 0], sizes = [1, 512], strides = [1, 1]} : vector<8x512xf32> to vector<1x512xf32>
      %slice3A_1203 = vector.extract_strided_slice %get3A_1200 {offsets = [2, 0], sizes = [1, 512], strides = [1, 1]} : vector<8x512xf32> to vector<1x512xf32>
      %slice3A_1204 = vector.extract_strided_slice %get3A_1200 {offsets = [3, 0], sizes = [1, 512], strides = [1, 1]} : vector<8x512xf32> to vector<1x512xf32>
      %slice3A_1205 = vector.extract_strided_slice %get3A_1200 {offsets = [2, 0], sizes = [1, 512], strides = [1, 1]} : vector<8x512xf32> to vector<1x512xf32>
      %slice3A_1206 = vector.extract_strided_slice %get3A_1200 {offsets = [0, 0], sizes = [1, 512], strides = [1, 1]} : vector<8x512xf32> to vector<1x512xf32>
      %sub3A_1207 = arith.subf %slice3A_1205, %slice3A_1206 : vector<1x512xf32>
      %slice3A_1208 = vector.extract_strided_slice %get3A_1200 {offsets = [3, 0], sizes = [1, 512], strides = [1, 1]} : vector<8x512xf32> to vector<1x512xf32>
      %slice3A_1209 = vector.extract_strided_slice %get3A_1200 {offsets = [1, 0], sizes = [1, 512], strides = [1, 1]} : vector<8x512xf32> to vector<1x512xf32>
      %sub3A_1210 = arith.subf %slice3A_1208, %slice3A_1209 : vector<1x512xf32>
      %mul3A_1211 = arith.mulf %sub3A_1207, %sub3A_1210 : vector<1x512xf32>
      %slice3A_1212 = vector.extract_strided_slice %get3A_1200 {offsets = [4, 0], sizes = [1, 512], strides = [1, 1]} : vector<8x512xf32> to vector<1x512xf32>
      %min3A_1213 = vector.broadcast %slice3A_276 : vector<512x1xf32> to vector<512x512xf32>
      %min3A_1214 = vector.broadcast %slice3A_1203 : vector<1x512xf32> to vector<512x512xf32>
      %min3A_1215 = arith.minimumf %min3A_1213, %min3A_1214 : vector<512x512xf32>
      %max3A_1216 = vector.broadcast %slice3A_274 : vector<512x1xf32> to vector<512x512xf32>
      %max3A_1217 = vector.broadcast %slice3A_1201 : vector<1x512xf32> to vector<512x512xf32>
      %max3A_1218 = arith.maximumf %max3A_1216, %max3A_1217 : vector<512x512xf32>
      %sub3A_1219 = arith.subf %min3A_1215, %max3A_1218 : vector<512x512xf32>
      %max3A_1220 = arith.constant 0.000000e+00 : f32
      %max3A_1221 = vector.broadcast %max3A_1220 : f32 to vector<512x512xf32>
      %max3A_1222 = arith.maximumf %sub3A_1219, %max3A_1221 : vector<512x512xf32>
      %min3A_1223 = vector.broadcast %slice3A_277 : vector<512x1xf32> to vector<512x512xf32>
      %min3A_1224 = vector.broadcast %slice3A_1204 : vector<1x512xf32> to vector<512x512xf32>
      %min3A_1225 = arith.minimumf %min3A_1223, %min3A_1224 : vector<512x512xf32>
      %max3A_1226 = vector.broadcast %slice3A_275 : vector<512x1xf32> to vector<512x512xf32>
      %max3A_1227 = vector.broadcast %slice3A_1202 : vector<1x512xf32> to vector<512x512xf32>
      %max3A_1228 = arith.maximumf %max3A_1226, %max3A_1227 : vector<512x512xf32>
      %sub3A_1229 = arith.subf %min3A_1225, %max3A_1228 : vector<512x512xf32>
      %max3A_1230 = arith.constant 0.000000e+00 : f32
      %max3A_1231 = vector.broadcast %max3A_1230 : f32 to vector<512x512xf32>
      %max3A_1232 = arith.maximumf %sub3A_1229, %max3A_1231 : vector<512x512xf32>
      %mul3A_1233 = arith.mulf %max3A_1222, %max3A_1232 : vector<512x512xf32>
      %add3A_1234 = vector.broadcast %mul3A_284 : vector<512x1xf32> to vector<512x512xf32>
      %add3A_1235 = vector.broadcast %mul3A_1211 : vector<1x512xf32> to vector<512x512xf32>
      %add3A_1236 = arith.addf %add3A_1234, %add3A_1235 : vector<512x512xf32>
      %sub3A_1237 = arith.subf %add3A_1236, %mul3A_1233 : vector<512x512xf32>
      %add3A_1238 = arith.constant 9.99999996E-13 : f32
      %add3A_1239 = vector.broadcast %add3A_1238 : f32 to vector<512x512xf32>
      %add3A_1240 = arith.addf %sub3A_1237, %add3A_1239 : vector<512x512xf32>
      %div3A_1241 = arith.divf %mul3A_1233, %add3A_1240 : vector<512x512xf32>
      %gt3A_1242 = arith.constant 8.000000e-01 : f32
      %gt3A_1243 = vector.broadcast %gt3A_1242 : f32 to vector<512x512xf32>
      %gt3A_1244 = arith.cmpf ogt, %div3A_1241, %gt3A_1243 : vector<512x512xf32>
      %eq3A_1245 = vector.broadcast %slice3A_285 : vector<512x1xf32> to vector<512x512xf32>
      %eq3A_1246 = vector.broadcast %slice3A_1212 : vector<1x512xf32> to vector<512x512xf32>
      %eq3A_1247 = arith.cmpf oeq, %eq3A_1245, %eq3A_1246 : vector<512x512xf32>
      %and3A_1248 = arith.andi %gt3A_1244, %eq3A_1247 : vector<512x512xi1>
      %convert_element_type3A_1249 = arith.extui %and3A_1248 : vector<512x512xi1> to vector<512x512xi32>
      %convert_element_type3A_1250 = arith.sitofp %convert_element_type3A_1249 : vector<512x512xi32> to vector<512x512xf32>
      %get3A_1251 = arith.constant 0 : index
      %get3A_1252 = arith.constant 0 : index
      %get3A_1253 = vector.load %arg4[%get3A_1251, %get3A_1252] : memref<512x1xf32, #tpu.memory_space<vmem>>, vector<512x1xf32>
      %dot_general3A = arith.constant dense<0.000000e+00> : vector<512x1xf32>
      %dot_general3A_1254 = tpu.matmul %convert_element_type3A_1250, %while3A_71#0, %dot_general3A {dimension_numbers = #tpu.dot_dimension_numbers<[1], [0], [0], [1], [0, 0, 1, 1], [], []>, transpose_lhs_hint = false} : vector<512x512xf32>, vector<512x1xf32>, vector<512x1xf32> -> vector<512x1xf32>
      %add3A_1255 = arith.addf %get3A_1253, %dot_general3A_1254 : vector<512x1xf32>
      %swap3A_1256 = arith.constant 0 : index
      %swap3A_1257 = arith.constant 0 : index
      %swap3A_1258 = vector.load %arg4[%swap3A_1256, %swap3A_1257] : memref<512x1xf32, #tpu.memory_space<vmem>>, vector<512x1xf32>
      tpu.vector_store %arg4[%swap3A_1256, %swap3A_1257], %add3A_1255 {strides = array<i32>} : memref<512x1xf32, #tpu.memory_space<vmem>>, vector<512x1xf32>,
    } else {
    }
    %get3A_298 = arith.constant 31 : index
    %get3A_299 = memref.load %arg2[%get3A_298] : memref<100xi32, #tpu.memory_space<smem>>
    %ne3A_300 = arith.constant 0 : i32
    %ne3A_301 = arith.cmpi ne, %get3A_299, %ne3A_300 : i32
    %convert_element_type3A_302 = arith.extui %ne3A_301 : i1 to i32
    %cond3A_303 = arith.constant 0 : i32
    %cond3A_304 = arith.cmpi ne, %convert_element_type3A_302, %cond3A_303 : i32
    scf.if %cond3A_304 {
      %get3A_1198 = arith.constant 0 : index
      %get3A_1199 = arith.constant 512 : index
      %get3A_1200 = vector.load %arg1[%get3A_1198, %get3A_1199] : memref<8x5120xf32, #tpu.memory_space<vmem>>, vector<8x512xf32>
      %slice3A_1201 = vector.extract_strided_slice %get3A_1200 {offsets = [0, 0], sizes = [1, 512], strides = [1, 1]} : vector<8x512xf32> to vector<1x512xf32>
      %slice3A_1202 = vector.extract_strided_slice %get3A_1200 {offsets = [1, 0], sizes = [1, 512], strides = [1, 1]} : vector<8x512xf32> to vector<1x512xf32>
      %slice3A_1203 = vector.extract_strided_slice %get3A_1200 {offsets = [2, 0], sizes = [1, 512], strides = [1, 1]} : vector<8x512xf32> to vector<1x512xf32>
      %slice3A_1204 = vector.extract_strided_slice %get3A_1200 {offsets = [3, 0], sizes = [1, 512], strides = [1, 1]} : vector<8x512xf32> to vector<1x512xf32>
      %slice3A_1205 = vector.extract_strided_slice %get3A_1200 {offsets = [2, 0], sizes = [1, 512], strides = [1, 1]} : vector<8x512xf32> to vector<1x512xf32>
      %slice3A_1206 = vector.extract_strided_slice %get3A_1200 {offsets = [0, 0], sizes = [1, 512], strides = [1, 1]} : vector<8x512xf32> to vector<1x512xf32>
      %sub3A_1207 = arith.subf %slice3A_1205, %slice3A_1206 : vector<1x512xf32>
      %slice3A_1208 = vector.extract_strided_slice %get3A_1200 {offsets = [3, 0], sizes = [1, 512], strides = [1, 1]} : vector<8x512xf32> to vector<1x512xf32>
      %slice3A_1209 = vector.extract_strided_slice %get3A_1200 {offsets = [1, 0], sizes = [1, 512], strides = [1, 1]} : vector<8x512xf32> to vector<1x512xf32>
      %sub3A_1210 = arith.subf %slice3A_1208, %slice3A_1209 : vector<1x512xf32>
      %mul3A_1211 = arith.mulf %sub3A_1207, %sub3A_1210 : vector<1x512xf32>
      %slice3A_1212 = vector.extract_strided_slice %get3A_1200 {offsets = [4, 0], sizes = [1, 512], strides = [1, 1]} : vector<8x512xf32> to vector<1x512xf32>
      %min3A_1213 = vector.broadcast %slice3A_276 : vector<512x1xf32> to vector<512x512xf32>
      %min3A_1214 = vector.broadcast %slice3A_1203 : vector<1x512xf32> to vector<512x512xf32>
      %min3A_1215 = arith.minimumf %min3A_1213, %min3A_1214 : vector<512x512xf32>
      %max3A_1216 = vector.broadcast %slice3A_274 : vector<512x1xf32> to vector<512x512xf32>
      %max3A_1217 = vector.broadcast %slice3A_1201 : vector<1x512xf32> to vector<512x512xf32>
      %max3A_1218 = arith.maximumf %max3A_1216, %max3A_1217 : vector<512x512xf32>
      %sub3A_1219 = arith.subf %min3A_1215, %max3A_1218 : vector<512x512xf32>
      %max3A_1220 = arith.constant 0.000000e+00 : f32
      %max3A_1221 = vector.broadcast %max3A_1220 : f32 to vector<512x512xf32>
      %max3A_1222 = arith.maximumf %sub3A_1219, %max3A_1221 : vector<512x512xf32>
      %min3A_1223 = vector.broadcast %slice3A_277 : vector<512x1xf32> to vector<512x512xf32>
      %min3A_1224 = vector.broadcast %slice3A_1204 : vector<1x512xf32> to vector<512x512xf32>
      %min3A_1225 = arith.minimumf %min3A_1223, %min3A_1224 : vector<512x512xf32>
      %max3A_1226 = vector.broadcast %slice3A_275 : vector<512x1xf32> to vector<512x512xf32>
      %max3A_1227 = vector.broadcast %slice3A_1202 : vector<1x512xf32> to vector<512x512xf32>
      %max3A_1228 = arith.maximumf %max3A_1226, %max3A_1227 : vector<512x512xf32>
      %sub3A_1229 = arith.subf %min3A_1225, %max3A_1228 : vector<512x512xf32>
      %max3A_1230 = arith.constant 0.000000e+00 : f32
      %max3A_1231 = vector.broadcast %max3A_1230 : f32 to vector<512x512xf32>
      %max3A_1232 = arith.maximumf %sub3A_1229, %max3A_1231 : vector<512x512xf32>
      %mul3A_1233 = arith.mulf %max3A_1222, %max3A_1232 : vector<512x512xf32>
      %add3A_1234 = vector.broadcast %mul3A_284 : vector<512x1xf32> to vector<512x512xf32>
      %add3A_1235 = vector.broadcast %mul3A_1211 : vector<1x512xf32> to vector<512x512xf32>
      %add3A_1236 = arith.addf %add3A_1234, %add3A_1235 : vector<512x512xf32>
      %sub3A_1237 = arith.subf %add3A_1236, %mul3A_1233 : vector<512x512xf32>
      %add3A_1238 = arith.constant 9.99999996E-13 : f32
      %add3A_1239 = vector.broadcast %add3A_1238 : f32 to vector<512x512xf32>
      %add3A_1240 = arith.addf %sub3A_1237, %add3A_1239 : vector<512x512xf32>
      %div3A_1241 = arith.divf %mul3A_1233, %add3A_1240 : vector<512x512xf32>
      %gt3A_1242 = arith.constant 8.000000e-01 : f32
      %gt3A_1243 = vector.broadcast %gt3A_1242 : f32 to vector<512x512xf32>
      %gt3A_1244 = arith.cmpf ogt, %div3A_1241, %gt3A_1243 : vector<512x512xf32>
      %eq3A_1245 = vector.broadcast %slice3A_285 : vector<512x1xf32> to vector<512x512xf32>
      %eq3A_1246 = vector.broadcast %slice3A_1212 : vector<1x512xf32> to vector<512x512xf32>
      %eq3A_1247 = arith.cmpf oeq, %eq3A_1245, %eq3A_1246 : vector<512x512xf32>
      %and3A_1248 = arith.andi %gt3A_1244, %eq3A_1247 : vector<512x512xi1>
      %convert_element_type3A_1249 = arith.extui %and3A_1248 : vector<512x512xi1> to vector<512x512xi32>
      %convert_element_type3A_1250 = arith.sitofp %convert_element_type3A_1249 : vector<512x512xi32> to vector<512x512xf32>
      %get3A_1251 = arith.constant 0 : index
      %get3A_1252 = arith.constant 0 : index
      %get3A_1253 = vector.load %arg4[%get3A_1251, %get3A_1252] : memref<512x1xf32, #tpu.memory_space<vmem>>, vector<512x1xf32>
      %dot_general3A = arith.constant dense<0.000000e+00> : vector<512x1xf32>
      %dot_general3A_1254 = tpu.matmul %convert_element_type3A_1250, %while3A_166#0, %dot_general3A {dimension_numbers = #tpu.dot_dimension_numbers<[1], [0], [0], [1], [0, 0, 1, 1], [], []>, transpose_lhs_hint = false} : vector<512x512xf32>, vector<512x1xf32>, vector<512x1xf32> -> vector<512x1xf32>
      %add3A_1255 = arith.addf %get3A_1253, %dot_general3A_1254 : vector<512x1xf32>
      %swap3A_1256 = arith.constant 0 : index
      %swap3A_1257 = arith.constant 0 : index
      %swap3A_1258 = vector.load %arg4[%swap3A_1256, %swap3A_1257] : memref<512x1xf32, #tpu.memory_space<vmem>>, vector<512x1xf32>
      tpu.vector_store %arg4[%swap3A_1256, %swap3A_1257], %add3A_1255 {strides = array<i32>} : memref<512x1xf32, #tpu.memory_space<vmem>>, vector<512x1xf32>,
    } else {
    }
    %get3A_305 = arith.constant 32 : index
    %get3A_306 = memref.load %arg2[%get3A_305] : memref<100xi32, #tpu.memory_space<smem>>
    %ne3A_307 = arith.constant 0 : i32
    %ne3A_308 = arith.cmpi ne, %get3A_306, %ne3A_307 : i32
    %convert_element_type3A_309 = arith.extui %ne3A_308 : i1 to i32
    %cond3A_310 = arith.constant 0 : i32
    %cond3A_311 = arith.cmpi ne, %convert_element_type3A_309, %cond3A_310 : i32
    scf.if %cond3A_311 {
      %get3A_1198 = arith.constant 0 : index
      %get3A_1199 = arith.constant 1024 : index
      %get3A_1200 = vector.load %arg1[%get3A_1198, %get3A_1199] : memref<8x5120xf32, #tpu.memory_space<vmem>>, vector<8x512xf32>
      %slice3A_1201 = vector.extract_strided_slice %get3A_1200 {offsets = [0, 0], sizes = [1, 512], strides = [1, 1]} : vector<8x512xf32> to vector<1x512xf32>
      %slice3A_1202 = vector.extract_strided_slice %get3A_1200 {offsets = [1, 0], sizes = [1, 512], strides = [1, 1]} : vector<8x512xf32> to vector<1x512xf32>
      %slice3A_1203 = vector.extract_strided_slice %get3A_1200 {offsets = [2, 0], sizes = [1, 512], strides = [1, 1]} : vector<8x512xf32> to vector<1x512xf32>
      %slice3A_1204 = vector.extract_strided_slice %get3A_1200 {offsets = [3, 0], sizes = [1, 512], strides = [1, 1]} : vector<8x512xf32> to vector<1x512xf32>
      %slice3A_1205 = vector.extract_strided_slice %get3A_1200 {offsets = [2, 0], sizes = [1, 512], strides = [1, 1]} : vector<8x512xf32> to vector<1x512xf32>
      %slice3A_1206 = vector.extract_strided_slice %get3A_1200 {offsets = [0, 0], sizes = [1, 512], strides = [1, 1]} : vector<8x512xf32> to vector<1x512xf32>
      %sub3A_1207 = arith.subf %slice3A_1205, %slice3A_1206 : vector<1x512xf32>
      %slice3A_1208 = vector.extract_strided_slice %get3A_1200 {offsets = [3, 0], sizes = [1, 512], strides = [1, 1]} : vector<8x512xf32> to vector<1x512xf32>
      %slice3A_1209 = vector.extract_strided_slice %get3A_1200 {offsets = [1, 0], sizes = [1, 512], strides = [1, 1]} : vector<8x512xf32> to vector<1x512xf32>
      %sub3A_1210 = arith.subf %slice3A_1208, %slice3A_1209 : vector<1x512xf32>
      %mul3A_1211 = arith.mulf %sub3A_1207, %sub3A_1210 : vector<1x512xf32>
      %slice3A_1212 = vector.extract_strided_slice %get3A_1200 {offsets = [4, 0], sizes = [1, 512], strides = [1, 1]} : vector<8x512xf32> to vector<1x512xf32>
      %min3A_1213 = vector.broadcast %slice3A_276 : vector<512x1xf32> to vector<512x512xf32>
      %min3A_1214 = vector.broadcast %slice3A_1203 : vector<1x512xf32> to vector<512x512xf32>
      %min3A_1215 = arith.minimumf %min3A_1213, %min3A_1214 : vector<512x512xf32>
      %max3A_1216 = vector.broadcast %slice3A_274 : vector<512x1xf32> to vector<512x512xf32>
      %max3A_1217 = vector.broadcast %slice3A_1201 : vector<1x512xf32> to vector<512x512xf32>
      %max3A_1218 = arith.maximumf %max3A_1216, %max3A_1217 : vector<512x512xf32>
      %sub3A_1219 = arith.subf %min3A_1215, %max3A_1218 : vector<512x512xf32>
      %max3A_1220 = arith.constant 0.000000e+00 : f32
      %max3A_1221 = vector.broadcast %max3A_1220 : f32 to vector<512x512xf32>
      %max3A_1222 = arith.maximumf %sub3A_1219, %max3A_1221 : vector<512x512xf32>
      %min3A_1223 = vector.broadcast %slice3A_277 : vector<512x1xf32> to vector<512x512xf32>
      %min3A_1224 = vector.broadcast %slice3A_1204 : vector<1x512xf32> to vector<512x512xf32>
      %min3A_1225 = arith.minimumf %min3A_1223, %min3A_1224 : vector<512x512xf32>
      %max3A_1226 = vector.broadcast %slice3A_275 : vector<512x1xf32> to vector<512x512xf32>
      %max3A_1227 = vector.broadcast %slice3A_1202 : vector<1x512xf32> to vector<512x512xf32>
      %max3A_1228 = arith.maximumf %max3A_1226, %max3A_1227 : vector<512x512xf32>
      %sub3A_1229 = arith.subf %min3A_1225, %max3A_1228 : vector<512x512xf32>
      %max3A_1230 = arith.constant 0.000000e+00 : f32
      %max3A_1231 = vector.broadcast %max3A_1230 : f32 to vector<512x512xf32>
      %max3A_1232 = arith.maximumf %sub3A_1229, %max3A_1231 : vector<512x512xf32>
      %mul3A_1233 = arith.mulf %max3A_1222, %max3A_1232 : vector<512x512xf32>
      %add3A_1234 = vector.broadcast %mul3A_284 : vector<512x1xf32> to vector<512x512xf32>
      %add3A_1235 = vector.broadcast %mul3A_1211 : vector<1x512xf32> to vector<512x512xf32>
      %add3A_1236 = arith.addf %add3A_1234, %add3A_1235 : vector<512x512xf32>
      %sub3A_1237 = arith.subf %add3A_1236, %mul3A_1233 : vector<512x512xf32>
      %add3A_1238 = arith.constant 9.99999996E-13 : f32
      %add3A_1239 = vector.broadcast %add3A_1238 : f32 to vector<512x512xf32>
      %add3A_1240 = arith.addf %sub3A_1237, %add3A_1239 : vector<512x512xf32>
      %div3A_1241 = arith.divf %mul3A_1233, %add3A_1240 : vector<512x512xf32>
      %gt3A_1242 = arith.constant 8.000000e-01 : f32
      %gt3A_1243 = vector.broadcast %gt3A_1242 : f32 to vector<512x512xf32>
      %gt3A_1244 = arith.cmpf ogt, %div3A_1241, %gt3A_1243 : vector<512x512xf32>
      %eq3A_1245 = vector.broadcast %slice3A_285 : vector<512x1xf32> to vector<512x512xf32>
      %eq3A_1246 = vector.broadcast %slice3A_1212 : vector<1x512xf32> to vector<512x512xf32>
      %eq3A_1247 = arith.cmpf oeq, %eq3A_1245, %eq3A_1246 : vector<512x512xf32>
      %and3A_1248 = arith.andi %gt3A_1244, %eq3A_1247 : vector<512x512xi1>
      %convert_element_type3A_1249 = arith.extui %and3A_1248 : vector<512x512xi1> to vector<512x512xi32>
      %convert_element_type3A_1250 = arith.sitofp %convert_element_type3A_1249 : vector<512x512xi32> to vector<512x512xf32>
      %get3A_1251 = arith.constant 0 : index
      %get3A_1252 = arith.constant 0 : index
      %get3A_1253 = vector.load %arg4[%get3A_1251, %get3A_1252] : memref<512x1xf32, #tpu.memory_space<vmem>>, vector<512x1xf32>
      %dot_general3A = arith.constant dense<0.000000e+00> : vector<512x1xf32>
      %dot_general3A_1254 = tpu.matmul %convert_element_type3A_1250, %while3A_270#0, %dot_general3A {dimension_numbers = #tpu.dot_dimension_numbers<[1], [0], [0], [1], [0, 0, 1, 1], [], []>, transpose_lhs_hint = false} : vector<512x512xf32>, vector<512x1xf32>, vector<512x1xf32> -> vector<512x1xf32>
      %add3A_1255 = arith.addf %get3A_1253, %dot_general3A_1254 : vector<512x1xf32>
      %swap3A_1256 = arith.constant 0 : index
      %swap3A_1257 = arith.constant 0 : index
      %swap3A_1258 = vector.load %arg4[%swap3A_1256, %swap3A_1257] : memref<512x1xf32, #tpu.memory_space<vmem>>, vector<512x1xf32>
      tpu.vector_store %arg4[%swap3A_1256, %swap3A_1257], %add3A_1255 {strides = array<i32>} : memref<512x1xf32, #tpu.memory_space<vmem>>, vector<512x1xf32>,
    } else {
    }
    %get3A_312 = arith.constant 0 : index
    %get3A_313 = arith.constant 0 : index
    %get3A_314 = vector.load %arg4[%get3A_312, %get3A_313] : memref<512x1xf32, #tpu.memory_space<vmem>>, vector<512x1xf32>
    %get3A_315 = arith.constant 0 : index
    %get3A_316 = arith.constant 1536 : index
    %get3A_317 = vector.load %arg1[%get3A_315, %get3A_316] : memref<8x5120xf32, #tpu.memory_space<vmem>>, vector<8x512xf32>
    %slice3A_318 = vector.extract_strided_slice %get3A_317 {offsets = [0, 0], sizes = [1, 512], strides = [1, 1]} : vector<8x512xf32> to vector<1x512xf32>
    %slice3A_319 = vector.extract_strided_slice %get3A_317 {offsets = [1, 0], sizes = [1, 512], strides = [1, 1]} : vector<8x512xf32> to vector<1x512xf32>
    %slice3A_320 = vector.extract_strided_slice %get3A_317 {offsets = [2, 0], sizes = [1, 512], strides = [1, 1]} : vector<8x512xf32> to vector<1x512xf32>
    %slice3A_321 = vector.extract_strided_slice %get3A_317 {offsets = [3, 0], sizes = [1, 512], strides = [1, 1]} : vector<8x512xf32> to vector<1x512xf32>
    %slice3A_322 = vector.extract_strided_slice %get3A_317 {offsets = [2, 0], sizes = [1, 512], strides = [1, 1]} : vector<8x512xf32> to vector<1x512xf32>
    %slice3A_323 = vector.extract_strided_slice %get3A_317 {offsets = [0, 0], sizes = [1, 512], strides = [1, 1]} : vector<8x512xf32> to vector<1x512xf32>
    %sub3A_324 = arith.subf %slice3A_322, %slice3A_323 : vector<1x512xf32>
    %slice3A_325 = vector.extract_strided_slice %get3A_317 {offsets = [3, 0], sizes = [1, 512], strides = [1, 1]} : vector<8x512xf32> to vector<1x512xf32>
    %slice3A_326 = vector.extract_strided_slice %get3A_317 {offsets = [1, 0], sizes = [1, 512], strides = [1, 1]} : vector<8x512xf32> to vector<1x512xf32>
    %sub3A_327 = arith.subf %slice3A_325, %slice3A_326 : vector<1x512xf32>
    %mul3A_328 = arith.mulf %sub3A_324, %sub3A_327 : vector<1x512xf32>
    %slice3A_329 = vector.extract_strided_slice %get3A_317 {offsets = [4, 0], sizes = [1, 512], strides = [1, 1]} : vector<8x512xf32> to vector<1x512xf32>
    %iota3A_330 = tpu.iota {dimensions = array<i32: 0>} : vector<512x512xi32>
    %iota3A_331 = tpu.iota {dimensions = array<i32: 1>} : vector<512x512xi32>
    %gt3A_332 = arith.cmpi sgt, %iota3A_330, %iota3A_331 : vector<512x512xi32>
    %min3A_333 = vector.broadcast %slice3A_276 : vector<512x1xf32> to vector<512x512xf32>
    %min3A_334 = vector.broadcast %slice3A_320 : vector<1x512xf32> to vector<512x512xf32>
    %min3A_335 = arith.minimumf %min3A_333, %min3A_334 : vector<512x512xf32>
    %max3A_336 = vector.broadcast %slice3A_274 : vector<512x1xf32> to vector<512x512xf32>
    %max3A_337 = vector.broadcast %slice3A_318 : vector<1x512xf32> to vector<512x512xf32>
    %max3A_338 = arith.maximumf %max3A_336, %max3A_337 : vector<512x512xf32>
    %sub3A_339 = arith.subf %min3A_335, %max3A_338 : vector<512x512xf32>
    %max3A_340 = arith.constant 0.000000e+00 : f32
    %max3A_341 = vector.broadcast %max3A_340 : f32 to vector<512x512xf32>
    %max3A_342 = arith.maximumf %sub3A_339, %max3A_341 : vector<512x512xf32>
    %min3A_343 = vector.broadcast %slice3A_277 : vector<512x1xf32> to vector<512x512xf32>
    %min3A_344 = vector.broadcast %slice3A_321 : vector<1x512xf32> to vector<512x512xf32>
    %min3A_345 = arith.minimumf %min3A_343, %min3A_344 : vector<512x512xf32>
    %max3A_346 = vector.broadcast %slice3A_275 : vector<512x1xf32> to vector<512x512xf32>
    %max3A_347 = vector.broadcast %slice3A_319 : vector<1x512xf32> to vector<512x512xf32>
    %max3A_348 = arith.maximumf %max3A_346, %max3A_347 : vector<512x512xf32>
    %sub3A_349 = arith.subf %min3A_345, %max3A_348 : vector<512x512xf32>
    %max3A_350 = arith.constant 0.000000e+00 : f32
    %max3A_351 = vector.broadcast %max3A_350 : f32 to vector<512x512xf32>
    %max3A_352 = arith.maximumf %sub3A_349, %max3A_351 : vector<512x512xf32>
    %mul3A_353 = arith.mulf %max3A_342, %max3A_352 : vector<512x512xf32>
    %add3A_354 = vector.broadcast %mul3A_284 : vector<512x1xf32> to vector<512x512xf32>
    %add3A_355 = vector.broadcast %mul3A_328 : vector<1x512xf32> to vector<512x512xf32>
    %add3A_356 = arith.addf %add3A_354, %add3A_355 : vector<512x512xf32>
    %sub3A_357 = arith.subf %add3A_356, %mul3A_353 : vector<512x512xf32>
    %add3A_358 = arith.constant 9.99999996E-13 : f32
    %add3A_359 = vector.broadcast %add3A_358 : f32 to vector<512x512xf32>
    %add3A_360 = arith.addf %sub3A_357, %add3A_359 : vector<512x512xf32>
    %div3A_361 = arith.divf %mul3A_353, %add3A_360 : vector<512x512xf32>
    %gt3A_362 = arith.constant 8.000000e-01 : f32
    %gt3A_363 = vector.broadcast %gt3A_362 : f32 to vector<512x512xf32>
    %gt3A_364 = arith.cmpf ogt, %div3A_361, %gt3A_363 : vector<512x512xf32>
    %eq3A_365 = vector.broadcast %slice3A_285 : vector<512x1xf32> to vector<512x512xf32>
    %eq3A_366 = vector.broadcast %slice3A_329 : vector<1x512xf32> to vector<512x512xf32>
    %eq3A_367 = arith.cmpf oeq, %eq3A_365, %eq3A_366 : vector<512x512xf32>
    %and3A_368 = arith.andi %gt3A_364, %eq3A_367 : vector<512x512xi1>
    %and3A_369 = arith.andi %and3A_368, %gt3A_332 : vector<512x512xi1>
    %convert_element_type3A_370 = arith.extui %and3A_369 : vector<512x512xi1> to vector<512x512xi32>
    %convert_element_type3A_371 = arith.sitofp %convert_element_type3A_370 : vector<512x512xi32> to vector<512x512xf32>
    %gt3A_372 = arith.constant 0.000000e+00 : f32
    %gt3A_373 = vector.broadcast %gt3A_372 : f32 to vector<512x1xf32>
    %gt3A_374 = arith.cmpf ogt, %get3A_314, %gt3A_373 : vector<512x1xf32>
    %jit3A_375 = arith.constant 0.000000e+00 : f32
    %jit3A_376 = arith.constant 1.000000e+00 : f32
    %broadcast_in_dim3A_377 = vector.broadcast %jit3A_375 : f32 to vector<512x1xf32>
    %broadcast_in_dim3A_378 = vector.broadcast %jit3A_376 : f32 to vector<512x1xf32>
    %select_n3A_379 = arith.select %gt3A_374, %broadcast_in_dim3A_377, %broadcast_in_dim3A_378 : vector<512x1xi1>, vector<512x1xf32>
    %while3A_380 = arith.constant true
    %while3A_381:2 = scf.while (%while3A_1198 = %select_n3A_379, %while3A_1199 = %while3A_380) : (vector<512x1xf32>, i1) -> (vector<512x1xf32>, i1) {
      scf.condition(%while3A_1199) %while3A_1198, %while3A_1199 : vector<512x1xf32>, i1
    } do {
    ^bb0(%while3A_1198: vector<512x1xf32>, %while3A_1199: i1):
      %dot_general3A = arith.constant dense<0.000000e+00> : vector<512x1xf32>
      %dot_general3A_1200 = tpu.matmul %convert_element_type3A_371, %while3A_1198, %dot_general3A {dimension_numbers = #tpu.dot_dimension_numbers<[1], [0], [0], [1], [0, 0, 1, 1], [], []>, transpose_lhs_hint = false} : vector<512x512xf32>, vector<512x1xf32>, vector<512x1xf32> -> vector<512x1xf32>
      %gt3A_1201 = arith.constant 0.000000e+00 : f32
      %gt3A_1202 = vector.broadcast %gt3A_1201 : f32 to vector<512x1xf32>
      %gt3A_1203 = arith.cmpf ogt, %dot_general3A_1200, %gt3A_1202 : vector<512x1xf32>
      %jit3A_1204 = arith.constant 0.000000e+00 : f32
      %broadcast_in_dim3A_1205 = vector.broadcast %jit3A_1204 : f32 to vector<512x1xf32>
      %select_n3A_1206 = arith.select %gt3A_1203, %broadcast_in_dim3A_1205, %select_n3A_379 : vector<512x1xi1>, vector<512x1xf32>
      %ne3A_1207 = arith.cmpf one, %select_n3A_1206, %while3A_1198 : vector<512x1xf32>
      %reduce_or3A = arith.constant 1.000000e+00 : f32
      %reduce_or3A_1208 = arith.constant 0.000000e+00 : f32
      %reduce_or3A_1209 = vector.broadcast %reduce_or3A : f32 to vector<512x1xf32>
      %reduce_or3A_1210 = vector.broadcast %reduce_or3A_1208 : f32 to vector<512x1xf32>
      %reduce_or3A_1211 = arith.select %ne3A_1207, %reduce_or3A_1209, %reduce_or3A_1210 : vector<512x1xi1>, vector<512x1xf32>
      %reduce_or3A_1212 = vector.shape_cast %reduce_or3A_1211 : vector<512x1xf32> to vector<1x512x1xf32>
      %reduce_or3A_1213 = arith.constant dense<0xFF800000> : vector<1xf32>
      %reduce_or3A_1214 = vector.multi_reduction <maximumf>, %reduce_or3A_1212, %reduce_or3A_1213 [1, 2] : vector<1x512x1xf32> to vector<1xf32>
      %reduce_or3A_1215 = vector.shape_cast %reduce_or3A_1214 : vector<1xf32> to vector<1x1x1xf32>
      %reduce_or3A_1216 = vector.extract %reduce_or3A_1215[0, 0, 0] : f32 from vector<1x1x1xf32>
      %reduce_or3A_1217 = arith.constant 0.000000e+00 : f32
      %reduce_or3A_1218 = arith.cmpf ogt, %reduce_or3A_1216, %reduce_or3A_1217 : f32
      scf.yield %select_n3A_1206, %reduce_or3A_1218 : vector<512x1xf32>, i1
    }
    %get3A_382 = arith.constant 2048 : index
    %get3A_383 = arith.constant 0 : index
    %get3A_384 = vector.load %arg0[%get3A_382, %get3A_383] : memref<5120x8xf32, #tpu.memory_space<vmem>>, vector<512x8xf32>
    %slice3A_385 = vector.extract_strided_slice %get3A_384 {offsets = [0, 0], sizes = [512, 1], strides = [1, 1]} : vector<512x8xf32> to vector<512x1xf32>
    %slice3A_386 = vector.extract_strided_slice %get3A_384 {offsets = [0, 1], sizes = [512, 1], strides = [1, 1]} : vector<512x8xf32> to vector<512x1xf32>
    %slice3A_387 = vector.extract_strided_slice %get3A_384 {offsets = [0, 2], sizes = [512, 1], strides = [1, 1]} : vector<512x8xf32> to vector<512x1xf32>
    %slice3A_388 = vector.extract_strided_slice %get3A_384 {offsets = [0, 3], sizes = [512, 1], strides = [1, 1]} : vector<512x8xf32> to vector<512x1xf32>
    %slice3A_389 = vector.extract_strided_slice %get3A_384 {offsets = [0, 2], sizes = [512, 1], strides = [1, 1]} : vector<512x8xf32> to vector<512x1xf32>
    %slice3A_390 = vector.extract_strided_slice %get3A_384 {offsets = [0, 0], sizes = [512, 1], strides = [1, 1]} : vector<512x8xf32> to vector<512x1xf32>
    %sub3A_391 = arith.subf %slice3A_389, %slice3A_390 : vector<512x1xf32>
    %slice3A_392 = vector.extract_strided_slice %get3A_384 {offsets = [0, 3], sizes = [512, 1], strides = [1, 1]} : vector<512x8xf32> to vector<512x1xf32>
    %slice3A_393 = vector.extract_strided_slice %get3A_384 {offsets = [0, 1], sizes = [512, 1], strides = [1, 1]} : vector<512x8xf32> to vector<512x1xf32>
    %sub3A_394 = arith.subf %slice3A_392, %slice3A_393 : vector<512x1xf32>
    %mul3A_395 = arith.mulf %sub3A_391, %sub3A_394 : vector<512x1xf32>
    %slice3A_396 = vector.extract_strided_slice %get3A_384 {offsets = [0, 4], sizes = [512, 1], strides = [1, 1]} : vector<512x8xf32> to vector<512x1xf32>
    %broadcast_in_dim3A_397 = arith.constant 0.000000e+00 : f32
    %broadcast_in_dim3A_398 = vector.broadcast %broadcast_in_dim3A_397 : f32 to vector<512x1xf32>
    %swap3A_399 = arith.constant 0 : index
    %swap3A_400 = arith.constant 0 : index
    %swap3A_401 = vector.load %arg4[%swap3A_399, %swap3A_400] : memref<512x1xf32, #tpu.memory_space<vmem>>, vector<512x1xf32>
    tpu.vector_store %arg4[%swap3A_399, %swap3A_400], %broadcast_in_dim3A_398 {strides = array<i32>} : memref<512x1xf32, #tpu.memory_space<vmem>>, vector<512x1xf32>,
    %get3A_402 = arith.constant 40 : index
    %get3A_403 = memref.load %arg2[%get3A_402] : memref<100xi32, #tpu.memory_space<smem>>
    %ne3A_404 = arith.constant 0 : i32
    %ne3A_405 = arith.cmpi ne, %get3A_403, %ne3A_404 : i32
    %convert_element_type3A_406 = arith.extui %ne3A_405 : i1 to i32
    %cond3A_407 = arith.constant 0 : i32
    %cond3A_408 = arith.cmpi ne, %convert_element_type3A_406, %cond3A_407 : i32
    scf.if %cond3A_408 {
      %get3A_1198 = arith.constant 0 : index
      %get3A_1199 = arith.constant 0 : index
      %get3A_1200 = vector.load %arg1[%get3A_1198, %get3A_1199] : memref<8x5120xf32, #tpu.memory_space<vmem>>, vector<8x512xf32>
      %slice3A_1201 = vector.extract_strided_slice %get3A_1200 {offsets = [0, 0], sizes = [1, 512], strides = [1, 1]} : vector<8x512xf32> to vector<1x512xf32>
      %slice3A_1202 = vector.extract_strided_slice %get3A_1200 {offsets = [1, 0], sizes = [1, 512], strides = [1, 1]} : vector<8x512xf32> to vector<1x512xf32>
      %slice3A_1203 = vector.extract_strided_slice %get3A_1200 {offsets = [2, 0], sizes = [1, 512], strides = [1, 1]} : vector<8x512xf32> to vector<1x512xf32>
      %slice3A_1204 = vector.extract_strided_slice %get3A_1200 {offsets = [3, 0], sizes = [1, 512], strides = [1, 1]} : vector<8x512xf32> to vector<1x512xf32>
      %slice3A_1205 = vector.extract_strided_slice %get3A_1200 {offsets = [2, 0], sizes = [1, 512], strides = [1, 1]} : vector<8x512xf32> to vector<1x512xf32>
      %slice3A_1206 = vector.extract_strided_slice %get3A_1200 {offsets = [0, 0], sizes = [1, 512], strides = [1, 1]} : vector<8x512xf32> to vector<1x512xf32>
      %sub3A_1207 = arith.subf %slice3A_1205, %slice3A_1206 : vector<1x512xf32>
      %slice3A_1208 = vector.extract_strided_slice %get3A_1200 {offsets = [3, 0], sizes = [1, 512], strides = [1, 1]} : vector<8x512xf32> to vector<1x512xf32>
      %slice3A_1209 = vector.extract_strided_slice %get3A_1200 {offsets = [1, 0], sizes = [1, 512], strides = [1, 1]} : vector<8x512xf32> to vector<1x512xf32>
      %sub3A_1210 = arith.subf %slice3A_1208, %slice3A_1209 : vector<1x512xf32>
      %mul3A_1211 = arith.mulf %sub3A_1207, %sub3A_1210 : vector<1x512xf32>
      %slice3A_1212 = vector.extract_strided_slice %get3A_1200 {offsets = [4, 0], sizes = [1, 512], strides = [1, 1]} : vector<8x512xf32> to vector<1x512xf32>
      %min3A_1213 = vector.broadcast %slice3A_387 : vector<512x1xf32> to vector<512x512xf32>
      %min3A_1214 = vector.broadcast %slice3A_1203 : vector<1x512xf32> to vector<512x512xf32>
      %min3A_1215 = arith.minimumf %min3A_1213, %min3A_1214 : vector<512x512xf32>
      %max3A_1216 = vector.broadcast %slice3A_385 : vector<512x1xf32> to vector<512x512xf32>
      %max3A_1217 = vector.broadcast %slice3A_1201 : vector<1x512xf32> to vector<512x512xf32>
      %max3A_1218 = arith.maximumf %max3A_1216, %max3A_1217 : vector<512x512xf32>
      %sub3A_1219 = arith.subf %min3A_1215, %max3A_1218 : vector<512x512xf32>
      %max3A_1220 = arith.constant 0.000000e+00 : f32
      %max3A_1221 = vector.broadcast %max3A_1220 : f32 to vector<512x512xf32>
      %max3A_1222 = arith.maximumf %sub3A_1219, %max3A_1221 : vector<512x512xf32>
      %min3A_1223 = vector.broadcast %slice3A_388 : vector<512x1xf32> to vector<512x512xf32>
      %min3A_1224 = vector.broadcast %slice3A_1204 : vector<1x512xf32> to vector<512x512xf32>
      %min3A_1225 = arith.minimumf %min3A_1223, %min3A_1224 : vector<512x512xf32>
      %max3A_1226 = vector.broadcast %slice3A_386 : vector<512x1xf32> to vector<512x512xf32>
      %max3A_1227 = vector.broadcast %slice3A_1202 : vector<1x512xf32> to vector<512x512xf32>
      %max3A_1228 = arith.maximumf %max3A_1226, %max3A_1227 : vector<512x512xf32>
      %sub3A_1229 = arith.subf %min3A_1225, %max3A_1228 : vector<512x512xf32>
      %max3A_1230 = arith.constant 0.000000e+00 : f32
      %max3A_1231 = vector.broadcast %max3A_1230 : f32 to vector<512x512xf32>
      %max3A_1232 = arith.maximumf %sub3A_1229, %max3A_1231 : vector<512x512xf32>
      %mul3A_1233 = arith.mulf %max3A_1222, %max3A_1232 : vector<512x512xf32>
      %add3A_1234 = vector.broadcast %mul3A_395 : vector<512x1xf32> to vector<512x512xf32>
      %add3A_1235 = vector.broadcast %mul3A_1211 : vector<1x512xf32> to vector<512x512xf32>
      %add3A_1236 = arith.addf %add3A_1234, %add3A_1235 : vector<512x512xf32>
      %sub3A_1237 = arith.subf %add3A_1236, %mul3A_1233 : vector<512x512xf32>
      %add3A_1238 = arith.constant 9.99999996E-13 : f32
      %add3A_1239 = vector.broadcast %add3A_1238 : f32 to vector<512x512xf32>
      %add3A_1240 = arith.addf %sub3A_1237, %add3A_1239 : vector<512x512xf32>
      %div3A_1241 = arith.divf %mul3A_1233, %add3A_1240 : vector<512x512xf32>
      %gt3A_1242 = arith.constant 8.000000e-01 : f32
      %gt3A_1243 = vector.broadcast %gt3A_1242 : f32 to vector<512x512xf32>
      %gt3A_1244 = arith.cmpf ogt, %div3A_1241, %gt3A_1243 : vector<512x512xf32>
      %eq3A_1245 = vector.broadcast %slice3A_396 : vector<512x1xf32> to vector<512x512xf32>
      %eq3A_1246 = vector.broadcast %slice3A_1212 : vector<1x512xf32> to vector<512x512xf32>
      %eq3A_1247 = arith.cmpf oeq, %eq3A_1245, %eq3A_1246 : vector<512x512xf32>
      %and3A_1248 = arith.andi %gt3A_1244, %eq3A_1247 : vector<512x512xi1>
      %convert_element_type3A_1249 = arith.extui %and3A_1248 : vector<512x512xi1> to vector<512x512xi32>
      %convert_element_type3A_1250 = arith.sitofp %convert_element_type3A_1249 : vector<512x512xi32> to vector<512x512xf32>
      %get3A_1251 = arith.constant 0 : index
      %get3A_1252 = arith.constant 0 : index
      %get3A_1253 = vector.load %arg4[%get3A_1251, %get3A_1252] : memref<512x1xf32, #tpu.memory_space<vmem>>, vector<512x1xf32>
      %dot_general3A = arith.constant dense<0.000000e+00> : vector<512x1xf32>
      %dot_general3A_1254 = tpu.matmul %convert_element_type3A_1250, %while3A_71#0, %dot_general3A {dimension_numbers = #tpu.dot_dimension_numbers<[1], [0], [0], [1], [0, 0, 1, 1], [], []>, transpose_lhs_hint = false} : vector<512x512xf32>, vector<512x1xf32>, vector<512x1xf32> -> vector<512x1xf32>
      %add3A_1255 = arith.addf %get3A_1253, %dot_general3A_1254 : vector<512x1xf32>
      %swap3A_1256 = arith.constant 0 : index
      %swap3A_1257 = arith.constant 0 : index
      %swap3A_1258 = vector.load %arg4[%swap3A_1256, %swap3A_1257] : memref<512x1xf32, #tpu.memory_space<vmem>>, vector<512x1xf32>
      tpu.vector_store %arg4[%swap3A_1256, %swap3A_1257], %add3A_1255 {strides = array<i32>} : memref<512x1xf32, #tpu.memory_space<vmem>>, vector<512x1xf32>,
    } else {
    }
    %get3A_409 = arith.constant 41 : index
    %get3A_410 = memref.load %arg2[%get3A_409] : memref<100xi32, #tpu.memory_space<smem>>
    %ne3A_411 = arith.constant 0 : i32
    %ne3A_412 = arith.cmpi ne, %get3A_410, %ne3A_411 : i32
    %convert_element_type3A_413 = arith.extui %ne3A_412 : i1 to i32
    %cond3A_414 = arith.constant 0 : i32
    %cond3A_415 = arith.cmpi ne, %convert_element_type3A_413, %cond3A_414 : i32
    scf.if %cond3A_415 {
      %get3A_1198 = arith.constant 0 : index
      %get3A_1199 = arith.constant 512 : index
      %get3A_1200 = vector.load %arg1[%get3A_1198, %get3A_1199] : memref<8x5120xf32, #tpu.memory_space<vmem>>, vector<8x512xf32>
      %slice3A_1201 = vector.extract_strided_slice %get3A_1200 {offsets = [0, 0], sizes = [1, 512], strides = [1, 1]} : vector<8x512xf32> to vector<1x512xf32>
      %slice3A_1202 = vector.extract_strided_slice %get3A_1200 {offsets = [1, 0], sizes = [1, 512], strides = [1, 1]} : vector<8x512xf32> to vector<1x512xf32>
      %slice3A_1203 = vector.extract_strided_slice %get3A_1200 {offsets = [2, 0], sizes = [1, 512], strides = [1, 1]} : vector<8x512xf32> to vector<1x512xf32>
      %slice3A_1204 = vector.extract_strided_slice %get3A_1200 {offsets = [3, 0], sizes = [1, 512], strides = [1, 1]} : vector<8x512xf32> to vector<1x512xf32>
      %slice3A_1205 = vector.extract_strided_slice %get3A_1200 {offsets = [2, 0], sizes = [1, 512], strides = [1, 1]} : vector<8x512xf32> to vector<1x512xf32>
      %slice3A_1206 = vector.extract_strided_slice %get3A_1200 {offsets = [0, 0], sizes = [1, 512], strides = [1, 1]} : vector<8x512xf32> to vector<1x512xf32>
      %sub3A_1207 = arith.subf %slice3A_1205, %slice3A_1206 : vector<1x512xf32>
      %slice3A_1208 = vector.extract_strided_slice %get3A_1200 {offsets = [3, 0], sizes = [1, 512], strides = [1, 1]} : vector<8x512xf32> to vector<1x512xf32>
      %slice3A_1209 = vector.extract_strided_slice %get3A_1200 {offsets = [1, 0], sizes = [1, 512], strides = [1, 1]} : vector<8x512xf32> to vector<1x512xf32>
      %sub3A_1210 = arith.subf %slice3A_1208, %slice3A_1209 : vector<1x512xf32>
      %mul3A_1211 = arith.mulf %sub3A_1207, %sub3A_1210 : vector<1x512xf32>
      %slice3A_1212 = vector.extract_strided_slice %get3A_1200 {offsets = [4, 0], sizes = [1, 512], strides = [1, 1]} : vector<8x512xf32> to vector<1x512xf32>
      %min3A_1213 = vector.broadcast %slice3A_387 : vector<512x1xf32> to vector<512x512xf32>
      %min3A_1214 = vector.broadcast %slice3A_1203 : vector<1x512xf32> to vector<512x512xf32>
      %min3A_1215 = arith.minimumf %min3A_1213, %min3A_1214 : vector<512x512xf32>
      %max3A_1216 = vector.broadcast %slice3A_385 : vector<512x1xf32> to vector<512x512xf32>
      %max3A_1217 = vector.broadcast %slice3A_1201 : vector<1x512xf32> to vector<512x512xf32>
      %max3A_1218 = arith.maximumf %max3A_1216, %max3A_1217 : vector<512x512xf32>
      %sub3A_1219 = arith.subf %min3A_1215, %max3A_1218 : vector<512x512xf32>
      %max3A_1220 = arith.constant 0.000000e+00 : f32
      %max3A_1221 = vector.broadcast %max3A_1220 : f32 to vector<512x512xf32>
      %max3A_1222 = arith.maximumf %sub3A_1219, %max3A_1221 : vector<512x512xf32>
      %min3A_1223 = vector.broadcast %slice3A_388 : vector<512x1xf32> to vector<512x512xf32>
      %min3A_1224 = vector.broadcast %slice3A_1204 : vector<1x512xf32> to vector<512x512xf32>
      %min3A_1225 = arith.minimumf %min3A_1223, %min3A_1224 : vector<512x512xf32>
      %max3A_1226 = vector.broadcast %slice3A_386 : vector<512x1xf32> to vector<512x512xf32>
      %max3A_1227 = vector.broadcast %slice3A_1202 : vector<1x512xf32> to vector<512x512xf32>
      %max3A_1228 = arith.maximumf %max3A_1226, %max3A_1227 : vector<512x512xf32>
      %sub3A_1229 = arith.subf %min3A_1225, %max3A_1228 : vector<512x512xf32>
      %max3A_1230 = arith.constant 0.000000e+00 : f32
      %max3A_1231 = vector.broadcast %max3A_1230 : f32 to vector<512x512xf32>
      %max3A_1232 = arith.maximumf %sub3A_1229, %max3A_1231 : vector<512x512xf32>
      %mul3A_1233 = arith.mulf %max3A_1222, %max3A_1232 : vector<512x512xf32>
      %add3A_1234 = vector.broadcast %mul3A_395 : vector<512x1xf32> to vector<512x512xf32>
      %add3A_1235 = vector.broadcast %mul3A_1211 : vector<1x512xf32> to vector<512x512xf32>
      %add3A_1236 = arith.addf %add3A_1234, %add3A_1235 : vector<512x512xf32>
      %sub3A_1237 = arith.subf %add3A_1236, %mul3A_1233 : vector<512x512xf32>
      %add3A_1238 = arith.constant 9.99999996E-13 : f32
      %add3A_1239 = vector.broadcast %add3A_1238 : f32 to vector<512x512xf32>
      %add3A_1240 = arith.addf %sub3A_1237, %add3A_1239 : vector<512x512xf32>
      %div3A_1241 = arith.divf %mul3A_1233, %add3A_1240 : vector<512x512xf32>
      %gt3A_1242 = arith.constant 8.000000e-01 : f32
      %gt3A_1243 = vector.broadcast %gt3A_1242 : f32 to vector<512x512xf32>
      %gt3A_1244 = arith.cmpf ogt, %div3A_1241, %gt3A_1243 : vector<512x512xf32>
      %eq3A_1245 = vector.broadcast %slice3A_396 : vector<512x1xf32> to vector<512x512xf32>
      %eq3A_1246 = vector.broadcast %slice3A_1212 : vector<1x512xf32> to vector<512x512xf32>
      %eq3A_1247 = arith.cmpf oeq, %eq3A_1245, %eq3A_1246 : vector<512x512xf32>
      %and3A_1248 = arith.andi %gt3A_1244, %eq3A_1247 : vector<512x512xi1>
      %convert_element_type3A_1249 = arith.extui %and3A_1248 : vector<512x512xi1> to vector<512x512xi32>
      %convert_element_type3A_1250 = arith.sitofp %convert_element_type3A_1249 : vector<512x512xi32> to vector<512x512xf32>
      %get3A_1251 = arith.constant 0 : index
      %get3A_1252 = arith.constant 0 : index
      %get3A_1253 = vector.load %arg4[%get3A_1251, %get3A_1252] : memref<512x1xf32, #tpu.memory_space<vmem>>, vector<512x1xf32>
      %dot_general3A = arith.constant dense<0.000000e+00> : vector<512x1xf32>
      %dot_general3A_1254 = tpu.matmul %convert_element_type3A_1250, %while3A_166#0, %dot_general3A {dimension_numbers = #tpu.dot_dimension_numbers<[1], [0], [0], [1], [0, 0, 1, 1], [], []>, transpose_lhs_hint = false} : vector<512x512xf32>, vector<512x1xf32>, vector<512x1xf32> -> vector<512x1xf32>
      %add3A_1255 = arith.addf %get3A_1253, %dot_general3A_1254 : vector<512x1xf32>
      %swap3A_1256 = arith.constant 0 : index
      %swap3A_1257 = arith.constant 0 : index
      %swap3A_1258 = vector.load %arg4[%swap3A_1256, %swap3A_1257] : memref<512x1xf32, #tpu.memory_space<vmem>>, vector<512x1xf32>
      tpu.vector_store %arg4[%swap3A_1256, %swap3A_1257], %add3A_1255 {strides = array<i32>} : memref<512x1xf32, #tpu.memory_space<vmem>>, vector<512x1xf32>,
    } else {
    }
    %get3A_416 = arith.constant 42 : index
    %get3A_417 = memref.load %arg2[%get3A_416] : memref<100xi32, #tpu.memory_space<smem>>
    %ne3A_418 = arith.constant 0 : i32
    %ne3A_419 = arith.cmpi ne, %get3A_417, %ne3A_418 : i32
    %convert_element_type3A_420 = arith.extui %ne3A_419 : i1 to i32
    %cond3A_421 = arith.constant 0 : i32
    %cond3A_422 = arith.cmpi ne, %convert_element_type3A_420, %cond3A_421 : i32
    scf.if %cond3A_422 {
      %get3A_1198 = arith.constant 0 : index
      %get3A_1199 = arith.constant 1024 : index
      %get3A_1200 = vector.load %arg1[%get3A_1198, %get3A_1199] : memref<8x5120xf32, #tpu.memory_space<vmem>>, vector<8x512xf32>
      %slice3A_1201 = vector.extract_strided_slice %get3A_1200 {offsets = [0, 0], sizes = [1, 512], strides = [1, 1]} : vector<8x512xf32> to vector<1x512xf32>
      %slice3A_1202 = vector.extract_strided_slice %get3A_1200 {offsets = [1, 0], sizes = [1, 512], strides = [1, 1]} : vector<8x512xf32> to vector<1x512xf32>
      %slice3A_1203 = vector.extract_strided_slice %get3A_1200 {offsets = [2, 0], sizes = [1, 512], strides = [1, 1]} : vector<8x512xf32> to vector<1x512xf32>
      %slice3A_1204 = vector.extract_strided_slice %get3A_1200 {offsets = [3, 0], sizes = [1, 512], strides = [1, 1]} : vector<8x512xf32> to vector<1x512xf32>
      %slice3A_1205 = vector.extract_strided_slice %get3A_1200 {offsets = [2, 0], sizes = [1, 512], strides = [1, 1]} : vector<8x512xf32> to vector<1x512xf32>
      %slice3A_1206 = vector.extract_strided_slice %get3A_1200 {offsets = [0, 0], sizes = [1, 512], strides = [1, 1]} : vector<8x512xf32> to vector<1x512xf32>
      %sub3A_1207 = arith.subf %slice3A_1205, %slice3A_1206 : vector<1x512xf32>
      %slice3A_1208 = vector.extract_strided_slice %get3A_1200 {offsets = [3, 0], sizes = [1, 512], strides = [1, 1]} : vector<8x512xf32> to vector<1x512xf32>
      %slice3A_1209 = vector.extract_strided_slice %get3A_1200 {offsets = [1, 0], sizes = [1, 512], strides = [1, 1]} : vector<8x512xf32> to vector<1x512xf32>
      %sub3A_1210 = arith.subf %slice3A_1208, %slice3A_1209 : vector<1x512xf32>
      %mul3A_1211 = arith.mulf %sub3A_1207, %sub3A_1210 : vector<1x512xf32>
      %slice3A_1212 = vector.extract_strided_slice %get3A_1200 {offsets = [4, 0], sizes = [1, 512], strides = [1, 1]} : vector<8x512xf32> to vector<1x512xf32>
      %min3A_1213 = vector.broadcast %slice3A_387 : vector<512x1xf32> to vector<512x512xf32>
      %min3A_1214 = vector.broadcast %slice3A_1203 : vector<1x512xf32> to vector<512x512xf32>
      %min3A_1215 = arith.minimumf %min3A_1213, %min3A_1214 : vector<512x512xf32>
      %max3A_1216 = vector.broadcast %slice3A_385 : vector<512x1xf32> to vector<512x512xf32>
      %max3A_1217 = vector.broadcast %slice3A_1201 : vector<1x512xf32> to vector<512x512xf32>
      %max3A_1218 = arith.maximumf %max3A_1216, %max3A_1217 : vector<512x512xf32>
      %sub3A_1219 = arith.subf %min3A_1215, %max3A_1218 : vector<512x512xf32>
      %max3A_1220 = arith.constant 0.000000e+00 : f32
      %max3A_1221 = vector.broadcast %max3A_1220 : f32 to vector<512x512xf32>
      %max3A_1222 = arith.maximumf %sub3A_1219, %max3A_1221 : vector<512x512xf32>
      %min3A_1223 = vector.broadcast %slice3A_388 : vector<512x1xf32> to vector<512x512xf32>
      %min3A_1224 = vector.broadcast %slice3A_1204 : vector<1x512xf32> to vector<512x512xf32>
      %min3A_1225 = arith.minimumf %min3A_1223, %min3A_1224 : vector<512x512xf32>
      %max3A_1226 = vector.broadcast %slice3A_386 : vector<512x1xf32> to vector<512x512xf32>
      %max3A_1227 = vector.broadcast %slice3A_1202 : vector<1x512xf32> to vector<512x512xf32>
      %max3A_1228 = arith.maximumf %max3A_1226, %max3A_1227 : vector<512x512xf32>
      %sub3A_1229 = arith.subf %min3A_1225, %max3A_1228 : vector<512x512xf32>
      %max3A_1230 = arith.constant 0.000000e+00 : f32
      %max3A_1231 = vector.broadcast %max3A_1230 : f32 to vector<512x512xf32>
      %max3A_1232 = arith.maximumf %sub3A_1229, %max3A_1231 : vector<512x512xf32>
      %mul3A_1233 = arith.mulf %max3A_1222, %max3A_1232 : vector<512x512xf32>
      %add3A_1234 = vector.broadcast %mul3A_395 : vector<512x1xf32> to vector<512x512xf32>
      %add3A_1235 = vector.broadcast %mul3A_1211 : vector<1x512xf32> to vector<512x512xf32>
      %add3A_1236 = arith.addf %add3A_1234, %add3A_1235 : vector<512x512xf32>
      %sub3A_1237 = arith.subf %add3A_1236, %mul3A_1233 : vector<512x512xf32>
      %add3A_1238 = arith.constant 9.99999996E-13 : f32
      %add3A_1239 = vector.broadcast %add3A_1238 : f32 to vector<512x512xf32>
      %add3A_1240 = arith.addf %sub3A_1237, %add3A_1239 : vector<512x512xf32>
      %div3A_1241 = arith.divf %mul3A_1233, %add3A_1240 : vector<512x512xf32>
      %gt3A_1242 = arith.constant 8.000000e-01 : f32
      %gt3A_1243 = vector.broadcast %gt3A_1242 : f32 to vector<512x512xf32>
      %gt3A_1244 = arith.cmpf ogt, %div3A_1241, %gt3A_1243 : vector<512x512xf32>
      %eq3A_1245 = vector.broadcast %slice3A_396 : vector<512x1xf32> to vector<512x512xf32>
      %eq3A_1246 = vector.broadcast %slice3A_1212 : vector<1x512xf32> to vector<512x512xf32>
      %eq3A_1247 = arith.cmpf oeq, %eq3A_1245, %eq3A_1246 : vector<512x512xf32>
      %and3A_1248 = arith.andi %gt3A_1244, %eq3A_1247 : vector<512x512xi1>
      %convert_element_type3A_1249 = arith.extui %and3A_1248 : vector<512x512xi1> to vector<512x512xi32>
      %convert_element_type3A_1250 = arith.sitofp %convert_element_type3A_1249 : vector<512x512xi32> to vector<512x512xf32>
      %get3A_1251 = arith.constant 0 : index
      %get3A_1252 = arith.constant 0 : index
      %get3A_1253 = vector.load %arg4[%get3A_1251, %get3A_1252] : memref<512x1xf32, #tpu.memory_space<vmem>>, vector<512x1xf32>
      %dot_general3A = arith.constant dense<0.000000e+00> : vector<512x1xf32>
      %dot_general3A_1254 = tpu.matmul %convert_element_type3A_1250, %while3A_270#0, %dot_general3A {dimension_numbers = #tpu.dot_dimension_numbers<[1], [0], [0], [1], [0, 0, 1, 1], [], []>, transpose_lhs_hint = false} : vector<512x512xf32>, vector<512x1xf32>, vector<512x1xf32> -> vector<512x1xf32>
      %add3A_1255 = arith.addf %get3A_1253, %dot_general3A_1254 : vector<512x1xf32>
      %swap3A_1256 = arith.constant 0 : index
      %swap3A_1257 = arith.constant 0 : index
      %swap3A_1258 = vector.load %arg4[%swap3A_1256, %swap3A_1257] : memref<512x1xf32, #tpu.memory_space<vmem>>, vector<512x1xf32>
      tpu.vector_store %arg4[%swap3A_1256, %swap3A_1257], %add3A_1255 {strides = array<i32>} : memref<512x1xf32, #tpu.memory_space<vmem>>, vector<512x1xf32>,
    } else {
    }
    %get3A_423 = arith.constant 43 : index
    %get3A_424 = memref.load %arg2[%get3A_423] : memref<100xi32, #tpu.memory_space<smem>>
    %ne3A_425 = arith.constant 0 : i32
    %ne3A_426 = arith.cmpi ne, %get3A_424, %ne3A_425 : i32
    %convert_element_type3A_427 = arith.extui %ne3A_426 : i1 to i32
    %cond3A_428 = arith.constant 0 : i32
    %cond3A_429 = arith.cmpi ne, %convert_element_type3A_427, %cond3A_428 : i32
    scf.if %cond3A_429 {
      %get3A_1198 = arith.constant 0 : index
      %get3A_1199 = arith.constant 1536 : index
      %get3A_1200 = vector.load %arg1[%get3A_1198, %get3A_1199] : memref<8x5120xf32, #tpu.memory_space<vmem>>, vector<8x512xf32>
      %slice3A_1201 = vector.extract_strided_slice %get3A_1200 {offsets = [0, 0], sizes = [1, 512], strides = [1, 1]} : vector<8x512xf32> to vector<1x512xf32>
      %slice3A_1202 = vector.extract_strided_slice %get3A_1200 {offsets = [1, 0], sizes = [1, 512], strides = [1, 1]} : vector<8x512xf32> to vector<1x512xf32>
      %slice3A_1203 = vector.extract_strided_slice %get3A_1200 {offsets = [2, 0], sizes = [1, 512], strides = [1, 1]} : vector<8x512xf32> to vector<1x512xf32>
      %slice3A_1204 = vector.extract_strided_slice %get3A_1200 {offsets = [3, 0], sizes = [1, 512], strides = [1, 1]} : vector<8x512xf32> to vector<1x512xf32>
      %slice3A_1205 = vector.extract_strided_slice %get3A_1200 {offsets = [2, 0], sizes = [1, 512], strides = [1, 1]} : vector<8x512xf32> to vector<1x512xf32>
      %slice3A_1206 = vector.extract_strided_slice %get3A_1200 {offsets = [0, 0], sizes = [1, 512], strides = [1, 1]} : vector<8x512xf32> to vector<1x512xf32>
      %sub3A_1207 = arith.subf %slice3A_1205, %slice3A_1206 : vector<1x512xf32>
      %slice3A_1208 = vector.extract_strided_slice %get3A_1200 {offsets = [3, 0], sizes = [1, 512], strides = [1, 1]} : vector<8x512xf32> to vector<1x512xf32>
      %slice3A_1209 = vector.extract_strided_slice %get3A_1200 {offsets = [1, 0], sizes = [1, 512], strides = [1, 1]} : vector<8x512xf32> to vector<1x512xf32>
      %sub3A_1210 = arith.subf %slice3A_1208, %slice3A_1209 : vector<1x512xf32>
      %mul3A_1211 = arith.mulf %sub3A_1207, %sub3A_1210 : vector<1x512xf32>
      %slice3A_1212 = vector.extract_strided_slice %get3A_1200 {offsets = [4, 0], sizes = [1, 512], strides = [1, 1]} : vector<8x512xf32> to vector<1x512xf32>
      %min3A_1213 = vector.broadcast %slice3A_387 : vector<512x1xf32> to vector<512x512xf32>
      %min3A_1214 = vector.broadcast %slice3A_1203 : vector<1x512xf32> to vector<512x512xf32>
      %min3A_1215 = arith.minimumf %min3A_1213, %min3A_1214 : vector<512x512xf32>
      %max3A_1216 = vector.broadcast %slice3A_385 : vector<512x1xf32> to vector<512x512xf32>
      %max3A_1217 = vector.broadcast %slice3A_1201 : vector<1x512xf32> to vector<512x512xf32>
      %max3A_1218 = arith.maximumf %max3A_1216, %max3A_1217 : vector<512x512xf32>
      %sub3A_1219 = arith.subf %min3A_1215, %max3A_1218 : vector<512x512xf32>
      %max3A_1220 = arith.constant 0.000000e+00 : f32
      %max3A_1221 = vector.broadcast %max3A_1220 : f32 to vector<512x512xf32>
      %max3A_1222 = arith.maximumf %sub3A_1219, %max3A_1221 : vector<512x512xf32>
      %min3A_1223 = vector.broadcast %slice3A_388 : vector<512x1xf32> to vector<512x512xf32>
      %min3A_1224 = vector.broadcast %slice3A_1204 : vector<1x512xf32> to vector<512x512xf32>
      %min3A_1225 = arith.minimumf %min3A_1223, %min3A_1224 : vector<512x512xf32>
      %max3A_1226 = vector.broadcast %slice3A_386 : vector<512x1xf32> to vector<512x512xf32>
      %max3A_1227 = vector.broadcast %slice3A_1202 : vector<1x512xf32> to vector<512x512xf32>
      %max3A_1228 = arith.maximumf %max3A_1226, %max3A_1227 : vector<512x512xf32>
      %sub3A_1229 = arith.subf %min3A_1225, %max3A_1228 : vector<512x512xf32>
      %max3A_1230 = arith.constant 0.000000e+00 : f32
      %max3A_1231 = vector.broadcast %max3A_1230 : f32 to vector<512x512xf32>
      %max3A_1232 = arith.maximumf %sub3A_1229, %max3A_1231 : vector<512x512xf32>
      %mul3A_1233 = arith.mulf %max3A_1222, %max3A_1232 : vector<512x512xf32>
      %add3A_1234 = vector.broadcast %mul3A_395 : vector<512x1xf32> to vector<512x512xf32>
      %add3A_1235 = vector.broadcast %mul3A_1211 : vector<1x512xf32> to vector<512x512xf32>
      %add3A_1236 = arith.addf %add3A_1234, %add3A_1235 : vector<512x512xf32>
      %sub3A_1237 = arith.subf %add3A_1236, %mul3A_1233 : vector<512x512xf32>
      %add3A_1238 = arith.constant 9.99999996E-13 : f32
      %add3A_1239 = vector.broadcast %add3A_1238 : f32 to vector<512x512xf32>
      %add3A_1240 = arith.addf %sub3A_1237, %add3A_1239 : vector<512x512xf32>
      %div3A_1241 = arith.divf %mul3A_1233, %add3A_1240 : vector<512x512xf32>
      %gt3A_1242 = arith.constant 8.000000e-01 : f32
      %gt3A_1243 = vector.broadcast %gt3A_1242 : f32 to vector<512x512xf32>
      %gt3A_1244 = arith.cmpf ogt, %div3A_1241, %gt3A_1243 : vector<512x512xf32>
      %eq3A_1245 = vector.broadcast %slice3A_396 : vector<512x1xf32> to vector<512x512xf32>
      %eq3A_1246 = vector.broadcast %slice3A_1212 : vector<1x512xf32> to vector<512x512xf32>
      %eq3A_1247 = arith.cmpf oeq, %eq3A_1245, %eq3A_1246 : vector<512x512xf32>
      %and3A_1248 = arith.andi %gt3A_1244, %eq3A_1247 : vector<512x512xi1>
      %convert_element_type3A_1249 = arith.extui %and3A_1248 : vector<512x512xi1> to vector<512x512xi32>
      %convert_element_type3A_1250 = arith.sitofp %convert_element_type3A_1249 : vector<512x512xi32> to vector<512x512xf32>
      %get3A_1251 = arith.constant 0 : index
      %get3A_1252 = arith.constant 0 : index
      %get3A_1253 = vector.load %arg4[%get3A_1251, %get3A_1252] : memref<512x1xf32, #tpu.memory_space<vmem>>, vector<512x1xf32>
      %dot_general3A = arith.constant dense<0.000000e+00> : vector<512x1xf32>
      %dot_general3A_1254 = tpu.matmul %convert_element_type3A_1250, %while3A_381#0, %dot_general3A {dimension_numbers = #tpu.dot_dimension_numbers<[1], [0], [0], [1], [0, 0, 1, 1], [], []>, transpose_lhs_hint = false} : vector<512x512xf32>, vector<512x1xf32>, vector<512x1xf32> -> vector<512x1xf32>
      %add3A_1255 = arith.addf %get3A_1253, %dot_general3A_1254 : vector<512x1xf32>
      %swap3A_1256 = arith.constant 0 : index
      %swap3A_1257 = arith.constant 0 : index
      %swap3A_1258 = vector.load %arg4[%swap3A_1256, %swap3A_1257] : memref<512x1xf32, #tpu.memory_space<vmem>>, vector<512x1xf32>
      tpu.vector_store %arg4[%swap3A_1256, %swap3A_1257], %add3A_1255 {strides = array<i32>} : memref<512x1xf32, #tpu.memory_space<vmem>>, vector<512x1xf32>,
    } else {
    }
    %get3A_430 = arith.constant 0 : index
    %get3A_431 = arith.constant 0 : index
    %get3A_432 = vector.load %arg4[%get3A_430, %get3A_431] : memref<512x1xf32, #tpu.memory_space<vmem>>, vector<512x1xf32>
    %get3A_433 = arith.constant 0 : index
    %get3A_434 = arith.constant 2048 : index
    %get3A_435 = vector.load %arg1[%get3A_433, %get3A_434] : memref<8x5120xf32, #tpu.memory_space<vmem>>, vector<8x512xf32>
    %slice3A_436 = vector.extract_strided_slice %get3A_435 {offsets = [0, 0], sizes = [1, 512], strides = [1, 1]} : vector<8x512xf32> to vector<1x512xf32>
    %slice3A_437 = vector.extract_strided_slice %get3A_435 {offsets = [1, 0], sizes = [1, 512], strides = [1, 1]} : vector<8x512xf32> to vector<1x512xf32>
    %slice3A_438 = vector.extract_strided_slice %get3A_435 {offsets = [2, 0], sizes = [1, 512], strides = [1, 1]} : vector<8x512xf32> to vector<1x512xf32>
    %slice3A_439 = vector.extract_strided_slice %get3A_435 {offsets = [3, 0], sizes = [1, 512], strides = [1, 1]} : vector<8x512xf32> to vector<1x512xf32>
    %slice3A_440 = vector.extract_strided_slice %get3A_435 {offsets = [2, 0], sizes = [1, 512], strides = [1, 1]} : vector<8x512xf32> to vector<1x512xf32>
    %slice3A_441 = vector.extract_strided_slice %get3A_435 {offsets = [0, 0], sizes = [1, 512], strides = [1, 1]} : vector<8x512xf32> to vector<1x512xf32>
    %sub3A_442 = arith.subf %slice3A_440, %slice3A_441 : vector<1x512xf32>
    %slice3A_443 = vector.extract_strided_slice %get3A_435 {offsets = [3, 0], sizes = [1, 512], strides = [1, 1]} : vector<8x512xf32> to vector<1x512xf32>
    %slice3A_444 = vector.extract_strided_slice %get3A_435 {offsets = [1, 0], sizes = [1, 512], strides = [1, 1]} : vector<8x512xf32> to vector<1x512xf32>
    %sub3A_445 = arith.subf %slice3A_443, %slice3A_444 : vector<1x512xf32>
    %mul3A_446 = arith.mulf %sub3A_442, %sub3A_445 : vector<1x512xf32>
    %slice3A_447 = vector.extract_strided_slice %get3A_435 {offsets = [4, 0], sizes = [1, 512], strides = [1, 1]} : vector<8x512xf32> to vector<1x512xf32>
    %iota3A_448 = tpu.iota {dimensions = array<i32: 0>} : vector<512x512xi32>
    %iota3A_449 = tpu.iota {dimensions = array<i32: 1>} : vector<512x512xi32>
    %gt3A_450 = arith.cmpi sgt, %iota3A_448, %iota3A_449 : vector<512x512xi32>
    %min3A_451 = vector.broadcast %slice3A_387 : vector<512x1xf32> to vector<512x512xf32>
    %min3A_452 = vector.broadcast %slice3A_438 : vector<1x512xf32> to vector<512x512xf32>
    %min3A_453 = arith.minimumf %min3A_451, %min3A_452 : vector<512x512xf32>
    %max3A_454 = vector.broadcast %slice3A_385 : vector<512x1xf32> to vector<512x512xf32>
    %max3A_455 = vector.broadcast %slice3A_436 : vector<1x512xf32> to vector<512x512xf32>
    %max3A_456 = arith.maximumf %max3A_454, %max3A_455 : vector<512x512xf32>
    %sub3A_457 = arith.subf %min3A_453, %max3A_456 : vector<512x512xf32>
    %max3A_458 = arith.constant 0.000000e+00 : f32
    %max3A_459 = vector.broadcast %max3A_458 : f32 to vector<512x512xf32>
    %max3A_460 = arith.maximumf %sub3A_457, %max3A_459 : vector<512x512xf32>
    %min3A_461 = vector.broadcast %slice3A_388 : vector<512x1xf32> to vector<512x512xf32>
    %min3A_462 = vector.broadcast %slice3A_439 : vector<1x512xf32> to vector<512x512xf32>
    %min3A_463 = arith.minimumf %min3A_461, %min3A_462 : vector<512x512xf32>
    %max3A_464 = vector.broadcast %slice3A_386 : vector<512x1xf32> to vector<512x512xf32>
    %max3A_465 = vector.broadcast %slice3A_437 : vector<1x512xf32> to vector<512x512xf32>
    %max3A_466 = arith.maximumf %max3A_464, %max3A_465 : vector<512x512xf32>
    %sub3A_467 = arith.subf %min3A_463, %max3A_466 : vector<512x512xf32>
    %max3A_468 = arith.constant 0.000000e+00 : f32
    %max3A_469 = vector.broadcast %max3A_468 : f32 to vector<512x512xf32>
    %max3A_470 = arith.maximumf %sub3A_467, %max3A_469 : vector<512x512xf32>
    %mul3A_471 = arith.mulf %max3A_460, %max3A_470 : vector<512x512xf32>
    %add3A_472 = vector.broadcast %mul3A_395 : vector<512x1xf32> to vector<512x512xf32>
    %add3A_473 = vector.broadcast %mul3A_446 : vector<1x512xf32> to vector<512x512xf32>
    %add3A_474 = arith.addf %add3A_472, %add3A_473 : vector<512x512xf32>
    %sub3A_475 = arith.subf %add3A_474, %mul3A_471 : vector<512x512xf32>
    %add3A_476 = arith.constant 9.99999996E-13 : f32
    %add3A_477 = vector.broadcast %add3A_476 : f32 to vector<512x512xf32>
    %add3A_478 = arith.addf %sub3A_475, %add3A_477 : vector<512x512xf32>
    %div3A_479 = arith.divf %mul3A_471, %add3A_478 : vector<512x512xf32>
    %gt3A_480 = arith.constant 8.000000e-01 : f32
    %gt3A_481 = vector.broadcast %gt3A_480 : f32 to vector<512x512xf32>
    %gt3A_482 = arith.cmpf ogt, %div3A_479, %gt3A_481 : vector<512x512xf32>
    %eq3A_483 = vector.broadcast %slice3A_396 : vector<512x1xf32> to vector<512x512xf32>
    %eq3A_484 = vector.broadcast %slice3A_447 : vector<1x512xf32> to vector<512x512xf32>
    %eq3A_485 = arith.cmpf oeq, %eq3A_483, %eq3A_484 : vector<512x512xf32>
    %and3A_486 = arith.andi %gt3A_482, %eq3A_485 : vector<512x512xi1>
    %and3A_487 = arith.andi %and3A_486, %gt3A_450 : vector<512x512xi1>
    %convert_element_type3A_488 = arith.extui %and3A_487 : vector<512x512xi1> to vector<512x512xi32>
    %convert_element_type3A_489 = arith.sitofp %convert_element_type3A_488 : vector<512x512xi32> to vector<512x512xf32>
    %gt3A_490 = arith.constant 0.000000e+00 : f32
    %gt3A_491 = vector.broadcast %gt3A_490 : f32 to vector<512x1xf32>
    %gt3A_492 = arith.cmpf ogt, %get3A_432, %gt3A_491 : vector<512x1xf32>
    %jit3A_493 = arith.constant 0.000000e+00 : f32
    %jit3A_494 = arith.constant 1.000000e+00 : f32
    %broadcast_in_dim3A_495 = vector.broadcast %jit3A_493 : f32 to vector<512x1xf32>
    %broadcast_in_dim3A_496 = vector.broadcast %jit3A_494 : f32 to vector<512x1xf32>
    %select_n3A_497 = arith.select %gt3A_492, %broadcast_in_dim3A_495, %broadcast_in_dim3A_496 : vector<512x1xi1>, vector<512x1xf32>
    %while3A_498 = arith.constant true
    %while3A_499:2 = scf.while (%while3A_1198 = %select_n3A_497, %while3A_1199 = %while3A_498) : (vector<512x1xf32>, i1) -> (vector<512x1xf32>, i1) {
      scf.condition(%while3A_1199) %while3A_1198, %while3A_1199 : vector<512x1xf32>, i1
    } do {
    ^bb0(%while3A_1198: vector<512x1xf32>, %while3A_1199: i1):
      %dot_general3A = arith.constant dense<0.000000e+00> : vector<512x1xf32>
      %dot_general3A_1200 = tpu.matmul %convert_element_type3A_489, %while3A_1198, %dot_general3A {dimension_numbers = #tpu.dot_dimension_numbers<[1], [0], [0], [1], [0, 0, 1, 1], [], []>, transpose_lhs_hint = false} : vector<512x512xf32>, vector<512x1xf32>, vector<512x1xf32> -> vector<512x1xf32>
      %gt3A_1201 = arith.constant 0.000000e+00 : f32
      %gt3A_1202 = vector.broadcast %gt3A_1201 : f32 to vector<512x1xf32>
      %gt3A_1203 = arith.cmpf ogt, %dot_general3A_1200, %gt3A_1202 : vector<512x1xf32>
      %jit3A_1204 = arith.constant 0.000000e+00 : f32
      %broadcast_in_dim3A_1205 = vector.broadcast %jit3A_1204 : f32 to vector<512x1xf32>
      %select_n3A_1206 = arith.select %gt3A_1203, %broadcast_in_dim3A_1205, %select_n3A_497 : vector<512x1xi1>, vector<512x1xf32>
      %ne3A_1207 = arith.cmpf one, %select_n3A_1206, %while3A_1198 : vector<512x1xf32>
      %reduce_or3A = arith.constant 1.000000e+00 : f32
      %reduce_or3A_1208 = arith.constant 0.000000e+00 : f32
      %reduce_or3A_1209 = vector.broadcast %reduce_or3A : f32 to vector<512x1xf32>
      %reduce_or3A_1210 = vector.broadcast %reduce_or3A_1208 : f32 to vector<512x1xf32>
      %reduce_or3A_1211 = arith.select %ne3A_1207, %reduce_or3A_1209, %reduce_or3A_1210 : vector<512x1xi1>, vector<512x1xf32>
      %reduce_or3A_1212 = vector.shape_cast %reduce_or3A_1211 : vector<512x1xf32> to vector<1x512x1xf32>
      %reduce_or3A_1213 = arith.constant dense<0xFF800000> : vector<1xf32>
      %reduce_or3A_1214 = vector.multi_reduction <maximumf>, %reduce_or3A_1212, %reduce_or3A_1213 [1, 2] : vector<1x512x1xf32> to vector<1xf32>
      %reduce_or3A_1215 = vector.shape_cast %reduce_or3A_1214 : vector<1xf32> to vector<1x1x1xf32>
      %reduce_or3A_1216 = vector.extract %reduce_or3A_1215[0, 0, 0] : f32 from vector<1x1x1xf32>
      %reduce_or3A_1217 = arith.constant 0.000000e+00 : f32
      %reduce_or3A_1218 = arith.cmpf ogt, %reduce_or3A_1216, %reduce_or3A_1217 : f32
      scf.yield %select_n3A_1206, %reduce_or3A_1218 : vector<512x1xf32>, i1
    }
    %get3A_500 = arith.constant 2560 : index
    %get3A_501 = arith.constant 0 : index
    %get3A_502 = vector.load %arg0[%get3A_500, %get3A_501] : memref<5120x8xf32, #tpu.memory_space<vmem>>, vector<512x8xf32>
    %slice3A_503 = vector.extract_strided_slice %get3A_502 {offsets = [0, 0], sizes = [512, 1], strides = [1, 1]} : vector<512x8xf32> to vector<512x1xf32>
    %slice3A_504 = vector.extract_strided_slice %get3A_502 {offsets = [0, 1], sizes = [512, 1], strides = [1, 1]} : vector<512x8xf32> to vector<512x1xf32>
    %slice3A_505 = vector.extract_strided_slice %get3A_502 {offsets = [0, 2], sizes = [512, 1], strides = [1, 1]} : vector<512x8xf32> to vector<512x1xf32>
    %slice3A_506 = vector.extract_strided_slice %get3A_502 {offsets = [0, 3], sizes = [512, 1], strides = [1, 1]} : vector<512x8xf32> to vector<512x1xf32>
    %slice3A_507 = vector.extract_strided_slice %get3A_502 {offsets = [0, 2], sizes = [512, 1], strides = [1, 1]} : vector<512x8xf32> to vector<512x1xf32>
    %slice3A_508 = vector.extract_strided_slice %get3A_502 {offsets = [0, 0], sizes = [512, 1], strides = [1, 1]} : vector<512x8xf32> to vector<512x1xf32>
    %sub3A_509 = arith.subf %slice3A_507, %slice3A_508 : vector<512x1xf32>
    %slice3A_510 = vector.extract_strided_slice %get3A_502 {offsets = [0, 3], sizes = [512, 1], strides = [1, 1]} : vector<512x8xf32> to vector<512x1xf32>
    %slice3A_511 = vector.extract_strided_slice %get3A_502 {offsets = [0, 1], sizes = [512, 1], strides = [1, 1]} : vector<512x8xf32> to vector<512x1xf32>
    %sub3A_512 = arith.subf %slice3A_510, %slice3A_511 : vector<512x1xf32>
    %mul3A_513 = arith.mulf %sub3A_509, %sub3A_512 : vector<512x1xf32>
    %slice3A_514 = vector.extract_strided_slice %get3A_502 {offsets = [0, 4], sizes = [512, 1], strides = [1, 1]} : vector<512x8xf32> to vector<512x1xf32>
    %broadcast_in_dim3A_515 = arith.constant 0.000000e+00 : f32
    %broadcast_in_dim3A_516 = vector.broadcast %broadcast_in_dim3A_515 : f32 to vector<512x1xf32>
    %swap3A_517 = arith.constant 0 : index
    %swap3A_518 = arith.constant 0 : index
    %swap3A_519 = vector.load %arg4[%swap3A_517, %swap3A_518] : memref<512x1xf32, #tpu.memory_space<vmem>>, vector<512x1xf32>
    tpu.vector_store %arg4[%swap3A_517, %swap3A_518], %broadcast_in_dim3A_516 {strides = array<i32>} : memref<512x1xf32, #tpu.memory_space<vmem>>, vector<512x1xf32>,
    %get3A_520 = arith.constant 50 : index
    %get3A_521 = memref.load %arg2[%get3A_520] : memref<100xi32, #tpu.memory_space<smem>>
    %ne3A_522 = arith.constant 0 : i32
    %ne3A_523 = arith.cmpi ne, %get3A_521, %ne3A_522 : i32
    %convert_element_type3A_524 = arith.extui %ne3A_523 : i1 to i32
    %cond3A_525 = arith.constant 0 : i32
    %cond3A_526 = arith.cmpi ne, %convert_element_type3A_524, %cond3A_525 : i32
    scf.if %cond3A_526 {
      %get3A_1198 = arith.constant 0 : index
      %get3A_1199 = arith.constant 0 : index
      %get3A_1200 = vector.load %arg1[%get3A_1198, %get3A_1199] : memref<8x5120xf32, #tpu.memory_space<vmem>>, vector<8x512xf32>
      %slice3A_1201 = vector.extract_strided_slice %get3A_1200 {offsets = [0, 0], sizes = [1, 512], strides = [1, 1]} : vector<8x512xf32> to vector<1x512xf32>
      %slice3A_1202 = vector.extract_strided_slice %get3A_1200 {offsets = [1, 0], sizes = [1, 512], strides = [1, 1]} : vector<8x512xf32> to vector<1x512xf32>
      %slice3A_1203 = vector.extract_strided_slice %get3A_1200 {offsets = [2, 0], sizes = [1, 512], strides = [1, 1]} : vector<8x512xf32> to vector<1x512xf32>
      %slice3A_1204 = vector.extract_strided_slice %get3A_1200 {offsets = [3, 0], sizes = [1, 512], strides = [1, 1]} : vector<8x512xf32> to vector<1x512xf32>
      %slice3A_1205 = vector.extract_strided_slice %get3A_1200 {offsets = [2, 0], sizes = [1, 512], strides = [1, 1]} : vector<8x512xf32> to vector<1x512xf32>
      %slice3A_1206 = vector.extract_strided_slice %get3A_1200 {offsets = [0, 0], sizes = [1, 512], strides = [1, 1]} : vector<8x512xf32> to vector<1x512xf32>
      %sub3A_1207 = arith.subf %slice3A_1205, %slice3A_1206 : vector<1x512xf32>
      %slice3A_1208 = vector.extract_strided_slice %get3A_1200 {offsets = [3, 0], sizes = [1, 512], strides = [1, 1]} : vector<8x512xf32> to vector<1x512xf32>
      %slice3A_1209 = vector.extract_strided_slice %get3A_1200 {offsets = [1, 0], sizes = [1, 512], strides = [1, 1]} : vector<8x512xf32> to vector<1x512xf32>
      %sub3A_1210 = arith.subf %slice3A_1208, %slice3A_1209 : vector<1x512xf32>
      %mul3A_1211 = arith.mulf %sub3A_1207, %sub3A_1210 : vector<1x512xf32>
      %slice3A_1212 = vector.extract_strided_slice %get3A_1200 {offsets = [4, 0], sizes = [1, 512], strides = [1, 1]} : vector<8x512xf32> to vector<1x512xf32>
      %min3A_1213 = vector.broadcast %slice3A_505 : vector<512x1xf32> to vector<512x512xf32>
      %min3A_1214 = vector.broadcast %slice3A_1203 : vector<1x512xf32> to vector<512x512xf32>
      %min3A_1215 = arith.minimumf %min3A_1213, %min3A_1214 : vector<512x512xf32>
      %max3A_1216 = vector.broadcast %slice3A_503 : vector<512x1xf32> to vector<512x512xf32>
      %max3A_1217 = vector.broadcast %slice3A_1201 : vector<1x512xf32> to vector<512x512xf32>
      %max3A_1218 = arith.maximumf %max3A_1216, %max3A_1217 : vector<512x512xf32>
      %sub3A_1219 = arith.subf %min3A_1215, %max3A_1218 : vector<512x512xf32>
      %max3A_1220 = arith.constant 0.000000e+00 : f32
      %max3A_1221 = vector.broadcast %max3A_1220 : f32 to vector<512x512xf32>
      %max3A_1222 = arith.maximumf %sub3A_1219, %max3A_1221 : vector<512x512xf32>
      %min3A_1223 = vector.broadcast %slice3A_506 : vector<512x1xf32> to vector<512x512xf32>
      %min3A_1224 = vector.broadcast %slice3A_1204 : vector<1x512xf32> to vector<512x512xf32>
      %min3A_1225 = arith.minimumf %min3A_1223, %min3A_1224 : vector<512x512xf32>
      %max3A_1226 = vector.broadcast %slice3A_504 : vector<512x1xf32> to vector<512x512xf32>
      %max3A_1227 = vector.broadcast %slice3A_1202 : vector<1x512xf32> to vector<512x512xf32>
      %max3A_1228 = arith.maximumf %max3A_1226, %max3A_1227 : vector<512x512xf32>
      %sub3A_1229 = arith.subf %min3A_1225, %max3A_1228 : vector<512x512xf32>
      %max3A_1230 = arith.constant 0.000000e+00 : f32
      %max3A_1231 = vector.broadcast %max3A_1230 : f32 to vector<512x512xf32>
      %max3A_1232 = arith.maximumf %sub3A_1229, %max3A_1231 : vector<512x512xf32>
      %mul3A_1233 = arith.mulf %max3A_1222, %max3A_1232 : vector<512x512xf32>
      %add3A_1234 = vector.broadcast %mul3A_513 : vector<512x1xf32> to vector<512x512xf32>
      %add3A_1235 = vector.broadcast %mul3A_1211 : vector<1x512xf32> to vector<512x512xf32>
      %add3A_1236 = arith.addf %add3A_1234, %add3A_1235 : vector<512x512xf32>
      %sub3A_1237 = arith.subf %add3A_1236, %mul3A_1233 : vector<512x512xf32>
      %add3A_1238 = arith.constant 9.99999996E-13 : f32
      %add3A_1239 = vector.broadcast %add3A_1238 : f32 to vector<512x512xf32>
      %add3A_1240 = arith.addf %sub3A_1237, %add3A_1239 : vector<512x512xf32>
      %div3A_1241 = arith.divf %mul3A_1233, %add3A_1240 : vector<512x512xf32>
      %gt3A_1242 = arith.constant 8.000000e-01 : f32
      %gt3A_1243 = vector.broadcast %gt3A_1242 : f32 to vector<512x512xf32>
      %gt3A_1244 = arith.cmpf ogt, %div3A_1241, %gt3A_1243 : vector<512x512xf32>
      %eq3A_1245 = vector.broadcast %slice3A_514 : vector<512x1xf32> to vector<512x512xf32>
      %eq3A_1246 = vector.broadcast %slice3A_1212 : vector<1x512xf32> to vector<512x512xf32>
      %eq3A_1247 = arith.cmpf oeq, %eq3A_1245, %eq3A_1246 : vector<512x512xf32>
      %and3A_1248 = arith.andi %gt3A_1244, %eq3A_1247 : vector<512x512xi1>
      %convert_element_type3A_1249 = arith.extui %and3A_1248 : vector<512x512xi1> to vector<512x512xi32>
      %convert_element_type3A_1250 = arith.sitofp %convert_element_type3A_1249 : vector<512x512xi32> to vector<512x512xf32>
      %get3A_1251 = arith.constant 0 : index
      %get3A_1252 = arith.constant 0 : index
      %get3A_1253 = vector.load %arg4[%get3A_1251, %get3A_1252] : memref<512x1xf32, #tpu.memory_space<vmem>>, vector<512x1xf32>
      %dot_general3A = arith.constant dense<0.000000e+00> : vector<512x1xf32>
      %dot_general3A_1254 = tpu.matmul %convert_element_type3A_1250, %while3A_71#0, %dot_general3A {dimension_numbers = #tpu.dot_dimension_numbers<[1], [0], [0], [1], [0, 0, 1, 1], [], []>, transpose_lhs_hint = false} : vector<512x512xf32>, vector<512x1xf32>, vector<512x1xf32> -> vector<512x1xf32>
      %add3A_1255 = arith.addf %get3A_1253, %dot_general3A_1254 : vector<512x1xf32>
      %swap3A_1256 = arith.constant 0 : index
      %swap3A_1257 = arith.constant 0 : index
      %swap3A_1258 = vector.load %arg4[%swap3A_1256, %swap3A_1257] : memref<512x1xf32, #tpu.memory_space<vmem>>, vector<512x1xf32>
      tpu.vector_store %arg4[%swap3A_1256, %swap3A_1257], %add3A_1255 {strides = array<i32>} : memref<512x1xf32, #tpu.memory_space<vmem>>, vector<512x1xf32>,
    } else {
    }
    %get3A_527 = arith.constant 51 : index
    %get3A_528 = memref.load %arg2[%get3A_527] : memref<100xi32, #tpu.memory_space<smem>>
    %ne3A_529 = arith.constant 0 : i32
    %ne3A_530 = arith.cmpi ne, %get3A_528, %ne3A_529 : i32
    %convert_element_type3A_531 = arith.extui %ne3A_530 : i1 to i32
    %cond3A_532 = arith.constant 0 : i32
    %cond3A_533 = arith.cmpi ne, %convert_element_type3A_531, %cond3A_532 : i32
    scf.if %cond3A_533 {
      %get3A_1198 = arith.constant 0 : index
      %get3A_1199 = arith.constant 512 : index
      %get3A_1200 = vector.load %arg1[%get3A_1198, %get3A_1199] : memref<8x5120xf32, #tpu.memory_space<vmem>>, vector<8x512xf32>
      %slice3A_1201 = vector.extract_strided_slice %get3A_1200 {offsets = [0, 0], sizes = [1, 512], strides = [1, 1]} : vector<8x512xf32> to vector<1x512xf32>
      %slice3A_1202 = vector.extract_strided_slice %get3A_1200 {offsets = [1, 0], sizes = [1, 512], strides = [1, 1]} : vector<8x512xf32> to vector<1x512xf32>
      %slice3A_1203 = vector.extract_strided_slice %get3A_1200 {offsets = [2, 0], sizes = [1, 512], strides = [1, 1]} : vector<8x512xf32> to vector<1x512xf32>
      %slice3A_1204 = vector.extract_strided_slice %get3A_1200 {offsets = [3, 0], sizes = [1, 512], strides = [1, 1]} : vector<8x512xf32> to vector<1x512xf32>
      %slice3A_1205 = vector.extract_strided_slice %get3A_1200 {offsets = [2, 0], sizes = [1, 512], strides = [1, 1]} : vector<8x512xf32> to vector<1x512xf32>
      %slice3A_1206 = vector.extract_strided_slice %get3A_1200 {offsets = [0, 0], sizes = [1, 512], strides = [1, 1]} : vector<8x512xf32> to vector<1x512xf32>
      %sub3A_1207 = arith.subf %slice3A_1205, %slice3A_1206 : vector<1x512xf32>
      %slice3A_1208 = vector.extract_strided_slice %get3A_1200 {offsets = [3, 0], sizes = [1, 512], strides = [1, 1]} : vector<8x512xf32> to vector<1x512xf32>
      %slice3A_1209 = vector.extract_strided_slice %get3A_1200 {offsets = [1, 0], sizes = [1, 512], strides = [1, 1]} : vector<8x512xf32> to vector<1x512xf32>
      %sub3A_1210 = arith.subf %slice3A_1208, %slice3A_1209 : vector<1x512xf32>
      %mul3A_1211 = arith.mulf %sub3A_1207, %sub3A_1210 : vector<1x512xf32>
      %slice3A_1212 = vector.extract_strided_slice %get3A_1200 {offsets = [4, 0], sizes = [1, 512], strides = [1, 1]} : vector<8x512xf32> to vector<1x512xf32>
      %min3A_1213 = vector.broadcast %slice3A_505 : vector<512x1xf32> to vector<512x512xf32>
      %min3A_1214 = vector.broadcast %slice3A_1203 : vector<1x512xf32> to vector<512x512xf32>
      %min3A_1215 = arith.minimumf %min3A_1213, %min3A_1214 : vector<512x512xf32>
      %max3A_1216 = vector.broadcast %slice3A_503 : vector<512x1xf32> to vector<512x512xf32>
      %max3A_1217 = vector.broadcast %slice3A_1201 : vector<1x512xf32> to vector<512x512xf32>
      %max3A_1218 = arith.maximumf %max3A_1216, %max3A_1217 : vector<512x512xf32>
      %sub3A_1219 = arith.subf %min3A_1215, %max3A_1218 : vector<512x512xf32>
      %max3A_1220 = arith.constant 0.000000e+00 : f32
      %max3A_1221 = vector.broadcast %max3A_1220 : f32 to vector<512x512xf32>
      %max3A_1222 = arith.maximumf %sub3A_1219, %max3A_1221 : vector<512x512xf32>
      %min3A_1223 = vector.broadcast %slice3A_506 : vector<512x1xf32> to vector<512x512xf32>
      %min3A_1224 = vector.broadcast %slice3A_1204 : vector<1x512xf32> to vector<512x512xf32>
      %min3A_1225 = arith.minimumf %min3A_1223, %min3A_1224 : vector<512x512xf32>
      %max3A_1226 = vector.broadcast %slice3A_504 : vector<512x1xf32> to vector<512x512xf32>
      %max3A_1227 = vector.broadcast %slice3A_1202 : vector<1x512xf32> to vector<512x512xf32>
      %max3A_1228 = arith.maximumf %max3A_1226, %max3A_1227 : vector<512x512xf32>
      %sub3A_1229 = arith.subf %min3A_1225, %max3A_1228 : vector<512x512xf32>
      %max3A_1230 = arith.constant 0.000000e+00 : f32
      %max3A_1231 = vector.broadcast %max3A_1230 : f32 to vector<512x512xf32>
      %max3A_1232 = arith.maximumf %sub3A_1229, %max3A_1231 : vector<512x512xf32>
      %mul3A_1233 = arith.mulf %max3A_1222, %max3A_1232 : vector<512x512xf32>
      %add3A_1234 = vector.broadcast %mul3A_513 : vector<512x1xf32> to vector<512x512xf32>
      %add3A_1235 = vector.broadcast %mul3A_1211 : vector<1x512xf32> to vector<512x512xf32>
      %add3A_1236 = arith.addf %add3A_1234, %add3A_1235 : vector<512x512xf32>
      %sub3A_1237 = arith.subf %add3A_1236, %mul3A_1233 : vector<512x512xf32>
      %add3A_1238 = arith.constant 9.99999996E-13 : f32
      %add3A_1239 = vector.broadcast %add3A_1238 : f32 to vector<512x512xf32>
      %add3A_1240 = arith.addf %sub3A_1237, %add3A_1239 : vector<512x512xf32>
      %div3A_1241 = arith.divf %mul3A_1233, %add3A_1240 : vector<512x512xf32>
      %gt3A_1242 = arith.constant 8.000000e-01 : f32
      %gt3A_1243 = vector.broadcast %gt3A_1242 : f32 to vector<512x512xf32>
      %gt3A_1244 = arith.cmpf ogt, %div3A_1241, %gt3A_1243 : vector<512x512xf32>
      %eq3A_1245 = vector.broadcast %slice3A_514 : vector<512x1xf32> to vector<512x512xf32>
      %eq3A_1246 = vector.broadcast %slice3A_1212 : vector<1x512xf32> to vector<512x512xf32>
      %eq3A_1247 = arith.cmpf oeq, %eq3A_1245, %eq3A_1246 : vector<512x512xf32>
      %and3A_1248 = arith.andi %gt3A_1244, %eq3A_1247 : vector<512x512xi1>
      %convert_element_type3A_1249 = arith.extui %and3A_1248 : vector<512x512xi1> to vector<512x512xi32>
      %convert_element_type3A_1250 = arith.sitofp %convert_element_type3A_1249 : vector<512x512xi32> to vector<512x512xf32>
      %get3A_1251 = arith.constant 0 : index
      %get3A_1252 = arith.constant 0 : index
      %get3A_1253 = vector.load %arg4[%get3A_1251, %get3A_1252] : memref<512x1xf32, #tpu.memory_space<vmem>>, vector<512x1xf32>
      %dot_general3A = arith.constant dense<0.000000e+00> : vector<512x1xf32>
      %dot_general3A_1254 = tpu.matmul %convert_element_type3A_1250, %while3A_166#0, %dot_general3A {dimension_numbers = #tpu.dot_dimension_numbers<[1], [0], [0], [1], [0, 0, 1, 1], [], []>, transpose_lhs_hint = false} : vector<512x512xf32>, vector<512x1xf32>, vector<512x1xf32> -> vector<512x1xf32>
      %add3A_1255 = arith.addf %get3A_1253, %dot_general3A_1254 : vector<512x1xf32>
      %swap3A_1256 = arith.constant 0 : index
      %swap3A_1257 = arith.constant 0 : index
      %swap3A_1258 = vector.load %arg4[%swap3A_1256, %swap3A_1257] : memref<512x1xf32, #tpu.memory_space<vmem>>, vector<512x1xf32>
      tpu.vector_store %arg4[%swap3A_1256, %swap3A_1257], %add3A_1255 {strides = array<i32>} : memref<512x1xf32, #tpu.memory_space<vmem>>, vector<512x1xf32>,
    } else {
    }
    %get3A_534 = arith.constant 52 : index
    %get3A_535 = memref.load %arg2[%get3A_534] : memref<100xi32, #tpu.memory_space<smem>>
    %ne3A_536 = arith.constant 0 : i32
    %ne3A_537 = arith.cmpi ne, %get3A_535, %ne3A_536 : i32
    %convert_element_type3A_538 = arith.extui %ne3A_537 : i1 to i32
    %cond3A_539 = arith.constant 0 : i32
    %cond3A_540 = arith.cmpi ne, %convert_element_type3A_538, %cond3A_539 : i32
    scf.if %cond3A_540 {
      %get3A_1198 = arith.constant 0 : index
      %get3A_1199 = arith.constant 1024 : index
      %get3A_1200 = vector.load %arg1[%get3A_1198, %get3A_1199] : memref<8x5120xf32, #tpu.memory_space<vmem>>, vector<8x512xf32>
      %slice3A_1201 = vector.extract_strided_slice %get3A_1200 {offsets = [0, 0], sizes = [1, 512], strides = [1, 1]} : vector<8x512xf32> to vector<1x512xf32>
      %slice3A_1202 = vector.extract_strided_slice %get3A_1200 {offsets = [1, 0], sizes = [1, 512], strides = [1, 1]} : vector<8x512xf32> to vector<1x512xf32>
      %slice3A_1203 = vector.extract_strided_slice %get3A_1200 {offsets = [2, 0], sizes = [1, 512], strides = [1, 1]} : vector<8x512xf32> to vector<1x512xf32>
      %slice3A_1204 = vector.extract_strided_slice %get3A_1200 {offsets = [3, 0], sizes = [1, 512], strides = [1, 1]} : vector<8x512xf32> to vector<1x512xf32>
      %slice3A_1205 = vector.extract_strided_slice %get3A_1200 {offsets = [2, 0], sizes = [1, 512], strides = [1, 1]} : vector<8x512xf32> to vector<1x512xf32>
      %slice3A_1206 = vector.extract_strided_slice %get3A_1200 {offsets = [0, 0], sizes = [1, 512], strides = [1, 1]} : vector<8x512xf32> to vector<1x512xf32>
      %sub3A_1207 = arith.subf %slice3A_1205, %slice3A_1206 : vector<1x512xf32>
      %slice3A_1208 = vector.extract_strided_slice %get3A_1200 {offsets = [3, 0], sizes = [1, 512], strides = [1, 1]} : vector<8x512xf32> to vector<1x512xf32>
      %slice3A_1209 = vector.extract_strided_slice %get3A_1200 {offsets = [1, 0], sizes = [1, 512], strides = [1, 1]} : vector<8x512xf32> to vector<1x512xf32>
      %sub3A_1210 = arith.subf %slice3A_1208, %slice3A_1209 : vector<1x512xf32>
      %mul3A_1211 = arith.mulf %sub3A_1207, %sub3A_1210 : vector<1x512xf32>
      %slice3A_1212 = vector.extract_strided_slice %get3A_1200 {offsets = [4, 0], sizes = [1, 512], strides = [1, 1]} : vector<8x512xf32> to vector<1x512xf32>
      %min3A_1213 = vector.broadcast %slice3A_505 : vector<512x1xf32> to vector<512x512xf32>
      %min3A_1214 = vector.broadcast %slice3A_1203 : vector<1x512xf32> to vector<512x512xf32>
      %min3A_1215 = arith.minimumf %min3A_1213, %min3A_1214 : vector<512x512xf32>
      %max3A_1216 = vector.broadcast %slice3A_503 : vector<512x1xf32> to vector<512x512xf32>
      %max3A_1217 = vector.broadcast %slice3A_1201 : vector<1x512xf32> to vector<512x512xf32>
      %max3A_1218 = arith.maximumf %max3A_1216, %max3A_1217 : vector<512x512xf32>
      %sub3A_1219 = arith.subf %min3A_1215, %max3A_1218 : vector<512x512xf32>
      %max3A_1220 = arith.constant 0.000000e+00 : f32
      %max3A_1221 = vector.broadcast %max3A_1220 : f32 to vector<512x512xf32>
      %max3A_1222 = arith.maximumf %sub3A_1219, %max3A_1221 : vector<512x512xf32>
      %min3A_1223 = vector.broadcast %slice3A_506 : vector<512x1xf32> to vector<512x512xf32>
      %min3A_1224 = vector.broadcast %slice3A_1204 : vector<1x512xf32> to vector<512x512xf32>
      %min3A_1225 = arith.minimumf %min3A_1223, %min3A_1224 : vector<512x512xf32>
      %max3A_1226 = vector.broadcast %slice3A_504 : vector<512x1xf32> to vector<512x512xf32>
      %max3A_1227 = vector.broadcast %slice3A_1202 : vector<1x512xf32> to vector<512x512xf32>
      %max3A_1228 = arith.maximumf %max3A_1226, %max3A_1227 : vector<512x512xf32>
      %sub3A_1229 = arith.subf %min3A_1225, %max3A_1228 : vector<512x512xf32>
      %max3A_1230 = arith.constant 0.000000e+00 : f32
      %max3A_1231 = vector.broadcast %max3A_1230 : f32 to vector<512x512xf32>
      %max3A_1232 = arith.maximumf %sub3A_1229, %max3A_1231 : vector<512x512xf32>
      %mul3A_1233 = arith.mulf %max3A_1222, %max3A_1232 : vector<512x512xf32>
      %add3A_1234 = vector.broadcast %mul3A_513 : vector<512x1xf32> to vector<512x512xf32>
      %add3A_1235 = vector.broadcast %mul3A_1211 : vector<1x512xf32> to vector<512x512xf32>
      %add3A_1236 = arith.addf %add3A_1234, %add3A_1235 : vector<512x512xf32>
      %sub3A_1237 = arith.subf %add3A_1236, %mul3A_1233 : vector<512x512xf32>
      %add3A_1238 = arith.constant 9.99999996E-13 : f32
      %add3A_1239 = vector.broadcast %add3A_1238 : f32 to vector<512x512xf32>
      %add3A_1240 = arith.addf %sub3A_1237, %add3A_1239 : vector<512x512xf32>
      %div3A_1241 = arith.divf %mul3A_1233, %add3A_1240 : vector<512x512xf32>
      %gt3A_1242 = arith.constant 8.000000e-01 : f32
      %gt3A_1243 = vector.broadcast %gt3A_1242 : f32 to vector<512x512xf32>
      %gt3A_1244 = arith.cmpf ogt, %div3A_1241, %gt3A_1243 : vector<512x512xf32>
      %eq3A_1245 = vector.broadcast %slice3A_514 : vector<512x1xf32> to vector<512x512xf32>
      %eq3A_1246 = vector.broadcast %slice3A_1212 : vector<1x512xf32> to vector<512x512xf32>
      %eq3A_1247 = arith.cmpf oeq, %eq3A_1245, %eq3A_1246 : vector<512x512xf32>
      %and3A_1248 = arith.andi %gt3A_1244, %eq3A_1247 : vector<512x512xi1>
      %convert_element_type3A_1249 = arith.extui %and3A_1248 : vector<512x512xi1> to vector<512x512xi32>
      %convert_element_type3A_1250 = arith.sitofp %convert_element_type3A_1249 : vector<512x512xi32> to vector<512x512xf32>
      %get3A_1251 = arith.constant 0 : index
      %get3A_1252 = arith.constant 0 : index
      %get3A_1253 = vector.load %arg4[%get3A_1251, %get3A_1252] : memref<512x1xf32, #tpu.memory_space<vmem>>, vector<512x1xf32>
      %dot_general3A = arith.constant dense<0.000000e+00> : vector<512x1xf32>
      %dot_general3A_1254 = tpu.matmul %convert_element_type3A_1250, %while3A_270#0, %dot_general3A {dimension_numbers = #tpu.dot_dimension_numbers<[1], [0], [0], [1], [0, 0, 1, 1], [], []>, transpose_lhs_hint = false} : vector<512x512xf32>, vector<512x1xf32>, vector<512x1xf32> -> vector<512x1xf32>
      %add3A_1255 = arith.addf %get3A_1253, %dot_general3A_1254 : vector<512x1xf32>
      %swap3A_1256 = arith.constant 0 : index
      %swap3A_1257 = arith.constant 0 : index
      %swap3A_1258 = vector.load %arg4[%swap3A_1256, %swap3A_1257] : memref<512x1xf32, #tpu.memory_space<vmem>>, vector<512x1xf32>
      tpu.vector_store %arg4[%swap3A_1256, %swap3A_1257], %add3A_1255 {strides = array<i32>} : memref<512x1xf32, #tpu.memory_space<vmem>>, vector<512x1xf32>,
    } else {
    }
    %get3A_541 = arith.constant 53 : index
    %get3A_542 = memref.load %arg2[%get3A_541] : memref<100xi32, #tpu.memory_space<smem>>
    %ne3A_543 = arith.constant 0 : i32
    %ne3A_544 = arith.cmpi ne, %get3A_542, %ne3A_543 : i32
    %convert_element_type3A_545 = arith.extui %ne3A_544 : i1 to i32
    %cond3A_546 = arith.constant 0 : i32
    %cond3A_547 = arith.cmpi ne, %convert_element_type3A_545, %cond3A_546 : i32
    scf.if %cond3A_547 {
      %get3A_1198 = arith.constant 0 : index
      %get3A_1199 = arith.constant 1536 : index
      %get3A_1200 = vector.load %arg1[%get3A_1198, %get3A_1199] : memref<8x5120xf32, #tpu.memory_space<vmem>>, vector<8x512xf32>
      %slice3A_1201 = vector.extract_strided_slice %get3A_1200 {offsets = [0, 0], sizes = [1, 512], strides = [1, 1]} : vector<8x512xf32> to vector<1x512xf32>
      %slice3A_1202 = vector.extract_strided_slice %get3A_1200 {offsets = [1, 0], sizes = [1, 512], strides = [1, 1]} : vector<8x512xf32> to vector<1x512xf32>
      %slice3A_1203 = vector.extract_strided_slice %get3A_1200 {offsets = [2, 0], sizes = [1, 512], strides = [1, 1]} : vector<8x512xf32> to vector<1x512xf32>
      %slice3A_1204 = vector.extract_strided_slice %get3A_1200 {offsets = [3, 0], sizes = [1, 512], strides = [1, 1]} : vector<8x512xf32> to vector<1x512xf32>
      %slice3A_1205 = vector.extract_strided_slice %get3A_1200 {offsets = [2, 0], sizes = [1, 512], strides = [1, 1]} : vector<8x512xf32> to vector<1x512xf32>
      %slice3A_1206 = vector.extract_strided_slice %get3A_1200 {offsets = [0, 0], sizes = [1, 512], strides = [1, 1]} : vector<8x512xf32> to vector<1x512xf32>
      %sub3A_1207 = arith.subf %slice3A_1205, %slice3A_1206 : vector<1x512xf32>
      %slice3A_1208 = vector.extract_strided_slice %get3A_1200 {offsets = [3, 0], sizes = [1, 512], strides = [1, 1]} : vector<8x512xf32> to vector<1x512xf32>
      %slice3A_1209 = vector.extract_strided_slice %get3A_1200 {offsets = [1, 0], sizes = [1, 512], strides = [1, 1]} : vector<8x512xf32> to vector<1x512xf32>
      %sub3A_1210 = arith.subf %slice3A_1208, %slice3A_1209 : vector<1x512xf32>
      %mul3A_1211 = arith.mulf %sub3A_1207, %sub3A_1210 : vector<1x512xf32>
      %slice3A_1212 = vector.extract_strided_slice %get3A_1200 {offsets = [4, 0], sizes = [1, 512], strides = [1, 1]} : vector<8x512xf32> to vector<1x512xf32>
      %min3A_1213 = vector.broadcast %slice3A_505 : vector<512x1xf32> to vector<512x512xf32>
      %min3A_1214 = vector.broadcast %slice3A_1203 : vector<1x512xf32> to vector<512x512xf32>
      %min3A_1215 = arith.minimumf %min3A_1213, %min3A_1214 : vector<512x512xf32>
      %max3A_1216 = vector.broadcast %slice3A_503 : vector<512x1xf32> to vector<512x512xf32>
      %max3A_1217 = vector.broadcast %slice3A_1201 : vector<1x512xf32> to vector<512x512xf32>
      %max3A_1218 = arith.maximumf %max3A_1216, %max3A_1217 : vector<512x512xf32>
      %sub3A_1219 = arith.subf %min3A_1215, %max3A_1218 : vector<512x512xf32>
      %max3A_1220 = arith.constant 0.000000e+00 : f32
      %max3A_1221 = vector.broadcast %max3A_1220 : f32 to vector<512x512xf32>
      %max3A_1222 = arith.maximumf %sub3A_1219, %max3A_1221 : vector<512x512xf32>
      %min3A_1223 = vector.broadcast %slice3A_506 : vector<512x1xf32> to vector<512x512xf32>
      %min3A_1224 = vector.broadcast %slice3A_1204 : vector<1x512xf32> to vector<512x512xf32>
      %min3A_1225 = arith.minimumf %min3A_1223, %min3A_1224 : vector<512x512xf32>
      %max3A_1226 = vector.broadcast %slice3A_504 : vector<512x1xf32> to vector<512x512xf32>
      %max3A_1227 = vector.broadcast %slice3A_1202 : vector<1x512xf32> to vector<512x512xf32>
      %max3A_1228 = arith.maximumf %max3A_1226, %max3A_1227 : vector<512x512xf32>
      %sub3A_1229 = arith.subf %min3A_1225, %max3A_1228 : vector<512x512xf32>
      %max3A_1230 = arith.constant 0.000000e+00 : f32
      %max3A_1231 = vector.broadcast %max3A_1230 : f32 to vector<512x512xf32>
      %max3A_1232 = arith.maximumf %sub3A_1229, %max3A_1231 : vector<512x512xf32>
      %mul3A_1233 = arith.mulf %max3A_1222, %max3A_1232 : vector<512x512xf32>
      %add3A_1234 = vector.broadcast %mul3A_513 : vector<512x1xf32> to vector<512x512xf32>
      %add3A_1235 = vector.broadcast %mul3A_1211 : vector<1x512xf32> to vector<512x512xf32>
      %add3A_1236 = arith.addf %add3A_1234, %add3A_1235 : vector<512x512xf32>
      %sub3A_1237 = arith.subf %add3A_1236, %mul3A_1233 : vector<512x512xf32>
      %add3A_1238 = arith.constant 9.99999996E-13 : f32
      %add3A_1239 = vector.broadcast %add3A_1238 : f32 to vector<512x512xf32>
      %add3A_1240 = arith.addf %sub3A_1237, %add3A_1239 : vector<512x512xf32>
      %div3A_1241 = arith.divf %mul3A_1233, %add3A_1240 : vector<512x512xf32>
      %gt3A_1242 = arith.constant 8.000000e-01 : f32
      %gt3A_1243 = vector.broadcast %gt3A_1242 : f32 to vector<512x512xf32>
      %gt3A_1244 = arith.cmpf ogt, %div3A_1241, %gt3A_1243 : vector<512x512xf32>
      %eq3A_1245 = vector.broadcast %slice3A_514 : vector<512x1xf32> to vector<512x512xf32>
      %eq3A_1246 = vector.broadcast %slice3A_1212 : vector<1x512xf32> to vector<512x512xf32>
      %eq3A_1247 = arith.cmpf oeq, %eq3A_1245, %eq3A_1246 : vector<512x512xf32>
      %and3A_1248 = arith.andi %gt3A_1244, %eq3A_1247 : vector<512x512xi1>
      %convert_element_type3A_1249 = arith.extui %and3A_1248 : vector<512x512xi1> to vector<512x512xi32>
      %convert_element_type3A_1250 = arith.sitofp %convert_element_type3A_1249 : vector<512x512xi32> to vector<512x512xf32>
      %get3A_1251 = arith.constant 0 : index
      %get3A_1252 = arith.constant 0 : index
      %get3A_1253 = vector.load %arg4[%get3A_1251, %get3A_1252] : memref<512x1xf32, #tpu.memory_space<vmem>>, vector<512x1xf32>
      %dot_general3A = arith.constant dense<0.000000e+00> : vector<512x1xf32>
      %dot_general3A_1254 = tpu.matmul %convert_element_type3A_1250, %while3A_381#0, %dot_general3A {dimension_numbers = #tpu.dot_dimension_numbers<[1], [0], [0], [1], [0, 0, 1, 1], [], []>, transpose_lhs_hint = false} : vector<512x512xf32>, vector<512x1xf32>, vector<512x1xf32> -> vector<512x1xf32>
      %add3A_1255 = arith.addf %get3A_1253, %dot_general3A_1254 : vector<512x1xf32>
      %swap3A_1256 = arith.constant 0 : index
      %swap3A_1257 = arith.constant 0 : index
      %swap3A_1258 = vector.load %arg4[%swap3A_1256, %swap3A_1257] : memref<512x1xf32, #tpu.memory_space<vmem>>, vector<512x1xf32>
      tpu.vector_store %arg4[%swap3A_1256, %swap3A_1257], %add3A_1255 {strides = array<i32>} : memref<512x1xf32, #tpu.memory_space<vmem>>, vector<512x1xf32>,
    } else {
    }
    %get3A_548 = arith.constant 54 : index
    %get3A_549 = memref.load %arg2[%get3A_548] : memref<100xi32, #tpu.memory_space<smem>>
    %ne3A_550 = arith.constant 0 : i32
    %ne3A_551 = arith.cmpi ne, %get3A_549, %ne3A_550 : i32
    %convert_element_type3A_552 = arith.extui %ne3A_551 : i1 to i32
    %cond3A_553 = arith.constant 0 : i32
    %cond3A_554 = arith.cmpi ne, %convert_element_type3A_552, %cond3A_553 : i32
    scf.if %cond3A_554 {
      %get3A_1198 = arith.constant 0 : index
      %get3A_1199 = arith.constant 2048 : index
      %get3A_1200 = vector.load %arg1[%get3A_1198, %get3A_1199] : memref<8x5120xf32, #tpu.memory_space<vmem>>, vector<8x512xf32>
      %slice3A_1201 = vector.extract_strided_slice %get3A_1200 {offsets = [0, 0], sizes = [1, 512], strides = [1, 1]} : vector<8x512xf32> to vector<1x512xf32>
      %slice3A_1202 = vector.extract_strided_slice %get3A_1200 {offsets = [1, 0], sizes = [1, 512], strides = [1, 1]} : vector<8x512xf32> to vector<1x512xf32>
      %slice3A_1203 = vector.extract_strided_slice %get3A_1200 {offsets = [2, 0], sizes = [1, 512], strides = [1, 1]} : vector<8x512xf32> to vector<1x512xf32>
      %slice3A_1204 = vector.extract_strided_slice %get3A_1200 {offsets = [3, 0], sizes = [1, 512], strides = [1, 1]} : vector<8x512xf32> to vector<1x512xf32>
      %slice3A_1205 = vector.extract_strided_slice %get3A_1200 {offsets = [2, 0], sizes = [1, 512], strides = [1, 1]} : vector<8x512xf32> to vector<1x512xf32>
      %slice3A_1206 = vector.extract_strided_slice %get3A_1200 {offsets = [0, 0], sizes = [1, 512], strides = [1, 1]} : vector<8x512xf32> to vector<1x512xf32>
      %sub3A_1207 = arith.subf %slice3A_1205, %slice3A_1206 : vector<1x512xf32>
      %slice3A_1208 = vector.extract_strided_slice %get3A_1200 {offsets = [3, 0], sizes = [1, 512], strides = [1, 1]} : vector<8x512xf32> to vector<1x512xf32>
      %slice3A_1209 = vector.extract_strided_slice %get3A_1200 {offsets = [1, 0], sizes = [1, 512], strides = [1, 1]} : vector<8x512xf32> to vector<1x512xf32>
      %sub3A_1210 = arith.subf %slice3A_1208, %slice3A_1209 : vector<1x512xf32>
      %mul3A_1211 = arith.mulf %sub3A_1207, %sub3A_1210 : vector<1x512xf32>
      %slice3A_1212 = vector.extract_strided_slice %get3A_1200 {offsets = [4, 0], sizes = [1, 512], strides = [1, 1]} : vector<8x512xf32> to vector<1x512xf32>
      %min3A_1213 = vector.broadcast %slice3A_505 : vector<512x1xf32> to vector<512x512xf32>
      %min3A_1214 = vector.broadcast %slice3A_1203 : vector<1x512xf32> to vector<512x512xf32>
      %min3A_1215 = arith.minimumf %min3A_1213, %min3A_1214 : vector<512x512xf32>
      %max3A_1216 = vector.broadcast %slice3A_503 : vector<512x1xf32> to vector<512x512xf32>
      %max3A_1217 = vector.broadcast %slice3A_1201 : vector<1x512xf32> to vector<512x512xf32>
      %max3A_1218 = arith.maximumf %max3A_1216, %max3A_1217 : vector<512x512xf32>
      %sub3A_1219 = arith.subf %min3A_1215, %max3A_1218 : vector<512x512xf32>
      %max3A_1220 = arith.constant 0.000000e+00 : f32
      %max3A_1221 = vector.broadcast %max3A_1220 : f32 to vector<512x512xf32>
      %max3A_1222 = arith.maximumf %sub3A_1219, %max3A_1221 : vector<512x512xf32>
      %min3A_1223 = vector.broadcast %slice3A_506 : vector<512x1xf32> to vector<512x512xf32>
      %min3A_1224 = vector.broadcast %slice3A_1204 : vector<1x512xf32> to vector<512x512xf32>
      %min3A_1225 = arith.minimumf %min3A_1223, %min3A_1224 : vector<512x512xf32>
      %max3A_1226 = vector.broadcast %slice3A_504 : vector<512x1xf32> to vector<512x512xf32>
      %max3A_1227 = vector.broadcast %slice3A_1202 : vector<1x512xf32> to vector<512x512xf32>
      %max3A_1228 = arith.maximumf %max3A_1226, %max3A_1227 : vector<512x512xf32>
      %sub3A_1229 = arith.subf %min3A_1225, %max3A_1228 : vector<512x512xf32>
      %max3A_1230 = arith.constant 0.000000e+00 : f32
      %max3A_1231 = vector.broadcast %max3A_1230 : f32 to vector<512x512xf32>
      %max3A_1232 = arith.maximumf %sub3A_1229, %max3A_1231 : vector<512x512xf32>
      %mul3A_1233 = arith.mulf %max3A_1222, %max3A_1232 : vector<512x512xf32>
      %add3A_1234 = vector.broadcast %mul3A_513 : vector<512x1xf32> to vector<512x512xf32>
      %add3A_1235 = vector.broadcast %mul3A_1211 : vector<1x512xf32> to vector<512x512xf32>
      %add3A_1236 = arith.addf %add3A_1234, %add3A_1235 : vector<512x512xf32>
      %sub3A_1237 = arith.subf %add3A_1236, %mul3A_1233 : vector<512x512xf32>
      %add3A_1238 = arith.constant 9.99999996E-13 : f32
      %add3A_1239 = vector.broadcast %add3A_1238 : f32 to vector<512x512xf32>
      %add3A_1240 = arith.addf %sub3A_1237, %add3A_1239 : vector<512x512xf32>
      %div3A_1241 = arith.divf %mul3A_1233, %add3A_1240 : vector<512x512xf32>
      %gt3A_1242 = arith.constant 8.000000e-01 : f32
      %gt3A_1243 = vector.broadcast %gt3A_1242 : f32 to vector<512x512xf32>
      %gt3A_1244 = arith.cmpf ogt, %div3A_1241, %gt3A_1243 : vector<512x512xf32>
      %eq3A_1245 = vector.broadcast %slice3A_514 : vector<512x1xf32> to vector<512x512xf32>
      %eq3A_1246 = vector.broadcast %slice3A_1212 : vector<1x512xf32> to vector<512x512xf32>
      %eq3A_1247 = arith.cmpf oeq, %eq3A_1245, %eq3A_1246 : vector<512x512xf32>
      %and3A_1248 = arith.andi %gt3A_1244, %eq3A_1247 : vector<512x512xi1>
      %convert_element_type3A_1249 = arith.extui %and3A_1248 : vector<512x512xi1> to vector<512x512xi32>
      %convert_element_type3A_1250 = arith.sitofp %convert_element_type3A_1249 : vector<512x512xi32> to vector<512x512xf32>
      %get3A_1251 = arith.constant 0 : index
      %get3A_1252 = arith.constant 0 : index
      %get3A_1253 = vector.load %arg4[%get3A_1251, %get3A_1252] : memref<512x1xf32, #tpu.memory_space<vmem>>, vector<512x1xf32>
      %dot_general3A = arith.constant dense<0.000000e+00> : vector<512x1xf32>
      %dot_general3A_1254 = tpu.matmul %convert_element_type3A_1250, %while3A_499#0, %dot_general3A {dimension_numbers = #tpu.dot_dimension_numbers<[1], [0], [0], [1], [0, 0, 1, 1], [], []>, transpose_lhs_hint = false} : vector<512x512xf32>, vector<512x1xf32>, vector<512x1xf32> -> vector<512x1xf32>
      %add3A_1255 = arith.addf %get3A_1253, %dot_general3A_1254 : vector<512x1xf32>
      %swap3A_1256 = arith.constant 0 : index
      %swap3A_1257 = arith.constant 0 : index
      %swap3A_1258 = vector.load %arg4[%swap3A_1256, %swap3A_1257] : memref<512x1xf32, #tpu.memory_space<vmem>>, vector<512x1xf32>
      tpu.vector_store %arg4[%swap3A_1256, %swap3A_1257], %add3A_1255 {strides = array<i32>} : memref<512x1xf32, #tpu.memory_space<vmem>>, vector<512x1xf32>,
    } else {
    }
    %get3A_555 = arith.constant 0 : index
    %get3A_556 = arith.constant 0 : index
    %get3A_557 = vector.load %arg4[%get3A_555, %get3A_556] : memref<512x1xf32, #tpu.memory_space<vmem>>, vector<512x1xf32>
    %get3A_558 = arith.constant 0 : index
    %get3A_559 = arith.constant 2560 : index
    %get3A_560 = vector.load %arg1[%get3A_558, %get3A_559] : memref<8x5120xf32, #tpu.memory_space<vmem>>, vector<8x512xf32>
    %slice3A_561 = vector.extract_strided_slice %get3A_560 {offsets = [0, 0], sizes = [1, 512], strides = [1, 1]} : vector<8x512xf32> to vector<1x512xf32>
    %slice3A_562 = vector.extract_strided_slice %get3A_560 {offsets = [1, 0], sizes = [1, 512], strides = [1, 1]} : vector<8x512xf32> to vector<1x512xf32>
    %slice3A_563 = vector.extract_strided_slice %get3A_560 {offsets = [2, 0], sizes = [1, 512], strides = [1, 1]} : vector<8x512xf32> to vector<1x512xf32>
    %slice3A_564 = vector.extract_strided_slice %get3A_560 {offsets = [3, 0], sizes = [1, 512], strides = [1, 1]} : vector<8x512xf32> to vector<1x512xf32>
    %slice3A_565 = vector.extract_strided_slice %get3A_560 {offsets = [2, 0], sizes = [1, 512], strides = [1, 1]} : vector<8x512xf32> to vector<1x512xf32>
    %slice3A_566 = vector.extract_strided_slice %get3A_560 {offsets = [0, 0], sizes = [1, 512], strides = [1, 1]} : vector<8x512xf32> to vector<1x512xf32>
    %sub3A_567 = arith.subf %slice3A_565, %slice3A_566 : vector<1x512xf32>
    %slice3A_568 = vector.extract_strided_slice %get3A_560 {offsets = [3, 0], sizes = [1, 512], strides = [1, 1]} : vector<8x512xf32> to vector<1x512xf32>
    %slice3A_569 = vector.extract_strided_slice %get3A_560 {offsets = [1, 0], sizes = [1, 512], strides = [1, 1]} : vector<8x512xf32> to vector<1x512xf32>
    %sub3A_570 = arith.subf %slice3A_568, %slice3A_569 : vector<1x512xf32>
    %mul3A_571 = arith.mulf %sub3A_567, %sub3A_570 : vector<1x512xf32>
    %slice3A_572 = vector.extract_strided_slice %get3A_560 {offsets = [4, 0], sizes = [1, 512], strides = [1, 1]} : vector<8x512xf32> to vector<1x512xf32>
    %iota3A_573 = tpu.iota {dimensions = array<i32: 0>} : vector<512x512xi32>
    %iota3A_574 = tpu.iota {dimensions = array<i32: 1>} : vector<512x512xi32>
    %gt3A_575 = arith.cmpi sgt, %iota3A_573, %iota3A_574 : vector<512x512xi32>
    %min3A_576 = vector.broadcast %slice3A_505 : vector<512x1xf32> to vector<512x512xf32>
    %min3A_577 = vector.broadcast %slice3A_563 : vector<1x512xf32> to vector<512x512xf32>
    %min3A_578 = arith.minimumf %min3A_576, %min3A_577 : vector<512x512xf32>
    %max3A_579 = vector.broadcast %slice3A_503 : vector<512x1xf32> to vector<512x512xf32>
    %max3A_580 = vector.broadcast %slice3A_561 : vector<1x512xf32> to vector<512x512xf32>
    %max3A_581 = arith.maximumf %max3A_579, %max3A_580 : vector<512x512xf32>
    %sub3A_582 = arith.subf %min3A_578, %max3A_581 : vector<512x512xf32>
    %max3A_583 = arith.constant 0.000000e+00 : f32
    %max3A_584 = vector.broadcast %max3A_583 : f32 to vector<512x512xf32>
    %max3A_585 = arith.maximumf %sub3A_582, %max3A_584 : vector<512x512xf32>
    %min3A_586 = vector.broadcast %slice3A_506 : vector<512x1xf32> to vector<512x512xf32>
    %min3A_587 = vector.broadcast %slice3A_564 : vector<1x512xf32> to vector<512x512xf32>
    %min3A_588 = arith.minimumf %min3A_586, %min3A_587 : vector<512x512xf32>
    %max3A_589 = vector.broadcast %slice3A_504 : vector<512x1xf32> to vector<512x512xf32>
    %max3A_590 = vector.broadcast %slice3A_562 : vector<1x512xf32> to vector<512x512xf32>
    %max3A_591 = arith.maximumf %max3A_589, %max3A_590 : vector<512x512xf32>
    %sub3A_592 = arith.subf %min3A_588, %max3A_591 : vector<512x512xf32>
    %max3A_593 = arith.constant 0.000000e+00 : f32
    %max3A_594 = vector.broadcast %max3A_593 : f32 to vector<512x512xf32>
    %max3A_595 = arith.maximumf %sub3A_592, %max3A_594 : vector<512x512xf32>
    %mul3A_596 = arith.mulf %max3A_585, %max3A_595 : vector<512x512xf32>
    %add3A_597 = vector.broadcast %mul3A_513 : vector<512x1xf32> to vector<512x512xf32>
    %add3A_598 = vector.broadcast %mul3A_571 : vector<1x512xf32> to vector<512x512xf32>
    %add3A_599 = arith.addf %add3A_597, %add3A_598 : vector<512x512xf32>
    %sub3A_600 = arith.subf %add3A_599, %mul3A_596 : vector<512x512xf32>
    %add3A_601 = arith.constant 9.99999996E-13 : f32
    %add3A_602 = vector.broadcast %add3A_601 : f32 to vector<512x512xf32>
    %add3A_603 = arith.addf %sub3A_600, %add3A_602 : vector<512x512xf32>
    %div3A_604 = arith.divf %mul3A_596, %add3A_603 : vector<512x512xf32>
    %gt3A_605 = arith.constant 8.000000e-01 : f32
    %gt3A_606 = vector.broadcast %gt3A_605 : f32 to vector<512x512xf32>
    %gt3A_607 = arith.cmpf ogt, %div3A_604, %gt3A_606 : vector<512x512xf32>
    %eq3A_608 = vector.broadcast %slice3A_514 : vector<512x1xf32> to vector<512x512xf32>
    %eq3A_609 = vector.broadcast %slice3A_572 : vector<1x512xf32> to vector<512x512xf32>
    %eq3A_610 = arith.cmpf oeq, %eq3A_608, %eq3A_609 : vector<512x512xf32>
    %and3A_611 = arith.andi %gt3A_607, %eq3A_610 : vector<512x512xi1>
    %and3A_612 = arith.andi %and3A_611, %gt3A_575 : vector<512x512xi1>
    %convert_element_type3A_613 = arith.extui %and3A_612 : vector<512x512xi1> to vector<512x512xi32>
    %convert_element_type3A_614 = arith.sitofp %convert_element_type3A_613 : vector<512x512xi32> to vector<512x512xf32>
    %gt3A_615 = arith.constant 0.000000e+00 : f32
    %gt3A_616 = vector.broadcast %gt3A_615 : f32 to vector<512x1xf32>
    %gt3A_617 = arith.cmpf ogt, %get3A_557, %gt3A_616 : vector<512x1xf32>
    %jit3A_618 = arith.constant 0.000000e+00 : f32
    %jit3A_619 = arith.constant 1.000000e+00 : f32
    %broadcast_in_dim3A_620 = vector.broadcast %jit3A_618 : f32 to vector<512x1xf32>
    %broadcast_in_dim3A_621 = vector.broadcast %jit3A_619 : f32 to vector<512x1xf32>
    %select_n3A_622 = arith.select %gt3A_617, %broadcast_in_dim3A_620, %broadcast_in_dim3A_621 : vector<512x1xi1>, vector<512x1xf32>
    %while3A_623 = arith.constant true
    %while3A_624:2 = scf.while (%while3A_1198 = %select_n3A_622, %while3A_1199 = %while3A_623) : (vector<512x1xf32>, i1) -> (vector<512x1xf32>, i1) {
      scf.condition(%while3A_1199) %while3A_1198, %while3A_1199 : vector<512x1xf32>, i1
    } do {
    ^bb0(%while3A_1198: vector<512x1xf32>, %while3A_1199: i1):
      %dot_general3A = arith.constant dense<0.000000e+00> : vector<512x1xf32>
      %dot_general3A_1200 = tpu.matmul %convert_element_type3A_614, %while3A_1198, %dot_general3A {dimension_numbers = #tpu.dot_dimension_numbers<[1], [0], [0], [1], [0, 0, 1, 1], [], []>, transpose_lhs_hint = false} : vector<512x512xf32>, vector<512x1xf32>, vector<512x1xf32> -> vector<512x1xf32>
      %gt3A_1201 = arith.constant 0.000000e+00 : f32
      %gt3A_1202 = vector.broadcast %gt3A_1201 : f32 to vector<512x1xf32>
      %gt3A_1203 = arith.cmpf ogt, %dot_general3A_1200, %gt3A_1202 : vector<512x1xf32>
      %jit3A_1204 = arith.constant 0.000000e+00 : f32
      %broadcast_in_dim3A_1205 = vector.broadcast %jit3A_1204 : f32 to vector<512x1xf32>
      %select_n3A_1206 = arith.select %gt3A_1203, %broadcast_in_dim3A_1205, %select_n3A_622 : vector<512x1xi1>, vector<512x1xf32>
      %ne3A_1207 = arith.cmpf one, %select_n3A_1206, %while3A_1198 : vector<512x1xf32>
      %reduce_or3A = arith.constant 1.000000e+00 : f32
      %reduce_or3A_1208 = arith.constant 0.000000e+00 : f32
      %reduce_or3A_1209 = vector.broadcast %reduce_or3A : f32 to vector<512x1xf32>
      %reduce_or3A_1210 = vector.broadcast %reduce_or3A_1208 : f32 to vector<512x1xf32>
      %reduce_or3A_1211 = arith.select %ne3A_1207, %reduce_or3A_1209, %reduce_or3A_1210 : vector<512x1xi1>, vector<512x1xf32>
      %reduce_or3A_1212 = vector.shape_cast %reduce_or3A_1211 : vector<512x1xf32> to vector<1x512x1xf32>
      %reduce_or3A_1213 = arith.constant dense<0xFF800000> : vector<1xf32>
      %reduce_or3A_1214 = vector.multi_reduction <maximumf>, %reduce_or3A_1212, %reduce_or3A_1213 [1, 2] : vector<1x512x1xf32> to vector<1xf32>
      %reduce_or3A_1215 = vector.shape_cast %reduce_or3A_1214 : vector<1xf32> to vector<1x1x1xf32>
      %reduce_or3A_1216 = vector.extract %reduce_or3A_1215[0, 0, 0] : f32 from vector<1x1x1xf32>
      %reduce_or3A_1217 = arith.constant 0.000000e+00 : f32
      %reduce_or3A_1218 = arith.cmpf ogt, %reduce_or3A_1216, %reduce_or3A_1217 : f32
      scf.yield %select_n3A_1206, %reduce_or3A_1218 : vector<512x1xf32>, i1
    }
    %get3A_625 = arith.constant 3072 : index
    %get3A_626 = arith.constant 0 : index
    %get3A_627 = vector.load %arg0[%get3A_625, %get3A_626] : memref<5120x8xf32, #tpu.memory_space<vmem>>, vector<512x8xf32>
    %slice3A_628 = vector.extract_strided_slice %get3A_627 {offsets = [0, 0], sizes = [512, 1], strides = [1, 1]} : vector<512x8xf32> to vector<512x1xf32>
    %slice3A_629 = vector.extract_strided_slice %get3A_627 {offsets = [0, 1], sizes = [512, 1], strides = [1, 1]} : vector<512x8xf32> to vector<512x1xf32>
    %slice3A_630 = vector.extract_strided_slice %get3A_627 {offsets = [0, 2], sizes = [512, 1], strides = [1, 1]} : vector<512x8xf32> to vector<512x1xf32>
    %slice3A_631 = vector.extract_strided_slice %get3A_627 {offsets = [0, 3], sizes = [512, 1], strides = [1, 1]} : vector<512x8xf32> to vector<512x1xf32>
    %slice3A_632 = vector.extract_strided_slice %get3A_627 {offsets = [0, 2], sizes = [512, 1], strides = [1, 1]} : vector<512x8xf32> to vector<512x1xf32>
    %slice3A_633 = vector.extract_strided_slice %get3A_627 {offsets = [0, 0], sizes = [512, 1], strides = [1, 1]} : vector<512x8xf32> to vector<512x1xf32>
    %sub3A_634 = arith.subf %slice3A_632, %slice3A_633 : vector<512x1xf32>
    %slice3A_635 = vector.extract_strided_slice %get3A_627 {offsets = [0, 3], sizes = [512, 1], strides = [1, 1]} : vector<512x8xf32> to vector<512x1xf32>
    %slice3A_636 = vector.extract_strided_slice %get3A_627 {offsets = [0, 1], sizes = [512, 1], strides = [1, 1]} : vector<512x8xf32> to vector<512x1xf32>
    %sub3A_637 = arith.subf %slice3A_635, %slice3A_636 : vector<512x1xf32>
    %mul3A_638 = arith.mulf %sub3A_634, %sub3A_637 : vector<512x1xf32>
    %slice3A_639 = vector.extract_strided_slice %get3A_627 {offsets = [0, 4], sizes = [512, 1], strides = [1, 1]} : vector<512x8xf32> to vector<512x1xf32>
    %broadcast_in_dim3A_640 = arith.constant 0.000000e+00 : f32
    %broadcast_in_dim3A_641 = vector.broadcast %broadcast_in_dim3A_640 : f32 to vector<512x1xf32>
    %swap3A_642 = arith.constant 0 : index
    %swap3A_643 = arith.constant 0 : index
    %swap3A_644 = vector.load %arg4[%swap3A_642, %swap3A_643] : memref<512x1xf32, #tpu.memory_space<vmem>>, vector<512x1xf32>
    tpu.vector_store %arg4[%swap3A_642, %swap3A_643], %broadcast_in_dim3A_641 {strides = array<i32>} : memref<512x1xf32, #tpu.memory_space<vmem>>, vector<512x1xf32>,
    %get3A_645 = arith.constant 60 : index
    %get3A_646 = memref.load %arg2[%get3A_645] : memref<100xi32, #tpu.memory_space<smem>>
    %ne3A_647 = arith.constant 0 : i32
    %ne3A_648 = arith.cmpi ne, %get3A_646, %ne3A_647 : i32
    %convert_element_type3A_649 = arith.extui %ne3A_648 : i1 to i32
    %cond3A_650 = arith.constant 0 : i32
    %cond3A_651 = arith.cmpi ne, %convert_element_type3A_649, %cond3A_650 : i32
    scf.if %cond3A_651 {
      %get3A_1198 = arith.constant 0 : index
      %get3A_1199 = arith.constant 0 : index
      %get3A_1200 = vector.load %arg1[%get3A_1198, %get3A_1199] : memref<8x5120xf32, #tpu.memory_space<vmem>>, vector<8x512xf32>
      %slice3A_1201 = vector.extract_strided_slice %get3A_1200 {offsets = [0, 0], sizes = [1, 512], strides = [1, 1]} : vector<8x512xf32> to vector<1x512xf32>
      %slice3A_1202 = vector.extract_strided_slice %get3A_1200 {offsets = [1, 0], sizes = [1, 512], strides = [1, 1]} : vector<8x512xf32> to vector<1x512xf32>
      %slice3A_1203 = vector.extract_strided_slice %get3A_1200 {offsets = [2, 0], sizes = [1, 512], strides = [1, 1]} : vector<8x512xf32> to vector<1x512xf32>
      %slice3A_1204 = vector.extract_strided_slice %get3A_1200 {offsets = [3, 0], sizes = [1, 512], strides = [1, 1]} : vector<8x512xf32> to vector<1x512xf32>
      %slice3A_1205 = vector.extract_strided_slice %get3A_1200 {offsets = [2, 0], sizes = [1, 512], strides = [1, 1]} : vector<8x512xf32> to vector<1x512xf32>
      %slice3A_1206 = vector.extract_strided_slice %get3A_1200 {offsets = [0, 0], sizes = [1, 512], strides = [1, 1]} : vector<8x512xf32> to vector<1x512xf32>
      %sub3A_1207 = arith.subf %slice3A_1205, %slice3A_1206 : vector<1x512xf32>
      %slice3A_1208 = vector.extract_strided_slice %get3A_1200 {offsets = [3, 0], sizes = [1, 512], strides = [1, 1]} : vector<8x512xf32> to vector<1x512xf32>
      %slice3A_1209 = vector.extract_strided_slice %get3A_1200 {offsets = [1, 0], sizes = [1, 512], strides = [1, 1]} : vector<8x512xf32> to vector<1x512xf32>
      %sub3A_1210 = arith.subf %slice3A_1208, %slice3A_1209 : vector<1x512xf32>
      %mul3A_1211 = arith.mulf %sub3A_1207, %sub3A_1210 : vector<1x512xf32>
      %slice3A_1212 = vector.extract_strided_slice %get3A_1200 {offsets = [4, 0], sizes = [1, 512], strides = [1, 1]} : vector<8x512xf32> to vector<1x512xf32>
      %min3A_1213 = vector.broadcast %slice3A_630 : vector<512x1xf32> to vector<512x512xf32>
      %min3A_1214 = vector.broadcast %slice3A_1203 : vector<1x512xf32> to vector<512x512xf32>
      %min3A_1215 = arith.minimumf %min3A_1213, %min3A_1214 : vector<512x512xf32>
      %max3A_1216 = vector.broadcast %slice3A_628 : vector<512x1xf32> to vector<512x512xf32>
      %max3A_1217 = vector.broadcast %slice3A_1201 : vector<1x512xf32> to vector<512x512xf32>
      %max3A_1218 = arith.maximumf %max3A_1216, %max3A_1217 : vector<512x512xf32>
      %sub3A_1219 = arith.subf %min3A_1215, %max3A_1218 : vector<512x512xf32>
      %max3A_1220 = arith.constant 0.000000e+00 : f32
      %max3A_1221 = vector.broadcast %max3A_1220 : f32 to vector<512x512xf32>
      %max3A_1222 = arith.maximumf %sub3A_1219, %max3A_1221 : vector<512x512xf32>
      %min3A_1223 = vector.broadcast %slice3A_631 : vector<512x1xf32> to vector<512x512xf32>
      %min3A_1224 = vector.broadcast %slice3A_1204 : vector<1x512xf32> to vector<512x512xf32>
      %min3A_1225 = arith.minimumf %min3A_1223, %min3A_1224 : vector<512x512xf32>
      %max3A_1226 = vector.broadcast %slice3A_629 : vector<512x1xf32> to vector<512x512xf32>
      %max3A_1227 = vector.broadcast %slice3A_1202 : vector<1x512xf32> to vector<512x512xf32>
      %max3A_1228 = arith.maximumf %max3A_1226, %max3A_1227 : vector<512x512xf32>
      %sub3A_1229 = arith.subf %min3A_1225, %max3A_1228 : vector<512x512xf32>
      %max3A_1230 = arith.constant 0.000000e+00 : f32
      %max3A_1231 = vector.broadcast %max3A_1230 : f32 to vector<512x512xf32>
      %max3A_1232 = arith.maximumf %sub3A_1229, %max3A_1231 : vector<512x512xf32>
      %mul3A_1233 = arith.mulf %max3A_1222, %max3A_1232 : vector<512x512xf32>
      %add3A_1234 = vector.broadcast %mul3A_638 : vector<512x1xf32> to vector<512x512xf32>
      %add3A_1235 = vector.broadcast %mul3A_1211 : vector<1x512xf32> to vector<512x512xf32>
      %add3A_1236 = arith.addf %add3A_1234, %add3A_1235 : vector<512x512xf32>
      %sub3A_1237 = arith.subf %add3A_1236, %mul3A_1233 : vector<512x512xf32>
      %add3A_1238 = arith.constant 9.99999996E-13 : f32
      %add3A_1239 = vector.broadcast %add3A_1238 : f32 to vector<512x512xf32>
      %add3A_1240 = arith.addf %sub3A_1237, %add3A_1239 : vector<512x512xf32>
      %div3A_1241 = arith.divf %mul3A_1233, %add3A_1240 : vector<512x512xf32>
      %gt3A_1242 = arith.constant 8.000000e-01 : f32
      %gt3A_1243 = vector.broadcast %gt3A_1242 : f32 to vector<512x512xf32>
      %gt3A_1244 = arith.cmpf ogt, %div3A_1241, %gt3A_1243 : vector<512x512xf32>
      %eq3A_1245 = vector.broadcast %slice3A_639 : vector<512x1xf32> to vector<512x512xf32>
      %eq3A_1246 = vector.broadcast %slice3A_1212 : vector<1x512xf32> to vector<512x512xf32>
      %eq3A_1247 = arith.cmpf oeq, %eq3A_1245, %eq3A_1246 : vector<512x512xf32>
      %and3A_1248 = arith.andi %gt3A_1244, %eq3A_1247 : vector<512x512xi1>
      %convert_element_type3A_1249 = arith.extui %and3A_1248 : vector<512x512xi1> to vector<512x512xi32>
      %convert_element_type3A_1250 = arith.sitofp %convert_element_type3A_1249 : vector<512x512xi32> to vector<512x512xf32>
      %get3A_1251 = arith.constant 0 : index
      %get3A_1252 = arith.constant 0 : index
      %get3A_1253 = vector.load %arg4[%get3A_1251, %get3A_1252] : memref<512x1xf32, #tpu.memory_space<vmem>>, vector<512x1xf32>
      %dot_general3A = arith.constant dense<0.000000e+00> : vector<512x1xf32>
      %dot_general3A_1254 = tpu.matmul %convert_element_type3A_1250, %while3A_71#0, %dot_general3A {dimension_numbers = #tpu.dot_dimension_numbers<[1], [0], [0], [1], [0, 0, 1, 1], [], []>, transpose_lhs_hint = false} : vector<512x512xf32>, vector<512x1xf32>, vector<512x1xf32> -> vector<512x1xf32>
      %add3A_1255 = arith.addf %get3A_1253, %dot_general3A_1254 : vector<512x1xf32>
      %swap3A_1256 = arith.constant 0 : index
      %swap3A_1257 = arith.constant 0 : index
      %swap3A_1258 = vector.load %arg4[%swap3A_1256, %swap3A_1257] : memref<512x1xf32, #tpu.memory_space<vmem>>, vector<512x1xf32>
      tpu.vector_store %arg4[%swap3A_1256, %swap3A_1257], %add3A_1255 {strides = array<i32>} : memref<512x1xf32, #tpu.memory_space<vmem>>, vector<512x1xf32>,
    } else {
    }
    %get3A_652 = arith.constant 61 : index
    %get3A_653 = memref.load %arg2[%get3A_652] : memref<100xi32, #tpu.memory_space<smem>>
    %ne3A_654 = arith.constant 0 : i32
    %ne3A_655 = arith.cmpi ne, %get3A_653, %ne3A_654 : i32
    %convert_element_type3A_656 = arith.extui %ne3A_655 : i1 to i32
    %cond3A_657 = arith.constant 0 : i32
    %cond3A_658 = arith.cmpi ne, %convert_element_type3A_656, %cond3A_657 : i32
    scf.if %cond3A_658 {
      %get3A_1198 = arith.constant 0 : index
      %get3A_1199 = arith.constant 512 : index
      %get3A_1200 = vector.load %arg1[%get3A_1198, %get3A_1199] : memref<8x5120xf32, #tpu.memory_space<vmem>>, vector<8x512xf32>
      %slice3A_1201 = vector.extract_strided_slice %get3A_1200 {offsets = [0, 0], sizes = [1, 512], strides = [1, 1]} : vector<8x512xf32> to vector<1x512xf32>
      %slice3A_1202 = vector.extract_strided_slice %get3A_1200 {offsets = [1, 0], sizes = [1, 512], strides = [1, 1]} : vector<8x512xf32> to vector<1x512xf32>
      %slice3A_1203 = vector.extract_strided_slice %get3A_1200 {offsets = [2, 0], sizes = [1, 512], strides = [1, 1]} : vector<8x512xf32> to vector<1x512xf32>
      %slice3A_1204 = vector.extract_strided_slice %get3A_1200 {offsets = [3, 0], sizes = [1, 512], strides = [1, 1]} : vector<8x512xf32> to vector<1x512xf32>
      %slice3A_1205 = vector.extract_strided_slice %get3A_1200 {offsets = [2, 0], sizes = [1, 512], strides = [1, 1]} : vector<8x512xf32> to vector<1x512xf32>
      %slice3A_1206 = vector.extract_strided_slice %get3A_1200 {offsets = [0, 0], sizes = [1, 512], strides = [1, 1]} : vector<8x512xf32> to vector<1x512xf32>
      %sub3A_1207 = arith.subf %slice3A_1205, %slice3A_1206 : vector<1x512xf32>
      %slice3A_1208 = vector.extract_strided_slice %get3A_1200 {offsets = [3, 0], sizes = [1, 512], strides = [1, 1]} : vector<8x512xf32> to vector<1x512xf32>
      %slice3A_1209 = vector.extract_strided_slice %get3A_1200 {offsets = [1, 0], sizes = [1, 512], strides = [1, 1]} : vector<8x512xf32> to vector<1x512xf32>
      %sub3A_1210 = arith.subf %slice3A_1208, %slice3A_1209 : vector<1x512xf32>
      %mul3A_1211 = arith.mulf %sub3A_1207, %sub3A_1210 : vector<1x512xf32>
      %slice3A_1212 = vector.extract_strided_slice %get3A_1200 {offsets = [4, 0], sizes = [1, 512], strides = [1, 1]} : vector<8x512xf32> to vector<1x512xf32>
      %min3A_1213 = vector.broadcast %slice3A_630 : vector<512x1xf32> to vector<512x512xf32>
      %min3A_1214 = vector.broadcast %slice3A_1203 : vector<1x512xf32> to vector<512x512xf32>
      %min3A_1215 = arith.minimumf %min3A_1213, %min3A_1214 : vector<512x512xf32>
      %max3A_1216 = vector.broadcast %slice3A_628 : vector<512x1xf32> to vector<512x512xf32>
      %max3A_1217 = vector.broadcast %slice3A_1201 : vector<1x512xf32> to vector<512x512xf32>
      %max3A_1218 = arith.maximumf %max3A_1216, %max3A_1217 : vector<512x512xf32>
      %sub3A_1219 = arith.subf %min3A_1215, %max3A_1218 : vector<512x512xf32>
      %max3A_1220 = arith.constant 0.000000e+00 : f32
      %max3A_1221 = vector.broadcast %max3A_1220 : f32 to vector<512x512xf32>
      %max3A_1222 = arith.maximumf %sub3A_1219, %max3A_1221 : vector<512x512xf32>
      %min3A_1223 = vector.broadcast %slice3A_631 : vector<512x1xf32> to vector<512x512xf32>
      %min3A_1224 = vector.broadcast %slice3A_1204 : vector<1x512xf32> to vector<512x512xf32>
      %min3A_1225 = arith.minimumf %min3A_1223, %min3A_1224 : vector<512x512xf32>
      %max3A_1226 = vector.broadcast %slice3A_629 : vector<512x1xf32> to vector<512x512xf32>
      %max3A_1227 = vector.broadcast %slice3A_1202 : vector<1x512xf32> to vector<512x512xf32>
      %max3A_1228 = arith.maximumf %max3A_1226, %max3A_1227 : vector<512x512xf32>
      %sub3A_1229 = arith.subf %min3A_1225, %max3A_1228 : vector<512x512xf32>
      %max3A_1230 = arith.constant 0.000000e+00 : f32
      %max3A_1231 = vector.broadcast %max3A_1230 : f32 to vector<512x512xf32>
      %max3A_1232 = arith.maximumf %sub3A_1229, %max3A_1231 : vector<512x512xf32>
      %mul3A_1233 = arith.mulf %max3A_1222, %max3A_1232 : vector<512x512xf32>
      %add3A_1234 = vector.broadcast %mul3A_638 : vector<512x1xf32> to vector<512x512xf32>
      %add3A_1235 = vector.broadcast %mul3A_1211 : vector<1x512xf32> to vector<512x512xf32>
      %add3A_1236 = arith.addf %add3A_1234, %add3A_1235 : vector<512x512xf32>
      %sub3A_1237 = arith.subf %add3A_1236, %mul3A_1233 : vector<512x512xf32>
      %add3A_1238 = arith.constant 9.99999996E-13 : f32
      %add3A_1239 = vector.broadcast %add3A_1238 : f32 to vector<512x512xf32>
      %add3A_1240 = arith.addf %sub3A_1237, %add3A_1239 : vector<512x512xf32>
      %div3A_1241 = arith.divf %mul3A_1233, %add3A_1240 : vector<512x512xf32>
      %gt3A_1242 = arith.constant 8.000000e-01 : f32
      %gt3A_1243 = vector.broadcast %gt3A_1242 : f32 to vector<512x512xf32>
      %gt3A_1244 = arith.cmpf ogt, %div3A_1241, %gt3A_1243 : vector<512x512xf32>
      %eq3A_1245 = vector.broadcast %slice3A_639 : vector<512x1xf32> to vector<512x512xf32>
      %eq3A_1246 = vector.broadcast %slice3A_1212 : vector<1x512xf32> to vector<512x512xf32>
      %eq3A_1247 = arith.cmpf oeq, %eq3A_1245, %eq3A_1246 : vector<512x512xf32>
      %and3A_1248 = arith.andi %gt3A_1244, %eq3A_1247 : vector<512x512xi1>
      %convert_element_type3A_1249 = arith.extui %and3A_1248 : vector<512x512xi1> to vector<512x512xi32>
      %convert_element_type3A_1250 = arith.sitofp %convert_element_type3A_1249 : vector<512x512xi32> to vector<512x512xf32>
      %get3A_1251 = arith.constant 0 : index
      %get3A_1252 = arith.constant 0 : index
      %get3A_1253 = vector.load %arg4[%get3A_1251, %get3A_1252] : memref<512x1xf32, #tpu.memory_space<vmem>>, vector<512x1xf32>
      %dot_general3A = arith.constant dense<0.000000e+00> : vector<512x1xf32>
      %dot_general3A_1254 = tpu.matmul %convert_element_type3A_1250, %while3A_166#0, %dot_general3A {dimension_numbers = #tpu.dot_dimension_numbers<[1], [0], [0], [1], [0, 0, 1, 1], [], []>, transpose_lhs_hint = false} : vector<512x512xf32>, vector<512x1xf32>, vector<512x1xf32> -> vector<512x1xf32>
      %add3A_1255 = arith.addf %get3A_1253, %dot_general3A_1254 : vector<512x1xf32>
      %swap3A_1256 = arith.constant 0 : index
      %swap3A_1257 = arith.constant 0 : index
      %swap3A_1258 = vector.load %arg4[%swap3A_1256, %swap3A_1257] : memref<512x1xf32, #tpu.memory_space<vmem>>, vector<512x1xf32>
      tpu.vector_store %arg4[%swap3A_1256, %swap3A_1257], %add3A_1255 {strides = array<i32>} : memref<512x1xf32, #tpu.memory_space<vmem>>, vector<512x1xf32>,
    } else {
    }
    %get3A_659 = arith.constant 62 : index
    %get3A_660 = memref.load %arg2[%get3A_659] : memref<100xi32, #tpu.memory_space<smem>>
    %ne3A_661 = arith.constant 0 : i32
    %ne3A_662 = arith.cmpi ne, %get3A_660, %ne3A_661 : i32
    %convert_element_type3A_663 = arith.extui %ne3A_662 : i1 to i32
    %cond3A_664 = arith.constant 0 : i32
    %cond3A_665 = arith.cmpi ne, %convert_element_type3A_663, %cond3A_664 : i32
    scf.if %cond3A_665 {
      %get3A_1198 = arith.constant 0 : index
      %get3A_1199 = arith.constant 1024 : index
      %get3A_1200 = vector.load %arg1[%get3A_1198, %get3A_1199] : memref<8x5120xf32, #tpu.memory_space<vmem>>, vector<8x512xf32>
      %slice3A_1201 = vector.extract_strided_slice %get3A_1200 {offsets = [0, 0], sizes = [1, 512], strides = [1, 1]} : vector<8x512xf32> to vector<1x512xf32>
      %slice3A_1202 = vector.extract_strided_slice %get3A_1200 {offsets = [1, 0], sizes = [1, 512], strides = [1, 1]} : vector<8x512xf32> to vector<1x512xf32>
      %slice3A_1203 = vector.extract_strided_slice %get3A_1200 {offsets = [2, 0], sizes = [1, 512], strides = [1, 1]} : vector<8x512xf32> to vector<1x512xf32>
      %slice3A_1204 = vector.extract_strided_slice %get3A_1200 {offsets = [3, 0], sizes = [1, 512], strides = [1, 1]} : vector<8x512xf32> to vector<1x512xf32>
      %slice3A_1205 = vector.extract_strided_slice %get3A_1200 {offsets = [2, 0], sizes = [1, 512], strides = [1, 1]} : vector<8x512xf32> to vector<1x512xf32>
      %slice3A_1206 = vector.extract_strided_slice %get3A_1200 {offsets = [0, 0], sizes = [1, 512], strides = [1, 1]} : vector<8x512xf32> to vector<1x512xf32>
      %sub3A_1207 = arith.subf %slice3A_1205, %slice3A_1206 : vector<1x512xf32>
      %slice3A_1208 = vector.extract_strided_slice %get3A_1200 {offsets = [3, 0], sizes = [1, 512], strides = [1, 1]} : vector<8x512xf32> to vector<1x512xf32>
      %slice3A_1209 = vector.extract_strided_slice %get3A_1200 {offsets = [1, 0], sizes = [1, 512], strides = [1, 1]} : vector<8x512xf32> to vector<1x512xf32>
      %sub3A_1210 = arith.subf %slice3A_1208, %slice3A_1209 : vector<1x512xf32>
      %mul3A_1211 = arith.mulf %sub3A_1207, %sub3A_1210 : vector<1x512xf32>
      %slice3A_1212 = vector.extract_strided_slice %get3A_1200 {offsets = [4, 0], sizes = [1, 512], strides = [1, 1]} : vector<8x512xf32> to vector<1x512xf32>
      %min3A_1213 = vector.broadcast %slice3A_630 : vector<512x1xf32> to vector<512x512xf32>
      %min3A_1214 = vector.broadcast %slice3A_1203 : vector<1x512xf32> to vector<512x512xf32>
      %min3A_1215 = arith.minimumf %min3A_1213, %min3A_1214 : vector<512x512xf32>
      %max3A_1216 = vector.broadcast %slice3A_628 : vector<512x1xf32> to vector<512x512xf32>
      %max3A_1217 = vector.broadcast %slice3A_1201 : vector<1x512xf32> to vector<512x512xf32>
      %max3A_1218 = arith.maximumf %max3A_1216, %max3A_1217 : vector<512x512xf32>
      %sub3A_1219 = arith.subf %min3A_1215, %max3A_1218 : vector<512x512xf32>
      %max3A_1220 = arith.constant 0.000000e+00 : f32
      %max3A_1221 = vector.broadcast %max3A_1220 : f32 to vector<512x512xf32>
      %max3A_1222 = arith.maximumf %sub3A_1219, %max3A_1221 : vector<512x512xf32>
      %min3A_1223 = vector.broadcast %slice3A_631 : vector<512x1xf32> to vector<512x512xf32>
      %min3A_1224 = vector.broadcast %slice3A_1204 : vector<1x512xf32> to vector<512x512xf32>
      %min3A_1225 = arith.minimumf %min3A_1223, %min3A_1224 : vector<512x512xf32>
      %max3A_1226 = vector.broadcast %slice3A_629 : vector<512x1xf32> to vector<512x512xf32>
      %max3A_1227 = vector.broadcast %slice3A_1202 : vector<1x512xf32> to vector<512x512xf32>
      %max3A_1228 = arith.maximumf %max3A_1226, %max3A_1227 : vector<512x512xf32>
      %sub3A_1229 = arith.subf %min3A_1225, %max3A_1228 : vector<512x512xf32>
      %max3A_1230 = arith.constant 0.000000e+00 : f32
      %max3A_1231 = vector.broadcast %max3A_1230 : f32 to vector<512x512xf32>
      %max3A_1232 = arith.maximumf %sub3A_1229, %max3A_1231 : vector<512x512xf32>
      %mul3A_1233 = arith.mulf %max3A_1222, %max3A_1232 : vector<512x512xf32>
      %add3A_1234 = vector.broadcast %mul3A_638 : vector<512x1xf32> to vector<512x512xf32>
      %add3A_1235 = vector.broadcast %mul3A_1211 : vector<1x512xf32> to vector<512x512xf32>
      %add3A_1236 = arith.addf %add3A_1234, %add3A_1235 : vector<512x512xf32>
      %sub3A_1237 = arith.subf %add3A_1236, %mul3A_1233 : vector<512x512xf32>
      %add3A_1238 = arith.constant 9.99999996E-13 : f32
      %add3A_1239 = vector.broadcast %add3A_1238 : f32 to vector<512x512xf32>
      %add3A_1240 = arith.addf %sub3A_1237, %add3A_1239 : vector<512x512xf32>
      %div3A_1241 = arith.divf %mul3A_1233, %add3A_1240 : vector<512x512xf32>
      %gt3A_1242 = arith.constant 8.000000e-01 : f32
      %gt3A_1243 = vector.broadcast %gt3A_1242 : f32 to vector<512x512xf32>
      %gt3A_1244 = arith.cmpf ogt, %div3A_1241, %gt3A_1243 : vector<512x512xf32>
      %eq3A_1245 = vector.broadcast %slice3A_639 : vector<512x1xf32> to vector<512x512xf32>
      %eq3A_1246 = vector.broadcast %slice3A_1212 : vector<1x512xf32> to vector<512x512xf32>
      %eq3A_1247 = arith.cmpf oeq, %eq3A_1245, %eq3A_1246 : vector<512x512xf32>
      %and3A_1248 = arith.andi %gt3A_1244, %eq3A_1247 : vector<512x512xi1>
      %convert_element_type3A_1249 = arith.extui %and3A_1248 : vector<512x512xi1> to vector<512x512xi32>
      %convert_element_type3A_1250 = arith.sitofp %convert_element_type3A_1249 : vector<512x512xi32> to vector<512x512xf32>
      %get3A_1251 = arith.constant 0 : index
      %get3A_1252 = arith.constant 0 : index
      %get3A_1253 = vector.load %arg4[%get3A_1251, %get3A_1252] : memref<512x1xf32, #tpu.memory_space<vmem>>, vector<512x1xf32>
      %dot_general3A = arith.constant dense<0.000000e+00> : vector<512x1xf32>
      %dot_general3A_1254 = tpu.matmul %convert_element_type3A_1250, %while3A_270#0, %dot_general3A {dimension_numbers = #tpu.dot_dimension_numbers<[1], [0], [0], [1], [0, 0, 1, 1], [], []>, transpose_lhs_hint = false} : vector<512x512xf32>, vector<512x1xf32>, vector<512x1xf32> -> vector<512x1xf32>
      %add3A_1255 = arith.addf %get3A_1253, %dot_general3A_1254 : vector<512x1xf32>
      %swap3A_1256 = arith.constant 0 : index
      %swap3A_1257 = arith.constant 0 : index
      %swap3A_1258 = vector.load %arg4[%swap3A_1256, %swap3A_1257] : memref<512x1xf32, #tpu.memory_space<vmem>>, vector<512x1xf32>
      tpu.vector_store %arg4[%swap3A_1256, %swap3A_1257], %add3A_1255 {strides = array<i32>} : memref<512x1xf32, #tpu.memory_space<vmem>>, vector<512x1xf32>,
    } else {
    }
    %get3A_666 = arith.constant 63 : index
    %get3A_667 = memref.load %arg2[%get3A_666] : memref<100xi32, #tpu.memory_space<smem>>
    %ne3A_668 = arith.constant 0 : i32
    %ne3A_669 = arith.cmpi ne, %get3A_667, %ne3A_668 : i32
    %convert_element_type3A_670 = arith.extui %ne3A_669 : i1 to i32
    %cond3A_671 = arith.constant 0 : i32
    %cond3A_672 = arith.cmpi ne, %convert_element_type3A_670, %cond3A_671 : i32
    scf.if %cond3A_672 {
      %get3A_1198 = arith.constant 0 : index
      %get3A_1199 = arith.constant 1536 : index
      %get3A_1200 = vector.load %arg1[%get3A_1198, %get3A_1199] : memref<8x5120xf32, #tpu.memory_space<vmem>>, vector<8x512xf32>
      %slice3A_1201 = vector.extract_strided_slice %get3A_1200 {offsets = [0, 0], sizes = [1, 512], strides = [1, 1]} : vector<8x512xf32> to vector<1x512xf32>
      %slice3A_1202 = vector.extract_strided_slice %get3A_1200 {offsets = [1, 0], sizes = [1, 512], strides = [1, 1]} : vector<8x512xf32> to vector<1x512xf32>
      %slice3A_1203 = vector.extract_strided_slice %get3A_1200 {offsets = [2, 0], sizes = [1, 512], strides = [1, 1]} : vector<8x512xf32> to vector<1x512xf32>
      %slice3A_1204 = vector.extract_strided_slice %get3A_1200 {offsets = [3, 0], sizes = [1, 512], strides = [1, 1]} : vector<8x512xf32> to vector<1x512xf32>
      %slice3A_1205 = vector.extract_strided_slice %get3A_1200 {offsets = [2, 0], sizes = [1, 512], strides = [1, 1]} : vector<8x512xf32> to vector<1x512xf32>
      %slice3A_1206 = vector.extract_strided_slice %get3A_1200 {offsets = [0, 0], sizes = [1, 512], strides = [1, 1]} : vector<8x512xf32> to vector<1x512xf32>
      %sub3A_1207 = arith.subf %slice3A_1205, %slice3A_1206 : vector<1x512xf32>
      %slice3A_1208 = vector.extract_strided_slice %get3A_1200 {offsets = [3, 0], sizes = [1, 512], strides = [1, 1]} : vector<8x512xf32> to vector<1x512xf32>
      %slice3A_1209 = vector.extract_strided_slice %get3A_1200 {offsets = [1, 0], sizes = [1, 512], strides = [1, 1]} : vector<8x512xf32> to vector<1x512xf32>
      %sub3A_1210 = arith.subf %slice3A_1208, %slice3A_1209 : vector<1x512xf32>
      %mul3A_1211 = arith.mulf %sub3A_1207, %sub3A_1210 : vector<1x512xf32>
      %slice3A_1212 = vector.extract_strided_slice %get3A_1200 {offsets = [4, 0], sizes = [1, 512], strides = [1, 1]} : vector<8x512xf32> to vector<1x512xf32>
      %min3A_1213 = vector.broadcast %slice3A_630 : vector<512x1xf32> to vector<512x512xf32>
      %min3A_1214 = vector.broadcast %slice3A_1203 : vector<1x512xf32> to vector<512x512xf32>
      %min3A_1215 = arith.minimumf %min3A_1213, %min3A_1214 : vector<512x512xf32>
      %max3A_1216 = vector.broadcast %slice3A_628 : vector<512x1xf32> to vector<512x512xf32>
      %max3A_1217 = vector.broadcast %slice3A_1201 : vector<1x512xf32> to vector<512x512xf32>
      %max3A_1218 = arith.maximumf %max3A_1216, %max3A_1217 : vector<512x512xf32>
      %sub3A_1219 = arith.subf %min3A_1215, %max3A_1218 : vector<512x512xf32>
      %max3A_1220 = arith.constant 0.000000e+00 : f32
      %max3A_1221 = vector.broadcast %max3A_1220 : f32 to vector<512x512xf32>
      %max3A_1222 = arith.maximumf %sub3A_1219, %max3A_1221 : vector<512x512xf32>
      %min3A_1223 = vector.broadcast %slice3A_631 : vector<512x1xf32> to vector<512x512xf32>
      %min3A_1224 = vector.broadcast %slice3A_1204 : vector<1x512xf32> to vector<512x512xf32>
      %min3A_1225 = arith.minimumf %min3A_1223, %min3A_1224 : vector<512x512xf32>
      %max3A_1226 = vector.broadcast %slice3A_629 : vector<512x1xf32> to vector<512x512xf32>
      %max3A_1227 = vector.broadcast %slice3A_1202 : vector<1x512xf32> to vector<512x512xf32>
      %max3A_1228 = arith.maximumf %max3A_1226, %max3A_1227 : vector<512x512xf32>
      %sub3A_1229 = arith.subf %min3A_1225, %max3A_1228 : vector<512x512xf32>
      %max3A_1230 = arith.constant 0.000000e+00 : f32
      %max3A_1231 = vector.broadcast %max3A_1230 : f32 to vector<512x512xf32>
      %max3A_1232 = arith.maximumf %sub3A_1229, %max3A_1231 : vector<512x512xf32>
      %mul3A_1233 = arith.mulf %max3A_1222, %max3A_1232 : vector<512x512xf32>
      %add3A_1234 = vector.broadcast %mul3A_638 : vector<512x1xf32> to vector<512x512xf32>
      %add3A_1235 = vector.broadcast %mul3A_1211 : vector<1x512xf32> to vector<512x512xf32>
      %add3A_1236 = arith.addf %add3A_1234, %add3A_1235 : vector<512x512xf32>
      %sub3A_1237 = arith.subf %add3A_1236, %mul3A_1233 : vector<512x512xf32>
      %add3A_1238 = arith.constant 9.99999996E-13 : f32
      %add3A_1239 = vector.broadcast %add3A_1238 : f32 to vector<512x512xf32>
      %add3A_1240 = arith.addf %sub3A_1237, %add3A_1239 : vector<512x512xf32>
      %div3A_1241 = arith.divf %mul3A_1233, %add3A_1240 : vector<512x512xf32>
      %gt3A_1242 = arith.constant 8.000000e-01 : f32
      %gt3A_1243 = vector.broadcast %gt3A_1242 : f32 to vector<512x512xf32>
      %gt3A_1244 = arith.cmpf ogt, %div3A_1241, %gt3A_1243 : vector<512x512xf32>
      %eq3A_1245 = vector.broadcast %slice3A_639 : vector<512x1xf32> to vector<512x512xf32>
      %eq3A_1246 = vector.broadcast %slice3A_1212 : vector<1x512xf32> to vector<512x512xf32>
      %eq3A_1247 = arith.cmpf oeq, %eq3A_1245, %eq3A_1246 : vector<512x512xf32>
      %and3A_1248 = arith.andi %gt3A_1244, %eq3A_1247 : vector<512x512xi1>
      %convert_element_type3A_1249 = arith.extui %and3A_1248 : vector<512x512xi1> to vector<512x512xi32>
      %convert_element_type3A_1250 = arith.sitofp %convert_element_type3A_1249 : vector<512x512xi32> to vector<512x512xf32>
      %get3A_1251 = arith.constant 0 : index
      %get3A_1252 = arith.constant 0 : index
      %get3A_1253 = vector.load %arg4[%get3A_1251, %get3A_1252] : memref<512x1xf32, #tpu.memory_space<vmem>>, vector<512x1xf32>
      %dot_general3A = arith.constant dense<0.000000e+00> : vector<512x1xf32>
      %dot_general3A_1254 = tpu.matmul %convert_element_type3A_1250, %while3A_381#0, %dot_general3A {dimension_numbers = #tpu.dot_dimension_numbers<[1], [0], [0], [1], [0, 0, 1, 1], [], []>, transpose_lhs_hint = false} : vector<512x512xf32>, vector<512x1xf32>, vector<512x1xf32> -> vector<512x1xf32>
      %add3A_1255 = arith.addf %get3A_1253, %dot_general3A_1254 : vector<512x1xf32>
      %swap3A_1256 = arith.constant 0 : index
      %swap3A_1257 = arith.constant 0 : index
      %swap3A_1258 = vector.load %arg4[%swap3A_1256, %swap3A_1257] : memref<512x1xf32, #tpu.memory_space<vmem>>, vector<512x1xf32>
      tpu.vector_store %arg4[%swap3A_1256, %swap3A_1257], %add3A_1255 {strides = array<i32>} : memref<512x1xf32, #tpu.memory_space<vmem>>, vector<512x1xf32>,
    } else {
    }
    %get3A_673 = arith.constant 64 : index
    %get3A_674 = memref.load %arg2[%get3A_673] : memref<100xi32, #tpu.memory_space<smem>>
    %ne3A_675 = arith.constant 0 : i32
    %ne3A_676 = arith.cmpi ne, %get3A_674, %ne3A_675 : i32
    %convert_element_type3A_677 = arith.extui %ne3A_676 : i1 to i32
    %cond3A_678 = arith.constant 0 : i32
    %cond3A_679 = arith.cmpi ne, %convert_element_type3A_677, %cond3A_678 : i32
    scf.if %cond3A_679 {
      %get3A_1198 = arith.constant 0 : index
      %get3A_1199 = arith.constant 2048 : index
      %get3A_1200 = vector.load %arg1[%get3A_1198, %get3A_1199] : memref<8x5120xf32, #tpu.memory_space<vmem>>, vector<8x512xf32>
      %slice3A_1201 = vector.extract_strided_slice %get3A_1200 {offsets = [0, 0], sizes = [1, 512], strides = [1, 1]} : vector<8x512xf32> to vector<1x512xf32>
      %slice3A_1202 = vector.extract_strided_slice %get3A_1200 {offsets = [1, 0], sizes = [1, 512], strides = [1, 1]} : vector<8x512xf32> to vector<1x512xf32>
      %slice3A_1203 = vector.extract_strided_slice %get3A_1200 {offsets = [2, 0], sizes = [1, 512], strides = [1, 1]} : vector<8x512xf32> to vector<1x512xf32>
      %slice3A_1204 = vector.extract_strided_slice %get3A_1200 {offsets = [3, 0], sizes = [1, 512], strides = [1, 1]} : vector<8x512xf32> to vector<1x512xf32>
      %slice3A_1205 = vector.extract_strided_slice %get3A_1200 {offsets = [2, 0], sizes = [1, 512], strides = [1, 1]} : vector<8x512xf32> to vector<1x512xf32>
      %slice3A_1206 = vector.extract_strided_slice %get3A_1200 {offsets = [0, 0], sizes = [1, 512], strides = [1, 1]} : vector<8x512xf32> to vector<1x512xf32>
      %sub3A_1207 = arith.subf %slice3A_1205, %slice3A_1206 : vector<1x512xf32>
      %slice3A_1208 = vector.extract_strided_slice %get3A_1200 {offsets = [3, 0], sizes = [1, 512], strides = [1, 1]} : vector<8x512xf32> to vector<1x512xf32>
      %slice3A_1209 = vector.extract_strided_slice %get3A_1200 {offsets = [1, 0], sizes = [1, 512], strides = [1, 1]} : vector<8x512xf32> to vector<1x512xf32>
      %sub3A_1210 = arith.subf %slice3A_1208, %slice3A_1209 : vector<1x512xf32>
      %mul3A_1211 = arith.mulf %sub3A_1207, %sub3A_1210 : vector<1x512xf32>
      %slice3A_1212 = vector.extract_strided_slice %get3A_1200 {offsets = [4, 0], sizes = [1, 512], strides = [1, 1]} : vector<8x512xf32> to vector<1x512xf32>
      %min3A_1213 = vector.broadcast %slice3A_630 : vector<512x1xf32> to vector<512x512xf32>
      %min3A_1214 = vector.broadcast %slice3A_1203 : vector<1x512xf32> to vector<512x512xf32>
      %min3A_1215 = arith.minimumf %min3A_1213, %min3A_1214 : vector<512x512xf32>
      %max3A_1216 = vector.broadcast %slice3A_628 : vector<512x1xf32> to vector<512x512xf32>
      %max3A_1217 = vector.broadcast %slice3A_1201 : vector<1x512xf32> to vector<512x512xf32>
      %max3A_1218 = arith.maximumf %max3A_1216, %max3A_1217 : vector<512x512xf32>
      %sub3A_1219 = arith.subf %min3A_1215, %max3A_1218 : vector<512x512xf32>
      %max3A_1220 = arith.constant 0.000000e+00 : f32
      %max3A_1221 = vector.broadcast %max3A_1220 : f32 to vector<512x512xf32>
      %max3A_1222 = arith.maximumf %sub3A_1219, %max3A_1221 : vector<512x512xf32>
      %min3A_1223 = vector.broadcast %slice3A_631 : vector<512x1xf32> to vector<512x512xf32>
      %min3A_1224 = vector.broadcast %slice3A_1204 : vector<1x512xf32> to vector<512x512xf32>
      %min3A_1225 = arith.minimumf %min3A_1223, %min3A_1224 : vector<512x512xf32>
      %max3A_1226 = vector.broadcast %slice3A_629 : vector<512x1xf32> to vector<512x512xf32>
      %max3A_1227 = vector.broadcast %slice3A_1202 : vector<1x512xf32> to vector<512x512xf32>
      %max3A_1228 = arith.maximumf %max3A_1226, %max3A_1227 : vector<512x512xf32>
      %sub3A_1229 = arith.subf %min3A_1225, %max3A_1228 : vector<512x512xf32>
      %max3A_1230 = arith.constant 0.000000e+00 : f32
      %max3A_1231 = vector.broadcast %max3A_1230 : f32 to vector<512x512xf32>
      %max3A_1232 = arith.maximumf %sub3A_1229, %max3A_1231 : vector<512x512xf32>
      %mul3A_1233 = arith.mulf %max3A_1222, %max3A_1232 : vector<512x512xf32>
      %add3A_1234 = vector.broadcast %mul3A_638 : vector<512x1xf32> to vector<512x512xf32>
      %add3A_1235 = vector.broadcast %mul3A_1211 : vector<1x512xf32> to vector<512x512xf32>
      %add3A_1236 = arith.addf %add3A_1234, %add3A_1235 : vector<512x512xf32>
      %sub3A_1237 = arith.subf %add3A_1236, %mul3A_1233 : vector<512x512xf32>
      %add3A_1238 = arith.constant 9.99999996E-13 : f32
      %add3A_1239 = vector.broadcast %add3A_1238 : f32 to vector<512x512xf32>
      %add3A_1240 = arith.addf %sub3A_1237, %add3A_1239 : vector<512x512xf32>
      %div3A_1241 = arith.divf %mul3A_1233, %add3A_1240 : vector<512x512xf32>
      %gt3A_1242 = arith.constant 8.000000e-01 : f32
      %gt3A_1243 = vector.broadcast %gt3A_1242 : f32 to vector<512x512xf32>
      %gt3A_1244 = arith.cmpf ogt, %div3A_1241, %gt3A_1243 : vector<512x512xf32>
      %eq3A_1245 = vector.broadcast %slice3A_639 : vector<512x1xf32> to vector<512x512xf32>
      %eq3A_1246 = vector.broadcast %slice3A_1212 : vector<1x512xf32> to vector<512x512xf32>
      %eq3A_1247 = arith.cmpf oeq, %eq3A_1245, %eq3A_1246 : vector<512x512xf32>
      %and3A_1248 = arith.andi %gt3A_1244, %eq3A_1247 : vector<512x512xi1>
      %convert_element_type3A_1249 = arith.extui %and3A_1248 : vector<512x512xi1> to vector<512x512xi32>
      %convert_element_type3A_1250 = arith.sitofp %convert_element_type3A_1249 : vector<512x512xi32> to vector<512x512xf32>
      %get3A_1251 = arith.constant 0 : index
      %get3A_1252 = arith.constant 0 : index
      %get3A_1253 = vector.load %arg4[%get3A_1251, %get3A_1252] : memref<512x1xf32, #tpu.memory_space<vmem>>, vector<512x1xf32>
      %dot_general3A = arith.constant dense<0.000000e+00> : vector<512x1xf32>
      %dot_general3A_1254 = tpu.matmul %convert_element_type3A_1250, %while3A_499#0, %dot_general3A {dimension_numbers = #tpu.dot_dimension_numbers<[1], [0], [0], [1], [0, 0, 1, 1], [], []>, transpose_lhs_hint = false} : vector<512x512xf32>, vector<512x1xf32>, vector<512x1xf32> -> vector<512x1xf32>
      %add3A_1255 = arith.addf %get3A_1253, %dot_general3A_1254 : vector<512x1xf32>
      %swap3A_1256 = arith.constant 0 : index
      %swap3A_1257 = arith.constant 0 : index
      %swap3A_1258 = vector.load %arg4[%swap3A_1256, %swap3A_1257] : memref<512x1xf32, #tpu.memory_space<vmem>>, vector<512x1xf32>
      tpu.vector_store %arg4[%swap3A_1256, %swap3A_1257], %add3A_1255 {strides = array<i32>} : memref<512x1xf32, #tpu.memory_space<vmem>>, vector<512x1xf32>,
    } else {
    }
    %get3A_680 = arith.constant 65 : index
    %get3A_681 = memref.load %arg2[%get3A_680] : memref<100xi32, #tpu.memory_space<smem>>
    %ne3A_682 = arith.constant 0 : i32
    %ne3A_683 = arith.cmpi ne, %get3A_681, %ne3A_682 : i32
    %convert_element_type3A_684 = arith.extui %ne3A_683 : i1 to i32
    %cond3A_685 = arith.constant 0 : i32
    %cond3A_686 = arith.cmpi ne, %convert_element_type3A_684, %cond3A_685 : i32
    scf.if %cond3A_686 {
      %get3A_1198 = arith.constant 0 : index
      %get3A_1199 = arith.constant 2560 : index
      %get3A_1200 = vector.load %arg1[%get3A_1198, %get3A_1199] : memref<8x5120xf32, #tpu.memory_space<vmem>>, vector<8x512xf32>
      %slice3A_1201 = vector.extract_strided_slice %get3A_1200 {offsets = [0, 0], sizes = [1, 512], strides = [1, 1]} : vector<8x512xf32> to vector<1x512xf32>
      %slice3A_1202 = vector.extract_strided_slice %get3A_1200 {offsets = [1, 0], sizes = [1, 512], strides = [1, 1]} : vector<8x512xf32> to vector<1x512xf32>
      %slice3A_1203 = vector.extract_strided_slice %get3A_1200 {offsets = [2, 0], sizes = [1, 512], strides = [1, 1]} : vector<8x512xf32> to vector<1x512xf32>
      %slice3A_1204 = vector.extract_strided_slice %get3A_1200 {offsets = [3, 0], sizes = [1, 512], strides = [1, 1]} : vector<8x512xf32> to vector<1x512xf32>
      %slice3A_1205 = vector.extract_strided_slice %get3A_1200 {offsets = [2, 0], sizes = [1, 512], strides = [1, 1]} : vector<8x512xf32> to vector<1x512xf32>
      %slice3A_1206 = vector.extract_strided_slice %get3A_1200 {offsets = [0, 0], sizes = [1, 512], strides = [1, 1]} : vector<8x512xf32> to vector<1x512xf32>
      %sub3A_1207 = arith.subf %slice3A_1205, %slice3A_1206 : vector<1x512xf32>
      %slice3A_1208 = vector.extract_strided_slice %get3A_1200 {offsets = [3, 0], sizes = [1, 512], strides = [1, 1]} : vector<8x512xf32> to vector<1x512xf32>
      %slice3A_1209 = vector.extract_strided_slice %get3A_1200 {offsets = [1, 0], sizes = [1, 512], strides = [1, 1]} : vector<8x512xf32> to vector<1x512xf32>
      %sub3A_1210 = arith.subf %slice3A_1208, %slice3A_1209 : vector<1x512xf32>
      %mul3A_1211 = arith.mulf %sub3A_1207, %sub3A_1210 : vector<1x512xf32>
      %slice3A_1212 = vector.extract_strided_slice %get3A_1200 {offsets = [4, 0], sizes = [1, 512], strides = [1, 1]} : vector<8x512xf32> to vector<1x512xf32>
      %min3A_1213 = vector.broadcast %slice3A_630 : vector<512x1xf32> to vector<512x512xf32>
      %min3A_1214 = vector.broadcast %slice3A_1203 : vector<1x512xf32> to vector<512x512xf32>
      %min3A_1215 = arith.minimumf %min3A_1213, %min3A_1214 : vector<512x512xf32>
      %max3A_1216 = vector.broadcast %slice3A_628 : vector<512x1xf32> to vector<512x512xf32>
      %max3A_1217 = vector.broadcast %slice3A_1201 : vector<1x512xf32> to vector<512x512xf32>
      %max3A_1218 = arith.maximumf %max3A_1216, %max3A_1217 : vector<512x512xf32>
      %sub3A_1219 = arith.subf %min3A_1215, %max3A_1218 : vector<512x512xf32>
      %max3A_1220 = arith.constant 0.000000e+00 : f32
      %max3A_1221 = vector.broadcast %max3A_1220 : f32 to vector<512x512xf32>
      %max3A_1222 = arith.maximumf %sub3A_1219, %max3A_1221 : vector<512x512xf32>
      %min3A_1223 = vector.broadcast %slice3A_631 : vector<512x1xf32> to vector<512x512xf32>
      %min3A_1224 = vector.broadcast %slice3A_1204 : vector<1x512xf32> to vector<512x512xf32>
      %min3A_1225 = arith.minimumf %min3A_1223, %min3A_1224 : vector<512x512xf32>
      %max3A_1226 = vector.broadcast %slice3A_629 : vector<512x1xf32> to vector<512x512xf32>
      %max3A_1227 = vector.broadcast %slice3A_1202 : vector<1x512xf32> to vector<512x512xf32>
      %max3A_1228 = arith.maximumf %max3A_1226, %max3A_1227 : vector<512x512xf32>
      %sub3A_1229 = arith.subf %min3A_1225, %max3A_1228 : vector<512x512xf32>
      %max3A_1230 = arith.constant 0.000000e+00 : f32
      %max3A_1231 = vector.broadcast %max3A_1230 : f32 to vector<512x512xf32>
      %max3A_1232 = arith.maximumf %sub3A_1229, %max3A_1231 : vector<512x512xf32>
      %mul3A_1233 = arith.mulf %max3A_1222, %max3A_1232 : vector<512x512xf32>
      %add3A_1234 = vector.broadcast %mul3A_638 : vector<512x1xf32> to vector<512x512xf32>
      %add3A_1235 = vector.broadcast %mul3A_1211 : vector<1x512xf32> to vector<512x512xf32>
      %add3A_1236 = arith.addf %add3A_1234, %add3A_1235 : vector<512x512xf32>
      %sub3A_1237 = arith.subf %add3A_1236, %mul3A_1233 : vector<512x512xf32>
      %add3A_1238 = arith.constant 9.99999996E-13 : f32
      %add3A_1239 = vector.broadcast %add3A_1238 : f32 to vector<512x512xf32>
      %add3A_1240 = arith.addf %sub3A_1237, %add3A_1239 : vector<512x512xf32>
      %div3A_1241 = arith.divf %mul3A_1233, %add3A_1240 : vector<512x512xf32>
      %gt3A_1242 = arith.constant 8.000000e-01 : f32
      %gt3A_1243 = vector.broadcast %gt3A_1242 : f32 to vector<512x512xf32>
      %gt3A_1244 = arith.cmpf ogt, %div3A_1241, %gt3A_1243 : vector<512x512xf32>
      %eq3A_1245 = vector.broadcast %slice3A_639 : vector<512x1xf32> to vector<512x512xf32>
      %eq3A_1246 = vector.broadcast %slice3A_1212 : vector<1x512xf32> to vector<512x512xf32>
      %eq3A_1247 = arith.cmpf oeq, %eq3A_1245, %eq3A_1246 : vector<512x512xf32>
      %and3A_1248 = arith.andi %gt3A_1244, %eq3A_1247 : vector<512x512xi1>
      %convert_element_type3A_1249 = arith.extui %and3A_1248 : vector<512x512xi1> to vector<512x512xi32>
      %convert_element_type3A_1250 = arith.sitofp %convert_element_type3A_1249 : vector<512x512xi32> to vector<512x512xf32>
      %get3A_1251 = arith.constant 0 : index
      %get3A_1252 = arith.constant 0 : index
      %get3A_1253 = vector.load %arg4[%get3A_1251, %get3A_1252] : memref<512x1xf32, #tpu.memory_space<vmem>>, vector<512x1xf32>
      %dot_general3A = arith.constant dense<0.000000e+00> : vector<512x1xf32>
      %dot_general3A_1254 = tpu.matmul %convert_element_type3A_1250, %while3A_624#0, %dot_general3A {dimension_numbers = #tpu.dot_dimension_numbers<[1], [0], [0], [1], [0, 0, 1, 1], [], []>, transpose_lhs_hint = false} : vector<512x512xf32>, vector<512x1xf32>, vector<512x1xf32> -> vector<512x1xf32>
      %add3A_1255 = arith.addf %get3A_1253, %dot_general3A_1254 : vector<512x1xf32>
      %swap3A_1256 = arith.constant 0 : index
      %swap3A_1257 = arith.constant 0 : index
      %swap3A_1258 = vector.load %arg4[%swap3A_1256, %swap3A_1257] : memref<512x1xf32, #tpu.memory_space<vmem>>, vector<512x1xf32>
      tpu.vector_store %arg4[%swap3A_1256, %swap3A_1257], %add3A_1255 {strides = array<i32>} : memref<512x1xf32, #tpu.memory_space<vmem>>, vector<512x1xf32>,
    } else {
    }
    %get3A_687 = arith.constant 0 : index
    %get3A_688 = arith.constant 0 : index
    %get3A_689 = vector.load %arg4[%get3A_687, %get3A_688] : memref<512x1xf32, #tpu.memory_space<vmem>>, vector<512x1xf32>
    %get3A_690 = arith.constant 0 : index
    %get3A_691 = arith.constant 3072 : index
    %get3A_692 = vector.load %arg1[%get3A_690, %get3A_691] : memref<8x5120xf32, #tpu.memory_space<vmem>>, vector<8x512xf32>
    %slice3A_693 = vector.extract_strided_slice %get3A_692 {offsets = [0, 0], sizes = [1, 512], strides = [1, 1]} : vector<8x512xf32> to vector<1x512xf32>
    %slice3A_694 = vector.extract_strided_slice %get3A_692 {offsets = [1, 0], sizes = [1, 512], strides = [1, 1]} : vector<8x512xf32> to vector<1x512xf32>
    %slice3A_695 = vector.extract_strided_slice %get3A_692 {offsets = [2, 0], sizes = [1, 512], strides = [1, 1]} : vector<8x512xf32> to vector<1x512xf32>
    %slice3A_696 = vector.extract_strided_slice %get3A_692 {offsets = [3, 0], sizes = [1, 512], strides = [1, 1]} : vector<8x512xf32> to vector<1x512xf32>
    %slice3A_697 = vector.extract_strided_slice %get3A_692 {offsets = [2, 0], sizes = [1, 512], strides = [1, 1]} : vector<8x512xf32> to vector<1x512xf32>
    %slice3A_698 = vector.extract_strided_slice %get3A_692 {offsets = [0, 0], sizes = [1, 512], strides = [1, 1]} : vector<8x512xf32> to vector<1x512xf32>
    %sub3A_699 = arith.subf %slice3A_697, %slice3A_698 : vector<1x512xf32>
    %slice3A_700 = vector.extract_strided_slice %get3A_692 {offsets = [3, 0], sizes = [1, 512], strides = [1, 1]} : vector<8x512xf32> to vector<1x512xf32>
    %slice3A_701 = vector.extract_strided_slice %get3A_692 {offsets = [1, 0], sizes = [1, 512], strides = [1, 1]} : vector<8x512xf32> to vector<1x512xf32>
    %sub3A_702 = arith.subf %slice3A_700, %slice3A_701 : vector<1x512xf32>
    %mul3A_703 = arith.mulf %sub3A_699, %sub3A_702 : vector<1x512xf32>
    %slice3A_704 = vector.extract_strided_slice %get3A_692 {offsets = [4, 0], sizes = [1, 512], strides = [1, 1]} : vector<8x512xf32> to vector<1x512xf32>
    %iota3A_705 = tpu.iota {dimensions = array<i32: 0>} : vector<512x512xi32>
    %iota3A_706 = tpu.iota {dimensions = array<i32: 1>} : vector<512x512xi32>
    %gt3A_707 = arith.cmpi sgt, %iota3A_705, %iota3A_706 : vector<512x512xi32>
    %min3A_708 = vector.broadcast %slice3A_630 : vector<512x1xf32> to vector<512x512xf32>
    %min3A_709 = vector.broadcast %slice3A_695 : vector<1x512xf32> to vector<512x512xf32>
    %min3A_710 = arith.minimumf %min3A_708, %min3A_709 : vector<512x512xf32>
    %max3A_711 = vector.broadcast %slice3A_628 : vector<512x1xf32> to vector<512x512xf32>
    %max3A_712 = vector.broadcast %slice3A_693 : vector<1x512xf32> to vector<512x512xf32>
    %max3A_713 = arith.maximumf %max3A_711, %max3A_712 : vector<512x512xf32>
    %sub3A_714 = arith.subf %min3A_710, %max3A_713 : vector<512x512xf32>
    %max3A_715 = arith.constant 0.000000e+00 : f32
    %max3A_716 = vector.broadcast %max3A_715 : f32 to vector<512x512xf32>
    %max3A_717 = arith.maximumf %sub3A_714, %max3A_716 : vector<512x512xf32>
    %min3A_718 = vector.broadcast %slice3A_631 : vector<512x1xf32> to vector<512x512xf32>
    %min3A_719 = vector.broadcast %slice3A_696 : vector<1x512xf32> to vector<512x512xf32>
    %min3A_720 = arith.minimumf %min3A_718, %min3A_719 : vector<512x512xf32>
    %max3A_721 = vector.broadcast %slice3A_629 : vector<512x1xf32> to vector<512x512xf32>
    %max3A_722 = vector.broadcast %slice3A_694 : vector<1x512xf32> to vector<512x512xf32>
    %max3A_723 = arith.maximumf %max3A_721, %max3A_722 : vector<512x512xf32>
    %sub3A_724 = arith.subf %min3A_720, %max3A_723 : vector<512x512xf32>
    %max3A_725 = arith.constant 0.000000e+00 : f32
    %max3A_726 = vector.broadcast %max3A_725 : f32 to vector<512x512xf32>
    %max3A_727 = arith.maximumf %sub3A_724, %max3A_726 : vector<512x512xf32>
    %mul3A_728 = arith.mulf %max3A_717, %max3A_727 : vector<512x512xf32>
    %add3A_729 = vector.broadcast %mul3A_638 : vector<512x1xf32> to vector<512x512xf32>
    %add3A_730 = vector.broadcast %mul3A_703 : vector<1x512xf32> to vector<512x512xf32>
    %add3A_731 = arith.addf %add3A_729, %add3A_730 : vector<512x512xf32>
    %sub3A_732 = arith.subf %add3A_731, %mul3A_728 : vector<512x512xf32>
    %add3A_733 = arith.constant 9.99999996E-13 : f32
    %add3A_734 = vector.broadcast %add3A_733 : f32 to vector<512x512xf32>
    %add3A_735 = arith.addf %sub3A_732, %add3A_734 : vector<512x512xf32>
    %div3A_736 = arith.divf %mul3A_728, %add3A_735 : vector<512x512xf32>
    %gt3A_737 = arith.constant 8.000000e-01 : f32
    %gt3A_738 = vector.broadcast %gt3A_737 : f32 to vector<512x512xf32>
    %gt3A_739 = arith.cmpf ogt, %div3A_736, %gt3A_738 : vector<512x512xf32>
    %eq3A_740 = vector.broadcast %slice3A_639 : vector<512x1xf32> to vector<512x512xf32>
    %eq3A_741 = vector.broadcast %slice3A_704 : vector<1x512xf32> to vector<512x512xf32>
    %eq3A_742 = arith.cmpf oeq, %eq3A_740, %eq3A_741 : vector<512x512xf32>
    %and3A_743 = arith.andi %gt3A_739, %eq3A_742 : vector<512x512xi1>
    %and3A_744 = arith.andi %and3A_743, %gt3A_707 : vector<512x512xi1>
    %convert_element_type3A_745 = arith.extui %and3A_744 : vector<512x512xi1> to vector<512x512xi32>
    %convert_element_type3A_746 = arith.sitofp %convert_element_type3A_745 : vector<512x512xi32> to vector<512x512xf32>
    %gt3A_747 = arith.constant 0.000000e+00 : f32
    %gt3A_748 = vector.broadcast %gt3A_747 : f32 to vector<512x1xf32>
    %gt3A_749 = arith.cmpf ogt, %get3A_689, %gt3A_748 : vector<512x1xf32>
    %jit3A_750 = arith.constant 0.000000e+00 : f32
    %jit3A_751 = arith.constant 1.000000e+00 : f32
    %broadcast_in_dim3A_752 = vector.broadcast %jit3A_750 : f32 to vector<512x1xf32>
    %broadcast_in_dim3A_753 = vector.broadcast %jit3A_751 : f32 to vector<512x1xf32>
    %select_n3A_754 = arith.select %gt3A_749, %broadcast_in_dim3A_752, %broadcast_in_dim3A_753 : vector<512x1xi1>, vector<512x1xf32>
    %while3A_755 = arith.constant true
    %while3A_756:2 = scf.while (%while3A_1198 = %select_n3A_754, %while3A_1199 = %while3A_755) : (vector<512x1xf32>, i1) -> (vector<512x1xf32>, i1) {
      scf.condition(%while3A_1199) %while3A_1198, %while3A_1199 : vector<512x1xf32>, i1
    } do {
    ^bb0(%while3A_1198: vector<512x1xf32>, %while3A_1199: i1):
      %dot_general3A = arith.constant dense<0.000000e+00> : vector<512x1xf32>
      %dot_general3A_1200 = tpu.matmul %convert_element_type3A_746, %while3A_1198, %dot_general3A {dimension_numbers = #tpu.dot_dimension_numbers<[1], [0], [0], [1], [0, 0, 1, 1], [], []>, transpose_lhs_hint = false} : vector<512x512xf32>, vector<512x1xf32>, vector<512x1xf32> -> vector<512x1xf32>
      %gt3A_1201 = arith.constant 0.000000e+00 : f32
      %gt3A_1202 = vector.broadcast %gt3A_1201 : f32 to vector<512x1xf32>
      %gt3A_1203 = arith.cmpf ogt, %dot_general3A_1200, %gt3A_1202 : vector<512x1xf32>
      %jit3A_1204 = arith.constant 0.000000e+00 : f32
      %broadcast_in_dim3A_1205 = vector.broadcast %jit3A_1204 : f32 to vector<512x1xf32>
      %select_n3A_1206 = arith.select %gt3A_1203, %broadcast_in_dim3A_1205, %select_n3A_754 : vector<512x1xi1>, vector<512x1xf32>
      %ne3A_1207 = arith.cmpf one, %select_n3A_1206, %while3A_1198 : vector<512x1xf32>
      %reduce_or3A = arith.constant 1.000000e+00 : f32
      %reduce_or3A_1208 = arith.constant 0.000000e+00 : f32
      %reduce_or3A_1209 = vector.broadcast %reduce_or3A : f32 to vector<512x1xf32>
      %reduce_or3A_1210 = vector.broadcast %reduce_or3A_1208 : f32 to vector<512x1xf32>
      %reduce_or3A_1211 = arith.select %ne3A_1207, %reduce_or3A_1209, %reduce_or3A_1210 : vector<512x1xi1>, vector<512x1xf32>
      %reduce_or3A_1212 = vector.shape_cast %reduce_or3A_1211 : vector<512x1xf32> to vector<1x512x1xf32>
      %reduce_or3A_1213 = arith.constant dense<0xFF800000> : vector<1xf32>
      %reduce_or3A_1214 = vector.multi_reduction <maximumf>, %reduce_or3A_1212, %reduce_or3A_1213 [1, 2] : vector<1x512x1xf32> to vector<1xf32>
      %reduce_or3A_1215 = vector.shape_cast %reduce_or3A_1214 : vector<1xf32> to vector<1x1x1xf32>
      %reduce_or3A_1216 = vector.extract %reduce_or3A_1215[0, 0, 0] : f32 from vector<1x1x1xf32>
      %reduce_or3A_1217 = arith.constant 0.000000e+00 : f32
      %reduce_or3A_1218 = arith.cmpf ogt, %reduce_or3A_1216, %reduce_or3A_1217 : f32
      scf.yield %select_n3A_1206, %reduce_or3A_1218 : vector<512x1xf32>, i1
    }
    %get3A_757 = arith.constant 3584 : index
    %get3A_758 = arith.constant 0 : index
    %get3A_759 = vector.load %arg0[%get3A_757, %get3A_758] : memref<5120x8xf32, #tpu.memory_space<vmem>>, vector<512x8xf32>
    %slice3A_760 = vector.extract_strided_slice %get3A_759 {offsets = [0, 0], sizes = [512, 1], strides = [1, 1]} : vector<512x8xf32> to vector<512x1xf32>
    %slice3A_761 = vector.extract_strided_slice %get3A_759 {offsets = [0, 1], sizes = [512, 1], strides = [1, 1]} : vector<512x8xf32> to vector<512x1xf32>
    %slice3A_762 = vector.extract_strided_slice %get3A_759 {offsets = [0, 2], sizes = [512, 1], strides = [1, 1]} : vector<512x8xf32> to vector<512x1xf32>
    %slice3A_763 = vector.extract_strided_slice %get3A_759 {offsets = [0, 3], sizes = [512, 1], strides = [1, 1]} : vector<512x8xf32> to vector<512x1xf32>
    %slice3A_764 = vector.extract_strided_slice %get3A_759 {offsets = [0, 2], sizes = [512, 1], strides = [1, 1]} : vector<512x8xf32> to vector<512x1xf32>
    %slice3A_765 = vector.extract_strided_slice %get3A_759 {offsets = [0, 0], sizes = [512, 1], strides = [1, 1]} : vector<512x8xf32> to vector<512x1xf32>
    %sub3A_766 = arith.subf %slice3A_764, %slice3A_765 : vector<512x1xf32>
    %slice3A_767 = vector.extract_strided_slice %get3A_759 {offsets = [0, 3], sizes = [512, 1], strides = [1, 1]} : vector<512x8xf32> to vector<512x1xf32>
    %slice3A_768 = vector.extract_strided_slice %get3A_759 {offsets = [0, 1], sizes = [512, 1], strides = [1, 1]} : vector<512x8xf32> to vector<512x1xf32>
    %sub3A_769 = arith.subf %slice3A_767, %slice3A_768 : vector<512x1xf32>
    %mul3A_770 = arith.mulf %sub3A_766, %sub3A_769 : vector<512x1xf32>
    %slice3A_771 = vector.extract_strided_slice %get3A_759 {offsets = [0, 4], sizes = [512, 1], strides = [1, 1]} : vector<512x8xf32> to vector<512x1xf32>
    %broadcast_in_dim3A_772 = arith.constant 0.000000e+00 : f32
    %broadcast_in_dim3A_773 = vector.broadcast %broadcast_in_dim3A_772 : f32 to vector<512x1xf32>
    %swap3A_774 = arith.constant 0 : index
    %swap3A_775 = arith.constant 0 : index
    %swap3A_776 = vector.load %arg4[%swap3A_774, %swap3A_775] : memref<512x1xf32, #tpu.memory_space<vmem>>, vector<512x1xf32>
    tpu.vector_store %arg4[%swap3A_774, %swap3A_775], %broadcast_in_dim3A_773 {strides = array<i32>} : memref<512x1xf32, #tpu.memory_space<vmem>>, vector<512x1xf32>,
    %get3A_777 = arith.constant 70 : index
    %get3A_778 = memref.load %arg2[%get3A_777] : memref<100xi32, #tpu.memory_space<smem>>
    %ne3A_779 = arith.constant 0 : i32
    %ne3A_780 = arith.cmpi ne, %get3A_778, %ne3A_779 : i32
    %convert_element_type3A_781 = arith.extui %ne3A_780 : i1 to i32
    %cond3A_782 = arith.constant 0 : i32
    %cond3A_783 = arith.cmpi ne, %convert_element_type3A_781, %cond3A_782 : i32
    scf.if %cond3A_783 {
      %get3A_1198 = arith.constant 0 : index
      %get3A_1199 = arith.constant 0 : index
      %get3A_1200 = vector.load %arg1[%get3A_1198, %get3A_1199] : memref<8x5120xf32, #tpu.memory_space<vmem>>, vector<8x512xf32>
      %slice3A_1201 = vector.extract_strided_slice %get3A_1200 {offsets = [0, 0], sizes = [1, 512], strides = [1, 1]} : vector<8x512xf32> to vector<1x512xf32>
      %slice3A_1202 = vector.extract_strided_slice %get3A_1200 {offsets = [1, 0], sizes = [1, 512], strides = [1, 1]} : vector<8x512xf32> to vector<1x512xf32>
      %slice3A_1203 = vector.extract_strided_slice %get3A_1200 {offsets = [2, 0], sizes = [1, 512], strides = [1, 1]} : vector<8x512xf32> to vector<1x512xf32>
      %slice3A_1204 = vector.extract_strided_slice %get3A_1200 {offsets = [3, 0], sizes = [1, 512], strides = [1, 1]} : vector<8x512xf32> to vector<1x512xf32>
      %slice3A_1205 = vector.extract_strided_slice %get3A_1200 {offsets = [2, 0], sizes = [1, 512], strides = [1, 1]} : vector<8x512xf32> to vector<1x512xf32>
      %slice3A_1206 = vector.extract_strided_slice %get3A_1200 {offsets = [0, 0], sizes = [1, 512], strides = [1, 1]} : vector<8x512xf32> to vector<1x512xf32>
      %sub3A_1207 = arith.subf %slice3A_1205, %slice3A_1206 : vector<1x512xf32>
      %slice3A_1208 = vector.extract_strided_slice %get3A_1200 {offsets = [3, 0], sizes = [1, 512], strides = [1, 1]} : vector<8x512xf32> to vector<1x512xf32>
      %slice3A_1209 = vector.extract_strided_slice %get3A_1200 {offsets = [1, 0], sizes = [1, 512], strides = [1, 1]} : vector<8x512xf32> to vector<1x512xf32>
      %sub3A_1210 = arith.subf %slice3A_1208, %slice3A_1209 : vector<1x512xf32>
      %mul3A_1211 = arith.mulf %sub3A_1207, %sub3A_1210 : vector<1x512xf32>
      %slice3A_1212 = vector.extract_strided_slice %get3A_1200 {offsets = [4, 0], sizes = [1, 512], strides = [1, 1]} : vector<8x512xf32> to vector<1x512xf32>
      %min3A_1213 = vector.broadcast %slice3A_762 : vector<512x1xf32> to vector<512x512xf32>
      %min3A_1214 = vector.broadcast %slice3A_1203 : vector<1x512xf32> to vector<512x512xf32>
      %min3A_1215 = arith.minimumf %min3A_1213, %min3A_1214 : vector<512x512xf32>
      %max3A_1216 = vector.broadcast %slice3A_760 : vector<512x1xf32> to vector<512x512xf32>
      %max3A_1217 = vector.broadcast %slice3A_1201 : vector<1x512xf32> to vector<512x512xf32>
      %max3A_1218 = arith.maximumf %max3A_1216, %max3A_1217 : vector<512x512xf32>
      %sub3A_1219 = arith.subf %min3A_1215, %max3A_1218 : vector<512x512xf32>
      %max3A_1220 = arith.constant 0.000000e+00 : f32
      %max3A_1221 = vector.broadcast %max3A_1220 : f32 to vector<512x512xf32>
      %max3A_1222 = arith.maximumf %sub3A_1219, %max3A_1221 : vector<512x512xf32>
      %min3A_1223 = vector.broadcast %slice3A_763 : vector<512x1xf32> to vector<512x512xf32>
      %min3A_1224 = vector.broadcast %slice3A_1204 : vector<1x512xf32> to vector<512x512xf32>
      %min3A_1225 = arith.minimumf %min3A_1223, %min3A_1224 : vector<512x512xf32>
      %max3A_1226 = vector.broadcast %slice3A_761 : vector<512x1xf32> to vector<512x512xf32>
      %max3A_1227 = vector.broadcast %slice3A_1202 : vector<1x512xf32> to vector<512x512xf32>
      %max3A_1228 = arith.maximumf %max3A_1226, %max3A_1227 : vector<512x512xf32>
      %sub3A_1229 = arith.subf %min3A_1225, %max3A_1228 : vector<512x512xf32>
      %max3A_1230 = arith.constant 0.000000e+00 : f32
      %max3A_1231 = vector.broadcast %max3A_1230 : f32 to vector<512x512xf32>
      %max3A_1232 = arith.maximumf %sub3A_1229, %max3A_1231 : vector<512x512xf32>
      %mul3A_1233 = arith.mulf %max3A_1222, %max3A_1232 : vector<512x512xf32>
      %add3A_1234 = vector.broadcast %mul3A_770 : vector<512x1xf32> to vector<512x512xf32>
      %add3A_1235 = vector.broadcast %mul3A_1211 : vector<1x512xf32> to vector<512x512xf32>
      %add3A_1236 = arith.addf %add3A_1234, %add3A_1235 : vector<512x512xf32>
      %sub3A_1237 = arith.subf %add3A_1236, %mul3A_1233 : vector<512x512xf32>
      %add3A_1238 = arith.constant 9.99999996E-13 : f32
      %add3A_1239 = vector.broadcast %add3A_1238 : f32 to vector<512x512xf32>
      %add3A_1240 = arith.addf %sub3A_1237, %add3A_1239 : vector<512x512xf32>
      %div3A_1241 = arith.divf %mul3A_1233, %add3A_1240 : vector<512x512xf32>
      %gt3A_1242 = arith.constant 8.000000e-01 : f32
      %gt3A_1243 = vector.broadcast %gt3A_1242 : f32 to vector<512x512xf32>
      %gt3A_1244 = arith.cmpf ogt, %div3A_1241, %gt3A_1243 : vector<512x512xf32>
      %eq3A_1245 = vector.broadcast %slice3A_771 : vector<512x1xf32> to vector<512x512xf32>
      %eq3A_1246 = vector.broadcast %slice3A_1212 : vector<1x512xf32> to vector<512x512xf32>
      %eq3A_1247 = arith.cmpf oeq, %eq3A_1245, %eq3A_1246 : vector<512x512xf32>
      %and3A_1248 = arith.andi %gt3A_1244, %eq3A_1247 : vector<512x512xi1>
      %convert_element_type3A_1249 = arith.extui %and3A_1248 : vector<512x512xi1> to vector<512x512xi32>
      %convert_element_type3A_1250 = arith.sitofp %convert_element_type3A_1249 : vector<512x512xi32> to vector<512x512xf32>
      %get3A_1251 = arith.constant 0 : index
      %get3A_1252 = arith.constant 0 : index
      %get3A_1253 = vector.load %arg4[%get3A_1251, %get3A_1252] : memref<512x1xf32, #tpu.memory_space<vmem>>, vector<512x1xf32>
      %dot_general3A = arith.constant dense<0.000000e+00> : vector<512x1xf32>
      %dot_general3A_1254 = tpu.matmul %convert_element_type3A_1250, %while3A_71#0, %dot_general3A {dimension_numbers = #tpu.dot_dimension_numbers<[1], [0], [0], [1], [0, 0, 1, 1], [], []>, transpose_lhs_hint = false} : vector<512x512xf32>, vector<512x1xf32>, vector<512x1xf32> -> vector<512x1xf32>
      %add3A_1255 = arith.addf %get3A_1253, %dot_general3A_1254 : vector<512x1xf32>
      %swap3A_1256 = arith.constant 0 : index
      %swap3A_1257 = arith.constant 0 : index
      %swap3A_1258 = vector.load %arg4[%swap3A_1256, %swap3A_1257] : memref<512x1xf32, #tpu.memory_space<vmem>>, vector<512x1xf32>
      tpu.vector_store %arg4[%swap3A_1256, %swap3A_1257], %add3A_1255 {strides = array<i32>} : memref<512x1xf32, #tpu.memory_space<vmem>>, vector<512x1xf32>,
    } else {
    }
    %get3A_784 = arith.constant 71 : index
    %get3A_785 = memref.load %arg2[%get3A_784] : memref<100xi32, #tpu.memory_space<smem>>
    %ne3A_786 = arith.constant 0 : i32
    %ne3A_787 = arith.cmpi ne, %get3A_785, %ne3A_786 : i32
    %convert_element_type3A_788 = arith.extui %ne3A_787 : i1 to i32
    %cond3A_789 = arith.constant 0 : i32
    %cond3A_790 = arith.cmpi ne, %convert_element_type3A_788, %cond3A_789 : i32
    scf.if %cond3A_790 {
      %get3A_1198 = arith.constant 0 : index
      %get3A_1199 = arith.constant 512 : index
      %get3A_1200 = vector.load %arg1[%get3A_1198, %get3A_1199] : memref<8x5120xf32, #tpu.memory_space<vmem>>, vector<8x512xf32>
      %slice3A_1201 = vector.extract_strided_slice %get3A_1200 {offsets = [0, 0], sizes = [1, 512], strides = [1, 1]} : vector<8x512xf32> to vector<1x512xf32>
      %slice3A_1202 = vector.extract_strided_slice %get3A_1200 {offsets = [1, 0], sizes = [1, 512], strides = [1, 1]} : vector<8x512xf32> to vector<1x512xf32>
      %slice3A_1203 = vector.extract_strided_slice %get3A_1200 {offsets = [2, 0], sizes = [1, 512], strides = [1, 1]} : vector<8x512xf32> to vector<1x512xf32>
      %slice3A_1204 = vector.extract_strided_slice %get3A_1200 {offsets = [3, 0], sizes = [1, 512], strides = [1, 1]} : vector<8x512xf32> to vector<1x512xf32>
      %slice3A_1205 = vector.extract_strided_slice %get3A_1200 {offsets = [2, 0], sizes = [1, 512], strides = [1, 1]} : vector<8x512xf32> to vector<1x512xf32>
      %slice3A_1206 = vector.extract_strided_slice %get3A_1200 {offsets = [0, 0], sizes = [1, 512], strides = [1, 1]} : vector<8x512xf32> to vector<1x512xf32>
      %sub3A_1207 = arith.subf %slice3A_1205, %slice3A_1206 : vector<1x512xf32>
      %slice3A_1208 = vector.extract_strided_slice %get3A_1200 {offsets = [3, 0], sizes = [1, 512], strides = [1, 1]} : vector<8x512xf32> to vector<1x512xf32>
      %slice3A_1209 = vector.extract_strided_slice %get3A_1200 {offsets = [1, 0], sizes = [1, 512], strides = [1, 1]} : vector<8x512xf32> to vector<1x512xf32>
      %sub3A_1210 = arith.subf %slice3A_1208, %slice3A_1209 : vector<1x512xf32>
      %mul3A_1211 = arith.mulf %sub3A_1207, %sub3A_1210 : vector<1x512xf32>
      %slice3A_1212 = vector.extract_strided_slice %get3A_1200 {offsets = [4, 0], sizes = [1, 512], strides = [1, 1]} : vector<8x512xf32> to vector<1x512xf32>
      %min3A_1213 = vector.broadcast %slice3A_762 : vector<512x1xf32> to vector<512x512xf32>
      %min3A_1214 = vector.broadcast %slice3A_1203 : vector<1x512xf32> to vector<512x512xf32>
      %min3A_1215 = arith.minimumf %min3A_1213, %min3A_1214 : vector<512x512xf32>
      %max3A_1216 = vector.broadcast %slice3A_760 : vector<512x1xf32> to vector<512x512xf32>
      %max3A_1217 = vector.broadcast %slice3A_1201 : vector<1x512xf32> to vector<512x512xf32>
      %max3A_1218 = arith.maximumf %max3A_1216, %max3A_1217 : vector<512x512xf32>
      %sub3A_1219 = arith.subf %min3A_1215, %max3A_1218 : vector<512x512xf32>
      %max3A_1220 = arith.constant 0.000000e+00 : f32
      %max3A_1221 = vector.broadcast %max3A_1220 : f32 to vector<512x512xf32>
      %max3A_1222 = arith.maximumf %sub3A_1219, %max3A_1221 : vector<512x512xf32>
      %min3A_1223 = vector.broadcast %slice3A_763 : vector<512x1xf32> to vector<512x512xf32>
      %min3A_1224 = vector.broadcast %slice3A_1204 : vector<1x512xf32> to vector<512x512xf32>
      %min3A_1225 = arith.minimumf %min3A_1223, %min3A_1224 : vector<512x512xf32>
      %max3A_1226 = vector.broadcast %slice3A_761 : vector<512x1xf32> to vector<512x512xf32>
      %max3A_1227 = vector.broadcast %slice3A_1202 : vector<1x512xf32> to vector<512x512xf32>
      %max3A_1228 = arith.maximumf %max3A_1226, %max3A_1227 : vector<512x512xf32>
      %sub3A_1229 = arith.subf %min3A_1225, %max3A_1228 : vector<512x512xf32>
      %max3A_1230 = arith.constant 0.000000e+00 : f32
      %max3A_1231 = vector.broadcast %max3A_1230 : f32 to vector<512x512xf32>
      %max3A_1232 = arith.maximumf %sub3A_1229, %max3A_1231 : vector<512x512xf32>
      %mul3A_1233 = arith.mulf %max3A_1222, %max3A_1232 : vector<512x512xf32>
      %add3A_1234 = vector.broadcast %mul3A_770 : vector<512x1xf32> to vector<512x512xf32>
      %add3A_1235 = vector.broadcast %mul3A_1211 : vector<1x512xf32> to vector<512x512xf32>
      %add3A_1236 = arith.addf %add3A_1234, %add3A_1235 : vector<512x512xf32>
      %sub3A_1237 = arith.subf %add3A_1236, %mul3A_1233 : vector<512x512xf32>
      %add3A_1238 = arith.constant 9.99999996E-13 : f32
      %add3A_1239 = vector.broadcast %add3A_1238 : f32 to vector<512x512xf32>
      %add3A_1240 = arith.addf %sub3A_1237, %add3A_1239 : vector<512x512xf32>
      %div3A_1241 = arith.divf %mul3A_1233, %add3A_1240 : vector<512x512xf32>
      %gt3A_1242 = arith.constant 8.000000e-01 : f32
      %gt3A_1243 = vector.broadcast %gt3A_1242 : f32 to vector<512x512xf32>
      %gt3A_1244 = arith.cmpf ogt, %div3A_1241, %gt3A_1243 : vector<512x512xf32>
      %eq3A_1245 = vector.broadcast %slice3A_771 : vector<512x1xf32> to vector<512x512xf32>
      %eq3A_1246 = vector.broadcast %slice3A_1212 : vector<1x512xf32> to vector<512x512xf32>
      %eq3A_1247 = arith.cmpf oeq, %eq3A_1245, %eq3A_1246 : vector<512x512xf32>
      %and3A_1248 = arith.andi %gt3A_1244, %eq3A_1247 : vector<512x512xi1>
      %convert_element_type3A_1249 = arith.extui %and3A_1248 : vector<512x512xi1> to vector<512x512xi32>
      %convert_element_type3A_1250 = arith.sitofp %convert_element_type3A_1249 : vector<512x512xi32> to vector<512x512xf32>
      %get3A_1251 = arith.constant 0 : index
      %get3A_1252 = arith.constant 0 : index
      %get3A_1253 = vector.load %arg4[%get3A_1251, %get3A_1252] : memref<512x1xf32, #tpu.memory_space<vmem>>, vector<512x1xf32>
      %dot_general3A = arith.constant dense<0.000000e+00> : vector<512x1xf32>
      %dot_general3A_1254 = tpu.matmul %convert_element_type3A_1250, %while3A_166#0, %dot_general3A {dimension_numbers = #tpu.dot_dimension_numbers<[1], [0], [0], [1], [0, 0, 1, 1], [], []>, transpose_lhs_hint = false} : vector<512x512xf32>, vector<512x1xf32>, vector<512x1xf32> -> vector<512x1xf32>
      %add3A_1255 = arith.addf %get3A_1253, %dot_general3A_1254 : vector<512x1xf32>
      %swap3A_1256 = arith.constant 0 : index
      %swap3A_1257 = arith.constant 0 : index
      %swap3A_1258 = vector.load %arg4[%swap3A_1256, %swap3A_1257] : memref<512x1xf32, #tpu.memory_space<vmem>>, vector<512x1xf32>
      tpu.vector_store %arg4[%swap3A_1256, %swap3A_1257], %add3A_1255 {strides = array<i32>} : memref<512x1xf32, #tpu.memory_space<vmem>>, vector<512x1xf32>,
    } else {
    }
    %get3A_791 = arith.constant 72 : index
    %get3A_792 = memref.load %arg2[%get3A_791] : memref<100xi32, #tpu.memory_space<smem>>
    %ne3A_793 = arith.constant 0 : i32
    %ne3A_794 = arith.cmpi ne, %get3A_792, %ne3A_793 : i32
    %convert_element_type3A_795 = arith.extui %ne3A_794 : i1 to i32
    %cond3A_796 = arith.constant 0 : i32
    %cond3A_797 = arith.cmpi ne, %convert_element_type3A_795, %cond3A_796 : i32
    scf.if %cond3A_797 {
      %get3A_1198 = arith.constant 0 : index
      %get3A_1199 = arith.constant 1024 : index
      %get3A_1200 = vector.load %arg1[%get3A_1198, %get3A_1199] : memref<8x5120xf32, #tpu.memory_space<vmem>>, vector<8x512xf32>
      %slice3A_1201 = vector.extract_strided_slice %get3A_1200 {offsets = [0, 0], sizes = [1, 512], strides = [1, 1]} : vector<8x512xf32> to vector<1x512xf32>
      %slice3A_1202 = vector.extract_strided_slice %get3A_1200 {offsets = [1, 0], sizes = [1, 512], strides = [1, 1]} : vector<8x512xf32> to vector<1x512xf32>
      %slice3A_1203 = vector.extract_strided_slice %get3A_1200 {offsets = [2, 0], sizes = [1, 512], strides = [1, 1]} : vector<8x512xf32> to vector<1x512xf32>
      %slice3A_1204 = vector.extract_strided_slice %get3A_1200 {offsets = [3, 0], sizes = [1, 512], strides = [1, 1]} : vector<8x512xf32> to vector<1x512xf32>
      %slice3A_1205 = vector.extract_strided_slice %get3A_1200 {offsets = [2, 0], sizes = [1, 512], strides = [1, 1]} : vector<8x512xf32> to vector<1x512xf32>
      %slice3A_1206 = vector.extract_strided_slice %get3A_1200 {offsets = [0, 0], sizes = [1, 512], strides = [1, 1]} : vector<8x512xf32> to vector<1x512xf32>
      %sub3A_1207 = arith.subf %slice3A_1205, %slice3A_1206 : vector<1x512xf32>
      %slice3A_1208 = vector.extract_strided_slice %get3A_1200 {offsets = [3, 0], sizes = [1, 512], strides = [1, 1]} : vector<8x512xf32> to vector<1x512xf32>
      %slice3A_1209 = vector.extract_strided_slice %get3A_1200 {offsets = [1, 0], sizes = [1, 512], strides = [1, 1]} : vector<8x512xf32> to vector<1x512xf32>
      %sub3A_1210 = arith.subf %slice3A_1208, %slice3A_1209 : vector<1x512xf32>
      %mul3A_1211 = arith.mulf %sub3A_1207, %sub3A_1210 : vector<1x512xf32>
      %slice3A_1212 = vector.extract_strided_slice %get3A_1200 {offsets = [4, 0], sizes = [1, 512], strides = [1, 1]} : vector<8x512xf32> to vector<1x512xf32>
      %min3A_1213 = vector.broadcast %slice3A_762 : vector<512x1xf32> to vector<512x512xf32>
      %min3A_1214 = vector.broadcast %slice3A_1203 : vector<1x512xf32> to vector<512x512xf32>
      %min3A_1215 = arith.minimumf %min3A_1213, %min3A_1214 : vector<512x512xf32>
      %max3A_1216 = vector.broadcast %slice3A_760 : vector<512x1xf32> to vector<512x512xf32>
      %max3A_1217 = vector.broadcast %slice3A_1201 : vector<1x512xf32> to vector<512x512xf32>
      %max3A_1218 = arith.maximumf %max3A_1216, %max3A_1217 : vector<512x512xf32>
      %sub3A_1219 = arith.subf %min3A_1215, %max3A_1218 : vector<512x512xf32>
      %max3A_1220 = arith.constant 0.000000e+00 : f32
      %max3A_1221 = vector.broadcast %max3A_1220 : f32 to vector<512x512xf32>
      %max3A_1222 = arith.maximumf %sub3A_1219, %max3A_1221 : vector<512x512xf32>
      %min3A_1223 = vector.broadcast %slice3A_763 : vector<512x1xf32> to vector<512x512xf32>
      %min3A_1224 = vector.broadcast %slice3A_1204 : vector<1x512xf32> to vector<512x512xf32>
      %min3A_1225 = arith.minimumf %min3A_1223, %min3A_1224 : vector<512x512xf32>
      %max3A_1226 = vector.broadcast %slice3A_761 : vector<512x1xf32> to vector<512x512xf32>
      %max3A_1227 = vector.broadcast %slice3A_1202 : vector<1x512xf32> to vector<512x512xf32>
      %max3A_1228 = arith.maximumf %max3A_1226, %max3A_1227 : vector<512x512xf32>
      %sub3A_1229 = arith.subf %min3A_1225, %max3A_1228 : vector<512x512xf32>
      %max3A_1230 = arith.constant 0.000000e+00 : f32
      %max3A_1231 = vector.broadcast %max3A_1230 : f32 to vector<512x512xf32>
      %max3A_1232 = arith.maximumf %sub3A_1229, %max3A_1231 : vector<512x512xf32>
      %mul3A_1233 = arith.mulf %max3A_1222, %max3A_1232 : vector<512x512xf32>
      %add3A_1234 = vector.broadcast %mul3A_770 : vector<512x1xf32> to vector<512x512xf32>
      %add3A_1235 = vector.broadcast %mul3A_1211 : vector<1x512xf32> to vector<512x512xf32>
      %add3A_1236 = arith.addf %add3A_1234, %add3A_1235 : vector<512x512xf32>
      %sub3A_1237 = arith.subf %add3A_1236, %mul3A_1233 : vector<512x512xf32>
      %add3A_1238 = arith.constant 9.99999996E-13 : f32
      %add3A_1239 = vector.broadcast %add3A_1238 : f32 to vector<512x512xf32>
      %add3A_1240 = arith.addf %sub3A_1237, %add3A_1239 : vector<512x512xf32>
      %div3A_1241 = arith.divf %mul3A_1233, %add3A_1240 : vector<512x512xf32>
      %gt3A_1242 = arith.constant 8.000000e-01 : f32
      %gt3A_1243 = vector.broadcast %gt3A_1242 : f32 to vector<512x512xf32>
      %gt3A_1244 = arith.cmpf ogt, %div3A_1241, %gt3A_1243 : vector<512x512xf32>
      %eq3A_1245 = vector.broadcast %slice3A_771 : vector<512x1xf32> to vector<512x512xf32>
      %eq3A_1246 = vector.broadcast %slice3A_1212 : vector<1x512xf32> to vector<512x512xf32>
      %eq3A_1247 = arith.cmpf oeq, %eq3A_1245, %eq3A_1246 : vector<512x512xf32>
      %and3A_1248 = arith.andi %gt3A_1244, %eq3A_1247 : vector<512x512xi1>
      %convert_element_type3A_1249 = arith.extui %and3A_1248 : vector<512x512xi1> to vector<512x512xi32>
      %convert_element_type3A_1250 = arith.sitofp %convert_element_type3A_1249 : vector<512x512xi32> to vector<512x512xf32>
      %get3A_1251 = arith.constant 0 : index
      %get3A_1252 = arith.constant 0 : index
      %get3A_1253 = vector.load %arg4[%get3A_1251, %get3A_1252] : memref<512x1xf32, #tpu.memory_space<vmem>>, vector<512x1xf32>
      %dot_general3A = arith.constant dense<0.000000e+00> : vector<512x1xf32>
      %dot_general3A_1254 = tpu.matmul %convert_element_type3A_1250, %while3A_270#0, %dot_general3A {dimension_numbers = #tpu.dot_dimension_numbers<[1], [0], [0], [1], [0, 0, 1, 1], [], []>, transpose_lhs_hint = false} : vector<512x512xf32>, vector<512x1xf32>, vector<512x1xf32> -> vector<512x1xf32>
      %add3A_1255 = arith.addf %get3A_1253, %dot_general3A_1254 : vector<512x1xf32>
      %swap3A_1256 = arith.constant 0 : index
      %swap3A_1257 = arith.constant 0 : index
      %swap3A_1258 = vector.load %arg4[%swap3A_1256, %swap3A_1257] : memref<512x1xf32, #tpu.memory_space<vmem>>, vector<512x1xf32>
      tpu.vector_store %arg4[%swap3A_1256, %swap3A_1257], %add3A_1255 {strides = array<i32>} : memref<512x1xf32, #tpu.memory_space<vmem>>, vector<512x1xf32>,
    } else {
    }
    %get3A_798 = arith.constant 73 : index
    %get3A_799 = memref.load %arg2[%get3A_798] : memref<100xi32, #tpu.memory_space<smem>>
    %ne3A_800 = arith.constant 0 : i32
    %ne3A_801 = arith.cmpi ne, %get3A_799, %ne3A_800 : i32
    %convert_element_type3A_802 = arith.extui %ne3A_801 : i1 to i32
    %cond3A_803 = arith.constant 0 : i32
    %cond3A_804 = arith.cmpi ne, %convert_element_type3A_802, %cond3A_803 : i32
    scf.if %cond3A_804 {
      %get3A_1198 = arith.constant 0 : index
      %get3A_1199 = arith.constant 1536 : index
      %get3A_1200 = vector.load %arg1[%get3A_1198, %get3A_1199] : memref<8x5120xf32, #tpu.memory_space<vmem>>, vector<8x512xf32>
      %slice3A_1201 = vector.extract_strided_slice %get3A_1200 {offsets = [0, 0], sizes = [1, 512], strides = [1, 1]} : vector<8x512xf32> to vector<1x512xf32>
      %slice3A_1202 = vector.extract_strided_slice %get3A_1200 {offsets = [1, 0], sizes = [1, 512], strides = [1, 1]} : vector<8x512xf32> to vector<1x512xf32>
      %slice3A_1203 = vector.extract_strided_slice %get3A_1200 {offsets = [2, 0], sizes = [1, 512], strides = [1, 1]} : vector<8x512xf32> to vector<1x512xf32>
      %slice3A_1204 = vector.extract_strided_slice %get3A_1200 {offsets = [3, 0], sizes = [1, 512], strides = [1, 1]} : vector<8x512xf32> to vector<1x512xf32>
      %slice3A_1205 = vector.extract_strided_slice %get3A_1200 {offsets = [2, 0], sizes = [1, 512], strides = [1, 1]} : vector<8x512xf32> to vector<1x512xf32>
      %slice3A_1206 = vector.extract_strided_slice %get3A_1200 {offsets = [0, 0], sizes = [1, 512], strides = [1, 1]} : vector<8x512xf32> to vector<1x512xf32>
      %sub3A_1207 = arith.subf %slice3A_1205, %slice3A_1206 : vector<1x512xf32>
      %slice3A_1208 = vector.extract_strided_slice %get3A_1200 {offsets = [3, 0], sizes = [1, 512], strides = [1, 1]} : vector<8x512xf32> to vector<1x512xf32>
      %slice3A_1209 = vector.extract_strided_slice %get3A_1200 {offsets = [1, 0], sizes = [1, 512], strides = [1, 1]} : vector<8x512xf32> to vector<1x512xf32>
      %sub3A_1210 = arith.subf %slice3A_1208, %slice3A_1209 : vector<1x512xf32>
      %mul3A_1211 = arith.mulf %sub3A_1207, %sub3A_1210 : vector<1x512xf32>
      %slice3A_1212 = vector.extract_strided_slice %get3A_1200 {offsets = [4, 0], sizes = [1, 512], strides = [1, 1]} : vector<8x512xf32> to vector<1x512xf32>
      %min3A_1213 = vector.broadcast %slice3A_762 : vector<512x1xf32> to vector<512x512xf32>
      %min3A_1214 = vector.broadcast %slice3A_1203 : vector<1x512xf32> to vector<512x512xf32>
      %min3A_1215 = arith.minimumf %min3A_1213, %min3A_1214 : vector<512x512xf32>
      %max3A_1216 = vector.broadcast %slice3A_760 : vector<512x1xf32> to vector<512x512xf32>
      %max3A_1217 = vector.broadcast %slice3A_1201 : vector<1x512xf32> to vector<512x512xf32>
      %max3A_1218 = arith.maximumf %max3A_1216, %max3A_1217 : vector<512x512xf32>
      %sub3A_1219 = arith.subf %min3A_1215, %max3A_1218 : vector<512x512xf32>
      %max3A_1220 = arith.constant 0.000000e+00 : f32
      %max3A_1221 = vector.broadcast %max3A_1220 : f32 to vector<512x512xf32>
      %max3A_1222 = arith.maximumf %sub3A_1219, %max3A_1221 : vector<512x512xf32>
      %min3A_1223 = vector.broadcast %slice3A_763 : vector<512x1xf32> to vector<512x512xf32>
      %min3A_1224 = vector.broadcast %slice3A_1204 : vector<1x512xf32> to vector<512x512xf32>
      %min3A_1225 = arith.minimumf %min3A_1223, %min3A_1224 : vector<512x512xf32>
      %max3A_1226 = vector.broadcast %slice3A_761 : vector<512x1xf32> to vector<512x512xf32>
      %max3A_1227 = vector.broadcast %slice3A_1202 : vector<1x512xf32> to vector<512x512xf32>
      %max3A_1228 = arith.maximumf %max3A_1226, %max3A_1227 : vector<512x512xf32>
      %sub3A_1229 = arith.subf %min3A_1225, %max3A_1228 : vector<512x512xf32>
      %max3A_1230 = arith.constant 0.000000e+00 : f32
      %max3A_1231 = vector.broadcast %max3A_1230 : f32 to vector<512x512xf32>
      %max3A_1232 = arith.maximumf %sub3A_1229, %max3A_1231 : vector<512x512xf32>
      %mul3A_1233 = arith.mulf %max3A_1222, %max3A_1232 : vector<512x512xf32>
      %add3A_1234 = vector.broadcast %mul3A_770 : vector<512x1xf32> to vector<512x512xf32>
      %add3A_1235 = vector.broadcast %mul3A_1211 : vector<1x512xf32> to vector<512x512xf32>
      %add3A_1236 = arith.addf %add3A_1234, %add3A_1235 : vector<512x512xf32>
      %sub3A_1237 = arith.subf %add3A_1236, %mul3A_1233 : vector<512x512xf32>
      %add3A_1238 = arith.constant 9.99999996E-13 : f32
      %add3A_1239 = vector.broadcast %add3A_1238 : f32 to vector<512x512xf32>
      %add3A_1240 = arith.addf %sub3A_1237, %add3A_1239 : vector<512x512xf32>
      %div3A_1241 = arith.divf %mul3A_1233, %add3A_1240 : vector<512x512xf32>
      %gt3A_1242 = arith.constant 8.000000e-01 : f32
      %gt3A_1243 = vector.broadcast %gt3A_1242 : f32 to vector<512x512xf32>
      %gt3A_1244 = arith.cmpf ogt, %div3A_1241, %gt3A_1243 : vector<512x512xf32>
      %eq3A_1245 = vector.broadcast %slice3A_771 : vector<512x1xf32> to vector<512x512xf32>
      %eq3A_1246 = vector.broadcast %slice3A_1212 : vector<1x512xf32> to vector<512x512xf32>
      %eq3A_1247 = arith.cmpf oeq, %eq3A_1245, %eq3A_1246 : vector<512x512xf32>
      %and3A_1248 = arith.andi %gt3A_1244, %eq3A_1247 : vector<512x512xi1>
      %convert_element_type3A_1249 = arith.extui %and3A_1248 : vector<512x512xi1> to vector<512x512xi32>
      %convert_element_type3A_1250 = arith.sitofp %convert_element_type3A_1249 : vector<512x512xi32> to vector<512x512xf32>
      %get3A_1251 = arith.constant 0 : index
      %get3A_1252 = arith.constant 0 : index
      %get3A_1253 = vector.load %arg4[%get3A_1251, %get3A_1252] : memref<512x1xf32, #tpu.memory_space<vmem>>, vector<512x1xf32>
      %dot_general3A = arith.constant dense<0.000000e+00> : vector<512x1xf32>
      %dot_general3A_1254 = tpu.matmul %convert_element_type3A_1250, %while3A_381#0, %dot_general3A {dimension_numbers = #tpu.dot_dimension_numbers<[1], [0], [0], [1], [0, 0, 1, 1], [], []>, transpose_lhs_hint = false} : vector<512x512xf32>, vector<512x1xf32>, vector<512x1xf32> -> vector<512x1xf32>
      %add3A_1255 = arith.addf %get3A_1253, %dot_general3A_1254 : vector<512x1xf32>
      %swap3A_1256 = arith.constant 0 : index
      %swap3A_1257 = arith.constant 0 : index
      %swap3A_1258 = vector.load %arg4[%swap3A_1256, %swap3A_1257] : memref<512x1xf32, #tpu.memory_space<vmem>>, vector<512x1xf32>
      tpu.vector_store %arg4[%swap3A_1256, %swap3A_1257], %add3A_1255 {strides = array<i32>} : memref<512x1xf32, #tpu.memory_space<vmem>>, vector<512x1xf32>,
    } else {
    }
    %get3A_805 = arith.constant 74 : index
    %get3A_806 = memref.load %arg2[%get3A_805] : memref<100xi32, #tpu.memory_space<smem>>
    %ne3A_807 = arith.constant 0 : i32
    %ne3A_808 = arith.cmpi ne, %get3A_806, %ne3A_807 : i32
    %convert_element_type3A_809 = arith.extui %ne3A_808 : i1 to i32
    %cond3A_810 = arith.constant 0 : i32
    %cond3A_811 = arith.cmpi ne, %convert_element_type3A_809, %cond3A_810 : i32
    scf.if %cond3A_811 {
      %get3A_1198 = arith.constant 0 : index
      %get3A_1199 = arith.constant 2048 : index
      %get3A_1200 = vector.load %arg1[%get3A_1198, %get3A_1199] : memref<8x5120xf32, #tpu.memory_space<vmem>>, vector<8x512xf32>
      %slice3A_1201 = vector.extract_strided_slice %get3A_1200 {offsets = [0, 0], sizes = [1, 512], strides = [1, 1]} : vector<8x512xf32> to vector<1x512xf32>
      %slice3A_1202 = vector.extract_strided_slice %get3A_1200 {offsets = [1, 0], sizes = [1, 512], strides = [1, 1]} : vector<8x512xf32> to vector<1x512xf32>
      %slice3A_1203 = vector.extract_strided_slice %get3A_1200 {offsets = [2, 0], sizes = [1, 512], strides = [1, 1]} : vector<8x512xf32> to vector<1x512xf32>
      %slice3A_1204 = vector.extract_strided_slice %get3A_1200 {offsets = [3, 0], sizes = [1, 512], strides = [1, 1]} : vector<8x512xf32> to vector<1x512xf32>
      %slice3A_1205 = vector.extract_strided_slice %get3A_1200 {offsets = [2, 0], sizes = [1, 512], strides = [1, 1]} : vector<8x512xf32> to vector<1x512xf32>
      %slice3A_1206 = vector.extract_strided_slice %get3A_1200 {offsets = [0, 0], sizes = [1, 512], strides = [1, 1]} : vector<8x512xf32> to vector<1x512xf32>
      %sub3A_1207 = arith.subf %slice3A_1205, %slice3A_1206 : vector<1x512xf32>
      %slice3A_1208 = vector.extract_strided_slice %get3A_1200 {offsets = [3, 0], sizes = [1, 512], strides = [1, 1]} : vector<8x512xf32> to vector<1x512xf32>
      %slice3A_1209 = vector.extract_strided_slice %get3A_1200 {offsets = [1, 0], sizes = [1, 512], strides = [1, 1]} : vector<8x512xf32> to vector<1x512xf32>
      %sub3A_1210 = arith.subf %slice3A_1208, %slice3A_1209 : vector<1x512xf32>
      %mul3A_1211 = arith.mulf %sub3A_1207, %sub3A_1210 : vector<1x512xf32>
      %slice3A_1212 = vector.extract_strided_slice %get3A_1200 {offsets = [4, 0], sizes = [1, 512], strides = [1, 1]} : vector<8x512xf32> to vector<1x512xf32>
      %min3A_1213 = vector.broadcast %slice3A_762 : vector<512x1xf32> to vector<512x512xf32>
      %min3A_1214 = vector.broadcast %slice3A_1203 : vector<1x512xf32> to vector<512x512xf32>
      %min3A_1215 = arith.minimumf %min3A_1213, %min3A_1214 : vector<512x512xf32>
      %max3A_1216 = vector.broadcast %slice3A_760 : vector<512x1xf32> to vector<512x512xf32>
      %max3A_1217 = vector.broadcast %slice3A_1201 : vector<1x512xf32> to vector<512x512xf32>
      %max3A_1218 = arith.maximumf %max3A_1216, %max3A_1217 : vector<512x512xf32>
      %sub3A_1219 = arith.subf %min3A_1215, %max3A_1218 : vector<512x512xf32>
      %max3A_1220 = arith.constant 0.000000e+00 : f32
      %max3A_1221 = vector.broadcast %max3A_1220 : f32 to vector<512x512xf32>
      %max3A_1222 = arith.maximumf %sub3A_1219, %max3A_1221 : vector<512x512xf32>
      %min3A_1223 = vector.broadcast %slice3A_763 : vector<512x1xf32> to vector<512x512xf32>
      %min3A_1224 = vector.broadcast %slice3A_1204 : vector<1x512xf32> to vector<512x512xf32>
      %min3A_1225 = arith.minimumf %min3A_1223, %min3A_1224 : vector<512x512xf32>
      %max3A_1226 = vector.broadcast %slice3A_761 : vector<512x1xf32> to vector<512x512xf32>
      %max3A_1227 = vector.broadcast %slice3A_1202 : vector<1x512xf32> to vector<512x512xf32>
      %max3A_1228 = arith.maximumf %max3A_1226, %max3A_1227 : vector<512x512xf32>
      %sub3A_1229 = arith.subf %min3A_1225, %max3A_1228 : vector<512x512xf32>
      %max3A_1230 = arith.constant 0.000000e+00 : f32
      %max3A_1231 = vector.broadcast %max3A_1230 : f32 to vector<512x512xf32>
      %max3A_1232 = arith.maximumf %sub3A_1229, %max3A_1231 : vector<512x512xf32>
      %mul3A_1233 = arith.mulf %max3A_1222, %max3A_1232 : vector<512x512xf32>
      %add3A_1234 = vector.broadcast %mul3A_770 : vector<512x1xf32> to vector<512x512xf32>
      %add3A_1235 = vector.broadcast %mul3A_1211 : vector<1x512xf32> to vector<512x512xf32>
      %add3A_1236 = arith.addf %add3A_1234, %add3A_1235 : vector<512x512xf32>
      %sub3A_1237 = arith.subf %add3A_1236, %mul3A_1233 : vector<512x512xf32>
      %add3A_1238 = arith.constant 9.99999996E-13 : f32
      %add3A_1239 = vector.broadcast %add3A_1238 : f32 to vector<512x512xf32>
      %add3A_1240 = arith.addf %sub3A_1237, %add3A_1239 : vector<512x512xf32>
      %div3A_1241 = arith.divf %mul3A_1233, %add3A_1240 : vector<512x512xf32>
      %gt3A_1242 = arith.constant 8.000000e-01 : f32
      %gt3A_1243 = vector.broadcast %gt3A_1242 : f32 to vector<512x512xf32>
      %gt3A_1244 = arith.cmpf ogt, %div3A_1241, %gt3A_1243 : vector<512x512xf32>
      %eq3A_1245 = vector.broadcast %slice3A_771 : vector<512x1xf32> to vector<512x512xf32>
      %eq3A_1246 = vector.broadcast %slice3A_1212 : vector<1x512xf32> to vector<512x512xf32>
      %eq3A_1247 = arith.cmpf oeq, %eq3A_1245, %eq3A_1246 : vector<512x512xf32>
      %and3A_1248 = arith.andi %gt3A_1244, %eq3A_1247 : vector<512x512xi1>
      %convert_element_type3A_1249 = arith.extui %and3A_1248 : vector<512x512xi1> to vector<512x512xi32>
      %convert_element_type3A_1250 = arith.sitofp %convert_element_type3A_1249 : vector<512x512xi32> to vector<512x512xf32>
      %get3A_1251 = arith.constant 0 : index
      %get3A_1252 = arith.constant 0 : index
      %get3A_1253 = vector.load %arg4[%get3A_1251, %get3A_1252] : memref<512x1xf32, #tpu.memory_space<vmem>>, vector<512x1xf32>
      %dot_general3A = arith.constant dense<0.000000e+00> : vector<512x1xf32>
      %dot_general3A_1254 = tpu.matmul %convert_element_type3A_1250, %while3A_499#0, %dot_general3A {dimension_numbers = #tpu.dot_dimension_numbers<[1], [0], [0], [1], [0, 0, 1, 1], [], []>, transpose_lhs_hint = false} : vector<512x512xf32>, vector<512x1xf32>, vector<512x1xf32> -> vector<512x1xf32>
      %add3A_1255 = arith.addf %get3A_1253, %dot_general3A_1254 : vector<512x1xf32>
      %swap3A_1256 = arith.constant 0 : index
      %swap3A_1257 = arith.constant 0 : index
      %swap3A_1258 = vector.load %arg4[%swap3A_1256, %swap3A_1257] : memref<512x1xf32, #tpu.memory_space<vmem>>, vector<512x1xf32>
      tpu.vector_store %arg4[%swap3A_1256, %swap3A_1257], %add3A_1255 {strides = array<i32>} : memref<512x1xf32, #tpu.memory_space<vmem>>, vector<512x1xf32>,
    } else {
    }
    %get3A_812 = arith.constant 75 : index
    %get3A_813 = memref.load %arg2[%get3A_812] : memref<100xi32, #tpu.memory_space<smem>>
    %ne3A_814 = arith.constant 0 : i32
    %ne3A_815 = arith.cmpi ne, %get3A_813, %ne3A_814 : i32
    %convert_element_type3A_816 = arith.extui %ne3A_815 : i1 to i32
    %cond3A_817 = arith.constant 0 : i32
    %cond3A_818 = arith.cmpi ne, %convert_element_type3A_816, %cond3A_817 : i32
    scf.if %cond3A_818 {
      %get3A_1198 = arith.constant 0 : index
      %get3A_1199 = arith.constant 2560 : index
      %get3A_1200 = vector.load %arg1[%get3A_1198, %get3A_1199] : memref<8x5120xf32, #tpu.memory_space<vmem>>, vector<8x512xf32>
      %slice3A_1201 = vector.extract_strided_slice %get3A_1200 {offsets = [0, 0], sizes = [1, 512], strides = [1, 1]} : vector<8x512xf32> to vector<1x512xf32>
      %slice3A_1202 = vector.extract_strided_slice %get3A_1200 {offsets = [1, 0], sizes = [1, 512], strides = [1, 1]} : vector<8x512xf32> to vector<1x512xf32>
      %slice3A_1203 = vector.extract_strided_slice %get3A_1200 {offsets = [2, 0], sizes = [1, 512], strides = [1, 1]} : vector<8x512xf32> to vector<1x512xf32>
      %slice3A_1204 = vector.extract_strided_slice %get3A_1200 {offsets = [3, 0], sizes = [1, 512], strides = [1, 1]} : vector<8x512xf32> to vector<1x512xf32>
      %slice3A_1205 = vector.extract_strided_slice %get3A_1200 {offsets = [2, 0], sizes = [1, 512], strides = [1, 1]} : vector<8x512xf32> to vector<1x512xf32>
      %slice3A_1206 = vector.extract_strided_slice %get3A_1200 {offsets = [0, 0], sizes = [1, 512], strides = [1, 1]} : vector<8x512xf32> to vector<1x512xf32>
      %sub3A_1207 = arith.subf %slice3A_1205, %slice3A_1206 : vector<1x512xf32>
      %slice3A_1208 = vector.extract_strided_slice %get3A_1200 {offsets = [3, 0], sizes = [1, 512], strides = [1, 1]} : vector<8x512xf32> to vector<1x512xf32>
      %slice3A_1209 = vector.extract_strided_slice %get3A_1200 {offsets = [1, 0], sizes = [1, 512], strides = [1, 1]} : vector<8x512xf32> to vector<1x512xf32>
      %sub3A_1210 = arith.subf %slice3A_1208, %slice3A_1209 : vector<1x512xf32>
      %mul3A_1211 = arith.mulf %sub3A_1207, %sub3A_1210 : vector<1x512xf32>
      %slice3A_1212 = vector.extract_strided_slice %get3A_1200 {offsets = [4, 0], sizes = [1, 512], strides = [1, 1]} : vector<8x512xf32> to vector<1x512xf32>
      %min3A_1213 = vector.broadcast %slice3A_762 : vector<512x1xf32> to vector<512x512xf32>
      %min3A_1214 = vector.broadcast %slice3A_1203 : vector<1x512xf32> to vector<512x512xf32>
      %min3A_1215 = arith.minimumf %min3A_1213, %min3A_1214 : vector<512x512xf32>
      %max3A_1216 = vector.broadcast %slice3A_760 : vector<512x1xf32> to vector<512x512xf32>
      %max3A_1217 = vector.broadcast %slice3A_1201 : vector<1x512xf32> to vector<512x512xf32>
      %max3A_1218 = arith.maximumf %max3A_1216, %max3A_1217 : vector<512x512xf32>
      %sub3A_1219 = arith.subf %min3A_1215, %max3A_1218 : vector<512x512xf32>
      %max3A_1220 = arith.constant 0.000000e+00 : f32
      %max3A_1221 = vector.broadcast %max3A_1220 : f32 to vector<512x512xf32>
      %max3A_1222 = arith.maximumf %sub3A_1219, %max3A_1221 : vector<512x512xf32>
      %min3A_1223 = vector.broadcast %slice3A_763 : vector<512x1xf32> to vector<512x512xf32>
      %min3A_1224 = vector.broadcast %slice3A_1204 : vector<1x512xf32> to vector<512x512xf32>
      %min3A_1225 = arith.minimumf %min3A_1223, %min3A_1224 : vector<512x512xf32>
      %max3A_1226 = vector.broadcast %slice3A_761 : vector<512x1xf32> to vector<512x512xf32>
      %max3A_1227 = vector.broadcast %slice3A_1202 : vector<1x512xf32> to vector<512x512xf32>
      %max3A_1228 = arith.maximumf %max3A_1226, %max3A_1227 : vector<512x512xf32>
      %sub3A_1229 = arith.subf %min3A_1225, %max3A_1228 : vector<512x512xf32>
      %max3A_1230 = arith.constant 0.000000e+00 : f32
      %max3A_1231 = vector.broadcast %max3A_1230 : f32 to vector<512x512xf32>
      %max3A_1232 = arith.maximumf %sub3A_1229, %max3A_1231 : vector<512x512xf32>
      %mul3A_1233 = arith.mulf %max3A_1222, %max3A_1232 : vector<512x512xf32>
      %add3A_1234 = vector.broadcast %mul3A_770 : vector<512x1xf32> to vector<512x512xf32>
      %add3A_1235 = vector.broadcast %mul3A_1211 : vector<1x512xf32> to vector<512x512xf32>
      %add3A_1236 = arith.addf %add3A_1234, %add3A_1235 : vector<512x512xf32>
      %sub3A_1237 = arith.subf %add3A_1236, %mul3A_1233 : vector<512x512xf32>
      %add3A_1238 = arith.constant 9.99999996E-13 : f32
      %add3A_1239 = vector.broadcast %add3A_1238 : f32 to vector<512x512xf32>
      %add3A_1240 = arith.addf %sub3A_1237, %add3A_1239 : vector<512x512xf32>
      %div3A_1241 = arith.divf %mul3A_1233, %add3A_1240 : vector<512x512xf32>
      %gt3A_1242 = arith.constant 8.000000e-01 : f32
      %gt3A_1243 = vector.broadcast %gt3A_1242 : f32 to vector<512x512xf32>
      %gt3A_1244 = arith.cmpf ogt, %div3A_1241, %gt3A_1243 : vector<512x512xf32>
      %eq3A_1245 = vector.broadcast %slice3A_771 : vector<512x1xf32> to vector<512x512xf32>
      %eq3A_1246 = vector.broadcast %slice3A_1212 : vector<1x512xf32> to vector<512x512xf32>
      %eq3A_1247 = arith.cmpf oeq, %eq3A_1245, %eq3A_1246 : vector<512x512xf32>
      %and3A_1248 = arith.andi %gt3A_1244, %eq3A_1247 : vector<512x512xi1>
      %convert_element_type3A_1249 = arith.extui %and3A_1248 : vector<512x512xi1> to vector<512x512xi32>
      %convert_element_type3A_1250 = arith.sitofp %convert_element_type3A_1249 : vector<512x512xi32> to vector<512x512xf32>
      %get3A_1251 = arith.constant 0 : index
      %get3A_1252 = arith.constant 0 : index
      %get3A_1253 = vector.load %arg4[%get3A_1251, %get3A_1252] : memref<512x1xf32, #tpu.memory_space<vmem>>, vector<512x1xf32>
      %dot_general3A = arith.constant dense<0.000000e+00> : vector<512x1xf32>
      %dot_general3A_1254 = tpu.matmul %convert_element_type3A_1250, %while3A_624#0, %dot_general3A {dimension_numbers = #tpu.dot_dimension_numbers<[1], [0], [0], [1], [0, 0, 1, 1], [], []>, transpose_lhs_hint = false} : vector<512x512xf32>, vector<512x1xf32>, vector<512x1xf32> -> vector<512x1xf32>
      %add3A_1255 = arith.addf %get3A_1253, %dot_general3A_1254 : vector<512x1xf32>
      %swap3A_1256 = arith.constant 0 : index
      %swap3A_1257 = arith.constant 0 : index
      %swap3A_1258 = vector.load %arg4[%swap3A_1256, %swap3A_1257] : memref<512x1xf32, #tpu.memory_space<vmem>>, vector<512x1xf32>
      tpu.vector_store %arg4[%swap3A_1256, %swap3A_1257], %add3A_1255 {strides = array<i32>} : memref<512x1xf32, #tpu.memory_space<vmem>>, vector<512x1xf32>,
    } else {
    }
    %get3A_819 = arith.constant 76 : index
    %get3A_820 = memref.load %arg2[%get3A_819] : memref<100xi32, #tpu.memory_space<smem>>
    %ne3A_821 = arith.constant 0 : i32
    %ne3A_822 = arith.cmpi ne, %get3A_820, %ne3A_821 : i32
    %convert_element_type3A_823 = arith.extui %ne3A_822 : i1 to i32
    %cond3A_824 = arith.constant 0 : i32
    %cond3A_825 = arith.cmpi ne, %convert_element_type3A_823, %cond3A_824 : i32
    scf.if %cond3A_825 {
      %get3A_1198 = arith.constant 0 : index
      %get3A_1199 = arith.constant 3072 : index
      %get3A_1200 = vector.load %arg1[%get3A_1198, %get3A_1199] : memref<8x5120xf32, #tpu.memory_space<vmem>>, vector<8x512xf32>
      %slice3A_1201 = vector.extract_strided_slice %get3A_1200 {offsets = [0, 0], sizes = [1, 512], strides = [1, 1]} : vector<8x512xf32> to vector<1x512xf32>
      %slice3A_1202 = vector.extract_strided_slice %get3A_1200 {offsets = [1, 0], sizes = [1, 512], strides = [1, 1]} : vector<8x512xf32> to vector<1x512xf32>
      %slice3A_1203 = vector.extract_strided_slice %get3A_1200 {offsets = [2, 0], sizes = [1, 512], strides = [1, 1]} : vector<8x512xf32> to vector<1x512xf32>
      %slice3A_1204 = vector.extract_strided_slice %get3A_1200 {offsets = [3, 0], sizes = [1, 512], strides = [1, 1]} : vector<8x512xf32> to vector<1x512xf32>
      %slice3A_1205 = vector.extract_strided_slice %get3A_1200 {offsets = [2, 0], sizes = [1, 512], strides = [1, 1]} : vector<8x512xf32> to vector<1x512xf32>
      %slice3A_1206 = vector.extract_strided_slice %get3A_1200 {offsets = [0, 0], sizes = [1, 512], strides = [1, 1]} : vector<8x512xf32> to vector<1x512xf32>
      %sub3A_1207 = arith.subf %slice3A_1205, %slice3A_1206 : vector<1x512xf32>
      %slice3A_1208 = vector.extract_strided_slice %get3A_1200 {offsets = [3, 0], sizes = [1, 512], strides = [1, 1]} : vector<8x512xf32> to vector<1x512xf32>
      %slice3A_1209 = vector.extract_strided_slice %get3A_1200 {offsets = [1, 0], sizes = [1, 512], strides = [1, 1]} : vector<8x512xf32> to vector<1x512xf32>
      %sub3A_1210 = arith.subf %slice3A_1208, %slice3A_1209 : vector<1x512xf32>
      %mul3A_1211 = arith.mulf %sub3A_1207, %sub3A_1210 : vector<1x512xf32>
      %slice3A_1212 = vector.extract_strided_slice %get3A_1200 {offsets = [4, 0], sizes = [1, 512], strides = [1, 1]} : vector<8x512xf32> to vector<1x512xf32>
      %min3A_1213 = vector.broadcast %slice3A_762 : vector<512x1xf32> to vector<512x512xf32>
      %min3A_1214 = vector.broadcast %slice3A_1203 : vector<1x512xf32> to vector<512x512xf32>
      %min3A_1215 = arith.minimumf %min3A_1213, %min3A_1214 : vector<512x512xf32>
      %max3A_1216 = vector.broadcast %slice3A_760 : vector<512x1xf32> to vector<512x512xf32>
      %max3A_1217 = vector.broadcast %slice3A_1201 : vector<1x512xf32> to vector<512x512xf32>
      %max3A_1218 = arith.maximumf %max3A_1216, %max3A_1217 : vector<512x512xf32>
      %sub3A_1219 = arith.subf %min3A_1215, %max3A_1218 : vector<512x512xf32>
      %max3A_1220 = arith.constant 0.000000e+00 : f32
      %max3A_1221 = vector.broadcast %max3A_1220 : f32 to vector<512x512xf32>
      %max3A_1222 = arith.maximumf %sub3A_1219, %max3A_1221 : vector<512x512xf32>
      %min3A_1223 = vector.broadcast %slice3A_763 : vector<512x1xf32> to vector<512x512xf32>
      %min3A_1224 = vector.broadcast %slice3A_1204 : vector<1x512xf32> to vector<512x512xf32>
      %min3A_1225 = arith.minimumf %min3A_1223, %min3A_1224 : vector<512x512xf32>
      %max3A_1226 = vector.broadcast %slice3A_761 : vector<512x1xf32> to vector<512x512xf32>
      %max3A_1227 = vector.broadcast %slice3A_1202 : vector<1x512xf32> to vector<512x512xf32>
      %max3A_1228 = arith.maximumf %max3A_1226, %max3A_1227 : vector<512x512xf32>
      %sub3A_1229 = arith.subf %min3A_1225, %max3A_1228 : vector<512x512xf32>
      %max3A_1230 = arith.constant 0.000000e+00 : f32
      %max3A_1231 = vector.broadcast %max3A_1230 : f32 to vector<512x512xf32>
      %max3A_1232 = arith.maximumf %sub3A_1229, %max3A_1231 : vector<512x512xf32>
      %mul3A_1233 = arith.mulf %max3A_1222, %max3A_1232 : vector<512x512xf32>
      %add3A_1234 = vector.broadcast %mul3A_770 : vector<512x1xf32> to vector<512x512xf32>
      %add3A_1235 = vector.broadcast %mul3A_1211 : vector<1x512xf32> to vector<512x512xf32>
      %add3A_1236 = arith.addf %add3A_1234, %add3A_1235 : vector<512x512xf32>
      %sub3A_1237 = arith.subf %add3A_1236, %mul3A_1233 : vector<512x512xf32>
      %add3A_1238 = arith.constant 9.99999996E-13 : f32
      %add3A_1239 = vector.broadcast %add3A_1238 : f32 to vector<512x512xf32>
      %add3A_1240 = arith.addf %sub3A_1237, %add3A_1239 : vector<512x512xf32>
      %div3A_1241 = arith.divf %mul3A_1233, %add3A_1240 : vector<512x512xf32>
      %gt3A_1242 = arith.constant 8.000000e-01 : f32
      %gt3A_1243 = vector.broadcast %gt3A_1242 : f32 to vector<512x512xf32>
      %gt3A_1244 = arith.cmpf ogt, %div3A_1241, %gt3A_1243 : vector<512x512xf32>
      %eq3A_1245 = vector.broadcast %slice3A_771 : vector<512x1xf32> to vector<512x512xf32>
      %eq3A_1246 = vector.broadcast %slice3A_1212 : vector<1x512xf32> to vector<512x512xf32>
      %eq3A_1247 = arith.cmpf oeq, %eq3A_1245, %eq3A_1246 : vector<512x512xf32>
      %and3A_1248 = arith.andi %gt3A_1244, %eq3A_1247 : vector<512x512xi1>
      %convert_element_type3A_1249 = arith.extui %and3A_1248 : vector<512x512xi1> to vector<512x512xi32>
      %convert_element_type3A_1250 = arith.sitofp %convert_element_type3A_1249 : vector<512x512xi32> to vector<512x512xf32>
      %get3A_1251 = arith.constant 0 : index
      %get3A_1252 = arith.constant 0 : index
      %get3A_1253 = vector.load %arg4[%get3A_1251, %get3A_1252] : memref<512x1xf32, #tpu.memory_space<vmem>>, vector<512x1xf32>
      %dot_general3A = arith.constant dense<0.000000e+00> : vector<512x1xf32>
      %dot_general3A_1254 = tpu.matmul %convert_element_type3A_1250, %while3A_756#0, %dot_general3A {dimension_numbers = #tpu.dot_dimension_numbers<[1], [0], [0], [1], [0, 0, 1, 1], [], []>, transpose_lhs_hint = false} : vector<512x512xf32>, vector<512x1xf32>, vector<512x1xf32> -> vector<512x1xf32>
      %add3A_1255 = arith.addf %get3A_1253, %dot_general3A_1254 : vector<512x1xf32>
      %swap3A_1256 = arith.constant 0 : index
      %swap3A_1257 = arith.constant 0 : index
      %swap3A_1258 = vector.load %arg4[%swap3A_1256, %swap3A_1257] : memref<512x1xf32, #tpu.memory_space<vmem>>, vector<512x1xf32>
      tpu.vector_store %arg4[%swap3A_1256, %swap3A_1257], %add3A_1255 {strides = array<i32>} : memref<512x1xf32, #tpu.memory_space<vmem>>, vector<512x1xf32>,
    } else {
    }
    %get3A_826 = arith.constant 0 : index
    %get3A_827 = arith.constant 0 : index
    %get3A_828 = vector.load %arg4[%get3A_826, %get3A_827] : memref<512x1xf32, #tpu.memory_space<vmem>>, vector<512x1xf32>
    %get3A_829 = arith.constant 0 : index
    %get3A_830 = arith.constant 3584 : index
    %get3A_831 = vector.load %arg1[%get3A_829, %get3A_830] : memref<8x5120xf32, #tpu.memory_space<vmem>>, vector<8x512xf32>
    %slice3A_832 = vector.extract_strided_slice %get3A_831 {offsets = [0, 0], sizes = [1, 512], strides = [1, 1]} : vector<8x512xf32> to vector<1x512xf32>
    %slice3A_833 = vector.extract_strided_slice %get3A_831 {offsets = [1, 0], sizes = [1, 512], strides = [1, 1]} : vector<8x512xf32> to vector<1x512xf32>
    %slice3A_834 = vector.extract_strided_slice %get3A_831 {offsets = [2, 0], sizes = [1, 512], strides = [1, 1]} : vector<8x512xf32> to vector<1x512xf32>
    %slice3A_835 = vector.extract_strided_slice %get3A_831 {offsets = [3, 0], sizes = [1, 512], strides = [1, 1]} : vector<8x512xf32> to vector<1x512xf32>
    %slice3A_836 = vector.extract_strided_slice %get3A_831 {offsets = [2, 0], sizes = [1, 512], strides = [1, 1]} : vector<8x512xf32> to vector<1x512xf32>
    %slice3A_837 = vector.extract_strided_slice %get3A_831 {offsets = [0, 0], sizes = [1, 512], strides = [1, 1]} : vector<8x512xf32> to vector<1x512xf32>
    %sub3A_838 = arith.subf %slice3A_836, %slice3A_837 : vector<1x512xf32>
    %slice3A_839 = vector.extract_strided_slice %get3A_831 {offsets = [3, 0], sizes = [1, 512], strides = [1, 1]} : vector<8x512xf32> to vector<1x512xf32>
    %slice3A_840 = vector.extract_strided_slice %get3A_831 {offsets = [1, 0], sizes = [1, 512], strides = [1, 1]} : vector<8x512xf32> to vector<1x512xf32>
    %sub3A_841 = arith.subf %slice3A_839, %slice3A_840 : vector<1x512xf32>
    %mul3A_842 = arith.mulf %sub3A_838, %sub3A_841 : vector<1x512xf32>
    %slice3A_843 = vector.extract_strided_slice %get3A_831 {offsets = [4, 0], sizes = [1, 512], strides = [1, 1]} : vector<8x512xf32> to vector<1x512xf32>
    %iota3A_844 = tpu.iota {dimensions = array<i32: 0>} : vector<512x512xi32>
    %iota3A_845 = tpu.iota {dimensions = array<i32: 1>} : vector<512x512xi32>
    %gt3A_846 = arith.cmpi sgt, %iota3A_844, %iota3A_845 : vector<512x512xi32>
    %min3A_847 = vector.broadcast %slice3A_762 : vector<512x1xf32> to vector<512x512xf32>
    %min3A_848 = vector.broadcast %slice3A_834 : vector<1x512xf32> to vector<512x512xf32>
    %min3A_849 = arith.minimumf %min3A_847, %min3A_848 : vector<512x512xf32>
    %max3A_850 = vector.broadcast %slice3A_760 : vector<512x1xf32> to vector<512x512xf32>
    %max3A_851 = vector.broadcast %slice3A_832 : vector<1x512xf32> to vector<512x512xf32>
    %max3A_852 = arith.maximumf %max3A_850, %max3A_851 : vector<512x512xf32>
    %sub3A_853 = arith.subf %min3A_849, %max3A_852 : vector<512x512xf32>
    %max3A_854 = arith.constant 0.000000e+00 : f32
    %max3A_855 = vector.broadcast %max3A_854 : f32 to vector<512x512xf32>
    %max3A_856 = arith.maximumf %sub3A_853, %max3A_855 : vector<512x512xf32>
    %min3A_857 = vector.broadcast %slice3A_763 : vector<512x1xf32> to vector<512x512xf32>
    %min3A_858 = vector.broadcast %slice3A_835 : vector<1x512xf32> to vector<512x512xf32>
    %min3A_859 = arith.minimumf %min3A_857, %min3A_858 : vector<512x512xf32>
    %max3A_860 = vector.broadcast %slice3A_761 : vector<512x1xf32> to vector<512x512xf32>
    %max3A_861 = vector.broadcast %slice3A_833 : vector<1x512xf32> to vector<512x512xf32>
    %max3A_862 = arith.maximumf %max3A_860, %max3A_861 : vector<512x512xf32>
    %sub3A_863 = arith.subf %min3A_859, %max3A_862 : vector<512x512xf32>
    %max3A_864 = arith.constant 0.000000e+00 : f32
    %max3A_865 = vector.broadcast %max3A_864 : f32 to vector<512x512xf32>
    %max3A_866 = arith.maximumf %sub3A_863, %max3A_865 : vector<512x512xf32>
    %mul3A_867 = arith.mulf %max3A_856, %max3A_866 : vector<512x512xf32>
    %add3A_868 = vector.broadcast %mul3A_770 : vector<512x1xf32> to vector<512x512xf32>
    %add3A_869 = vector.broadcast %mul3A_842 : vector<1x512xf32> to vector<512x512xf32>
    %add3A_870 = arith.addf %add3A_868, %add3A_869 : vector<512x512xf32>
    %sub3A_871 = arith.subf %add3A_870, %mul3A_867 : vector<512x512xf32>
    %add3A_872 = arith.constant 9.99999996E-13 : f32
    %add3A_873 = vector.broadcast %add3A_872 : f32 to vector<512x512xf32>
    %add3A_874 = arith.addf %sub3A_871, %add3A_873 : vector<512x512xf32>
    %div3A_875 = arith.divf %mul3A_867, %add3A_874 : vector<512x512xf32>
    %gt3A_876 = arith.constant 8.000000e-01 : f32
    %gt3A_877 = vector.broadcast %gt3A_876 : f32 to vector<512x512xf32>
    %gt3A_878 = arith.cmpf ogt, %div3A_875, %gt3A_877 : vector<512x512xf32>
    %eq3A_879 = vector.broadcast %slice3A_771 : vector<512x1xf32> to vector<512x512xf32>
    %eq3A_880 = vector.broadcast %slice3A_843 : vector<1x512xf32> to vector<512x512xf32>
    %eq3A_881 = arith.cmpf oeq, %eq3A_879, %eq3A_880 : vector<512x512xf32>
    %and3A_882 = arith.andi %gt3A_878, %eq3A_881 : vector<512x512xi1>
    %and3A_883 = arith.andi %and3A_882, %gt3A_846 : vector<512x512xi1>
    %convert_element_type3A_884 = arith.extui %and3A_883 : vector<512x512xi1> to vector<512x512xi32>
    %convert_element_type3A_885 = arith.sitofp %convert_element_type3A_884 : vector<512x512xi32> to vector<512x512xf32>
    %gt3A_886 = arith.constant 0.000000e+00 : f32
    %gt3A_887 = vector.broadcast %gt3A_886 : f32 to vector<512x1xf32>
    %gt3A_888 = arith.cmpf ogt, %get3A_828, %gt3A_887 : vector<512x1xf32>
    %jit3A_889 = arith.constant 0.000000e+00 : f32
    %jit3A_890 = arith.constant 1.000000e+00 : f32
    %broadcast_in_dim3A_891 = vector.broadcast %jit3A_889 : f32 to vector<512x1xf32>
    %broadcast_in_dim3A_892 = vector.broadcast %jit3A_890 : f32 to vector<512x1xf32>
    %select_n3A_893 = arith.select %gt3A_888, %broadcast_in_dim3A_891, %broadcast_in_dim3A_892 : vector<512x1xi1>, vector<512x1xf32>
    %while3A_894 = arith.constant true
    %while3A_895:2 = scf.while (%while3A_1198 = %select_n3A_893, %while3A_1199 = %while3A_894) : (vector<512x1xf32>, i1) -> (vector<512x1xf32>, i1) {
      scf.condition(%while3A_1199) %while3A_1198, %while3A_1199 : vector<512x1xf32>, i1
    } do {
    ^bb0(%while3A_1198: vector<512x1xf32>, %while3A_1199: i1):
      %dot_general3A = arith.constant dense<0.000000e+00> : vector<512x1xf32>
      %dot_general3A_1200 = tpu.matmul %convert_element_type3A_885, %while3A_1198, %dot_general3A {dimension_numbers = #tpu.dot_dimension_numbers<[1], [0], [0], [1], [0, 0, 1, 1], [], []>, transpose_lhs_hint = false} : vector<512x512xf32>, vector<512x1xf32>, vector<512x1xf32> -> vector<512x1xf32>
      %gt3A_1201 = arith.constant 0.000000e+00 : f32
      %gt3A_1202 = vector.broadcast %gt3A_1201 : f32 to vector<512x1xf32>
      %gt3A_1203 = arith.cmpf ogt, %dot_general3A_1200, %gt3A_1202 : vector<512x1xf32>
      %jit3A_1204 = arith.constant 0.000000e+00 : f32
      %broadcast_in_dim3A_1205 = vector.broadcast %jit3A_1204 : f32 to vector<512x1xf32>
      %select_n3A_1206 = arith.select %gt3A_1203, %broadcast_in_dim3A_1205, %select_n3A_893 : vector<512x1xi1>, vector<512x1xf32>
      %ne3A_1207 = arith.cmpf one, %select_n3A_1206, %while3A_1198 : vector<512x1xf32>
      %reduce_or3A = arith.constant 1.000000e+00 : f32
      %reduce_or3A_1208 = arith.constant 0.000000e+00 : f32
      %reduce_or3A_1209 = vector.broadcast %reduce_or3A : f32 to vector<512x1xf32>
      %reduce_or3A_1210 = vector.broadcast %reduce_or3A_1208 : f32 to vector<512x1xf32>
      %reduce_or3A_1211 = arith.select %ne3A_1207, %reduce_or3A_1209, %reduce_or3A_1210 : vector<512x1xi1>, vector<512x1xf32>
      %reduce_or3A_1212 = vector.shape_cast %reduce_or3A_1211 : vector<512x1xf32> to vector<1x512x1xf32>
      %reduce_or3A_1213 = arith.constant dense<0xFF800000> : vector<1xf32>
      %reduce_or3A_1214 = vector.multi_reduction <maximumf>, %reduce_or3A_1212, %reduce_or3A_1213 [1, 2] : vector<1x512x1xf32> to vector<1xf32>
      %reduce_or3A_1215 = vector.shape_cast %reduce_or3A_1214 : vector<1xf32> to vector<1x1x1xf32>
      %reduce_or3A_1216 = vector.extract %reduce_or3A_1215[0, 0, 0] : f32 from vector<1x1x1xf32>
      %reduce_or3A_1217 = arith.constant 0.000000e+00 : f32
      %reduce_or3A_1218 = arith.cmpf ogt, %reduce_or3A_1216, %reduce_or3A_1217 : f32
      scf.yield %select_n3A_1206, %reduce_or3A_1218 : vector<512x1xf32>, i1
    }
    %get3A_896 = arith.constant 4096 : index
    %get3A_897 = arith.constant 0 : index
    %get3A_898 = vector.load %arg0[%get3A_896, %get3A_897] : memref<5120x8xf32, #tpu.memory_space<vmem>>, vector<512x8xf32>
    %slice3A_899 = vector.extract_strided_slice %get3A_898 {offsets = [0, 0], sizes = [512, 1], strides = [1, 1]} : vector<512x8xf32> to vector<512x1xf32>
    %slice3A_900 = vector.extract_strided_slice %get3A_898 {offsets = [0, 1], sizes = [512, 1], strides = [1, 1]} : vector<512x8xf32> to vector<512x1xf32>
    %slice3A_901 = vector.extract_strided_slice %get3A_898 {offsets = [0, 2], sizes = [512, 1], strides = [1, 1]} : vector<512x8xf32> to vector<512x1xf32>
    %slice3A_902 = vector.extract_strided_slice %get3A_898 {offsets = [0, 3], sizes = [512, 1], strides = [1, 1]} : vector<512x8xf32> to vector<512x1xf32>
    %slice3A_903 = vector.extract_strided_slice %get3A_898 {offsets = [0, 2], sizes = [512, 1], strides = [1, 1]} : vector<512x8xf32> to vector<512x1xf32>
    %slice3A_904 = vector.extract_strided_slice %get3A_898 {offsets = [0, 0], sizes = [512, 1], strides = [1, 1]} : vector<512x8xf32> to vector<512x1xf32>
    %sub3A_905 = arith.subf %slice3A_903, %slice3A_904 : vector<512x1xf32>
    %slice3A_906 = vector.extract_strided_slice %get3A_898 {offsets = [0, 3], sizes = [512, 1], strides = [1, 1]} : vector<512x8xf32> to vector<512x1xf32>
    %slice3A_907 = vector.extract_strided_slice %get3A_898 {offsets = [0, 1], sizes = [512, 1], strides = [1, 1]} : vector<512x8xf32> to vector<512x1xf32>
    %sub3A_908 = arith.subf %slice3A_906, %slice3A_907 : vector<512x1xf32>
    %mul3A_909 = arith.mulf %sub3A_905, %sub3A_908 : vector<512x1xf32>
    %slice3A_910 = vector.extract_strided_slice %get3A_898 {offsets = [0, 4], sizes = [512, 1], strides = [1, 1]} : vector<512x8xf32> to vector<512x1xf32>
    %broadcast_in_dim3A_911 = arith.constant 0.000000e+00 : f32
    %broadcast_in_dim3A_912 = vector.broadcast %broadcast_in_dim3A_911 : f32 to vector<512x1xf32>
    %swap3A_913 = arith.constant 0 : index
    %swap3A_914 = arith.constant 0 : index
    %swap3A_915 = vector.load %arg4[%swap3A_913, %swap3A_914] : memref<512x1xf32, #tpu.memory_space<vmem>>, vector<512x1xf32>
    tpu.vector_store %arg4[%swap3A_913, %swap3A_914], %broadcast_in_dim3A_912 {strides = array<i32>} : memref<512x1xf32, #tpu.memory_space<vmem>>, vector<512x1xf32>,
    %get3A_916 = arith.constant 80 : index
    %get3A_917 = memref.load %arg2[%get3A_916] : memref<100xi32, #tpu.memory_space<smem>>
    %ne3A_918 = arith.constant 0 : i32
    %ne3A_919 = arith.cmpi ne, %get3A_917, %ne3A_918 : i32
    %convert_element_type3A_920 = arith.extui %ne3A_919 : i1 to i32
    %cond3A_921 = arith.constant 0 : i32
    %cond3A_922 = arith.cmpi ne, %convert_element_type3A_920, %cond3A_921 : i32
    scf.if %cond3A_922 {
      %get3A_1198 = arith.constant 0 : index
      %get3A_1199 = arith.constant 0 : index
      %get3A_1200 = vector.load %arg1[%get3A_1198, %get3A_1199] : memref<8x5120xf32, #tpu.memory_space<vmem>>, vector<8x512xf32>
      %slice3A_1201 = vector.extract_strided_slice %get3A_1200 {offsets = [0, 0], sizes = [1, 512], strides = [1, 1]} : vector<8x512xf32> to vector<1x512xf32>
      %slice3A_1202 = vector.extract_strided_slice %get3A_1200 {offsets = [1, 0], sizes = [1, 512], strides = [1, 1]} : vector<8x512xf32> to vector<1x512xf32>
      %slice3A_1203 = vector.extract_strided_slice %get3A_1200 {offsets = [2, 0], sizes = [1, 512], strides = [1, 1]} : vector<8x512xf32> to vector<1x512xf32>
      %slice3A_1204 = vector.extract_strided_slice %get3A_1200 {offsets = [3, 0], sizes = [1, 512], strides = [1, 1]} : vector<8x512xf32> to vector<1x512xf32>
      %slice3A_1205 = vector.extract_strided_slice %get3A_1200 {offsets = [2, 0], sizes = [1, 512], strides = [1, 1]} : vector<8x512xf32> to vector<1x512xf32>
      %slice3A_1206 = vector.extract_strided_slice %get3A_1200 {offsets = [0, 0], sizes = [1, 512], strides = [1, 1]} : vector<8x512xf32> to vector<1x512xf32>
      %sub3A_1207 = arith.subf %slice3A_1205, %slice3A_1206 : vector<1x512xf32>
      %slice3A_1208 = vector.extract_strided_slice %get3A_1200 {offsets = [3, 0], sizes = [1, 512], strides = [1, 1]} : vector<8x512xf32> to vector<1x512xf32>
      %slice3A_1209 = vector.extract_strided_slice %get3A_1200 {offsets = [1, 0], sizes = [1, 512], strides = [1, 1]} : vector<8x512xf32> to vector<1x512xf32>
      %sub3A_1210 = arith.subf %slice3A_1208, %slice3A_1209 : vector<1x512xf32>
      %mul3A_1211 = arith.mulf %sub3A_1207, %sub3A_1210 : vector<1x512xf32>
      %slice3A_1212 = vector.extract_strided_slice %get3A_1200 {offsets = [4, 0], sizes = [1, 512], strides = [1, 1]} : vector<8x512xf32> to vector<1x512xf32>
      %min3A_1213 = vector.broadcast %slice3A_901 : vector<512x1xf32> to vector<512x512xf32>
      %min3A_1214 = vector.broadcast %slice3A_1203 : vector<1x512xf32> to vector<512x512xf32>
      %min3A_1215 = arith.minimumf %min3A_1213, %min3A_1214 : vector<512x512xf32>
      %max3A_1216 = vector.broadcast %slice3A_899 : vector<512x1xf32> to vector<512x512xf32>
      %max3A_1217 = vector.broadcast %slice3A_1201 : vector<1x512xf32> to vector<512x512xf32>
      %max3A_1218 = arith.maximumf %max3A_1216, %max3A_1217 : vector<512x512xf32>
      %sub3A_1219 = arith.subf %min3A_1215, %max3A_1218 : vector<512x512xf32>
      %max3A_1220 = arith.constant 0.000000e+00 : f32
      %max3A_1221 = vector.broadcast %max3A_1220 : f32 to vector<512x512xf32>
      %max3A_1222 = arith.maximumf %sub3A_1219, %max3A_1221 : vector<512x512xf32>
      %min3A_1223 = vector.broadcast %slice3A_902 : vector<512x1xf32> to vector<512x512xf32>
      %min3A_1224 = vector.broadcast %slice3A_1204 : vector<1x512xf32> to vector<512x512xf32>
      %min3A_1225 = arith.minimumf %min3A_1223, %min3A_1224 : vector<512x512xf32>
      %max3A_1226 = vector.broadcast %slice3A_900 : vector<512x1xf32> to vector<512x512xf32>
      %max3A_1227 = vector.broadcast %slice3A_1202 : vector<1x512xf32> to vector<512x512xf32>
      %max3A_1228 = arith.maximumf %max3A_1226, %max3A_1227 : vector<512x512xf32>
      %sub3A_1229 = arith.subf %min3A_1225, %max3A_1228 : vector<512x512xf32>
      %max3A_1230 = arith.constant 0.000000e+00 : f32
      %max3A_1231 = vector.broadcast %max3A_1230 : f32 to vector<512x512xf32>
      %max3A_1232 = arith.maximumf %sub3A_1229, %max3A_1231 : vector<512x512xf32>
      %mul3A_1233 = arith.mulf %max3A_1222, %max3A_1232 : vector<512x512xf32>
      %add3A_1234 = vector.broadcast %mul3A_909 : vector<512x1xf32> to vector<512x512xf32>
      %add3A_1235 = vector.broadcast %mul3A_1211 : vector<1x512xf32> to vector<512x512xf32>
      %add3A_1236 = arith.addf %add3A_1234, %add3A_1235 : vector<512x512xf32>
      %sub3A_1237 = arith.subf %add3A_1236, %mul3A_1233 : vector<512x512xf32>
      %add3A_1238 = arith.constant 9.99999996E-13 : f32
      %add3A_1239 = vector.broadcast %add3A_1238 : f32 to vector<512x512xf32>
      %add3A_1240 = arith.addf %sub3A_1237, %add3A_1239 : vector<512x512xf32>
      %div3A_1241 = arith.divf %mul3A_1233, %add3A_1240 : vector<512x512xf32>
      %gt3A_1242 = arith.constant 8.000000e-01 : f32
      %gt3A_1243 = vector.broadcast %gt3A_1242 : f32 to vector<512x512xf32>
      %gt3A_1244 = arith.cmpf ogt, %div3A_1241, %gt3A_1243 : vector<512x512xf32>
      %eq3A_1245 = vector.broadcast %slice3A_910 : vector<512x1xf32> to vector<512x512xf32>
      %eq3A_1246 = vector.broadcast %slice3A_1212 : vector<1x512xf32> to vector<512x512xf32>
      %eq3A_1247 = arith.cmpf oeq, %eq3A_1245, %eq3A_1246 : vector<512x512xf32>
      %and3A_1248 = arith.andi %gt3A_1244, %eq3A_1247 : vector<512x512xi1>
      %convert_element_type3A_1249 = arith.extui %and3A_1248 : vector<512x512xi1> to vector<512x512xi32>
      %convert_element_type3A_1250 = arith.sitofp %convert_element_type3A_1249 : vector<512x512xi32> to vector<512x512xf32>
      %get3A_1251 = arith.constant 0 : index
      %get3A_1252 = arith.constant 0 : index
      %get3A_1253 = vector.load %arg4[%get3A_1251, %get3A_1252] : memref<512x1xf32, #tpu.memory_space<vmem>>, vector<512x1xf32>
      %dot_general3A = arith.constant dense<0.000000e+00> : vector<512x1xf32>
      %dot_general3A_1254 = tpu.matmul %convert_element_type3A_1250, %while3A_71#0, %dot_general3A {dimension_numbers = #tpu.dot_dimension_numbers<[1], [0], [0], [1], [0, 0, 1, 1], [], []>, transpose_lhs_hint = false} : vector<512x512xf32>, vector<512x1xf32>, vector<512x1xf32> -> vector<512x1xf32>
      %add3A_1255 = arith.addf %get3A_1253, %dot_general3A_1254 : vector<512x1xf32>
      %swap3A_1256 = arith.constant 0 : index
      %swap3A_1257 = arith.constant 0 : index
      %swap3A_1258 = vector.load %arg4[%swap3A_1256, %swap3A_1257] : memref<512x1xf32, #tpu.memory_space<vmem>>, vector<512x1xf32>
      tpu.vector_store %arg4[%swap3A_1256, %swap3A_1257], %add3A_1255 {strides = array<i32>} : memref<512x1xf32, #tpu.memory_space<vmem>>, vector<512x1xf32>,
    } else {
    }
    %get3A_923 = arith.constant 81 : index
    %get3A_924 = memref.load %arg2[%get3A_923] : memref<100xi32, #tpu.memory_space<smem>>
    %ne3A_925 = arith.constant 0 : i32
    %ne3A_926 = arith.cmpi ne, %get3A_924, %ne3A_925 : i32
    %convert_element_type3A_927 = arith.extui %ne3A_926 : i1 to i32
    %cond3A_928 = arith.constant 0 : i32
    %cond3A_929 = arith.cmpi ne, %convert_element_type3A_927, %cond3A_928 : i32
    scf.if %cond3A_929 {
      %get3A_1198 = arith.constant 0 : index
      %get3A_1199 = arith.constant 512 : index
      %get3A_1200 = vector.load %arg1[%get3A_1198, %get3A_1199] : memref<8x5120xf32, #tpu.memory_space<vmem>>, vector<8x512xf32>
      %slice3A_1201 = vector.extract_strided_slice %get3A_1200 {offsets = [0, 0], sizes = [1, 512], strides = [1, 1]} : vector<8x512xf32> to vector<1x512xf32>
      %slice3A_1202 = vector.extract_strided_slice %get3A_1200 {offsets = [1, 0], sizes = [1, 512], strides = [1, 1]} : vector<8x512xf32> to vector<1x512xf32>
      %slice3A_1203 = vector.extract_strided_slice %get3A_1200 {offsets = [2, 0], sizes = [1, 512], strides = [1, 1]} : vector<8x512xf32> to vector<1x512xf32>
      %slice3A_1204 = vector.extract_strided_slice %get3A_1200 {offsets = [3, 0], sizes = [1, 512], strides = [1, 1]} : vector<8x512xf32> to vector<1x512xf32>
      %slice3A_1205 = vector.extract_strided_slice %get3A_1200 {offsets = [2, 0], sizes = [1, 512], strides = [1, 1]} : vector<8x512xf32> to vector<1x512xf32>
      %slice3A_1206 = vector.extract_strided_slice %get3A_1200 {offsets = [0, 0], sizes = [1, 512], strides = [1, 1]} : vector<8x512xf32> to vector<1x512xf32>
      %sub3A_1207 = arith.subf %slice3A_1205, %slice3A_1206 : vector<1x512xf32>
      %slice3A_1208 = vector.extract_strided_slice %get3A_1200 {offsets = [3, 0], sizes = [1, 512], strides = [1, 1]} : vector<8x512xf32> to vector<1x512xf32>
      %slice3A_1209 = vector.extract_strided_slice %get3A_1200 {offsets = [1, 0], sizes = [1, 512], strides = [1, 1]} : vector<8x512xf32> to vector<1x512xf32>
      %sub3A_1210 = arith.subf %slice3A_1208, %slice3A_1209 : vector<1x512xf32>
      %mul3A_1211 = arith.mulf %sub3A_1207, %sub3A_1210 : vector<1x512xf32>
      %slice3A_1212 = vector.extract_strided_slice %get3A_1200 {offsets = [4, 0], sizes = [1, 512], strides = [1, 1]} : vector<8x512xf32> to vector<1x512xf32>
      %min3A_1213 = vector.broadcast %slice3A_901 : vector<512x1xf32> to vector<512x512xf32>
      %min3A_1214 = vector.broadcast %slice3A_1203 : vector<1x512xf32> to vector<512x512xf32>
      %min3A_1215 = arith.minimumf %min3A_1213, %min3A_1214 : vector<512x512xf32>
      %max3A_1216 = vector.broadcast %slice3A_899 : vector<512x1xf32> to vector<512x512xf32>
      %max3A_1217 = vector.broadcast %slice3A_1201 : vector<1x512xf32> to vector<512x512xf32>
      %max3A_1218 = arith.maximumf %max3A_1216, %max3A_1217 : vector<512x512xf32>
      %sub3A_1219 = arith.subf %min3A_1215, %max3A_1218 : vector<512x512xf32>
      %max3A_1220 = arith.constant 0.000000e+00 : f32
      %max3A_1221 = vector.broadcast %max3A_1220 : f32 to vector<512x512xf32>
      %max3A_1222 = arith.maximumf %sub3A_1219, %max3A_1221 : vector<512x512xf32>
      %min3A_1223 = vector.broadcast %slice3A_902 : vector<512x1xf32> to vector<512x512xf32>
      %min3A_1224 = vector.broadcast %slice3A_1204 : vector<1x512xf32> to vector<512x512xf32>
      %min3A_1225 = arith.minimumf %min3A_1223, %min3A_1224 : vector<512x512xf32>
      %max3A_1226 = vector.broadcast %slice3A_900 : vector<512x1xf32> to vector<512x512xf32>
      %max3A_1227 = vector.broadcast %slice3A_1202 : vector<1x512xf32> to vector<512x512xf32>
      %max3A_1228 = arith.maximumf %max3A_1226, %max3A_1227 : vector<512x512xf32>
      %sub3A_1229 = arith.subf %min3A_1225, %max3A_1228 : vector<512x512xf32>
      %max3A_1230 = arith.constant 0.000000e+00 : f32
      %max3A_1231 = vector.broadcast %max3A_1230 : f32 to vector<512x512xf32>
      %max3A_1232 = arith.maximumf %sub3A_1229, %max3A_1231 : vector<512x512xf32>
      %mul3A_1233 = arith.mulf %max3A_1222, %max3A_1232 : vector<512x512xf32>
      %add3A_1234 = vector.broadcast %mul3A_909 : vector<512x1xf32> to vector<512x512xf32>
      %add3A_1235 = vector.broadcast %mul3A_1211 : vector<1x512xf32> to vector<512x512xf32>
      %add3A_1236 = arith.addf %add3A_1234, %add3A_1235 : vector<512x512xf32>
      %sub3A_1237 = arith.subf %add3A_1236, %mul3A_1233 : vector<512x512xf32>
      %add3A_1238 = arith.constant 9.99999996E-13 : f32
      %add3A_1239 = vector.broadcast %add3A_1238 : f32 to vector<512x512xf32>
      %add3A_1240 = arith.addf %sub3A_1237, %add3A_1239 : vector<512x512xf32>
      %div3A_1241 = arith.divf %mul3A_1233, %add3A_1240 : vector<512x512xf32>
      %gt3A_1242 = arith.constant 8.000000e-01 : f32
      %gt3A_1243 = vector.broadcast %gt3A_1242 : f32 to vector<512x512xf32>
      %gt3A_1244 = arith.cmpf ogt, %div3A_1241, %gt3A_1243 : vector<512x512xf32>
      %eq3A_1245 = vector.broadcast %slice3A_910 : vector<512x1xf32> to vector<512x512xf32>
      %eq3A_1246 = vector.broadcast %slice3A_1212 : vector<1x512xf32> to vector<512x512xf32>
      %eq3A_1247 = arith.cmpf oeq, %eq3A_1245, %eq3A_1246 : vector<512x512xf32>
      %and3A_1248 = arith.andi %gt3A_1244, %eq3A_1247 : vector<512x512xi1>
      %convert_element_type3A_1249 = arith.extui %and3A_1248 : vector<512x512xi1> to vector<512x512xi32>
      %convert_element_type3A_1250 = arith.sitofp %convert_element_type3A_1249 : vector<512x512xi32> to vector<512x512xf32>
      %get3A_1251 = arith.constant 0 : index
      %get3A_1252 = arith.constant 0 : index
      %get3A_1253 = vector.load %arg4[%get3A_1251, %get3A_1252] : memref<512x1xf32, #tpu.memory_space<vmem>>, vector<512x1xf32>
      %dot_general3A = arith.constant dense<0.000000e+00> : vector<512x1xf32>
      %dot_general3A_1254 = tpu.matmul %convert_element_type3A_1250, %while3A_166#0, %dot_general3A {dimension_numbers = #tpu.dot_dimension_numbers<[1], [0], [0], [1], [0, 0, 1, 1], [], []>, transpose_lhs_hint = false} : vector<512x512xf32>, vector<512x1xf32>, vector<512x1xf32> -> vector<512x1xf32>
      %add3A_1255 = arith.addf %get3A_1253, %dot_general3A_1254 : vector<512x1xf32>
      %swap3A_1256 = arith.constant 0 : index
      %swap3A_1257 = arith.constant 0 : index
      %swap3A_1258 = vector.load %arg4[%swap3A_1256, %swap3A_1257] : memref<512x1xf32, #tpu.memory_space<vmem>>, vector<512x1xf32>
      tpu.vector_store %arg4[%swap3A_1256, %swap3A_1257], %add3A_1255 {strides = array<i32>} : memref<512x1xf32, #tpu.memory_space<vmem>>, vector<512x1xf32>,
    } else {
    }
    %get3A_930 = arith.constant 82 : index
    %get3A_931 = memref.load %arg2[%get3A_930] : memref<100xi32, #tpu.memory_space<smem>>
    %ne3A_932 = arith.constant 0 : i32
    %ne3A_933 = arith.cmpi ne, %get3A_931, %ne3A_932 : i32
    %convert_element_type3A_934 = arith.extui %ne3A_933 : i1 to i32
    %cond3A_935 = arith.constant 0 : i32
    %cond3A_936 = arith.cmpi ne, %convert_element_type3A_934, %cond3A_935 : i32
    scf.if %cond3A_936 {
      %get3A_1198 = arith.constant 0 : index
      %get3A_1199 = arith.constant 1024 : index
      %get3A_1200 = vector.load %arg1[%get3A_1198, %get3A_1199] : memref<8x5120xf32, #tpu.memory_space<vmem>>, vector<8x512xf32>
      %slice3A_1201 = vector.extract_strided_slice %get3A_1200 {offsets = [0, 0], sizes = [1, 512], strides = [1, 1]} : vector<8x512xf32> to vector<1x512xf32>
      %slice3A_1202 = vector.extract_strided_slice %get3A_1200 {offsets = [1, 0], sizes = [1, 512], strides = [1, 1]} : vector<8x512xf32> to vector<1x512xf32>
      %slice3A_1203 = vector.extract_strided_slice %get3A_1200 {offsets = [2, 0], sizes = [1, 512], strides = [1, 1]} : vector<8x512xf32> to vector<1x512xf32>
      %slice3A_1204 = vector.extract_strided_slice %get3A_1200 {offsets = [3, 0], sizes = [1, 512], strides = [1, 1]} : vector<8x512xf32> to vector<1x512xf32>
      %slice3A_1205 = vector.extract_strided_slice %get3A_1200 {offsets = [2, 0], sizes = [1, 512], strides = [1, 1]} : vector<8x512xf32> to vector<1x512xf32>
      %slice3A_1206 = vector.extract_strided_slice %get3A_1200 {offsets = [0, 0], sizes = [1, 512], strides = [1, 1]} : vector<8x512xf32> to vector<1x512xf32>
      %sub3A_1207 = arith.subf %slice3A_1205, %slice3A_1206 : vector<1x512xf32>
      %slice3A_1208 = vector.extract_strided_slice %get3A_1200 {offsets = [3, 0], sizes = [1, 512], strides = [1, 1]} : vector<8x512xf32> to vector<1x512xf32>
      %slice3A_1209 = vector.extract_strided_slice %get3A_1200 {offsets = [1, 0], sizes = [1, 512], strides = [1, 1]} : vector<8x512xf32> to vector<1x512xf32>
      %sub3A_1210 = arith.subf %slice3A_1208, %slice3A_1209 : vector<1x512xf32>
      %mul3A_1211 = arith.mulf %sub3A_1207, %sub3A_1210 : vector<1x512xf32>
      %slice3A_1212 = vector.extract_strided_slice %get3A_1200 {offsets = [4, 0], sizes = [1, 512], strides = [1, 1]} : vector<8x512xf32> to vector<1x512xf32>
      %min3A_1213 = vector.broadcast %slice3A_901 : vector<512x1xf32> to vector<512x512xf32>
      %min3A_1214 = vector.broadcast %slice3A_1203 : vector<1x512xf32> to vector<512x512xf32>
      %min3A_1215 = arith.minimumf %min3A_1213, %min3A_1214 : vector<512x512xf32>
      %max3A_1216 = vector.broadcast %slice3A_899 : vector<512x1xf32> to vector<512x512xf32>
      %max3A_1217 = vector.broadcast %slice3A_1201 : vector<1x512xf32> to vector<512x512xf32>
      %max3A_1218 = arith.maximumf %max3A_1216, %max3A_1217 : vector<512x512xf32>
      %sub3A_1219 = arith.subf %min3A_1215, %max3A_1218 : vector<512x512xf32>
      %max3A_1220 = arith.constant 0.000000e+00 : f32
      %max3A_1221 = vector.broadcast %max3A_1220 : f32 to vector<512x512xf32>
      %max3A_1222 = arith.maximumf %sub3A_1219, %max3A_1221 : vector<512x512xf32>
      %min3A_1223 = vector.broadcast %slice3A_902 : vector<512x1xf32> to vector<512x512xf32>
      %min3A_1224 = vector.broadcast %slice3A_1204 : vector<1x512xf32> to vector<512x512xf32>
      %min3A_1225 = arith.minimumf %min3A_1223, %min3A_1224 : vector<512x512xf32>
      %max3A_1226 = vector.broadcast %slice3A_900 : vector<512x1xf32> to vector<512x512xf32>
      %max3A_1227 = vector.broadcast %slice3A_1202 : vector<1x512xf32> to vector<512x512xf32>
      %max3A_1228 = arith.maximumf %max3A_1226, %max3A_1227 : vector<512x512xf32>
      %sub3A_1229 = arith.subf %min3A_1225, %max3A_1228 : vector<512x512xf32>
      %max3A_1230 = arith.constant 0.000000e+00 : f32
      %max3A_1231 = vector.broadcast %max3A_1230 : f32 to vector<512x512xf32>
      %max3A_1232 = arith.maximumf %sub3A_1229, %max3A_1231 : vector<512x512xf32>
      %mul3A_1233 = arith.mulf %max3A_1222, %max3A_1232 : vector<512x512xf32>
      %add3A_1234 = vector.broadcast %mul3A_909 : vector<512x1xf32> to vector<512x512xf32>
      %add3A_1235 = vector.broadcast %mul3A_1211 : vector<1x512xf32> to vector<512x512xf32>
      %add3A_1236 = arith.addf %add3A_1234, %add3A_1235 : vector<512x512xf32>
      %sub3A_1237 = arith.subf %add3A_1236, %mul3A_1233 : vector<512x512xf32>
      %add3A_1238 = arith.constant 9.99999996E-13 : f32
      %add3A_1239 = vector.broadcast %add3A_1238 : f32 to vector<512x512xf32>
      %add3A_1240 = arith.addf %sub3A_1237, %add3A_1239 : vector<512x512xf32>
      %div3A_1241 = arith.divf %mul3A_1233, %add3A_1240 : vector<512x512xf32>
      %gt3A_1242 = arith.constant 8.000000e-01 : f32
      %gt3A_1243 = vector.broadcast %gt3A_1242 : f32 to vector<512x512xf32>
      %gt3A_1244 = arith.cmpf ogt, %div3A_1241, %gt3A_1243 : vector<512x512xf32>
      %eq3A_1245 = vector.broadcast %slice3A_910 : vector<512x1xf32> to vector<512x512xf32>
      %eq3A_1246 = vector.broadcast %slice3A_1212 : vector<1x512xf32> to vector<512x512xf32>
      %eq3A_1247 = arith.cmpf oeq, %eq3A_1245, %eq3A_1246 : vector<512x512xf32>
      %and3A_1248 = arith.andi %gt3A_1244, %eq3A_1247 : vector<512x512xi1>
      %convert_element_type3A_1249 = arith.extui %and3A_1248 : vector<512x512xi1> to vector<512x512xi32>
      %convert_element_type3A_1250 = arith.sitofp %convert_element_type3A_1249 : vector<512x512xi32> to vector<512x512xf32>
      %get3A_1251 = arith.constant 0 : index
      %get3A_1252 = arith.constant 0 : index
      %get3A_1253 = vector.load %arg4[%get3A_1251, %get3A_1252] : memref<512x1xf32, #tpu.memory_space<vmem>>, vector<512x1xf32>
      %dot_general3A = arith.constant dense<0.000000e+00> : vector<512x1xf32>
      %dot_general3A_1254 = tpu.matmul %convert_element_type3A_1250, %while3A_270#0, %dot_general3A {dimension_numbers = #tpu.dot_dimension_numbers<[1], [0], [0], [1], [0, 0, 1, 1], [], []>, transpose_lhs_hint = false} : vector<512x512xf32>, vector<512x1xf32>, vector<512x1xf32> -> vector<512x1xf32>
      %add3A_1255 = arith.addf %get3A_1253, %dot_general3A_1254 : vector<512x1xf32>
      %swap3A_1256 = arith.constant 0 : index
      %swap3A_1257 = arith.constant 0 : index
      %swap3A_1258 = vector.load %arg4[%swap3A_1256, %swap3A_1257] : memref<512x1xf32, #tpu.memory_space<vmem>>, vector<512x1xf32>
      tpu.vector_store %arg4[%swap3A_1256, %swap3A_1257], %add3A_1255 {strides = array<i32>} : memref<512x1xf32, #tpu.memory_space<vmem>>, vector<512x1xf32>,
    } else {
    }
    %get3A_937 = arith.constant 83 : index
    %get3A_938 = memref.load %arg2[%get3A_937] : memref<100xi32, #tpu.memory_space<smem>>
    %ne3A_939 = arith.constant 0 : i32
    %ne3A_940 = arith.cmpi ne, %get3A_938, %ne3A_939 : i32
    %convert_element_type3A_941 = arith.extui %ne3A_940 : i1 to i32
    %cond3A_942 = arith.constant 0 : i32
    %cond3A_943 = arith.cmpi ne, %convert_element_type3A_941, %cond3A_942 : i32
    scf.if %cond3A_943 {
      %get3A_1198 = arith.constant 0 : index
      %get3A_1199 = arith.constant 1536 : index
      %get3A_1200 = vector.load %arg1[%get3A_1198, %get3A_1199] : memref<8x5120xf32, #tpu.memory_space<vmem>>, vector<8x512xf32>
      %slice3A_1201 = vector.extract_strided_slice %get3A_1200 {offsets = [0, 0], sizes = [1, 512], strides = [1, 1]} : vector<8x512xf32> to vector<1x512xf32>
      %slice3A_1202 = vector.extract_strided_slice %get3A_1200 {offsets = [1, 0], sizes = [1, 512], strides = [1, 1]} : vector<8x512xf32> to vector<1x512xf32>
      %slice3A_1203 = vector.extract_strided_slice %get3A_1200 {offsets = [2, 0], sizes = [1, 512], strides = [1, 1]} : vector<8x512xf32> to vector<1x512xf32>
      %slice3A_1204 = vector.extract_strided_slice %get3A_1200 {offsets = [3, 0], sizes = [1, 512], strides = [1, 1]} : vector<8x512xf32> to vector<1x512xf32>
      %slice3A_1205 = vector.extract_strided_slice %get3A_1200 {offsets = [2, 0], sizes = [1, 512], strides = [1, 1]} : vector<8x512xf32> to vector<1x512xf32>
      %slice3A_1206 = vector.extract_strided_slice %get3A_1200 {offsets = [0, 0], sizes = [1, 512], strides = [1, 1]} : vector<8x512xf32> to vector<1x512xf32>
      %sub3A_1207 = arith.subf %slice3A_1205, %slice3A_1206 : vector<1x512xf32>
      %slice3A_1208 = vector.extract_strided_slice %get3A_1200 {offsets = [3, 0], sizes = [1, 512], strides = [1, 1]} : vector<8x512xf32> to vector<1x512xf32>
      %slice3A_1209 = vector.extract_strided_slice %get3A_1200 {offsets = [1, 0], sizes = [1, 512], strides = [1, 1]} : vector<8x512xf32> to vector<1x512xf32>
      %sub3A_1210 = arith.subf %slice3A_1208, %slice3A_1209 : vector<1x512xf32>
      %mul3A_1211 = arith.mulf %sub3A_1207, %sub3A_1210 : vector<1x512xf32>
      %slice3A_1212 = vector.extract_strided_slice %get3A_1200 {offsets = [4, 0], sizes = [1, 512], strides = [1, 1]} : vector<8x512xf32> to vector<1x512xf32>
      %min3A_1213 = vector.broadcast %slice3A_901 : vector<512x1xf32> to vector<512x512xf32>
      %min3A_1214 = vector.broadcast %slice3A_1203 : vector<1x512xf32> to vector<512x512xf32>
      %min3A_1215 = arith.minimumf %min3A_1213, %min3A_1214 : vector<512x512xf32>
      %max3A_1216 = vector.broadcast %slice3A_899 : vector<512x1xf32> to vector<512x512xf32>
      %max3A_1217 = vector.broadcast %slice3A_1201 : vector<1x512xf32> to vector<512x512xf32>
      %max3A_1218 = arith.maximumf %max3A_1216, %max3A_1217 : vector<512x512xf32>
      %sub3A_1219 = arith.subf %min3A_1215, %max3A_1218 : vector<512x512xf32>
      %max3A_1220 = arith.constant 0.000000e+00 : f32
      %max3A_1221 = vector.broadcast %max3A_1220 : f32 to vector<512x512xf32>
      %max3A_1222 = arith.maximumf %sub3A_1219, %max3A_1221 : vector<512x512xf32>
      %min3A_1223 = vector.broadcast %slice3A_902 : vector<512x1xf32> to vector<512x512xf32>
      %min3A_1224 = vector.broadcast %slice3A_1204 : vector<1x512xf32> to vector<512x512xf32>
      %min3A_1225 = arith.minimumf %min3A_1223, %min3A_1224 : vector<512x512xf32>
      %max3A_1226 = vector.broadcast %slice3A_900 : vector<512x1xf32> to vector<512x512xf32>
      %max3A_1227 = vector.broadcast %slice3A_1202 : vector<1x512xf32> to vector<512x512xf32>
      %max3A_1228 = arith.maximumf %max3A_1226, %max3A_1227 : vector<512x512xf32>
      %sub3A_1229 = arith.subf %min3A_1225, %max3A_1228 : vector<512x512xf32>
      %max3A_1230 = arith.constant 0.000000e+00 : f32
      %max3A_1231 = vector.broadcast %max3A_1230 : f32 to vector<512x512xf32>
      %max3A_1232 = arith.maximumf %sub3A_1229, %max3A_1231 : vector<512x512xf32>
      %mul3A_1233 = arith.mulf %max3A_1222, %max3A_1232 : vector<512x512xf32>
      %add3A_1234 = vector.broadcast %mul3A_909 : vector<512x1xf32> to vector<512x512xf32>
      %add3A_1235 = vector.broadcast %mul3A_1211 : vector<1x512xf32> to vector<512x512xf32>
      %add3A_1236 = arith.addf %add3A_1234, %add3A_1235 : vector<512x512xf32>
      %sub3A_1237 = arith.subf %add3A_1236, %mul3A_1233 : vector<512x512xf32>
      %add3A_1238 = arith.constant 9.99999996E-13 : f32
      %add3A_1239 = vector.broadcast %add3A_1238 : f32 to vector<512x512xf32>
      %add3A_1240 = arith.addf %sub3A_1237, %add3A_1239 : vector<512x512xf32>
      %div3A_1241 = arith.divf %mul3A_1233, %add3A_1240 : vector<512x512xf32>
      %gt3A_1242 = arith.constant 8.000000e-01 : f32
      %gt3A_1243 = vector.broadcast %gt3A_1242 : f32 to vector<512x512xf32>
      %gt3A_1244 = arith.cmpf ogt, %div3A_1241, %gt3A_1243 : vector<512x512xf32>
      %eq3A_1245 = vector.broadcast %slice3A_910 : vector<512x1xf32> to vector<512x512xf32>
      %eq3A_1246 = vector.broadcast %slice3A_1212 : vector<1x512xf32> to vector<512x512xf32>
      %eq3A_1247 = arith.cmpf oeq, %eq3A_1245, %eq3A_1246 : vector<512x512xf32>
      %and3A_1248 = arith.andi %gt3A_1244, %eq3A_1247 : vector<512x512xi1>
      %convert_element_type3A_1249 = arith.extui %and3A_1248 : vector<512x512xi1> to vector<512x512xi32>
      %convert_element_type3A_1250 = arith.sitofp %convert_element_type3A_1249 : vector<512x512xi32> to vector<512x512xf32>
      %get3A_1251 = arith.constant 0 : index
      %get3A_1252 = arith.constant 0 : index
      %get3A_1253 = vector.load %arg4[%get3A_1251, %get3A_1252] : memref<512x1xf32, #tpu.memory_space<vmem>>, vector<512x1xf32>
      %dot_general3A = arith.constant dense<0.000000e+00> : vector<512x1xf32>
      %dot_general3A_1254 = tpu.matmul %convert_element_type3A_1250, %while3A_381#0, %dot_general3A {dimension_numbers = #tpu.dot_dimension_numbers<[1], [0], [0], [1], [0, 0, 1, 1], [], []>, transpose_lhs_hint = false} : vector<512x512xf32>, vector<512x1xf32>, vector<512x1xf32> -> vector<512x1xf32>
      %add3A_1255 = arith.addf %get3A_1253, %dot_general3A_1254 : vector<512x1xf32>
      %swap3A_1256 = arith.constant 0 : index
      %swap3A_1257 = arith.constant 0 : index
      %swap3A_1258 = vector.load %arg4[%swap3A_1256, %swap3A_1257] : memref<512x1xf32, #tpu.memory_space<vmem>>, vector<512x1xf32>
      tpu.vector_store %arg4[%swap3A_1256, %swap3A_1257], %add3A_1255 {strides = array<i32>} : memref<512x1xf32, #tpu.memory_space<vmem>>, vector<512x1xf32>,
    } else {
    }
    %get3A_944 = arith.constant 84 : index
    %get3A_945 = memref.load %arg2[%get3A_944] : memref<100xi32, #tpu.memory_space<smem>>
    %ne3A_946 = arith.constant 0 : i32
    %ne3A_947 = arith.cmpi ne, %get3A_945, %ne3A_946 : i32
    %convert_element_type3A_948 = arith.extui %ne3A_947 : i1 to i32
    %cond3A_949 = arith.constant 0 : i32
    %cond3A_950 = arith.cmpi ne, %convert_element_type3A_948, %cond3A_949 : i32
    scf.if %cond3A_950 {
      %get3A_1198 = arith.constant 0 : index
      %get3A_1199 = arith.constant 2048 : index
      %get3A_1200 = vector.load %arg1[%get3A_1198, %get3A_1199] : memref<8x5120xf32, #tpu.memory_space<vmem>>, vector<8x512xf32>
      %slice3A_1201 = vector.extract_strided_slice %get3A_1200 {offsets = [0, 0], sizes = [1, 512], strides = [1, 1]} : vector<8x512xf32> to vector<1x512xf32>
      %slice3A_1202 = vector.extract_strided_slice %get3A_1200 {offsets = [1, 0], sizes = [1, 512], strides = [1, 1]} : vector<8x512xf32> to vector<1x512xf32>
      %slice3A_1203 = vector.extract_strided_slice %get3A_1200 {offsets = [2, 0], sizes = [1, 512], strides = [1, 1]} : vector<8x512xf32> to vector<1x512xf32>
      %slice3A_1204 = vector.extract_strided_slice %get3A_1200 {offsets = [3, 0], sizes = [1, 512], strides = [1, 1]} : vector<8x512xf32> to vector<1x512xf32>
      %slice3A_1205 = vector.extract_strided_slice %get3A_1200 {offsets = [2, 0], sizes = [1, 512], strides = [1, 1]} : vector<8x512xf32> to vector<1x512xf32>
      %slice3A_1206 = vector.extract_strided_slice %get3A_1200 {offsets = [0, 0], sizes = [1, 512], strides = [1, 1]} : vector<8x512xf32> to vector<1x512xf32>
      %sub3A_1207 = arith.subf %slice3A_1205, %slice3A_1206 : vector<1x512xf32>
      %slice3A_1208 = vector.extract_strided_slice %get3A_1200 {offsets = [3, 0], sizes = [1, 512], strides = [1, 1]} : vector<8x512xf32> to vector<1x512xf32>
      %slice3A_1209 = vector.extract_strided_slice %get3A_1200 {offsets = [1, 0], sizes = [1, 512], strides = [1, 1]} : vector<8x512xf32> to vector<1x512xf32>
      %sub3A_1210 = arith.subf %slice3A_1208, %slice3A_1209 : vector<1x512xf32>
      %mul3A_1211 = arith.mulf %sub3A_1207, %sub3A_1210 : vector<1x512xf32>
      %slice3A_1212 = vector.extract_strided_slice %get3A_1200 {offsets = [4, 0], sizes = [1, 512], strides = [1, 1]} : vector<8x512xf32> to vector<1x512xf32>
      %min3A_1213 = vector.broadcast %slice3A_901 : vector<512x1xf32> to vector<512x512xf32>
      %min3A_1214 = vector.broadcast %slice3A_1203 : vector<1x512xf32> to vector<512x512xf32>
      %min3A_1215 = arith.minimumf %min3A_1213, %min3A_1214 : vector<512x512xf32>
      %max3A_1216 = vector.broadcast %slice3A_899 : vector<512x1xf32> to vector<512x512xf32>
      %max3A_1217 = vector.broadcast %slice3A_1201 : vector<1x512xf32> to vector<512x512xf32>
      %max3A_1218 = arith.maximumf %max3A_1216, %max3A_1217 : vector<512x512xf32>
      %sub3A_1219 = arith.subf %min3A_1215, %max3A_1218 : vector<512x512xf32>
      %max3A_1220 = arith.constant 0.000000e+00 : f32
      %max3A_1221 = vector.broadcast %max3A_1220 : f32 to vector<512x512xf32>
      %max3A_1222 = arith.maximumf %sub3A_1219, %max3A_1221 : vector<512x512xf32>
      %min3A_1223 = vector.broadcast %slice3A_902 : vector<512x1xf32> to vector<512x512xf32>
      %min3A_1224 = vector.broadcast %slice3A_1204 : vector<1x512xf32> to vector<512x512xf32>
      %min3A_1225 = arith.minimumf %min3A_1223, %min3A_1224 : vector<512x512xf32>
      %max3A_1226 = vector.broadcast %slice3A_900 : vector<512x1xf32> to vector<512x512xf32>
      %max3A_1227 = vector.broadcast %slice3A_1202 : vector<1x512xf32> to vector<512x512xf32>
      %max3A_1228 = arith.maximumf %max3A_1226, %max3A_1227 : vector<512x512xf32>
      %sub3A_1229 = arith.subf %min3A_1225, %max3A_1228 : vector<512x512xf32>
      %max3A_1230 = arith.constant 0.000000e+00 : f32
      %max3A_1231 = vector.broadcast %max3A_1230 : f32 to vector<512x512xf32>
      %max3A_1232 = arith.maximumf %sub3A_1229, %max3A_1231 : vector<512x512xf32>
      %mul3A_1233 = arith.mulf %max3A_1222, %max3A_1232 : vector<512x512xf32>
      %add3A_1234 = vector.broadcast %mul3A_909 : vector<512x1xf32> to vector<512x512xf32>
      %add3A_1235 = vector.broadcast %mul3A_1211 : vector<1x512xf32> to vector<512x512xf32>
      %add3A_1236 = arith.addf %add3A_1234, %add3A_1235 : vector<512x512xf32>
      %sub3A_1237 = arith.subf %add3A_1236, %mul3A_1233 : vector<512x512xf32>
      %add3A_1238 = arith.constant 9.99999996E-13 : f32
      %add3A_1239 = vector.broadcast %add3A_1238 : f32 to vector<512x512xf32>
      %add3A_1240 = arith.addf %sub3A_1237, %add3A_1239 : vector<512x512xf32>
      %div3A_1241 = arith.divf %mul3A_1233, %add3A_1240 : vector<512x512xf32>
      %gt3A_1242 = arith.constant 8.000000e-01 : f32
      %gt3A_1243 = vector.broadcast %gt3A_1242 : f32 to vector<512x512xf32>
      %gt3A_1244 = arith.cmpf ogt, %div3A_1241, %gt3A_1243 : vector<512x512xf32>
      %eq3A_1245 = vector.broadcast %slice3A_910 : vector<512x1xf32> to vector<512x512xf32>
      %eq3A_1246 = vector.broadcast %slice3A_1212 : vector<1x512xf32> to vector<512x512xf32>
      %eq3A_1247 = arith.cmpf oeq, %eq3A_1245, %eq3A_1246 : vector<512x512xf32>
      %and3A_1248 = arith.andi %gt3A_1244, %eq3A_1247 : vector<512x512xi1>
      %convert_element_type3A_1249 = arith.extui %and3A_1248 : vector<512x512xi1> to vector<512x512xi32>
      %convert_element_type3A_1250 = arith.sitofp %convert_element_type3A_1249 : vector<512x512xi32> to vector<512x512xf32>
      %get3A_1251 = arith.constant 0 : index
      %get3A_1252 = arith.constant 0 : index
      %get3A_1253 = vector.load %arg4[%get3A_1251, %get3A_1252] : memref<512x1xf32, #tpu.memory_space<vmem>>, vector<512x1xf32>
      %dot_general3A = arith.constant dense<0.000000e+00> : vector<512x1xf32>
      %dot_general3A_1254 = tpu.matmul %convert_element_type3A_1250, %while3A_499#0, %dot_general3A {dimension_numbers = #tpu.dot_dimension_numbers<[1], [0], [0], [1], [0, 0, 1, 1], [], []>, transpose_lhs_hint = false} : vector<512x512xf32>, vector<512x1xf32>, vector<512x1xf32> -> vector<512x1xf32>
      %add3A_1255 = arith.addf %get3A_1253, %dot_general3A_1254 : vector<512x1xf32>
      %swap3A_1256 = arith.constant 0 : index
      %swap3A_1257 = arith.constant 0 : index
      %swap3A_1258 = vector.load %arg4[%swap3A_1256, %swap3A_1257] : memref<512x1xf32, #tpu.memory_space<vmem>>, vector<512x1xf32>
      tpu.vector_store %arg4[%swap3A_1256, %swap3A_1257], %add3A_1255 {strides = array<i32>} : memref<512x1xf32, #tpu.memory_space<vmem>>, vector<512x1xf32>,
    } else {
    }
    %get3A_951 = arith.constant 85 : index
    %get3A_952 = memref.load %arg2[%get3A_951] : memref<100xi32, #tpu.memory_space<smem>>
    %ne3A_953 = arith.constant 0 : i32
    %ne3A_954 = arith.cmpi ne, %get3A_952, %ne3A_953 : i32
    %convert_element_type3A_955 = arith.extui %ne3A_954 : i1 to i32
    %cond3A_956 = arith.constant 0 : i32
    %cond3A_957 = arith.cmpi ne, %convert_element_type3A_955, %cond3A_956 : i32
    scf.if %cond3A_957 {
      %get3A_1198 = arith.constant 0 : index
      %get3A_1199 = arith.constant 2560 : index
      %get3A_1200 = vector.load %arg1[%get3A_1198, %get3A_1199] : memref<8x5120xf32, #tpu.memory_space<vmem>>, vector<8x512xf32>
      %slice3A_1201 = vector.extract_strided_slice %get3A_1200 {offsets = [0, 0], sizes = [1, 512], strides = [1, 1]} : vector<8x512xf32> to vector<1x512xf32>
      %slice3A_1202 = vector.extract_strided_slice %get3A_1200 {offsets = [1, 0], sizes = [1, 512], strides = [1, 1]} : vector<8x512xf32> to vector<1x512xf32>
      %slice3A_1203 = vector.extract_strided_slice %get3A_1200 {offsets = [2, 0], sizes = [1, 512], strides = [1, 1]} : vector<8x512xf32> to vector<1x512xf32>
      %slice3A_1204 = vector.extract_strided_slice %get3A_1200 {offsets = [3, 0], sizes = [1, 512], strides = [1, 1]} : vector<8x512xf32> to vector<1x512xf32>
      %slice3A_1205 = vector.extract_strided_slice %get3A_1200 {offsets = [2, 0], sizes = [1, 512], strides = [1, 1]} : vector<8x512xf32> to vector<1x512xf32>
      %slice3A_1206 = vector.extract_strided_slice %get3A_1200 {offsets = [0, 0], sizes = [1, 512], strides = [1, 1]} : vector<8x512xf32> to vector<1x512xf32>
      %sub3A_1207 = arith.subf %slice3A_1205, %slice3A_1206 : vector<1x512xf32>
      %slice3A_1208 = vector.extract_strided_slice %get3A_1200 {offsets = [3, 0], sizes = [1, 512], strides = [1, 1]} : vector<8x512xf32> to vector<1x512xf32>
      %slice3A_1209 = vector.extract_strided_slice %get3A_1200 {offsets = [1, 0], sizes = [1, 512], strides = [1, 1]} : vector<8x512xf32> to vector<1x512xf32>
      %sub3A_1210 = arith.subf %slice3A_1208, %slice3A_1209 : vector<1x512xf32>
      %mul3A_1211 = arith.mulf %sub3A_1207, %sub3A_1210 : vector<1x512xf32>
      %slice3A_1212 = vector.extract_strided_slice %get3A_1200 {offsets = [4, 0], sizes = [1, 512], strides = [1, 1]} : vector<8x512xf32> to vector<1x512xf32>
      %min3A_1213 = vector.broadcast %slice3A_901 : vector<512x1xf32> to vector<512x512xf32>
      %min3A_1214 = vector.broadcast %slice3A_1203 : vector<1x512xf32> to vector<512x512xf32>
      %min3A_1215 = arith.minimumf %min3A_1213, %min3A_1214 : vector<512x512xf32>
      %max3A_1216 = vector.broadcast %slice3A_899 : vector<512x1xf32> to vector<512x512xf32>
      %max3A_1217 = vector.broadcast %slice3A_1201 : vector<1x512xf32> to vector<512x512xf32>
      %max3A_1218 = arith.maximumf %max3A_1216, %max3A_1217 : vector<512x512xf32>
      %sub3A_1219 = arith.subf %min3A_1215, %max3A_1218 : vector<512x512xf32>
      %max3A_1220 = arith.constant 0.000000e+00 : f32
      %max3A_1221 = vector.broadcast %max3A_1220 : f32 to vector<512x512xf32>
      %max3A_1222 = arith.maximumf %sub3A_1219, %max3A_1221 : vector<512x512xf32>
      %min3A_1223 = vector.broadcast %slice3A_902 : vector<512x1xf32> to vector<512x512xf32>
      %min3A_1224 = vector.broadcast %slice3A_1204 : vector<1x512xf32> to vector<512x512xf32>
      %min3A_1225 = arith.minimumf %min3A_1223, %min3A_1224 : vector<512x512xf32>
      %max3A_1226 = vector.broadcast %slice3A_900 : vector<512x1xf32> to vector<512x512xf32>
      %max3A_1227 = vector.broadcast %slice3A_1202 : vector<1x512xf32> to vector<512x512xf32>
      %max3A_1228 = arith.maximumf %max3A_1226, %max3A_1227 : vector<512x512xf32>
      %sub3A_1229 = arith.subf %min3A_1225, %max3A_1228 : vector<512x512xf32>
      %max3A_1230 = arith.constant 0.000000e+00 : f32
      %max3A_1231 = vector.broadcast %max3A_1230 : f32 to vector<512x512xf32>
      %max3A_1232 = arith.maximumf %sub3A_1229, %max3A_1231 : vector<512x512xf32>
      %mul3A_1233 = arith.mulf %max3A_1222, %max3A_1232 : vector<512x512xf32>
      %add3A_1234 = vector.broadcast %mul3A_909 : vector<512x1xf32> to vector<512x512xf32>
      %add3A_1235 = vector.broadcast %mul3A_1211 : vector<1x512xf32> to vector<512x512xf32>
      %add3A_1236 = arith.addf %add3A_1234, %add3A_1235 : vector<512x512xf32>
      %sub3A_1237 = arith.subf %add3A_1236, %mul3A_1233 : vector<512x512xf32>
      %add3A_1238 = arith.constant 9.99999996E-13 : f32
      %add3A_1239 = vector.broadcast %add3A_1238 : f32 to vector<512x512xf32>
      %add3A_1240 = arith.addf %sub3A_1237, %add3A_1239 : vector<512x512xf32>
      %div3A_1241 = arith.divf %mul3A_1233, %add3A_1240 : vector<512x512xf32>
      %gt3A_1242 = arith.constant 8.000000e-01 : f32
      %gt3A_1243 = vector.broadcast %gt3A_1242 : f32 to vector<512x512xf32>
      %gt3A_1244 = arith.cmpf ogt, %div3A_1241, %gt3A_1243 : vector<512x512xf32>
      %eq3A_1245 = vector.broadcast %slice3A_910 : vector<512x1xf32> to vector<512x512xf32>
      %eq3A_1246 = vector.broadcast %slice3A_1212 : vector<1x512xf32> to vector<512x512xf32>
      %eq3A_1247 = arith.cmpf oeq, %eq3A_1245, %eq3A_1246 : vector<512x512xf32>
      %and3A_1248 = arith.andi %gt3A_1244, %eq3A_1247 : vector<512x512xi1>
      %convert_element_type3A_1249 = arith.extui %and3A_1248 : vector<512x512xi1> to vector<512x512xi32>
      %convert_element_type3A_1250 = arith.sitofp %convert_element_type3A_1249 : vector<512x512xi32> to vector<512x512xf32>
      %get3A_1251 = arith.constant 0 : index
      %get3A_1252 = arith.constant 0 : index
      %get3A_1253 = vector.load %arg4[%get3A_1251, %get3A_1252] : memref<512x1xf32, #tpu.memory_space<vmem>>, vector<512x1xf32>
      %dot_general3A = arith.constant dense<0.000000e+00> : vector<512x1xf32>
      %dot_general3A_1254 = tpu.matmul %convert_element_type3A_1250, %while3A_624#0, %dot_general3A {dimension_numbers = #tpu.dot_dimension_numbers<[1], [0], [0], [1], [0, 0, 1, 1], [], []>, transpose_lhs_hint = false} : vector<512x512xf32>, vector<512x1xf32>, vector<512x1xf32> -> vector<512x1xf32>
      %add3A_1255 = arith.addf %get3A_1253, %dot_general3A_1254 : vector<512x1xf32>
      %swap3A_1256 = arith.constant 0 : index
      %swap3A_1257 = arith.constant 0 : index
      %swap3A_1258 = vector.load %arg4[%swap3A_1256, %swap3A_1257] : memref<512x1xf32, #tpu.memory_space<vmem>>, vector<512x1xf32>
      tpu.vector_store %arg4[%swap3A_1256, %swap3A_1257], %add3A_1255 {strides = array<i32>} : memref<512x1xf32, #tpu.memory_space<vmem>>, vector<512x1xf32>,
    } else {
    }
    %get3A_958 = arith.constant 86 : index
    %get3A_959 = memref.load %arg2[%get3A_958] : memref<100xi32, #tpu.memory_space<smem>>
    %ne3A_960 = arith.constant 0 : i32
    %ne3A_961 = arith.cmpi ne, %get3A_959, %ne3A_960 : i32
    %convert_element_type3A_962 = arith.extui %ne3A_961 : i1 to i32
    %cond3A_963 = arith.constant 0 : i32
    %cond3A_964 = arith.cmpi ne, %convert_element_type3A_962, %cond3A_963 : i32
    scf.if %cond3A_964 {
      %get3A_1198 = arith.constant 0 : index
      %get3A_1199 = arith.constant 3072 : index
      %get3A_1200 = vector.load %arg1[%get3A_1198, %get3A_1199] : memref<8x5120xf32, #tpu.memory_space<vmem>>, vector<8x512xf32>
      %slice3A_1201 = vector.extract_strided_slice %get3A_1200 {offsets = [0, 0], sizes = [1, 512], strides = [1, 1]} : vector<8x512xf32> to vector<1x512xf32>
      %slice3A_1202 = vector.extract_strided_slice %get3A_1200 {offsets = [1, 0], sizes = [1, 512], strides = [1, 1]} : vector<8x512xf32> to vector<1x512xf32>
      %slice3A_1203 = vector.extract_strided_slice %get3A_1200 {offsets = [2, 0], sizes = [1, 512], strides = [1, 1]} : vector<8x512xf32> to vector<1x512xf32>
      %slice3A_1204 = vector.extract_strided_slice %get3A_1200 {offsets = [3, 0], sizes = [1, 512], strides = [1, 1]} : vector<8x512xf32> to vector<1x512xf32>
      %slice3A_1205 = vector.extract_strided_slice %get3A_1200 {offsets = [2, 0], sizes = [1, 512], strides = [1, 1]} : vector<8x512xf32> to vector<1x512xf32>
      %slice3A_1206 = vector.extract_strided_slice %get3A_1200 {offsets = [0, 0], sizes = [1, 512], strides = [1, 1]} : vector<8x512xf32> to vector<1x512xf32>
      %sub3A_1207 = arith.subf %slice3A_1205, %slice3A_1206 : vector<1x512xf32>
      %slice3A_1208 = vector.extract_strided_slice %get3A_1200 {offsets = [3, 0], sizes = [1, 512], strides = [1, 1]} : vector<8x512xf32> to vector<1x512xf32>
      %slice3A_1209 = vector.extract_strided_slice %get3A_1200 {offsets = [1, 0], sizes = [1, 512], strides = [1, 1]} : vector<8x512xf32> to vector<1x512xf32>
      %sub3A_1210 = arith.subf %slice3A_1208, %slice3A_1209 : vector<1x512xf32>
      %mul3A_1211 = arith.mulf %sub3A_1207, %sub3A_1210 : vector<1x512xf32>
      %slice3A_1212 = vector.extract_strided_slice %get3A_1200 {offsets = [4, 0], sizes = [1, 512], strides = [1, 1]} : vector<8x512xf32> to vector<1x512xf32>
      %min3A_1213 = vector.broadcast %slice3A_901 : vector<512x1xf32> to vector<512x512xf32>
      %min3A_1214 = vector.broadcast %slice3A_1203 : vector<1x512xf32> to vector<512x512xf32>
      %min3A_1215 = arith.minimumf %min3A_1213, %min3A_1214 : vector<512x512xf32>
      %max3A_1216 = vector.broadcast %slice3A_899 : vector<512x1xf32> to vector<512x512xf32>
      %max3A_1217 = vector.broadcast %slice3A_1201 : vector<1x512xf32> to vector<512x512xf32>
      %max3A_1218 = arith.maximumf %max3A_1216, %max3A_1217 : vector<512x512xf32>
      %sub3A_1219 = arith.subf %min3A_1215, %max3A_1218 : vector<512x512xf32>
      %max3A_1220 = arith.constant 0.000000e+00 : f32
      %max3A_1221 = vector.broadcast %max3A_1220 : f32 to vector<512x512xf32>
      %max3A_1222 = arith.maximumf %sub3A_1219, %max3A_1221 : vector<512x512xf32>
      %min3A_1223 = vector.broadcast %slice3A_902 : vector<512x1xf32> to vector<512x512xf32>
      %min3A_1224 = vector.broadcast %slice3A_1204 : vector<1x512xf32> to vector<512x512xf32>
      %min3A_1225 = arith.minimumf %min3A_1223, %min3A_1224 : vector<512x512xf32>
      %max3A_1226 = vector.broadcast %slice3A_900 : vector<512x1xf32> to vector<512x512xf32>
      %max3A_1227 = vector.broadcast %slice3A_1202 : vector<1x512xf32> to vector<512x512xf32>
      %max3A_1228 = arith.maximumf %max3A_1226, %max3A_1227 : vector<512x512xf32>
      %sub3A_1229 = arith.subf %min3A_1225, %max3A_1228 : vector<512x512xf32>
      %max3A_1230 = arith.constant 0.000000e+00 : f32
      %max3A_1231 = vector.broadcast %max3A_1230 : f32 to vector<512x512xf32>
      %max3A_1232 = arith.maximumf %sub3A_1229, %max3A_1231 : vector<512x512xf32>
      %mul3A_1233 = arith.mulf %max3A_1222, %max3A_1232 : vector<512x512xf32>
      %add3A_1234 = vector.broadcast %mul3A_909 : vector<512x1xf32> to vector<512x512xf32>
      %add3A_1235 = vector.broadcast %mul3A_1211 : vector<1x512xf32> to vector<512x512xf32>
      %add3A_1236 = arith.addf %add3A_1234, %add3A_1235 : vector<512x512xf32>
      %sub3A_1237 = arith.subf %add3A_1236, %mul3A_1233 : vector<512x512xf32>
      %add3A_1238 = arith.constant 9.99999996E-13 : f32
      %add3A_1239 = vector.broadcast %add3A_1238 : f32 to vector<512x512xf32>
      %add3A_1240 = arith.addf %sub3A_1237, %add3A_1239 : vector<512x512xf32>
      %div3A_1241 = arith.divf %mul3A_1233, %add3A_1240 : vector<512x512xf32>
      %gt3A_1242 = arith.constant 8.000000e-01 : f32
      %gt3A_1243 = vector.broadcast %gt3A_1242 : f32 to vector<512x512xf32>
      %gt3A_1244 = arith.cmpf ogt, %div3A_1241, %gt3A_1243 : vector<512x512xf32>
      %eq3A_1245 = vector.broadcast %slice3A_910 : vector<512x1xf32> to vector<512x512xf32>
      %eq3A_1246 = vector.broadcast %slice3A_1212 : vector<1x512xf32> to vector<512x512xf32>
      %eq3A_1247 = arith.cmpf oeq, %eq3A_1245, %eq3A_1246 : vector<512x512xf32>
      %and3A_1248 = arith.andi %gt3A_1244, %eq3A_1247 : vector<512x512xi1>
      %convert_element_type3A_1249 = arith.extui %and3A_1248 : vector<512x512xi1> to vector<512x512xi32>
      %convert_element_type3A_1250 = arith.sitofp %convert_element_type3A_1249 : vector<512x512xi32> to vector<512x512xf32>
      %get3A_1251 = arith.constant 0 : index
      %get3A_1252 = arith.constant 0 : index
      %get3A_1253 = vector.load %arg4[%get3A_1251, %get3A_1252] : memref<512x1xf32, #tpu.memory_space<vmem>>, vector<512x1xf32>
      %dot_general3A = arith.constant dense<0.000000e+00> : vector<512x1xf32>
      %dot_general3A_1254 = tpu.matmul %convert_element_type3A_1250, %while3A_756#0, %dot_general3A {dimension_numbers = #tpu.dot_dimension_numbers<[1], [0], [0], [1], [0, 0, 1, 1], [], []>, transpose_lhs_hint = false} : vector<512x512xf32>, vector<512x1xf32>, vector<512x1xf32> -> vector<512x1xf32>
      %add3A_1255 = arith.addf %get3A_1253, %dot_general3A_1254 : vector<512x1xf32>
      %swap3A_1256 = arith.constant 0 : index
      %swap3A_1257 = arith.constant 0 : index
      %swap3A_1258 = vector.load %arg4[%swap3A_1256, %swap3A_1257] : memref<512x1xf32, #tpu.memory_space<vmem>>, vector<512x1xf32>
      tpu.vector_store %arg4[%swap3A_1256, %swap3A_1257], %add3A_1255 {strides = array<i32>} : memref<512x1xf32, #tpu.memory_space<vmem>>, vector<512x1xf32>,
    } else {
    }
    %get3A_965 = arith.constant 87 : index
    %get3A_966 = memref.load %arg2[%get3A_965] : memref<100xi32, #tpu.memory_space<smem>>
    %ne3A_967 = arith.constant 0 : i32
    %ne3A_968 = arith.cmpi ne, %get3A_966, %ne3A_967 : i32
    %convert_element_type3A_969 = arith.extui %ne3A_968 : i1 to i32
    %cond3A_970 = arith.constant 0 : i32
    %cond3A_971 = arith.cmpi ne, %convert_element_type3A_969, %cond3A_970 : i32
    scf.if %cond3A_971 {
      %get3A_1198 = arith.constant 0 : index
      %get3A_1199 = arith.constant 3584 : index
      %get3A_1200 = vector.load %arg1[%get3A_1198, %get3A_1199] : memref<8x5120xf32, #tpu.memory_space<vmem>>, vector<8x512xf32>
      %slice3A_1201 = vector.extract_strided_slice %get3A_1200 {offsets = [0, 0], sizes = [1, 512], strides = [1, 1]} : vector<8x512xf32> to vector<1x512xf32>
      %slice3A_1202 = vector.extract_strided_slice %get3A_1200 {offsets = [1, 0], sizes = [1, 512], strides = [1, 1]} : vector<8x512xf32> to vector<1x512xf32>
      %slice3A_1203 = vector.extract_strided_slice %get3A_1200 {offsets = [2, 0], sizes = [1, 512], strides = [1, 1]} : vector<8x512xf32> to vector<1x512xf32>
      %slice3A_1204 = vector.extract_strided_slice %get3A_1200 {offsets = [3, 0], sizes = [1, 512], strides = [1, 1]} : vector<8x512xf32> to vector<1x512xf32>
      %slice3A_1205 = vector.extract_strided_slice %get3A_1200 {offsets = [2, 0], sizes = [1, 512], strides = [1, 1]} : vector<8x512xf32> to vector<1x512xf32>
      %slice3A_1206 = vector.extract_strided_slice %get3A_1200 {offsets = [0, 0], sizes = [1, 512], strides = [1, 1]} : vector<8x512xf32> to vector<1x512xf32>
      %sub3A_1207 = arith.subf %slice3A_1205, %slice3A_1206 : vector<1x512xf32>
      %slice3A_1208 = vector.extract_strided_slice %get3A_1200 {offsets = [3, 0], sizes = [1, 512], strides = [1, 1]} : vector<8x512xf32> to vector<1x512xf32>
      %slice3A_1209 = vector.extract_strided_slice %get3A_1200 {offsets = [1, 0], sizes = [1, 512], strides = [1, 1]} : vector<8x512xf32> to vector<1x512xf32>
      %sub3A_1210 = arith.subf %slice3A_1208, %slice3A_1209 : vector<1x512xf32>
      %mul3A_1211 = arith.mulf %sub3A_1207, %sub3A_1210 : vector<1x512xf32>
      %slice3A_1212 = vector.extract_strided_slice %get3A_1200 {offsets = [4, 0], sizes = [1, 512], strides = [1, 1]} : vector<8x512xf32> to vector<1x512xf32>
      %min3A_1213 = vector.broadcast %slice3A_901 : vector<512x1xf32> to vector<512x512xf32>
      %min3A_1214 = vector.broadcast %slice3A_1203 : vector<1x512xf32> to vector<512x512xf32>
      %min3A_1215 = arith.minimumf %min3A_1213, %min3A_1214 : vector<512x512xf32>
      %max3A_1216 = vector.broadcast %slice3A_899 : vector<512x1xf32> to vector<512x512xf32>
      %max3A_1217 = vector.broadcast %slice3A_1201 : vector<1x512xf32> to vector<512x512xf32>
      %max3A_1218 = arith.maximumf %max3A_1216, %max3A_1217 : vector<512x512xf32>
      %sub3A_1219 = arith.subf %min3A_1215, %max3A_1218 : vector<512x512xf32>
      %max3A_1220 = arith.constant 0.000000e+00 : f32
      %max3A_1221 = vector.broadcast %max3A_1220 : f32 to vector<512x512xf32>
      %max3A_1222 = arith.maximumf %sub3A_1219, %max3A_1221 : vector<512x512xf32>
      %min3A_1223 = vector.broadcast %slice3A_902 : vector<512x1xf32> to vector<512x512xf32>
      %min3A_1224 = vector.broadcast %slice3A_1204 : vector<1x512xf32> to vector<512x512xf32>
      %min3A_1225 = arith.minimumf %min3A_1223, %min3A_1224 : vector<512x512xf32>
      %max3A_1226 = vector.broadcast %slice3A_900 : vector<512x1xf32> to vector<512x512xf32>
      %max3A_1227 = vector.broadcast %slice3A_1202 : vector<1x512xf32> to vector<512x512xf32>
      %max3A_1228 = arith.maximumf %max3A_1226, %max3A_1227 : vector<512x512xf32>
      %sub3A_1229 = arith.subf %min3A_1225, %max3A_1228 : vector<512x512xf32>
      %max3A_1230 = arith.constant 0.000000e+00 : f32
      %max3A_1231 = vector.broadcast %max3A_1230 : f32 to vector<512x512xf32>
      %max3A_1232 = arith.maximumf %sub3A_1229, %max3A_1231 : vector<512x512xf32>
      %mul3A_1233 = arith.mulf %max3A_1222, %max3A_1232 : vector<512x512xf32>
      %add3A_1234 = vector.broadcast %mul3A_909 : vector<512x1xf32> to vector<512x512xf32>
      %add3A_1235 = vector.broadcast %mul3A_1211 : vector<1x512xf32> to vector<512x512xf32>
      %add3A_1236 = arith.addf %add3A_1234, %add3A_1235 : vector<512x512xf32>
      %sub3A_1237 = arith.subf %add3A_1236, %mul3A_1233 : vector<512x512xf32>
      %add3A_1238 = arith.constant 9.99999996E-13 : f32
      %add3A_1239 = vector.broadcast %add3A_1238 : f32 to vector<512x512xf32>
      %add3A_1240 = arith.addf %sub3A_1237, %add3A_1239 : vector<512x512xf32>
      %div3A_1241 = arith.divf %mul3A_1233, %add3A_1240 : vector<512x512xf32>
      %gt3A_1242 = arith.constant 8.000000e-01 : f32
      %gt3A_1243 = vector.broadcast %gt3A_1242 : f32 to vector<512x512xf32>
      %gt3A_1244 = arith.cmpf ogt, %div3A_1241, %gt3A_1243 : vector<512x512xf32>
      %eq3A_1245 = vector.broadcast %slice3A_910 : vector<512x1xf32> to vector<512x512xf32>
      %eq3A_1246 = vector.broadcast %slice3A_1212 : vector<1x512xf32> to vector<512x512xf32>
      %eq3A_1247 = arith.cmpf oeq, %eq3A_1245, %eq3A_1246 : vector<512x512xf32>
      %and3A_1248 = arith.andi %gt3A_1244, %eq3A_1247 : vector<512x512xi1>
      %convert_element_type3A_1249 = arith.extui %and3A_1248 : vector<512x512xi1> to vector<512x512xi32>
      %convert_element_type3A_1250 = arith.sitofp %convert_element_type3A_1249 : vector<512x512xi32> to vector<512x512xf32>
      %get3A_1251 = arith.constant 0 : index
      %get3A_1252 = arith.constant 0 : index
      %get3A_1253 = vector.load %arg4[%get3A_1251, %get3A_1252] : memref<512x1xf32, #tpu.memory_space<vmem>>, vector<512x1xf32>
      %dot_general3A = arith.constant dense<0.000000e+00> : vector<512x1xf32>
      %dot_general3A_1254 = tpu.matmul %convert_element_type3A_1250, %while3A_895#0, %dot_general3A {dimension_numbers = #tpu.dot_dimension_numbers<[1], [0], [0], [1], [0, 0, 1, 1], [], []>, transpose_lhs_hint = false} : vector<512x512xf32>, vector<512x1xf32>, vector<512x1xf32> -> vector<512x1xf32>
      %add3A_1255 = arith.addf %get3A_1253, %dot_general3A_1254 : vector<512x1xf32>
      %swap3A_1256 = arith.constant 0 : index
      %swap3A_1257 = arith.constant 0 : index
      %swap3A_1258 = vector.load %arg4[%swap3A_1256, %swap3A_1257] : memref<512x1xf32, #tpu.memory_space<vmem>>, vector<512x1xf32>
      tpu.vector_store %arg4[%swap3A_1256, %swap3A_1257], %add3A_1255 {strides = array<i32>} : memref<512x1xf32, #tpu.memory_space<vmem>>, vector<512x1xf32>,
    } else {
    }
    %get3A_972 = arith.constant 0 : index
    %get3A_973 = arith.constant 0 : index
    %get3A_974 = vector.load %arg4[%get3A_972, %get3A_973] : memref<512x1xf32, #tpu.memory_space<vmem>>, vector<512x1xf32>
    %get3A_975 = arith.constant 0 : index
    %get3A_976 = arith.constant 4096 : index
    %get3A_977 = vector.load %arg1[%get3A_975, %get3A_976] : memref<8x5120xf32, #tpu.memory_space<vmem>>, vector<8x512xf32>
    %slice3A_978 = vector.extract_strided_slice %get3A_977 {offsets = [0, 0], sizes = [1, 512], strides = [1, 1]} : vector<8x512xf32> to vector<1x512xf32>
    %slice3A_979 = vector.extract_strided_slice %get3A_977 {offsets = [1, 0], sizes = [1, 512], strides = [1, 1]} : vector<8x512xf32> to vector<1x512xf32>
    %slice3A_980 = vector.extract_strided_slice %get3A_977 {offsets = [2, 0], sizes = [1, 512], strides = [1, 1]} : vector<8x512xf32> to vector<1x512xf32>
    %slice3A_981 = vector.extract_strided_slice %get3A_977 {offsets = [3, 0], sizes = [1, 512], strides = [1, 1]} : vector<8x512xf32> to vector<1x512xf32>
    %slice3A_982 = vector.extract_strided_slice %get3A_977 {offsets = [2, 0], sizes = [1, 512], strides = [1, 1]} : vector<8x512xf32> to vector<1x512xf32>
    %slice3A_983 = vector.extract_strided_slice %get3A_977 {offsets = [0, 0], sizes = [1, 512], strides = [1, 1]} : vector<8x512xf32> to vector<1x512xf32>
    %sub3A_984 = arith.subf %slice3A_982, %slice3A_983 : vector<1x512xf32>
    %slice3A_985 = vector.extract_strided_slice %get3A_977 {offsets = [3, 0], sizes = [1, 512], strides = [1, 1]} : vector<8x512xf32> to vector<1x512xf32>
    %slice3A_986 = vector.extract_strided_slice %get3A_977 {offsets = [1, 0], sizes = [1, 512], strides = [1, 1]} : vector<8x512xf32> to vector<1x512xf32>
    %sub3A_987 = arith.subf %slice3A_985, %slice3A_986 : vector<1x512xf32>
    %mul3A_988 = arith.mulf %sub3A_984, %sub3A_987 : vector<1x512xf32>
    %slice3A_989 = vector.extract_strided_slice %get3A_977 {offsets = [4, 0], sizes = [1, 512], strides = [1, 1]} : vector<8x512xf32> to vector<1x512xf32>
    %iota3A_990 = tpu.iota {dimensions = array<i32: 0>} : vector<512x512xi32>
    %iota3A_991 = tpu.iota {dimensions = array<i32: 1>} : vector<512x512xi32>
    %gt3A_992 = arith.cmpi sgt, %iota3A_990, %iota3A_991 : vector<512x512xi32>
    %min3A_993 = vector.broadcast %slice3A_901 : vector<512x1xf32> to vector<512x512xf32>
    %min3A_994 = vector.broadcast %slice3A_980 : vector<1x512xf32> to vector<512x512xf32>
    %min3A_995 = arith.minimumf %min3A_993, %min3A_994 : vector<512x512xf32>
    %max3A_996 = vector.broadcast %slice3A_899 : vector<512x1xf32> to vector<512x512xf32>
    %max3A_997 = vector.broadcast %slice3A_978 : vector<1x512xf32> to vector<512x512xf32>
    %max3A_998 = arith.maximumf %max3A_996, %max3A_997 : vector<512x512xf32>
    %sub3A_999 = arith.subf %min3A_995, %max3A_998 : vector<512x512xf32>
    %max3A_1000 = arith.constant 0.000000e+00 : f32
    %max3A_1001 = vector.broadcast %max3A_1000 : f32 to vector<512x512xf32>
    %max3A_1002 = arith.maximumf %sub3A_999, %max3A_1001 : vector<512x512xf32>
    %min3A_1003 = vector.broadcast %slice3A_902 : vector<512x1xf32> to vector<512x512xf32>
    %min3A_1004 = vector.broadcast %slice3A_981 : vector<1x512xf32> to vector<512x512xf32>
    %min3A_1005 = arith.minimumf %min3A_1003, %min3A_1004 : vector<512x512xf32>
    %max3A_1006 = vector.broadcast %slice3A_900 : vector<512x1xf32> to vector<512x512xf32>
    %max3A_1007 = vector.broadcast %slice3A_979 : vector<1x512xf32> to vector<512x512xf32>
    %max3A_1008 = arith.maximumf %max3A_1006, %max3A_1007 : vector<512x512xf32>
    %sub3A_1009 = arith.subf %min3A_1005, %max3A_1008 : vector<512x512xf32>
    %max3A_1010 = arith.constant 0.000000e+00 : f32
    %max3A_1011 = vector.broadcast %max3A_1010 : f32 to vector<512x512xf32>
    %max3A_1012 = arith.maximumf %sub3A_1009, %max3A_1011 : vector<512x512xf32>
    %mul3A_1013 = arith.mulf %max3A_1002, %max3A_1012 : vector<512x512xf32>
    %add3A_1014 = vector.broadcast %mul3A_909 : vector<512x1xf32> to vector<512x512xf32>
    %add3A_1015 = vector.broadcast %mul3A_988 : vector<1x512xf32> to vector<512x512xf32>
    %add3A_1016 = arith.addf %add3A_1014, %add3A_1015 : vector<512x512xf32>
    %sub3A_1017 = arith.subf %add3A_1016, %mul3A_1013 : vector<512x512xf32>
    %add3A_1018 = arith.constant 9.99999996E-13 : f32
    %add3A_1019 = vector.broadcast %add3A_1018 : f32 to vector<512x512xf32>
    %add3A_1020 = arith.addf %sub3A_1017, %add3A_1019 : vector<512x512xf32>
    %div3A_1021 = arith.divf %mul3A_1013, %add3A_1020 : vector<512x512xf32>
    %gt3A_1022 = arith.constant 8.000000e-01 : f32
    %gt3A_1023 = vector.broadcast %gt3A_1022 : f32 to vector<512x512xf32>
    %gt3A_1024 = arith.cmpf ogt, %div3A_1021, %gt3A_1023 : vector<512x512xf32>
    %eq3A_1025 = vector.broadcast %slice3A_910 : vector<512x1xf32> to vector<512x512xf32>
    %eq3A_1026 = vector.broadcast %slice3A_989 : vector<1x512xf32> to vector<512x512xf32>
    %eq3A_1027 = arith.cmpf oeq, %eq3A_1025, %eq3A_1026 : vector<512x512xf32>
    %and3A_1028 = arith.andi %gt3A_1024, %eq3A_1027 : vector<512x512xi1>
    %and3A_1029 = arith.andi %and3A_1028, %gt3A_992 : vector<512x512xi1>
    %convert_element_type3A_1030 = arith.extui %and3A_1029 : vector<512x512xi1> to vector<512x512xi32>
    %convert_element_type3A_1031 = arith.sitofp %convert_element_type3A_1030 : vector<512x512xi32> to vector<512x512xf32>
    %gt3A_1032 = arith.constant 0.000000e+00 : f32
    %gt3A_1033 = vector.broadcast %gt3A_1032 : f32 to vector<512x1xf32>
    %gt3A_1034 = arith.cmpf ogt, %get3A_974, %gt3A_1033 : vector<512x1xf32>
    %jit3A_1035 = arith.constant 0.000000e+00 : f32
    %jit3A_1036 = arith.constant 1.000000e+00 : f32
    %broadcast_in_dim3A_1037 = vector.broadcast %jit3A_1035 : f32 to vector<512x1xf32>
    %broadcast_in_dim3A_1038 = vector.broadcast %jit3A_1036 : f32 to vector<512x1xf32>
    %select_n3A_1039 = arith.select %gt3A_1034, %broadcast_in_dim3A_1037, %broadcast_in_dim3A_1038 : vector<512x1xi1>, vector<512x1xf32>
    %while3A_1040 = arith.constant true
    %while3A_1041:2 = scf.while (%while3A_1198 = %select_n3A_1039, %while3A_1199 = %while3A_1040) : (vector<512x1xf32>, i1) -> (vector<512x1xf32>, i1) {
      scf.condition(%while3A_1199) %while3A_1198, %while3A_1199 : vector<512x1xf32>, i1
    } do {
    ^bb0(%while3A_1198: vector<512x1xf32>, %while3A_1199: i1):
      %dot_general3A = arith.constant dense<0.000000e+00> : vector<512x1xf32>
      %dot_general3A_1200 = tpu.matmul %convert_element_type3A_1031, %while3A_1198, %dot_general3A {dimension_numbers = #tpu.dot_dimension_numbers<[1], [0], [0], [1], [0, 0, 1, 1], [], []>, transpose_lhs_hint = false} : vector<512x512xf32>, vector<512x1xf32>, vector<512x1xf32> -> vector<512x1xf32>
      %gt3A_1201 = arith.constant 0.000000e+00 : f32
      %gt3A_1202 = vector.broadcast %gt3A_1201 : f32 to vector<512x1xf32>
      %gt3A_1203 = arith.cmpf ogt, %dot_general3A_1200, %gt3A_1202 : vector<512x1xf32>
      %jit3A_1204 = arith.constant 0.000000e+00 : f32
      %broadcast_in_dim3A_1205 = vector.broadcast %jit3A_1204 : f32 to vector<512x1xf32>
      %select_n3A_1206 = arith.select %gt3A_1203, %broadcast_in_dim3A_1205, %select_n3A_1039 : vector<512x1xi1>, vector<512x1xf32>
      %ne3A_1207 = arith.cmpf one, %select_n3A_1206, %while3A_1198 : vector<512x1xf32>
      %reduce_or3A = arith.constant 1.000000e+00 : f32
      %reduce_or3A_1208 = arith.constant 0.000000e+00 : f32
      %reduce_or3A_1209 = vector.broadcast %reduce_or3A : f32 to vector<512x1xf32>
      %reduce_or3A_1210 = vector.broadcast %reduce_or3A_1208 : f32 to vector<512x1xf32>
      %reduce_or3A_1211 = arith.select %ne3A_1207, %reduce_or3A_1209, %reduce_or3A_1210 : vector<512x1xi1>, vector<512x1xf32>
      %reduce_or3A_1212 = vector.shape_cast %reduce_or3A_1211 : vector<512x1xf32> to vector<1x512x1xf32>
      %reduce_or3A_1213 = arith.constant dense<0xFF800000> : vector<1xf32>
      %reduce_or3A_1214 = vector.multi_reduction <maximumf>, %reduce_or3A_1212, %reduce_or3A_1213 [1, 2] : vector<1x512x1xf32> to vector<1xf32>
      %reduce_or3A_1215 = vector.shape_cast %reduce_or3A_1214 : vector<1xf32> to vector<1x1x1xf32>
      %reduce_or3A_1216 = vector.extract %reduce_or3A_1215[0, 0, 0] : f32 from vector<1x1x1xf32>
      %reduce_or3A_1217 = arith.constant 0.000000e+00 : f32
      %reduce_or3A_1218 = arith.cmpf ogt, %reduce_or3A_1216, %reduce_or3A_1217 : f32
      scf.yield %select_n3A_1206, %reduce_or3A_1218 : vector<512x1xf32>, i1
    }
    %get3A_1042 = arith.constant 4608 : index
    %get3A_1043 = arith.constant 0 : index
    %get3A_1044 = vector.load %arg0[%get3A_1042, %get3A_1043] : memref<5120x8xf32, #tpu.memory_space<vmem>>, vector<512x8xf32>
    %slice3A_1045 = vector.extract_strided_slice %get3A_1044 {offsets = [0, 0], sizes = [512, 1], strides = [1, 1]} : vector<512x8xf32> to vector<512x1xf32>
    %slice3A_1046 = vector.extract_strided_slice %get3A_1044 {offsets = [0, 1], sizes = [512, 1], strides = [1, 1]} : vector<512x8xf32> to vector<512x1xf32>
    %slice3A_1047 = vector.extract_strided_slice %get3A_1044 {offsets = [0, 2], sizes = [512, 1], strides = [1, 1]} : vector<512x8xf32> to vector<512x1xf32>
    %slice3A_1048 = vector.extract_strided_slice %get3A_1044 {offsets = [0, 3], sizes = [512, 1], strides = [1, 1]} : vector<512x8xf32> to vector<512x1xf32>
    %slice3A_1049 = vector.extract_strided_slice %get3A_1044 {offsets = [0, 2], sizes = [512, 1], strides = [1, 1]} : vector<512x8xf32> to vector<512x1xf32>
    %slice3A_1050 = vector.extract_strided_slice %get3A_1044 {offsets = [0, 0], sizes = [512, 1], strides = [1, 1]} : vector<512x8xf32> to vector<512x1xf32>
    %sub3A_1051 = arith.subf %slice3A_1049, %slice3A_1050 : vector<512x1xf32>
    %slice3A_1052 = vector.extract_strided_slice %get3A_1044 {offsets = [0, 3], sizes = [512, 1], strides = [1, 1]} : vector<512x8xf32> to vector<512x1xf32>
    %slice3A_1053 = vector.extract_strided_slice %get3A_1044 {offsets = [0, 1], sizes = [512, 1], strides = [1, 1]} : vector<512x8xf32> to vector<512x1xf32>
    %sub3A_1054 = arith.subf %slice3A_1052, %slice3A_1053 : vector<512x1xf32>
    %mul3A_1055 = arith.mulf %sub3A_1051, %sub3A_1054 : vector<512x1xf32>
    %slice3A_1056 = vector.extract_strided_slice %get3A_1044 {offsets = [0, 4], sizes = [512, 1], strides = [1, 1]} : vector<512x8xf32> to vector<512x1xf32>
    %broadcast_in_dim3A_1057 = arith.constant 0.000000e+00 : f32
    %broadcast_in_dim3A_1058 = vector.broadcast %broadcast_in_dim3A_1057 : f32 to vector<512x1xf32>
    %swap3A_1059 = arith.constant 0 : index
    %swap3A_1060 = arith.constant 0 : index
    %swap3A_1061 = vector.load %arg4[%swap3A_1059, %swap3A_1060] : memref<512x1xf32, #tpu.memory_space<vmem>>, vector<512x1xf32>
    tpu.vector_store %arg4[%swap3A_1059, %swap3A_1060], %broadcast_in_dim3A_1058 {strides = array<i32>} : memref<512x1xf32, #tpu.memory_space<vmem>>, vector<512x1xf32>,
    %get3A_1062 = arith.constant 90 : index
    %get3A_1063 = memref.load %arg2[%get3A_1062] : memref<100xi32, #tpu.memory_space<smem>>
    %ne3A_1064 = arith.constant 0 : i32
    %ne3A_1065 = arith.cmpi ne, %get3A_1063, %ne3A_1064 : i32
    %convert_element_type3A_1066 = arith.extui %ne3A_1065 : i1 to i32
    %cond3A_1067 = arith.constant 0 : i32
    %cond3A_1068 = arith.cmpi ne, %convert_element_type3A_1066, %cond3A_1067 : i32
    scf.if %cond3A_1068 {
      %get3A_1198 = arith.constant 0 : index
      %get3A_1199 = arith.constant 0 : index
      %get3A_1200 = vector.load %arg1[%get3A_1198, %get3A_1199] : memref<8x5120xf32, #tpu.memory_space<vmem>>, vector<8x512xf32>
      %slice3A_1201 = vector.extract_strided_slice %get3A_1200 {offsets = [0, 0], sizes = [1, 512], strides = [1, 1]} : vector<8x512xf32> to vector<1x512xf32>
      %slice3A_1202 = vector.extract_strided_slice %get3A_1200 {offsets = [1, 0], sizes = [1, 512], strides = [1, 1]} : vector<8x512xf32> to vector<1x512xf32>
      %slice3A_1203 = vector.extract_strided_slice %get3A_1200 {offsets = [2, 0], sizes = [1, 512], strides = [1, 1]} : vector<8x512xf32> to vector<1x512xf32>
      %slice3A_1204 = vector.extract_strided_slice %get3A_1200 {offsets = [3, 0], sizes = [1, 512], strides = [1, 1]} : vector<8x512xf32> to vector<1x512xf32>
      %slice3A_1205 = vector.extract_strided_slice %get3A_1200 {offsets = [2, 0], sizes = [1, 512], strides = [1, 1]} : vector<8x512xf32> to vector<1x512xf32>
      %slice3A_1206 = vector.extract_strided_slice %get3A_1200 {offsets = [0, 0], sizes = [1, 512], strides = [1, 1]} : vector<8x512xf32> to vector<1x512xf32>
      %sub3A_1207 = arith.subf %slice3A_1205, %slice3A_1206 : vector<1x512xf32>
      %slice3A_1208 = vector.extract_strided_slice %get3A_1200 {offsets = [3, 0], sizes = [1, 512], strides = [1, 1]} : vector<8x512xf32> to vector<1x512xf32>
      %slice3A_1209 = vector.extract_strided_slice %get3A_1200 {offsets = [1, 0], sizes = [1, 512], strides = [1, 1]} : vector<8x512xf32> to vector<1x512xf32>
      %sub3A_1210 = arith.subf %slice3A_1208, %slice3A_1209 : vector<1x512xf32>
      %mul3A_1211 = arith.mulf %sub3A_1207, %sub3A_1210 : vector<1x512xf32>
      %slice3A_1212 = vector.extract_strided_slice %get3A_1200 {offsets = [4, 0], sizes = [1, 512], strides = [1, 1]} : vector<8x512xf32> to vector<1x512xf32>
      %min3A_1213 = vector.broadcast %slice3A_1047 : vector<512x1xf32> to vector<512x512xf32>
      %min3A_1214 = vector.broadcast %slice3A_1203 : vector<1x512xf32> to vector<512x512xf32>
      %min3A_1215 = arith.minimumf %min3A_1213, %min3A_1214 : vector<512x512xf32>
      %max3A_1216 = vector.broadcast %slice3A_1045 : vector<512x1xf32> to vector<512x512xf32>
      %max3A_1217 = vector.broadcast %slice3A_1201 : vector<1x512xf32> to vector<512x512xf32>
      %max3A_1218 = arith.maximumf %max3A_1216, %max3A_1217 : vector<512x512xf32>
      %sub3A_1219 = arith.subf %min3A_1215, %max3A_1218 : vector<512x512xf32>
      %max3A_1220 = arith.constant 0.000000e+00 : f32
      %max3A_1221 = vector.broadcast %max3A_1220 : f32 to vector<512x512xf32>
      %max3A_1222 = arith.maximumf %sub3A_1219, %max3A_1221 : vector<512x512xf32>
      %min3A_1223 = vector.broadcast %slice3A_1048 : vector<512x1xf32> to vector<512x512xf32>
      %min3A_1224 = vector.broadcast %slice3A_1204 : vector<1x512xf32> to vector<512x512xf32>
      %min3A_1225 = arith.minimumf %min3A_1223, %min3A_1224 : vector<512x512xf32>
      %max3A_1226 = vector.broadcast %slice3A_1046 : vector<512x1xf32> to vector<512x512xf32>
      %max3A_1227 = vector.broadcast %slice3A_1202 : vector<1x512xf32> to vector<512x512xf32>
      %max3A_1228 = arith.maximumf %max3A_1226, %max3A_1227 : vector<512x512xf32>
      %sub3A_1229 = arith.subf %min3A_1225, %max3A_1228 : vector<512x512xf32>
      %max3A_1230 = arith.constant 0.000000e+00 : f32
      %max3A_1231 = vector.broadcast %max3A_1230 : f32 to vector<512x512xf32>
      %max3A_1232 = arith.maximumf %sub3A_1229, %max3A_1231 : vector<512x512xf32>
      %mul3A_1233 = arith.mulf %max3A_1222, %max3A_1232 : vector<512x512xf32>
      %add3A_1234 = vector.broadcast %mul3A_1055 : vector<512x1xf32> to vector<512x512xf32>
      %add3A_1235 = vector.broadcast %mul3A_1211 : vector<1x512xf32> to vector<512x512xf32>
      %add3A_1236 = arith.addf %add3A_1234, %add3A_1235 : vector<512x512xf32>
      %sub3A_1237 = arith.subf %add3A_1236, %mul3A_1233 : vector<512x512xf32>
      %add3A_1238 = arith.constant 9.99999996E-13 : f32
      %add3A_1239 = vector.broadcast %add3A_1238 : f32 to vector<512x512xf32>
      %add3A_1240 = arith.addf %sub3A_1237, %add3A_1239 : vector<512x512xf32>
      %div3A_1241 = arith.divf %mul3A_1233, %add3A_1240 : vector<512x512xf32>
      %gt3A_1242 = arith.constant 8.000000e-01 : f32
      %gt3A_1243 = vector.broadcast %gt3A_1242 : f32 to vector<512x512xf32>
      %gt3A_1244 = arith.cmpf ogt, %div3A_1241, %gt3A_1243 : vector<512x512xf32>
      %eq3A_1245 = vector.broadcast %slice3A_1056 : vector<512x1xf32> to vector<512x512xf32>
      %eq3A_1246 = vector.broadcast %slice3A_1212 : vector<1x512xf32> to vector<512x512xf32>
      %eq3A_1247 = arith.cmpf oeq, %eq3A_1245, %eq3A_1246 : vector<512x512xf32>
      %and3A_1248 = arith.andi %gt3A_1244, %eq3A_1247 : vector<512x512xi1>
      %convert_element_type3A_1249 = arith.extui %and3A_1248 : vector<512x512xi1> to vector<512x512xi32>
      %convert_element_type3A_1250 = arith.sitofp %convert_element_type3A_1249 : vector<512x512xi32> to vector<512x512xf32>
      %get3A_1251 = arith.constant 0 : index
      %get3A_1252 = arith.constant 0 : index
      %get3A_1253 = vector.load %arg4[%get3A_1251, %get3A_1252] : memref<512x1xf32, #tpu.memory_space<vmem>>, vector<512x1xf32>
      %dot_general3A = arith.constant dense<0.000000e+00> : vector<512x1xf32>
      %dot_general3A_1254 = tpu.matmul %convert_element_type3A_1250, %while3A_71#0, %dot_general3A {dimension_numbers = #tpu.dot_dimension_numbers<[1], [0], [0], [1], [0, 0, 1, 1], [], []>, transpose_lhs_hint = false} : vector<512x512xf32>, vector<512x1xf32>, vector<512x1xf32> -> vector<512x1xf32>
      %add3A_1255 = arith.addf %get3A_1253, %dot_general3A_1254 : vector<512x1xf32>
      %swap3A_1256 = arith.constant 0 : index
      %swap3A_1257 = arith.constant 0 : index
      %swap3A_1258 = vector.load %arg4[%swap3A_1256, %swap3A_1257] : memref<512x1xf32, #tpu.memory_space<vmem>>, vector<512x1xf32>
      tpu.vector_store %arg4[%swap3A_1256, %swap3A_1257], %add3A_1255 {strides = array<i32>} : memref<512x1xf32, #tpu.memory_space<vmem>>, vector<512x1xf32>,
    } else {
    }
    %get3A_1069 = arith.constant 91 : index
    %get3A_1070 = memref.load %arg2[%get3A_1069] : memref<100xi32, #tpu.memory_space<smem>>
    %ne3A_1071 = arith.constant 0 : i32
    %ne3A_1072 = arith.cmpi ne, %get3A_1070, %ne3A_1071 : i32
    %convert_element_type3A_1073 = arith.extui %ne3A_1072 : i1 to i32
    %cond3A_1074 = arith.constant 0 : i32
    %cond3A_1075 = arith.cmpi ne, %convert_element_type3A_1073, %cond3A_1074 : i32
    scf.if %cond3A_1075 {
      %get3A_1198 = arith.constant 0 : index
      %get3A_1199 = arith.constant 512 : index
      %get3A_1200 = vector.load %arg1[%get3A_1198, %get3A_1199] : memref<8x5120xf32, #tpu.memory_space<vmem>>, vector<8x512xf32>
      %slice3A_1201 = vector.extract_strided_slice %get3A_1200 {offsets = [0, 0], sizes = [1, 512], strides = [1, 1]} : vector<8x512xf32> to vector<1x512xf32>
      %slice3A_1202 = vector.extract_strided_slice %get3A_1200 {offsets = [1, 0], sizes = [1, 512], strides = [1, 1]} : vector<8x512xf32> to vector<1x512xf32>
      %slice3A_1203 = vector.extract_strided_slice %get3A_1200 {offsets = [2, 0], sizes = [1, 512], strides = [1, 1]} : vector<8x512xf32> to vector<1x512xf32>
      %slice3A_1204 = vector.extract_strided_slice %get3A_1200 {offsets = [3, 0], sizes = [1, 512], strides = [1, 1]} : vector<8x512xf32> to vector<1x512xf32>
      %slice3A_1205 = vector.extract_strided_slice %get3A_1200 {offsets = [2, 0], sizes = [1, 512], strides = [1, 1]} : vector<8x512xf32> to vector<1x512xf32>
      %slice3A_1206 = vector.extract_strided_slice %get3A_1200 {offsets = [0, 0], sizes = [1, 512], strides = [1, 1]} : vector<8x512xf32> to vector<1x512xf32>
      %sub3A_1207 = arith.subf %slice3A_1205, %slice3A_1206 : vector<1x512xf32>
      %slice3A_1208 = vector.extract_strided_slice %get3A_1200 {offsets = [3, 0], sizes = [1, 512], strides = [1, 1]} : vector<8x512xf32> to vector<1x512xf32>
      %slice3A_1209 = vector.extract_strided_slice %get3A_1200 {offsets = [1, 0], sizes = [1, 512], strides = [1, 1]} : vector<8x512xf32> to vector<1x512xf32>
      %sub3A_1210 = arith.subf %slice3A_1208, %slice3A_1209 : vector<1x512xf32>
      %mul3A_1211 = arith.mulf %sub3A_1207, %sub3A_1210 : vector<1x512xf32>
      %slice3A_1212 = vector.extract_strided_slice %get3A_1200 {offsets = [4, 0], sizes = [1, 512], strides = [1, 1]} : vector<8x512xf32> to vector<1x512xf32>
      %min3A_1213 = vector.broadcast %slice3A_1047 : vector<512x1xf32> to vector<512x512xf32>
      %min3A_1214 = vector.broadcast %slice3A_1203 : vector<1x512xf32> to vector<512x512xf32>
      %min3A_1215 = arith.minimumf %min3A_1213, %min3A_1214 : vector<512x512xf32>
      %max3A_1216 = vector.broadcast %slice3A_1045 : vector<512x1xf32> to vector<512x512xf32>
      %max3A_1217 = vector.broadcast %slice3A_1201 : vector<1x512xf32> to vector<512x512xf32>
      %max3A_1218 = arith.maximumf %max3A_1216, %max3A_1217 : vector<512x512xf32>
      %sub3A_1219 = arith.subf %min3A_1215, %max3A_1218 : vector<512x512xf32>
      %max3A_1220 = arith.constant 0.000000e+00 : f32
      %max3A_1221 = vector.broadcast %max3A_1220 : f32 to vector<512x512xf32>
      %max3A_1222 = arith.maximumf %sub3A_1219, %max3A_1221 : vector<512x512xf32>
      %min3A_1223 = vector.broadcast %slice3A_1048 : vector<512x1xf32> to vector<512x512xf32>
      %min3A_1224 = vector.broadcast %slice3A_1204 : vector<1x512xf32> to vector<512x512xf32>
      %min3A_1225 = arith.minimumf %min3A_1223, %min3A_1224 : vector<512x512xf32>
      %max3A_1226 = vector.broadcast %slice3A_1046 : vector<512x1xf32> to vector<512x512xf32>
      %max3A_1227 = vector.broadcast %slice3A_1202 : vector<1x512xf32> to vector<512x512xf32>
      %max3A_1228 = arith.maximumf %max3A_1226, %max3A_1227 : vector<512x512xf32>
      %sub3A_1229 = arith.subf %min3A_1225, %max3A_1228 : vector<512x512xf32>
      %max3A_1230 = arith.constant 0.000000e+00 : f32
      %max3A_1231 = vector.broadcast %max3A_1230 : f32 to vector<512x512xf32>
      %max3A_1232 = arith.maximumf %sub3A_1229, %max3A_1231 : vector<512x512xf32>
      %mul3A_1233 = arith.mulf %max3A_1222, %max3A_1232 : vector<512x512xf32>
      %add3A_1234 = vector.broadcast %mul3A_1055 : vector<512x1xf32> to vector<512x512xf32>
      %add3A_1235 = vector.broadcast %mul3A_1211 : vector<1x512xf32> to vector<512x512xf32>
      %add3A_1236 = arith.addf %add3A_1234, %add3A_1235 : vector<512x512xf32>
      %sub3A_1237 = arith.subf %add3A_1236, %mul3A_1233 : vector<512x512xf32>
      %add3A_1238 = arith.constant 9.99999996E-13 : f32
      %add3A_1239 = vector.broadcast %add3A_1238 : f32 to vector<512x512xf32>
      %add3A_1240 = arith.addf %sub3A_1237, %add3A_1239 : vector<512x512xf32>
      %div3A_1241 = arith.divf %mul3A_1233, %add3A_1240 : vector<512x512xf32>
      %gt3A_1242 = arith.constant 8.000000e-01 : f32
      %gt3A_1243 = vector.broadcast %gt3A_1242 : f32 to vector<512x512xf32>
      %gt3A_1244 = arith.cmpf ogt, %div3A_1241, %gt3A_1243 : vector<512x512xf32>
      %eq3A_1245 = vector.broadcast %slice3A_1056 : vector<512x1xf32> to vector<512x512xf32>
      %eq3A_1246 = vector.broadcast %slice3A_1212 : vector<1x512xf32> to vector<512x512xf32>
      %eq3A_1247 = arith.cmpf oeq, %eq3A_1245, %eq3A_1246 : vector<512x512xf32>
      %and3A_1248 = arith.andi %gt3A_1244, %eq3A_1247 : vector<512x512xi1>
      %convert_element_type3A_1249 = arith.extui %and3A_1248 : vector<512x512xi1> to vector<512x512xi32>
      %convert_element_type3A_1250 = arith.sitofp %convert_element_type3A_1249 : vector<512x512xi32> to vector<512x512xf32>
      %get3A_1251 = arith.constant 0 : index
      %get3A_1252 = arith.constant 0 : index
      %get3A_1253 = vector.load %arg4[%get3A_1251, %get3A_1252] : memref<512x1xf32, #tpu.memory_space<vmem>>, vector<512x1xf32>
      %dot_general3A = arith.constant dense<0.000000e+00> : vector<512x1xf32>
      %dot_general3A_1254 = tpu.matmul %convert_element_type3A_1250, %while3A_166#0, %dot_general3A {dimension_numbers = #tpu.dot_dimension_numbers<[1], [0], [0], [1], [0, 0, 1, 1], [], []>, transpose_lhs_hint = false} : vector<512x512xf32>, vector<512x1xf32>, vector<512x1xf32> -> vector<512x1xf32>
      %add3A_1255 = arith.addf %get3A_1253, %dot_general3A_1254 : vector<512x1xf32>
      %swap3A_1256 = arith.constant 0 : index
      %swap3A_1257 = arith.constant 0 : index
      %swap3A_1258 = vector.load %arg4[%swap3A_1256, %swap3A_1257] : memref<512x1xf32, #tpu.memory_space<vmem>>, vector<512x1xf32>
      tpu.vector_store %arg4[%swap3A_1256, %swap3A_1257], %add3A_1255 {strides = array<i32>} : memref<512x1xf32, #tpu.memory_space<vmem>>, vector<512x1xf32>,
    } else {
    }
    %get3A_1076 = arith.constant 92 : index
    %get3A_1077 = memref.load %arg2[%get3A_1076] : memref<100xi32, #tpu.memory_space<smem>>
    %ne3A_1078 = arith.constant 0 : i32
    %ne3A_1079 = arith.cmpi ne, %get3A_1077, %ne3A_1078 : i32
    %convert_element_type3A_1080 = arith.extui %ne3A_1079 : i1 to i32
    %cond3A_1081 = arith.constant 0 : i32
    %cond3A_1082 = arith.cmpi ne, %convert_element_type3A_1080, %cond3A_1081 : i32
    scf.if %cond3A_1082 {
      %get3A_1198 = arith.constant 0 : index
      %get3A_1199 = arith.constant 1024 : index
      %get3A_1200 = vector.load %arg1[%get3A_1198, %get3A_1199] : memref<8x5120xf32, #tpu.memory_space<vmem>>, vector<8x512xf32>
      %slice3A_1201 = vector.extract_strided_slice %get3A_1200 {offsets = [0, 0], sizes = [1, 512], strides = [1, 1]} : vector<8x512xf32> to vector<1x512xf32>
      %slice3A_1202 = vector.extract_strided_slice %get3A_1200 {offsets = [1, 0], sizes = [1, 512], strides = [1, 1]} : vector<8x512xf32> to vector<1x512xf32>
      %slice3A_1203 = vector.extract_strided_slice %get3A_1200 {offsets = [2, 0], sizes = [1, 512], strides = [1, 1]} : vector<8x512xf32> to vector<1x512xf32>
      %slice3A_1204 = vector.extract_strided_slice %get3A_1200 {offsets = [3, 0], sizes = [1, 512], strides = [1, 1]} : vector<8x512xf32> to vector<1x512xf32>
      %slice3A_1205 = vector.extract_strided_slice %get3A_1200 {offsets = [2, 0], sizes = [1, 512], strides = [1, 1]} : vector<8x512xf32> to vector<1x512xf32>
      %slice3A_1206 = vector.extract_strided_slice %get3A_1200 {offsets = [0, 0], sizes = [1, 512], strides = [1, 1]} : vector<8x512xf32> to vector<1x512xf32>
      %sub3A_1207 = arith.subf %slice3A_1205, %slice3A_1206 : vector<1x512xf32>
      %slice3A_1208 = vector.extract_strided_slice %get3A_1200 {offsets = [3, 0], sizes = [1, 512], strides = [1, 1]} : vector<8x512xf32> to vector<1x512xf32>
      %slice3A_1209 = vector.extract_strided_slice %get3A_1200 {offsets = [1, 0], sizes = [1, 512], strides = [1, 1]} : vector<8x512xf32> to vector<1x512xf32>
      %sub3A_1210 = arith.subf %slice3A_1208, %slice3A_1209 : vector<1x512xf32>
      %mul3A_1211 = arith.mulf %sub3A_1207, %sub3A_1210 : vector<1x512xf32>
      %slice3A_1212 = vector.extract_strided_slice %get3A_1200 {offsets = [4, 0], sizes = [1, 512], strides = [1, 1]} : vector<8x512xf32> to vector<1x512xf32>
      %min3A_1213 = vector.broadcast %slice3A_1047 : vector<512x1xf32> to vector<512x512xf32>
      %min3A_1214 = vector.broadcast %slice3A_1203 : vector<1x512xf32> to vector<512x512xf32>
      %min3A_1215 = arith.minimumf %min3A_1213, %min3A_1214 : vector<512x512xf32>
      %max3A_1216 = vector.broadcast %slice3A_1045 : vector<512x1xf32> to vector<512x512xf32>
      %max3A_1217 = vector.broadcast %slice3A_1201 : vector<1x512xf32> to vector<512x512xf32>
      %max3A_1218 = arith.maximumf %max3A_1216, %max3A_1217 : vector<512x512xf32>
      %sub3A_1219 = arith.subf %min3A_1215, %max3A_1218 : vector<512x512xf32>
      %max3A_1220 = arith.constant 0.000000e+00 : f32
      %max3A_1221 = vector.broadcast %max3A_1220 : f32 to vector<512x512xf32>
      %max3A_1222 = arith.maximumf %sub3A_1219, %max3A_1221 : vector<512x512xf32>
      %min3A_1223 = vector.broadcast %slice3A_1048 : vector<512x1xf32> to vector<512x512xf32>
      %min3A_1224 = vector.broadcast %slice3A_1204 : vector<1x512xf32> to vector<512x512xf32>
      %min3A_1225 = arith.minimumf %min3A_1223, %min3A_1224 : vector<512x512xf32>
      %max3A_1226 = vector.broadcast %slice3A_1046 : vector<512x1xf32> to vector<512x512xf32>
      %max3A_1227 = vector.broadcast %slice3A_1202 : vector<1x512xf32> to vector<512x512xf32>
      %max3A_1228 = arith.maximumf %max3A_1226, %max3A_1227 : vector<512x512xf32>
      %sub3A_1229 = arith.subf %min3A_1225, %max3A_1228 : vector<512x512xf32>
      %max3A_1230 = arith.constant 0.000000e+00 : f32
      %max3A_1231 = vector.broadcast %max3A_1230 : f32 to vector<512x512xf32>
      %max3A_1232 = arith.maximumf %sub3A_1229, %max3A_1231 : vector<512x512xf32>
      %mul3A_1233 = arith.mulf %max3A_1222, %max3A_1232 : vector<512x512xf32>
      %add3A_1234 = vector.broadcast %mul3A_1055 : vector<512x1xf32> to vector<512x512xf32>
      %add3A_1235 = vector.broadcast %mul3A_1211 : vector<1x512xf32> to vector<512x512xf32>
      %add3A_1236 = arith.addf %add3A_1234, %add3A_1235 : vector<512x512xf32>
      %sub3A_1237 = arith.subf %add3A_1236, %mul3A_1233 : vector<512x512xf32>
      %add3A_1238 = arith.constant 9.99999996E-13 : f32
      %add3A_1239 = vector.broadcast %add3A_1238 : f32 to vector<512x512xf32>
      %add3A_1240 = arith.addf %sub3A_1237, %add3A_1239 : vector<512x512xf32>
      %div3A_1241 = arith.divf %mul3A_1233, %add3A_1240 : vector<512x512xf32>
      %gt3A_1242 = arith.constant 8.000000e-01 : f32
      %gt3A_1243 = vector.broadcast %gt3A_1242 : f32 to vector<512x512xf32>
      %gt3A_1244 = arith.cmpf ogt, %div3A_1241, %gt3A_1243 : vector<512x512xf32>
      %eq3A_1245 = vector.broadcast %slice3A_1056 : vector<512x1xf32> to vector<512x512xf32>
      %eq3A_1246 = vector.broadcast %slice3A_1212 : vector<1x512xf32> to vector<512x512xf32>
      %eq3A_1247 = arith.cmpf oeq, %eq3A_1245, %eq3A_1246 : vector<512x512xf32>
      %and3A_1248 = arith.andi %gt3A_1244, %eq3A_1247 : vector<512x512xi1>
      %convert_element_type3A_1249 = arith.extui %and3A_1248 : vector<512x512xi1> to vector<512x512xi32>
      %convert_element_type3A_1250 = arith.sitofp %convert_element_type3A_1249 : vector<512x512xi32> to vector<512x512xf32>
      %get3A_1251 = arith.constant 0 : index
      %get3A_1252 = arith.constant 0 : index
      %get3A_1253 = vector.load %arg4[%get3A_1251, %get3A_1252] : memref<512x1xf32, #tpu.memory_space<vmem>>, vector<512x1xf32>
      %dot_general3A = arith.constant dense<0.000000e+00> : vector<512x1xf32>
      %dot_general3A_1254 = tpu.matmul %convert_element_type3A_1250, %while3A_270#0, %dot_general3A {dimension_numbers = #tpu.dot_dimension_numbers<[1], [0], [0], [1], [0, 0, 1, 1], [], []>, transpose_lhs_hint = false} : vector<512x512xf32>, vector<512x1xf32>, vector<512x1xf32> -> vector<512x1xf32>
      %add3A_1255 = arith.addf %get3A_1253, %dot_general3A_1254 : vector<512x1xf32>
      %swap3A_1256 = arith.constant 0 : index
      %swap3A_1257 = arith.constant 0 : index
      %swap3A_1258 = vector.load %arg4[%swap3A_1256, %swap3A_1257] : memref<512x1xf32, #tpu.memory_space<vmem>>, vector<512x1xf32>
      tpu.vector_store %arg4[%swap3A_1256, %swap3A_1257], %add3A_1255 {strides = array<i32>} : memref<512x1xf32, #tpu.memory_space<vmem>>, vector<512x1xf32>,
    } else {
    }
    %get3A_1083 = arith.constant 93 : index
    %get3A_1084 = memref.load %arg2[%get3A_1083] : memref<100xi32, #tpu.memory_space<smem>>
    %ne3A_1085 = arith.constant 0 : i32
    %ne3A_1086 = arith.cmpi ne, %get3A_1084, %ne3A_1085 : i32
    %convert_element_type3A_1087 = arith.extui %ne3A_1086 : i1 to i32
    %cond3A_1088 = arith.constant 0 : i32
    %cond3A_1089 = arith.cmpi ne, %convert_element_type3A_1087, %cond3A_1088 : i32
    scf.if %cond3A_1089 {
      %get3A_1198 = arith.constant 0 : index
      %get3A_1199 = arith.constant 1536 : index
      %get3A_1200 = vector.load %arg1[%get3A_1198, %get3A_1199] : memref<8x5120xf32, #tpu.memory_space<vmem>>, vector<8x512xf32>
      %slice3A_1201 = vector.extract_strided_slice %get3A_1200 {offsets = [0, 0], sizes = [1, 512], strides = [1, 1]} : vector<8x512xf32> to vector<1x512xf32>
      %slice3A_1202 = vector.extract_strided_slice %get3A_1200 {offsets = [1, 0], sizes = [1, 512], strides = [1, 1]} : vector<8x512xf32> to vector<1x512xf32>
      %slice3A_1203 = vector.extract_strided_slice %get3A_1200 {offsets = [2, 0], sizes = [1, 512], strides = [1, 1]} : vector<8x512xf32> to vector<1x512xf32>
      %slice3A_1204 = vector.extract_strided_slice %get3A_1200 {offsets = [3, 0], sizes = [1, 512], strides = [1, 1]} : vector<8x512xf32> to vector<1x512xf32>
      %slice3A_1205 = vector.extract_strided_slice %get3A_1200 {offsets = [2, 0], sizes = [1, 512], strides = [1, 1]} : vector<8x512xf32> to vector<1x512xf32>
      %slice3A_1206 = vector.extract_strided_slice %get3A_1200 {offsets = [0, 0], sizes = [1, 512], strides = [1, 1]} : vector<8x512xf32> to vector<1x512xf32>
      %sub3A_1207 = arith.subf %slice3A_1205, %slice3A_1206 : vector<1x512xf32>
      %slice3A_1208 = vector.extract_strided_slice %get3A_1200 {offsets = [3, 0], sizes = [1, 512], strides = [1, 1]} : vector<8x512xf32> to vector<1x512xf32>
      %slice3A_1209 = vector.extract_strided_slice %get3A_1200 {offsets = [1, 0], sizes = [1, 512], strides = [1, 1]} : vector<8x512xf32> to vector<1x512xf32>
      %sub3A_1210 = arith.subf %slice3A_1208, %slice3A_1209 : vector<1x512xf32>
      %mul3A_1211 = arith.mulf %sub3A_1207, %sub3A_1210 : vector<1x512xf32>
      %slice3A_1212 = vector.extract_strided_slice %get3A_1200 {offsets = [4, 0], sizes = [1, 512], strides = [1, 1]} : vector<8x512xf32> to vector<1x512xf32>
      %min3A_1213 = vector.broadcast %slice3A_1047 : vector<512x1xf32> to vector<512x512xf32>
      %min3A_1214 = vector.broadcast %slice3A_1203 : vector<1x512xf32> to vector<512x512xf32>
      %min3A_1215 = arith.minimumf %min3A_1213, %min3A_1214 : vector<512x512xf32>
      %max3A_1216 = vector.broadcast %slice3A_1045 : vector<512x1xf32> to vector<512x512xf32>
      %max3A_1217 = vector.broadcast %slice3A_1201 : vector<1x512xf32> to vector<512x512xf32>
      %max3A_1218 = arith.maximumf %max3A_1216, %max3A_1217 : vector<512x512xf32>
      %sub3A_1219 = arith.subf %min3A_1215, %max3A_1218 : vector<512x512xf32>
      %max3A_1220 = arith.constant 0.000000e+00 : f32
      %max3A_1221 = vector.broadcast %max3A_1220 : f32 to vector<512x512xf32>
      %max3A_1222 = arith.maximumf %sub3A_1219, %max3A_1221 : vector<512x512xf32>
      %min3A_1223 = vector.broadcast %slice3A_1048 : vector<512x1xf32> to vector<512x512xf32>
      %min3A_1224 = vector.broadcast %slice3A_1204 : vector<1x512xf32> to vector<512x512xf32>
      %min3A_1225 = arith.minimumf %min3A_1223, %min3A_1224 : vector<512x512xf32>
      %max3A_1226 = vector.broadcast %slice3A_1046 : vector<512x1xf32> to vector<512x512xf32>
      %max3A_1227 = vector.broadcast %slice3A_1202 : vector<1x512xf32> to vector<512x512xf32>
      %max3A_1228 = arith.maximumf %max3A_1226, %max3A_1227 : vector<512x512xf32>
      %sub3A_1229 = arith.subf %min3A_1225, %max3A_1228 : vector<512x512xf32>
      %max3A_1230 = arith.constant 0.000000e+00 : f32
      %max3A_1231 = vector.broadcast %max3A_1230 : f32 to vector<512x512xf32>
      %max3A_1232 = arith.maximumf %sub3A_1229, %max3A_1231 : vector<512x512xf32>
      %mul3A_1233 = arith.mulf %max3A_1222, %max3A_1232 : vector<512x512xf32>
      %add3A_1234 = vector.broadcast %mul3A_1055 : vector<512x1xf32> to vector<512x512xf32>
      %add3A_1235 = vector.broadcast %mul3A_1211 : vector<1x512xf32> to vector<512x512xf32>
      %add3A_1236 = arith.addf %add3A_1234, %add3A_1235 : vector<512x512xf32>
      %sub3A_1237 = arith.subf %add3A_1236, %mul3A_1233 : vector<512x512xf32>
      %add3A_1238 = arith.constant 9.99999996E-13 : f32
      %add3A_1239 = vector.broadcast %add3A_1238 : f32 to vector<512x512xf32>
      %add3A_1240 = arith.addf %sub3A_1237, %add3A_1239 : vector<512x512xf32>
      %div3A_1241 = arith.divf %mul3A_1233, %add3A_1240 : vector<512x512xf32>
      %gt3A_1242 = arith.constant 8.000000e-01 : f32
      %gt3A_1243 = vector.broadcast %gt3A_1242 : f32 to vector<512x512xf32>
      %gt3A_1244 = arith.cmpf ogt, %div3A_1241, %gt3A_1243 : vector<512x512xf32>
      %eq3A_1245 = vector.broadcast %slice3A_1056 : vector<512x1xf32> to vector<512x512xf32>
      %eq3A_1246 = vector.broadcast %slice3A_1212 : vector<1x512xf32> to vector<512x512xf32>
      %eq3A_1247 = arith.cmpf oeq, %eq3A_1245, %eq3A_1246 : vector<512x512xf32>
      %and3A_1248 = arith.andi %gt3A_1244, %eq3A_1247 : vector<512x512xi1>
      %convert_element_type3A_1249 = arith.extui %and3A_1248 : vector<512x512xi1> to vector<512x512xi32>
      %convert_element_type3A_1250 = arith.sitofp %convert_element_type3A_1249 : vector<512x512xi32> to vector<512x512xf32>
      %get3A_1251 = arith.constant 0 : index
      %get3A_1252 = arith.constant 0 : index
      %get3A_1253 = vector.load %arg4[%get3A_1251, %get3A_1252] : memref<512x1xf32, #tpu.memory_space<vmem>>, vector<512x1xf32>
      %dot_general3A = arith.constant dense<0.000000e+00> : vector<512x1xf32>
      %dot_general3A_1254 = tpu.matmul %convert_element_type3A_1250, %while3A_381#0, %dot_general3A {dimension_numbers = #tpu.dot_dimension_numbers<[1], [0], [0], [1], [0, 0, 1, 1], [], []>, transpose_lhs_hint = false} : vector<512x512xf32>, vector<512x1xf32>, vector<512x1xf32> -> vector<512x1xf32>
      %add3A_1255 = arith.addf %get3A_1253, %dot_general3A_1254 : vector<512x1xf32>
      %swap3A_1256 = arith.constant 0 : index
      %swap3A_1257 = arith.constant 0 : index
      %swap3A_1258 = vector.load %arg4[%swap3A_1256, %swap3A_1257] : memref<512x1xf32, #tpu.memory_space<vmem>>, vector<512x1xf32>
      tpu.vector_store %arg4[%swap3A_1256, %swap3A_1257], %add3A_1255 {strides = array<i32>} : memref<512x1xf32, #tpu.memory_space<vmem>>, vector<512x1xf32>,
    } else {
    }
    %get3A_1090 = arith.constant 94 : index
    %get3A_1091 = memref.load %arg2[%get3A_1090] : memref<100xi32, #tpu.memory_space<smem>>
    %ne3A_1092 = arith.constant 0 : i32
    %ne3A_1093 = arith.cmpi ne, %get3A_1091, %ne3A_1092 : i32
    %convert_element_type3A_1094 = arith.extui %ne3A_1093 : i1 to i32
    %cond3A_1095 = arith.constant 0 : i32
    %cond3A_1096 = arith.cmpi ne, %convert_element_type3A_1094, %cond3A_1095 : i32
    scf.if %cond3A_1096 {
      %get3A_1198 = arith.constant 0 : index
      %get3A_1199 = arith.constant 2048 : index
      %get3A_1200 = vector.load %arg1[%get3A_1198, %get3A_1199] : memref<8x5120xf32, #tpu.memory_space<vmem>>, vector<8x512xf32>
      %slice3A_1201 = vector.extract_strided_slice %get3A_1200 {offsets = [0, 0], sizes = [1, 512], strides = [1, 1]} : vector<8x512xf32> to vector<1x512xf32>
      %slice3A_1202 = vector.extract_strided_slice %get3A_1200 {offsets = [1, 0], sizes = [1, 512], strides = [1, 1]} : vector<8x512xf32> to vector<1x512xf32>
      %slice3A_1203 = vector.extract_strided_slice %get3A_1200 {offsets = [2, 0], sizes = [1, 512], strides = [1, 1]} : vector<8x512xf32> to vector<1x512xf32>
      %slice3A_1204 = vector.extract_strided_slice %get3A_1200 {offsets = [3, 0], sizes = [1, 512], strides = [1, 1]} : vector<8x512xf32> to vector<1x512xf32>
      %slice3A_1205 = vector.extract_strided_slice %get3A_1200 {offsets = [2, 0], sizes = [1, 512], strides = [1, 1]} : vector<8x512xf32> to vector<1x512xf32>
      %slice3A_1206 = vector.extract_strided_slice %get3A_1200 {offsets = [0, 0], sizes = [1, 512], strides = [1, 1]} : vector<8x512xf32> to vector<1x512xf32>
      %sub3A_1207 = arith.subf %slice3A_1205, %slice3A_1206 : vector<1x512xf32>
      %slice3A_1208 = vector.extract_strided_slice %get3A_1200 {offsets = [3, 0], sizes = [1, 512], strides = [1, 1]} : vector<8x512xf32> to vector<1x512xf32>
      %slice3A_1209 = vector.extract_strided_slice %get3A_1200 {offsets = [1, 0], sizes = [1, 512], strides = [1, 1]} : vector<8x512xf32> to vector<1x512xf32>
      %sub3A_1210 = arith.subf %slice3A_1208, %slice3A_1209 : vector<1x512xf32>
      %mul3A_1211 = arith.mulf %sub3A_1207, %sub3A_1210 : vector<1x512xf32>
      %slice3A_1212 = vector.extract_strided_slice %get3A_1200 {offsets = [4, 0], sizes = [1, 512], strides = [1, 1]} : vector<8x512xf32> to vector<1x512xf32>
      %min3A_1213 = vector.broadcast %slice3A_1047 : vector<512x1xf32> to vector<512x512xf32>
      %min3A_1214 = vector.broadcast %slice3A_1203 : vector<1x512xf32> to vector<512x512xf32>
      %min3A_1215 = arith.minimumf %min3A_1213, %min3A_1214 : vector<512x512xf32>
      %max3A_1216 = vector.broadcast %slice3A_1045 : vector<512x1xf32> to vector<512x512xf32>
      %max3A_1217 = vector.broadcast %slice3A_1201 : vector<1x512xf32> to vector<512x512xf32>
      %max3A_1218 = arith.maximumf %max3A_1216, %max3A_1217 : vector<512x512xf32>
      %sub3A_1219 = arith.subf %min3A_1215, %max3A_1218 : vector<512x512xf32>
      %max3A_1220 = arith.constant 0.000000e+00 : f32
      %max3A_1221 = vector.broadcast %max3A_1220 : f32 to vector<512x512xf32>
      %max3A_1222 = arith.maximumf %sub3A_1219, %max3A_1221 : vector<512x512xf32>
      %min3A_1223 = vector.broadcast %slice3A_1048 : vector<512x1xf32> to vector<512x512xf32>
      %min3A_1224 = vector.broadcast %slice3A_1204 : vector<1x512xf32> to vector<512x512xf32>
      %min3A_1225 = arith.minimumf %min3A_1223, %min3A_1224 : vector<512x512xf32>
      %max3A_1226 = vector.broadcast %slice3A_1046 : vector<512x1xf32> to vector<512x512xf32>
      %max3A_1227 = vector.broadcast %slice3A_1202 : vector<1x512xf32> to vector<512x512xf32>
      %max3A_1228 = arith.maximumf %max3A_1226, %max3A_1227 : vector<512x512xf32>
      %sub3A_1229 = arith.subf %min3A_1225, %max3A_1228 : vector<512x512xf32>
      %max3A_1230 = arith.constant 0.000000e+00 : f32
      %max3A_1231 = vector.broadcast %max3A_1230 : f32 to vector<512x512xf32>
      %max3A_1232 = arith.maximumf %sub3A_1229, %max3A_1231 : vector<512x512xf32>
      %mul3A_1233 = arith.mulf %max3A_1222, %max3A_1232 : vector<512x512xf32>
      %add3A_1234 = vector.broadcast %mul3A_1055 : vector<512x1xf32> to vector<512x512xf32>
      %add3A_1235 = vector.broadcast %mul3A_1211 : vector<1x512xf32> to vector<512x512xf32>
      %add3A_1236 = arith.addf %add3A_1234, %add3A_1235 : vector<512x512xf32>
      %sub3A_1237 = arith.subf %add3A_1236, %mul3A_1233 : vector<512x512xf32>
      %add3A_1238 = arith.constant 9.99999996E-13 : f32
      %add3A_1239 = vector.broadcast %add3A_1238 : f32 to vector<512x512xf32>
      %add3A_1240 = arith.addf %sub3A_1237, %add3A_1239 : vector<512x512xf32>
      %div3A_1241 = arith.divf %mul3A_1233, %add3A_1240 : vector<512x512xf32>
      %gt3A_1242 = arith.constant 8.000000e-01 : f32
      %gt3A_1243 = vector.broadcast %gt3A_1242 : f32 to vector<512x512xf32>
      %gt3A_1244 = arith.cmpf ogt, %div3A_1241, %gt3A_1243 : vector<512x512xf32>
      %eq3A_1245 = vector.broadcast %slice3A_1056 : vector<512x1xf32> to vector<512x512xf32>
      %eq3A_1246 = vector.broadcast %slice3A_1212 : vector<1x512xf32> to vector<512x512xf32>
      %eq3A_1247 = arith.cmpf oeq, %eq3A_1245, %eq3A_1246 : vector<512x512xf32>
      %and3A_1248 = arith.andi %gt3A_1244, %eq3A_1247 : vector<512x512xi1>
      %convert_element_type3A_1249 = arith.extui %and3A_1248 : vector<512x512xi1> to vector<512x512xi32>
      %convert_element_type3A_1250 = arith.sitofp %convert_element_type3A_1249 : vector<512x512xi32> to vector<512x512xf32>
      %get3A_1251 = arith.constant 0 : index
      %get3A_1252 = arith.constant 0 : index
      %get3A_1253 = vector.load %arg4[%get3A_1251, %get3A_1252] : memref<512x1xf32, #tpu.memory_space<vmem>>, vector<512x1xf32>
      %dot_general3A = arith.constant dense<0.000000e+00> : vector<512x1xf32>
      %dot_general3A_1254 = tpu.matmul %convert_element_type3A_1250, %while3A_499#0, %dot_general3A {dimension_numbers = #tpu.dot_dimension_numbers<[1], [0], [0], [1], [0, 0, 1, 1], [], []>, transpose_lhs_hint = false} : vector<512x512xf32>, vector<512x1xf32>, vector<512x1xf32> -> vector<512x1xf32>
      %add3A_1255 = arith.addf %get3A_1253, %dot_general3A_1254 : vector<512x1xf32>
      %swap3A_1256 = arith.constant 0 : index
      %swap3A_1257 = arith.constant 0 : index
      %swap3A_1258 = vector.load %arg4[%swap3A_1256, %swap3A_1257] : memref<512x1xf32, #tpu.memory_space<vmem>>, vector<512x1xf32>
      tpu.vector_store %arg4[%swap3A_1256, %swap3A_1257], %add3A_1255 {strides = array<i32>} : memref<512x1xf32, #tpu.memory_space<vmem>>, vector<512x1xf32>,
    } else {
    }
    %get3A_1097 = arith.constant 95 : index
    %get3A_1098 = memref.load %arg2[%get3A_1097] : memref<100xi32, #tpu.memory_space<smem>>
    %ne3A_1099 = arith.constant 0 : i32
    %ne3A_1100 = arith.cmpi ne, %get3A_1098, %ne3A_1099 : i32
    %convert_element_type3A_1101 = arith.extui %ne3A_1100 : i1 to i32
    %cond3A_1102 = arith.constant 0 : i32
    %cond3A_1103 = arith.cmpi ne, %convert_element_type3A_1101, %cond3A_1102 : i32
    scf.if %cond3A_1103 {
      %get3A_1198 = arith.constant 0 : index
      %get3A_1199 = arith.constant 2560 : index
      %get3A_1200 = vector.load %arg1[%get3A_1198, %get3A_1199] : memref<8x5120xf32, #tpu.memory_space<vmem>>, vector<8x512xf32>
      %slice3A_1201 = vector.extract_strided_slice %get3A_1200 {offsets = [0, 0], sizes = [1, 512], strides = [1, 1]} : vector<8x512xf32> to vector<1x512xf32>
      %slice3A_1202 = vector.extract_strided_slice %get3A_1200 {offsets = [1, 0], sizes = [1, 512], strides = [1, 1]} : vector<8x512xf32> to vector<1x512xf32>
      %slice3A_1203 = vector.extract_strided_slice %get3A_1200 {offsets = [2, 0], sizes = [1, 512], strides = [1, 1]} : vector<8x512xf32> to vector<1x512xf32>
      %slice3A_1204 = vector.extract_strided_slice %get3A_1200 {offsets = [3, 0], sizes = [1, 512], strides = [1, 1]} : vector<8x512xf32> to vector<1x512xf32>
      %slice3A_1205 = vector.extract_strided_slice %get3A_1200 {offsets = [2, 0], sizes = [1, 512], strides = [1, 1]} : vector<8x512xf32> to vector<1x512xf32>
      %slice3A_1206 = vector.extract_strided_slice %get3A_1200 {offsets = [0, 0], sizes = [1, 512], strides = [1, 1]} : vector<8x512xf32> to vector<1x512xf32>
      %sub3A_1207 = arith.subf %slice3A_1205, %slice3A_1206 : vector<1x512xf32>
      %slice3A_1208 = vector.extract_strided_slice %get3A_1200 {offsets = [3, 0], sizes = [1, 512], strides = [1, 1]} : vector<8x512xf32> to vector<1x512xf32>
      %slice3A_1209 = vector.extract_strided_slice %get3A_1200 {offsets = [1, 0], sizes = [1, 512], strides = [1, 1]} : vector<8x512xf32> to vector<1x512xf32>
      %sub3A_1210 = arith.subf %slice3A_1208, %slice3A_1209 : vector<1x512xf32>
      %mul3A_1211 = arith.mulf %sub3A_1207, %sub3A_1210 : vector<1x512xf32>
      %slice3A_1212 = vector.extract_strided_slice %get3A_1200 {offsets = [4, 0], sizes = [1, 512], strides = [1, 1]} : vector<8x512xf32> to vector<1x512xf32>
      %min3A_1213 = vector.broadcast %slice3A_1047 : vector<512x1xf32> to vector<512x512xf32>
      %min3A_1214 = vector.broadcast %slice3A_1203 : vector<1x512xf32> to vector<512x512xf32>
      %min3A_1215 = arith.minimumf %min3A_1213, %min3A_1214 : vector<512x512xf32>
      %max3A_1216 = vector.broadcast %slice3A_1045 : vector<512x1xf32> to vector<512x512xf32>
      %max3A_1217 = vector.broadcast %slice3A_1201 : vector<1x512xf32> to vector<512x512xf32>
      %max3A_1218 = arith.maximumf %max3A_1216, %max3A_1217 : vector<512x512xf32>
      %sub3A_1219 = arith.subf %min3A_1215, %max3A_1218 : vector<512x512xf32>
      %max3A_1220 = arith.constant 0.000000e+00 : f32
      %max3A_1221 = vector.broadcast %max3A_1220 : f32 to vector<512x512xf32>
      %max3A_1222 = arith.maximumf %sub3A_1219, %max3A_1221 : vector<512x512xf32>
      %min3A_1223 = vector.broadcast %slice3A_1048 : vector<512x1xf32> to vector<512x512xf32>
      %min3A_1224 = vector.broadcast %slice3A_1204 : vector<1x512xf32> to vector<512x512xf32>
      %min3A_1225 = arith.minimumf %min3A_1223, %min3A_1224 : vector<512x512xf32>
      %max3A_1226 = vector.broadcast %slice3A_1046 : vector<512x1xf32> to vector<512x512xf32>
      %max3A_1227 = vector.broadcast %slice3A_1202 : vector<1x512xf32> to vector<512x512xf32>
      %max3A_1228 = arith.maximumf %max3A_1226, %max3A_1227 : vector<512x512xf32>
      %sub3A_1229 = arith.subf %min3A_1225, %max3A_1228 : vector<512x512xf32>
      %max3A_1230 = arith.constant 0.000000e+00 : f32
      %max3A_1231 = vector.broadcast %max3A_1230 : f32 to vector<512x512xf32>
      %max3A_1232 = arith.maximumf %sub3A_1229, %max3A_1231 : vector<512x512xf32>
      %mul3A_1233 = arith.mulf %max3A_1222, %max3A_1232 : vector<512x512xf32>
      %add3A_1234 = vector.broadcast %mul3A_1055 : vector<512x1xf32> to vector<512x512xf32>
      %add3A_1235 = vector.broadcast %mul3A_1211 : vector<1x512xf32> to vector<512x512xf32>
      %add3A_1236 = arith.addf %add3A_1234, %add3A_1235 : vector<512x512xf32>
      %sub3A_1237 = arith.subf %add3A_1236, %mul3A_1233 : vector<512x512xf32>
      %add3A_1238 = arith.constant 9.99999996E-13 : f32
      %add3A_1239 = vector.broadcast %add3A_1238 : f32 to vector<512x512xf32>
      %add3A_1240 = arith.addf %sub3A_1237, %add3A_1239 : vector<512x512xf32>
      %div3A_1241 = arith.divf %mul3A_1233, %add3A_1240 : vector<512x512xf32>
      %gt3A_1242 = arith.constant 8.000000e-01 : f32
      %gt3A_1243 = vector.broadcast %gt3A_1242 : f32 to vector<512x512xf32>
      %gt3A_1244 = arith.cmpf ogt, %div3A_1241, %gt3A_1243 : vector<512x512xf32>
      %eq3A_1245 = vector.broadcast %slice3A_1056 : vector<512x1xf32> to vector<512x512xf32>
      %eq3A_1246 = vector.broadcast %slice3A_1212 : vector<1x512xf32> to vector<512x512xf32>
      %eq3A_1247 = arith.cmpf oeq, %eq3A_1245, %eq3A_1246 : vector<512x512xf32>
      %and3A_1248 = arith.andi %gt3A_1244, %eq3A_1247 : vector<512x512xi1>
      %convert_element_type3A_1249 = arith.extui %and3A_1248 : vector<512x512xi1> to vector<512x512xi32>
      %convert_element_type3A_1250 = arith.sitofp %convert_element_type3A_1249 : vector<512x512xi32> to vector<512x512xf32>
      %get3A_1251 = arith.constant 0 : index
      %get3A_1252 = arith.constant 0 : index
      %get3A_1253 = vector.load %arg4[%get3A_1251, %get3A_1252] : memref<512x1xf32, #tpu.memory_space<vmem>>, vector<512x1xf32>
      %dot_general3A = arith.constant dense<0.000000e+00> : vector<512x1xf32>
      %dot_general3A_1254 = tpu.matmul %convert_element_type3A_1250, %while3A_624#0, %dot_general3A {dimension_numbers = #tpu.dot_dimension_numbers<[1], [0], [0], [1], [0, 0, 1, 1], [], []>, transpose_lhs_hint = false} : vector<512x512xf32>, vector<512x1xf32>, vector<512x1xf32> -> vector<512x1xf32>
      %add3A_1255 = arith.addf %get3A_1253, %dot_general3A_1254 : vector<512x1xf32>
      %swap3A_1256 = arith.constant 0 : index
      %swap3A_1257 = arith.constant 0 : index
      %swap3A_1258 = vector.load %arg4[%swap3A_1256, %swap3A_1257] : memref<512x1xf32, #tpu.memory_space<vmem>>, vector<512x1xf32>
      tpu.vector_store %arg4[%swap3A_1256, %swap3A_1257], %add3A_1255 {strides = array<i32>} : memref<512x1xf32, #tpu.memory_space<vmem>>, vector<512x1xf32>,
    } else {
    }
    %get3A_1104 = arith.constant 96 : index
    %get3A_1105 = memref.load %arg2[%get3A_1104] : memref<100xi32, #tpu.memory_space<smem>>
    %ne3A_1106 = arith.constant 0 : i32
    %ne3A_1107 = arith.cmpi ne, %get3A_1105, %ne3A_1106 : i32
    %convert_element_type3A_1108 = arith.extui %ne3A_1107 : i1 to i32
    %cond3A_1109 = arith.constant 0 : i32
    %cond3A_1110 = arith.cmpi ne, %convert_element_type3A_1108, %cond3A_1109 : i32
    scf.if %cond3A_1110 {
      %get3A_1198 = arith.constant 0 : index
      %get3A_1199 = arith.constant 3072 : index
      %get3A_1200 = vector.load %arg1[%get3A_1198, %get3A_1199] : memref<8x5120xf32, #tpu.memory_space<vmem>>, vector<8x512xf32>
      %slice3A_1201 = vector.extract_strided_slice %get3A_1200 {offsets = [0, 0], sizes = [1, 512], strides = [1, 1]} : vector<8x512xf32> to vector<1x512xf32>
      %slice3A_1202 = vector.extract_strided_slice %get3A_1200 {offsets = [1, 0], sizes = [1, 512], strides = [1, 1]} : vector<8x512xf32> to vector<1x512xf32>
      %slice3A_1203 = vector.extract_strided_slice %get3A_1200 {offsets = [2, 0], sizes = [1, 512], strides = [1, 1]} : vector<8x512xf32> to vector<1x512xf32>
      %slice3A_1204 = vector.extract_strided_slice %get3A_1200 {offsets = [3, 0], sizes = [1, 512], strides = [1, 1]} : vector<8x512xf32> to vector<1x512xf32>
      %slice3A_1205 = vector.extract_strided_slice %get3A_1200 {offsets = [2, 0], sizes = [1, 512], strides = [1, 1]} : vector<8x512xf32> to vector<1x512xf32>
      %slice3A_1206 = vector.extract_strided_slice %get3A_1200 {offsets = [0, 0], sizes = [1, 512], strides = [1, 1]} : vector<8x512xf32> to vector<1x512xf32>
      %sub3A_1207 = arith.subf %slice3A_1205, %slice3A_1206 : vector<1x512xf32>
      %slice3A_1208 = vector.extract_strided_slice %get3A_1200 {offsets = [3, 0], sizes = [1, 512], strides = [1, 1]} : vector<8x512xf32> to vector<1x512xf32>
      %slice3A_1209 = vector.extract_strided_slice %get3A_1200 {offsets = [1, 0], sizes = [1, 512], strides = [1, 1]} : vector<8x512xf32> to vector<1x512xf32>
      %sub3A_1210 = arith.subf %slice3A_1208, %slice3A_1209 : vector<1x512xf32>
      %mul3A_1211 = arith.mulf %sub3A_1207, %sub3A_1210 : vector<1x512xf32>
      %slice3A_1212 = vector.extract_strided_slice %get3A_1200 {offsets = [4, 0], sizes = [1, 512], strides = [1, 1]} : vector<8x512xf32> to vector<1x512xf32>
      %min3A_1213 = vector.broadcast %slice3A_1047 : vector<512x1xf32> to vector<512x512xf32>
      %min3A_1214 = vector.broadcast %slice3A_1203 : vector<1x512xf32> to vector<512x512xf32>
      %min3A_1215 = arith.minimumf %min3A_1213, %min3A_1214 : vector<512x512xf32>
      %max3A_1216 = vector.broadcast %slice3A_1045 : vector<512x1xf32> to vector<512x512xf32>
      %max3A_1217 = vector.broadcast %slice3A_1201 : vector<1x512xf32> to vector<512x512xf32>
      %max3A_1218 = arith.maximumf %max3A_1216, %max3A_1217 : vector<512x512xf32>
      %sub3A_1219 = arith.subf %min3A_1215, %max3A_1218 : vector<512x512xf32>
      %max3A_1220 = arith.constant 0.000000e+00 : f32
      %max3A_1221 = vector.broadcast %max3A_1220 : f32 to vector<512x512xf32>
      %max3A_1222 = arith.maximumf %sub3A_1219, %max3A_1221 : vector<512x512xf32>
      %min3A_1223 = vector.broadcast %slice3A_1048 : vector<512x1xf32> to vector<512x512xf32>
      %min3A_1224 = vector.broadcast %slice3A_1204 : vector<1x512xf32> to vector<512x512xf32>
      %min3A_1225 = arith.minimumf %min3A_1223, %min3A_1224 : vector<512x512xf32>
      %max3A_1226 = vector.broadcast %slice3A_1046 : vector<512x1xf32> to vector<512x512xf32>
      %max3A_1227 = vector.broadcast %slice3A_1202 : vector<1x512xf32> to vector<512x512xf32>
      %max3A_1228 = arith.maximumf %max3A_1226, %max3A_1227 : vector<512x512xf32>
      %sub3A_1229 = arith.subf %min3A_1225, %max3A_1228 : vector<512x512xf32>
      %max3A_1230 = arith.constant 0.000000e+00 : f32
      %max3A_1231 = vector.broadcast %max3A_1230 : f32 to vector<512x512xf32>
      %max3A_1232 = arith.maximumf %sub3A_1229, %max3A_1231 : vector<512x512xf32>
      %mul3A_1233 = arith.mulf %max3A_1222, %max3A_1232 : vector<512x512xf32>
      %add3A_1234 = vector.broadcast %mul3A_1055 : vector<512x1xf32> to vector<512x512xf32>
      %add3A_1235 = vector.broadcast %mul3A_1211 : vector<1x512xf32> to vector<512x512xf32>
      %add3A_1236 = arith.addf %add3A_1234, %add3A_1235 : vector<512x512xf32>
      %sub3A_1237 = arith.subf %add3A_1236, %mul3A_1233 : vector<512x512xf32>
      %add3A_1238 = arith.constant 9.99999996E-13 : f32
      %add3A_1239 = vector.broadcast %add3A_1238 : f32 to vector<512x512xf32>
      %add3A_1240 = arith.addf %sub3A_1237, %add3A_1239 : vector<512x512xf32>
      %div3A_1241 = arith.divf %mul3A_1233, %add3A_1240 : vector<512x512xf32>
      %gt3A_1242 = arith.constant 8.000000e-01 : f32
      %gt3A_1243 = vector.broadcast %gt3A_1242 : f32 to vector<512x512xf32>
      %gt3A_1244 = arith.cmpf ogt, %div3A_1241, %gt3A_1243 : vector<512x512xf32>
      %eq3A_1245 = vector.broadcast %slice3A_1056 : vector<512x1xf32> to vector<512x512xf32>
      %eq3A_1246 = vector.broadcast %slice3A_1212 : vector<1x512xf32> to vector<512x512xf32>
      %eq3A_1247 = arith.cmpf oeq, %eq3A_1245, %eq3A_1246 : vector<512x512xf32>
      %and3A_1248 = arith.andi %gt3A_1244, %eq3A_1247 : vector<512x512xi1>
      %convert_element_type3A_1249 = arith.extui %and3A_1248 : vector<512x512xi1> to vector<512x512xi32>
      %convert_element_type3A_1250 = arith.sitofp %convert_element_type3A_1249 : vector<512x512xi32> to vector<512x512xf32>
      %get3A_1251 = arith.constant 0 : index
      %get3A_1252 = arith.constant 0 : index
      %get3A_1253 = vector.load %arg4[%get3A_1251, %get3A_1252] : memref<512x1xf32, #tpu.memory_space<vmem>>, vector<512x1xf32>
      %dot_general3A = arith.constant dense<0.000000e+00> : vector<512x1xf32>
      %dot_general3A_1254 = tpu.matmul %convert_element_type3A_1250, %while3A_756#0, %dot_general3A {dimension_numbers = #tpu.dot_dimension_numbers<[1], [0], [0], [1], [0, 0, 1, 1], [], []>, transpose_lhs_hint = false} : vector<512x512xf32>, vector<512x1xf32>, vector<512x1xf32> -> vector<512x1xf32>
      %add3A_1255 = arith.addf %get3A_1253, %dot_general3A_1254 : vector<512x1xf32>
      %swap3A_1256 = arith.constant 0 : index
      %swap3A_1257 = arith.constant 0 : index
      %swap3A_1258 = vector.load %arg4[%swap3A_1256, %swap3A_1257] : memref<512x1xf32, #tpu.memory_space<vmem>>, vector<512x1xf32>
      tpu.vector_store %arg4[%swap3A_1256, %swap3A_1257], %add3A_1255 {strides = array<i32>} : memref<512x1xf32, #tpu.memory_space<vmem>>, vector<512x1xf32>,
    } else {
    }
    %get3A_1111 = arith.constant 97 : index
    %get3A_1112 = memref.load %arg2[%get3A_1111] : memref<100xi32, #tpu.memory_space<smem>>
    %ne3A_1113 = arith.constant 0 : i32
    %ne3A_1114 = arith.cmpi ne, %get3A_1112, %ne3A_1113 : i32
    %convert_element_type3A_1115 = arith.extui %ne3A_1114 : i1 to i32
    %cond3A_1116 = arith.constant 0 : i32
    %cond3A_1117 = arith.cmpi ne, %convert_element_type3A_1115, %cond3A_1116 : i32
    scf.if %cond3A_1117 {
      %get3A_1198 = arith.constant 0 : index
      %get3A_1199 = arith.constant 3584 : index
      %get3A_1200 = vector.load %arg1[%get3A_1198, %get3A_1199] : memref<8x5120xf32, #tpu.memory_space<vmem>>, vector<8x512xf32>
      %slice3A_1201 = vector.extract_strided_slice %get3A_1200 {offsets = [0, 0], sizes = [1, 512], strides = [1, 1]} : vector<8x512xf32> to vector<1x512xf32>
      %slice3A_1202 = vector.extract_strided_slice %get3A_1200 {offsets = [1, 0], sizes = [1, 512], strides = [1, 1]} : vector<8x512xf32> to vector<1x512xf32>
      %slice3A_1203 = vector.extract_strided_slice %get3A_1200 {offsets = [2, 0], sizes = [1, 512], strides = [1, 1]} : vector<8x512xf32> to vector<1x512xf32>
      %slice3A_1204 = vector.extract_strided_slice %get3A_1200 {offsets = [3, 0], sizes = [1, 512], strides = [1, 1]} : vector<8x512xf32> to vector<1x512xf32>
      %slice3A_1205 = vector.extract_strided_slice %get3A_1200 {offsets = [2, 0], sizes = [1, 512], strides = [1, 1]} : vector<8x512xf32> to vector<1x512xf32>
      %slice3A_1206 = vector.extract_strided_slice %get3A_1200 {offsets = [0, 0], sizes = [1, 512], strides = [1, 1]} : vector<8x512xf32> to vector<1x512xf32>
      %sub3A_1207 = arith.subf %slice3A_1205, %slice3A_1206 : vector<1x512xf32>
      %slice3A_1208 = vector.extract_strided_slice %get3A_1200 {offsets = [3, 0], sizes = [1, 512], strides = [1, 1]} : vector<8x512xf32> to vector<1x512xf32>
      %slice3A_1209 = vector.extract_strided_slice %get3A_1200 {offsets = [1, 0], sizes = [1, 512], strides = [1, 1]} : vector<8x512xf32> to vector<1x512xf32>
      %sub3A_1210 = arith.subf %slice3A_1208, %slice3A_1209 : vector<1x512xf32>
      %mul3A_1211 = arith.mulf %sub3A_1207, %sub3A_1210 : vector<1x512xf32>
      %slice3A_1212 = vector.extract_strided_slice %get3A_1200 {offsets = [4, 0], sizes = [1, 512], strides = [1, 1]} : vector<8x512xf32> to vector<1x512xf32>
      %min3A_1213 = vector.broadcast %slice3A_1047 : vector<512x1xf32> to vector<512x512xf32>
      %min3A_1214 = vector.broadcast %slice3A_1203 : vector<1x512xf32> to vector<512x512xf32>
      %min3A_1215 = arith.minimumf %min3A_1213, %min3A_1214 : vector<512x512xf32>
      %max3A_1216 = vector.broadcast %slice3A_1045 : vector<512x1xf32> to vector<512x512xf32>
      %max3A_1217 = vector.broadcast %slice3A_1201 : vector<1x512xf32> to vector<512x512xf32>
      %max3A_1218 = arith.maximumf %max3A_1216, %max3A_1217 : vector<512x512xf32>
      %sub3A_1219 = arith.subf %min3A_1215, %max3A_1218 : vector<512x512xf32>
      %max3A_1220 = arith.constant 0.000000e+00 : f32
      %max3A_1221 = vector.broadcast %max3A_1220 : f32 to vector<512x512xf32>
      %max3A_1222 = arith.maximumf %sub3A_1219, %max3A_1221 : vector<512x512xf32>
      %min3A_1223 = vector.broadcast %slice3A_1048 : vector<512x1xf32> to vector<512x512xf32>
      %min3A_1224 = vector.broadcast %slice3A_1204 : vector<1x512xf32> to vector<512x512xf32>
      %min3A_1225 = arith.minimumf %min3A_1223, %min3A_1224 : vector<512x512xf32>
      %max3A_1226 = vector.broadcast %slice3A_1046 : vector<512x1xf32> to vector<512x512xf32>
      %max3A_1227 = vector.broadcast %slice3A_1202 : vector<1x512xf32> to vector<512x512xf32>
      %max3A_1228 = arith.maximumf %max3A_1226, %max3A_1227 : vector<512x512xf32>
      %sub3A_1229 = arith.subf %min3A_1225, %max3A_1228 : vector<512x512xf32>
      %max3A_1230 = arith.constant 0.000000e+00 : f32
      %max3A_1231 = vector.broadcast %max3A_1230 : f32 to vector<512x512xf32>
      %max3A_1232 = arith.maximumf %sub3A_1229, %max3A_1231 : vector<512x512xf32>
      %mul3A_1233 = arith.mulf %max3A_1222, %max3A_1232 : vector<512x512xf32>
      %add3A_1234 = vector.broadcast %mul3A_1055 : vector<512x1xf32> to vector<512x512xf32>
      %add3A_1235 = vector.broadcast %mul3A_1211 : vector<1x512xf32> to vector<512x512xf32>
      %add3A_1236 = arith.addf %add3A_1234, %add3A_1235 : vector<512x512xf32>
      %sub3A_1237 = arith.subf %add3A_1236, %mul3A_1233 : vector<512x512xf32>
      %add3A_1238 = arith.constant 9.99999996E-13 : f32
      %add3A_1239 = vector.broadcast %add3A_1238 : f32 to vector<512x512xf32>
      %add3A_1240 = arith.addf %sub3A_1237, %add3A_1239 : vector<512x512xf32>
      %div3A_1241 = arith.divf %mul3A_1233, %add3A_1240 : vector<512x512xf32>
      %gt3A_1242 = arith.constant 8.000000e-01 : f32
      %gt3A_1243 = vector.broadcast %gt3A_1242 : f32 to vector<512x512xf32>
      %gt3A_1244 = arith.cmpf ogt, %div3A_1241, %gt3A_1243 : vector<512x512xf32>
      %eq3A_1245 = vector.broadcast %slice3A_1056 : vector<512x1xf32> to vector<512x512xf32>
      %eq3A_1246 = vector.broadcast %slice3A_1212 : vector<1x512xf32> to vector<512x512xf32>
      %eq3A_1247 = arith.cmpf oeq, %eq3A_1245, %eq3A_1246 : vector<512x512xf32>
      %and3A_1248 = arith.andi %gt3A_1244, %eq3A_1247 : vector<512x512xi1>
      %convert_element_type3A_1249 = arith.extui %and3A_1248 : vector<512x512xi1> to vector<512x512xi32>
      %convert_element_type3A_1250 = arith.sitofp %convert_element_type3A_1249 : vector<512x512xi32> to vector<512x512xf32>
      %get3A_1251 = arith.constant 0 : index
      %get3A_1252 = arith.constant 0 : index
      %get3A_1253 = vector.load %arg4[%get3A_1251, %get3A_1252] : memref<512x1xf32, #tpu.memory_space<vmem>>, vector<512x1xf32>
      %dot_general3A = arith.constant dense<0.000000e+00> : vector<512x1xf32>
      %dot_general3A_1254 = tpu.matmul %convert_element_type3A_1250, %while3A_895#0, %dot_general3A {dimension_numbers = #tpu.dot_dimension_numbers<[1], [0], [0], [1], [0, 0, 1, 1], [], []>, transpose_lhs_hint = false} : vector<512x512xf32>, vector<512x1xf32>, vector<512x1xf32> -> vector<512x1xf32>
      %add3A_1255 = arith.addf %get3A_1253, %dot_general3A_1254 : vector<512x1xf32>
      %swap3A_1256 = arith.constant 0 : index
      %swap3A_1257 = arith.constant 0 : index
      %swap3A_1258 = vector.load %arg4[%swap3A_1256, %swap3A_1257] : memref<512x1xf32, #tpu.memory_space<vmem>>, vector<512x1xf32>
      tpu.vector_store %arg4[%swap3A_1256, %swap3A_1257], %add3A_1255 {strides = array<i32>} : memref<512x1xf32, #tpu.memory_space<vmem>>, vector<512x1xf32>,
    } else {
    }
    %get3A_1118 = arith.constant 98 : index
    %get3A_1119 = memref.load %arg2[%get3A_1118] : memref<100xi32, #tpu.memory_space<smem>>
    %ne3A_1120 = arith.constant 0 : i32
    %ne3A_1121 = arith.cmpi ne, %get3A_1119, %ne3A_1120 : i32
    %convert_element_type3A_1122 = arith.extui %ne3A_1121 : i1 to i32
    %cond3A_1123 = arith.constant 0 : i32
    %cond3A_1124 = arith.cmpi ne, %convert_element_type3A_1122, %cond3A_1123 : i32
    scf.if %cond3A_1124 {
      %get3A_1198 = arith.constant 0 : index
      %get3A_1199 = arith.constant 4096 : index
      %get3A_1200 = vector.load %arg1[%get3A_1198, %get3A_1199] : memref<8x5120xf32, #tpu.memory_space<vmem>>, vector<8x512xf32>
      %slice3A_1201 = vector.extract_strided_slice %get3A_1200 {offsets = [0, 0], sizes = [1, 512], strides = [1, 1]} : vector<8x512xf32> to vector<1x512xf32>
      %slice3A_1202 = vector.extract_strided_slice %get3A_1200 {offsets = [1, 0], sizes = [1, 512], strides = [1, 1]} : vector<8x512xf32> to vector<1x512xf32>
      %slice3A_1203 = vector.extract_strided_slice %get3A_1200 {offsets = [2, 0], sizes = [1, 512], strides = [1, 1]} : vector<8x512xf32> to vector<1x512xf32>
      %slice3A_1204 = vector.extract_strided_slice %get3A_1200 {offsets = [3, 0], sizes = [1, 512], strides = [1, 1]} : vector<8x512xf32> to vector<1x512xf32>
      %slice3A_1205 = vector.extract_strided_slice %get3A_1200 {offsets = [2, 0], sizes = [1, 512], strides = [1, 1]} : vector<8x512xf32> to vector<1x512xf32>
      %slice3A_1206 = vector.extract_strided_slice %get3A_1200 {offsets = [0, 0], sizes = [1, 512], strides = [1, 1]} : vector<8x512xf32> to vector<1x512xf32>
      %sub3A_1207 = arith.subf %slice3A_1205, %slice3A_1206 : vector<1x512xf32>
      %slice3A_1208 = vector.extract_strided_slice %get3A_1200 {offsets = [3, 0], sizes = [1, 512], strides = [1, 1]} : vector<8x512xf32> to vector<1x512xf32>
      %slice3A_1209 = vector.extract_strided_slice %get3A_1200 {offsets = [1, 0], sizes = [1, 512], strides = [1, 1]} : vector<8x512xf32> to vector<1x512xf32>
      %sub3A_1210 = arith.subf %slice3A_1208, %slice3A_1209 : vector<1x512xf32>
      %mul3A_1211 = arith.mulf %sub3A_1207, %sub3A_1210 : vector<1x512xf32>
      %slice3A_1212 = vector.extract_strided_slice %get3A_1200 {offsets = [4, 0], sizes = [1, 512], strides = [1, 1]} : vector<8x512xf32> to vector<1x512xf32>
      %min3A_1213 = vector.broadcast %slice3A_1047 : vector<512x1xf32> to vector<512x512xf32>
      %min3A_1214 = vector.broadcast %slice3A_1203 : vector<1x512xf32> to vector<512x512xf32>
      %min3A_1215 = arith.minimumf %min3A_1213, %min3A_1214 : vector<512x512xf32>
      %max3A_1216 = vector.broadcast %slice3A_1045 : vector<512x1xf32> to vector<512x512xf32>
      %max3A_1217 = vector.broadcast %slice3A_1201 : vector<1x512xf32> to vector<512x512xf32>
      %max3A_1218 = arith.maximumf %max3A_1216, %max3A_1217 : vector<512x512xf32>
      %sub3A_1219 = arith.subf %min3A_1215, %max3A_1218 : vector<512x512xf32>
      %max3A_1220 = arith.constant 0.000000e+00 : f32
      %max3A_1221 = vector.broadcast %max3A_1220 : f32 to vector<512x512xf32>
      %max3A_1222 = arith.maximumf %sub3A_1219, %max3A_1221 : vector<512x512xf32>
      %min3A_1223 = vector.broadcast %slice3A_1048 : vector<512x1xf32> to vector<512x512xf32>
      %min3A_1224 = vector.broadcast %slice3A_1204 : vector<1x512xf32> to vector<512x512xf32>
      %min3A_1225 = arith.minimumf %min3A_1223, %min3A_1224 : vector<512x512xf32>
      %max3A_1226 = vector.broadcast %slice3A_1046 : vector<512x1xf32> to vector<512x512xf32>
      %max3A_1227 = vector.broadcast %slice3A_1202 : vector<1x512xf32> to vector<512x512xf32>
      %max3A_1228 = arith.maximumf %max3A_1226, %max3A_1227 : vector<512x512xf32>
      %sub3A_1229 = arith.subf %min3A_1225, %max3A_1228 : vector<512x512xf32>
      %max3A_1230 = arith.constant 0.000000e+00 : f32
      %max3A_1231 = vector.broadcast %max3A_1230 : f32 to vector<512x512xf32>
      %max3A_1232 = arith.maximumf %sub3A_1229, %max3A_1231 : vector<512x512xf32>
      %mul3A_1233 = arith.mulf %max3A_1222, %max3A_1232 : vector<512x512xf32>
      %add3A_1234 = vector.broadcast %mul3A_1055 : vector<512x1xf32> to vector<512x512xf32>
      %add3A_1235 = vector.broadcast %mul3A_1211 : vector<1x512xf32> to vector<512x512xf32>
      %add3A_1236 = arith.addf %add3A_1234, %add3A_1235 : vector<512x512xf32>
      %sub3A_1237 = arith.subf %add3A_1236, %mul3A_1233 : vector<512x512xf32>
      %add3A_1238 = arith.constant 9.99999996E-13 : f32
      %add3A_1239 = vector.broadcast %add3A_1238 : f32 to vector<512x512xf32>
      %add3A_1240 = arith.addf %sub3A_1237, %add3A_1239 : vector<512x512xf32>
      %div3A_1241 = arith.divf %mul3A_1233, %add3A_1240 : vector<512x512xf32>
      %gt3A_1242 = arith.constant 8.000000e-01 : f32
      %gt3A_1243 = vector.broadcast %gt3A_1242 : f32 to vector<512x512xf32>
      %gt3A_1244 = arith.cmpf ogt, %div3A_1241, %gt3A_1243 : vector<512x512xf32>
      %eq3A_1245 = vector.broadcast %slice3A_1056 : vector<512x1xf32> to vector<512x512xf32>
      %eq3A_1246 = vector.broadcast %slice3A_1212 : vector<1x512xf32> to vector<512x512xf32>
      %eq3A_1247 = arith.cmpf oeq, %eq3A_1245, %eq3A_1246 : vector<512x512xf32>
      %and3A_1248 = arith.andi %gt3A_1244, %eq3A_1247 : vector<512x512xi1>
      %convert_element_type3A_1249 = arith.extui %and3A_1248 : vector<512x512xi1> to vector<512x512xi32>
      %convert_element_type3A_1250 = arith.sitofp %convert_element_type3A_1249 : vector<512x512xi32> to vector<512x512xf32>
      %get3A_1251 = arith.constant 0 : index
      %get3A_1252 = arith.constant 0 : index
      %get3A_1253 = vector.load %arg4[%get3A_1251, %get3A_1252] : memref<512x1xf32, #tpu.memory_space<vmem>>, vector<512x1xf32>
      %dot_general3A = arith.constant dense<0.000000e+00> : vector<512x1xf32>
      %dot_general3A_1254 = tpu.matmul %convert_element_type3A_1250, %while3A_1041#0, %dot_general3A {dimension_numbers = #tpu.dot_dimension_numbers<[1], [0], [0], [1], [0, 0, 1, 1], [], []>, transpose_lhs_hint = false} : vector<512x512xf32>, vector<512x1xf32>, vector<512x1xf32> -> vector<512x1xf32>
      %add3A_1255 = arith.addf %get3A_1253, %dot_general3A_1254 : vector<512x1xf32>
      %swap3A_1256 = arith.constant 0 : index
      %swap3A_1257 = arith.constant 0 : index
      %swap3A_1258 = vector.load %arg4[%swap3A_1256, %swap3A_1257] : memref<512x1xf32, #tpu.memory_space<vmem>>, vector<512x1xf32>
      tpu.vector_store %arg4[%swap3A_1256, %swap3A_1257], %add3A_1255 {strides = array<i32>} : memref<512x1xf32, #tpu.memory_space<vmem>>, vector<512x1xf32>,
    } else {
    }
    %get3A_1125 = arith.constant 0 : index
    %get3A_1126 = arith.constant 0 : index
    %get3A_1127 = vector.load %arg4[%get3A_1125, %get3A_1126] : memref<512x1xf32, #tpu.memory_space<vmem>>, vector<512x1xf32>
    %get3A_1128 = arith.constant 0 : index
    %get3A_1129 = arith.constant 4608 : index
    %get3A_1130 = vector.load %arg1[%get3A_1128, %get3A_1129] : memref<8x5120xf32, #tpu.memory_space<vmem>>, vector<8x512xf32>
    %slice3A_1131 = vector.extract_strided_slice %get3A_1130 {offsets = [0, 0], sizes = [1, 512], strides = [1, 1]} : vector<8x512xf32> to vector<1x512xf32>
    %slice3A_1132 = vector.extract_strided_slice %get3A_1130 {offsets = [1, 0], sizes = [1, 512], strides = [1, 1]} : vector<8x512xf32> to vector<1x512xf32>
    %slice3A_1133 = vector.extract_strided_slice %get3A_1130 {offsets = [2, 0], sizes = [1, 512], strides = [1, 1]} : vector<8x512xf32> to vector<1x512xf32>
    %slice3A_1134 = vector.extract_strided_slice %get3A_1130 {offsets = [3, 0], sizes = [1, 512], strides = [1, 1]} : vector<8x512xf32> to vector<1x512xf32>
    %slice3A_1135 = vector.extract_strided_slice %get3A_1130 {offsets = [2, 0], sizes = [1, 512], strides = [1, 1]} : vector<8x512xf32> to vector<1x512xf32>
    %slice3A_1136 = vector.extract_strided_slice %get3A_1130 {offsets = [0, 0], sizes = [1, 512], strides = [1, 1]} : vector<8x512xf32> to vector<1x512xf32>
    %sub3A_1137 = arith.subf %slice3A_1135, %slice3A_1136 : vector<1x512xf32>
    %slice3A_1138 = vector.extract_strided_slice %get3A_1130 {offsets = [3, 0], sizes = [1, 512], strides = [1, 1]} : vector<8x512xf32> to vector<1x512xf32>
    %slice3A_1139 = vector.extract_strided_slice %get3A_1130 {offsets = [1, 0], sizes = [1, 512], strides = [1, 1]} : vector<8x512xf32> to vector<1x512xf32>
    %sub3A_1140 = arith.subf %slice3A_1138, %slice3A_1139 : vector<1x512xf32>
    %mul3A_1141 = arith.mulf %sub3A_1137, %sub3A_1140 : vector<1x512xf32>
    %slice3A_1142 = vector.extract_strided_slice %get3A_1130 {offsets = [4, 0], sizes = [1, 512], strides = [1, 1]} : vector<8x512xf32> to vector<1x512xf32>
    %iota3A_1143 = tpu.iota {dimensions = array<i32: 0>} : vector<512x512xi32>
    %iota3A_1144 = tpu.iota {dimensions = array<i32: 1>} : vector<512x512xi32>
    %gt3A_1145 = arith.cmpi sgt, %iota3A_1143, %iota3A_1144 : vector<512x512xi32>
    %min3A_1146 = vector.broadcast %slice3A_1047 : vector<512x1xf32> to vector<512x512xf32>
    %min3A_1147 = vector.broadcast %slice3A_1133 : vector<1x512xf32> to vector<512x512xf32>
    %min3A_1148 = arith.minimumf %min3A_1146, %min3A_1147 : vector<512x512xf32>
    %max3A_1149 = vector.broadcast %slice3A_1045 : vector<512x1xf32> to vector<512x512xf32>
    %max3A_1150 = vector.broadcast %slice3A_1131 : vector<1x512xf32> to vector<512x512xf32>
    %max3A_1151 = arith.maximumf %max3A_1149, %max3A_1150 : vector<512x512xf32>
    %sub3A_1152 = arith.subf %min3A_1148, %max3A_1151 : vector<512x512xf32>
    %max3A_1153 = arith.constant 0.000000e+00 : f32
    %max3A_1154 = vector.broadcast %max3A_1153 : f32 to vector<512x512xf32>
    %max3A_1155 = arith.maximumf %sub3A_1152, %max3A_1154 : vector<512x512xf32>
    %min3A_1156 = vector.broadcast %slice3A_1048 : vector<512x1xf32> to vector<512x512xf32>
    %min3A_1157 = vector.broadcast %slice3A_1134 : vector<1x512xf32> to vector<512x512xf32>
    %min3A_1158 = arith.minimumf %min3A_1156, %min3A_1157 : vector<512x512xf32>
    %max3A_1159 = vector.broadcast %slice3A_1046 : vector<512x1xf32> to vector<512x512xf32>
    %max3A_1160 = vector.broadcast %slice3A_1132 : vector<1x512xf32> to vector<512x512xf32>
    %max3A_1161 = arith.maximumf %max3A_1159, %max3A_1160 : vector<512x512xf32>
    %sub3A_1162 = arith.subf %min3A_1158, %max3A_1161 : vector<512x512xf32>
    %max3A_1163 = arith.constant 0.000000e+00 : f32
    %max3A_1164 = vector.broadcast %max3A_1163 : f32 to vector<512x512xf32>
    %max3A_1165 = arith.maximumf %sub3A_1162, %max3A_1164 : vector<512x512xf32>
    %mul3A_1166 = arith.mulf %max3A_1155, %max3A_1165 : vector<512x512xf32>
    %add3A_1167 = vector.broadcast %mul3A_1055 : vector<512x1xf32> to vector<512x512xf32>
    %add3A_1168 = vector.broadcast %mul3A_1141 : vector<1x512xf32> to vector<512x512xf32>
    %add3A_1169 = arith.addf %add3A_1167, %add3A_1168 : vector<512x512xf32>
    %sub3A_1170 = arith.subf %add3A_1169, %mul3A_1166 : vector<512x512xf32>
    %add3A_1171 = arith.constant 9.99999996E-13 : f32
    %add3A_1172 = vector.broadcast %add3A_1171 : f32 to vector<512x512xf32>
    %add3A_1173 = arith.addf %sub3A_1170, %add3A_1172 : vector<512x512xf32>
    %div3A_1174 = arith.divf %mul3A_1166, %add3A_1173 : vector<512x512xf32>
    %gt3A_1175 = arith.constant 8.000000e-01 : f32
    %gt3A_1176 = vector.broadcast %gt3A_1175 : f32 to vector<512x512xf32>
    %gt3A_1177 = arith.cmpf ogt, %div3A_1174, %gt3A_1176 : vector<512x512xf32>
    %eq3A_1178 = vector.broadcast %slice3A_1056 : vector<512x1xf32> to vector<512x512xf32>
    %eq3A_1179 = vector.broadcast %slice3A_1142 : vector<1x512xf32> to vector<512x512xf32>
    %eq3A_1180 = arith.cmpf oeq, %eq3A_1178, %eq3A_1179 : vector<512x512xf32>
    %and3A_1181 = arith.andi %gt3A_1177, %eq3A_1180 : vector<512x512xi1>
    %and3A_1182 = arith.andi %and3A_1181, %gt3A_1145 : vector<512x512xi1>
    %convert_element_type3A_1183 = arith.extui %and3A_1182 : vector<512x512xi1> to vector<512x512xi32>
    %convert_element_type3A_1184 = arith.sitofp %convert_element_type3A_1183 : vector<512x512xi32> to vector<512x512xf32>
    %gt3A_1185 = arith.constant 0.000000e+00 : f32
    %gt3A_1186 = vector.broadcast %gt3A_1185 : f32 to vector<512x1xf32>
    %gt3A_1187 = arith.cmpf ogt, %get3A_1127, %gt3A_1186 : vector<512x1xf32>
    %jit3A_1188 = arith.constant 0.000000e+00 : f32
    %jit3A_1189 = arith.constant 1.000000e+00 : f32
    %broadcast_in_dim3A_1190 = vector.broadcast %jit3A_1188 : f32 to vector<512x1xf32>
    %broadcast_in_dim3A_1191 = vector.broadcast %jit3A_1189 : f32 to vector<512x1xf32>
    %select_n3A_1192 = arith.select %gt3A_1187, %broadcast_in_dim3A_1190, %broadcast_in_dim3A_1191 : vector<512x1xi1>, vector<512x1xf32>
    %while3A_1193 = arith.constant true
    %while3A_1194:2 = scf.while (%while3A_1198 = %select_n3A_1192, %while3A_1199 = %while3A_1193) : (vector<512x1xf32>, i1) -> (vector<512x1xf32>, i1) {
      scf.condition(%while3A_1199) %while3A_1198, %while3A_1199 : vector<512x1xf32>, i1
    } do {
    ^bb0(%while3A_1198: vector<512x1xf32>, %while3A_1199: i1):
      %dot_general3A = arith.constant dense<0.000000e+00> : vector<512x1xf32>
      %dot_general3A_1200 = tpu.matmul %convert_element_type3A_1184, %while3A_1198, %dot_general3A {dimension_numbers = #tpu.dot_dimension_numbers<[1], [0], [0], [1], [0, 0, 1, 1], [], []>, transpose_lhs_hint = false} : vector<512x512xf32>, vector<512x1xf32>, vector<512x1xf32> -> vector<512x1xf32>
      %gt3A_1201 = arith.constant 0.000000e+00 : f32
      %gt3A_1202 = vector.broadcast %gt3A_1201 : f32 to vector<512x1xf32>
      %gt3A_1203 = arith.cmpf ogt, %dot_general3A_1200, %gt3A_1202 : vector<512x1xf32>
      %jit3A_1204 = arith.constant 0.000000e+00 : f32
      %broadcast_in_dim3A_1205 = vector.broadcast %jit3A_1204 : f32 to vector<512x1xf32>
      %select_n3A_1206 = arith.select %gt3A_1203, %broadcast_in_dim3A_1205, %select_n3A_1192 : vector<512x1xi1>, vector<512x1xf32>
      %ne3A_1207 = arith.cmpf one, %select_n3A_1206, %while3A_1198 : vector<512x1xf32>
      %reduce_or3A = arith.constant 1.000000e+00 : f32
      %reduce_or3A_1208 = arith.constant 0.000000e+00 : f32
      %reduce_or3A_1209 = vector.broadcast %reduce_or3A : f32 to vector<512x1xf32>
      %reduce_or3A_1210 = vector.broadcast %reduce_or3A_1208 : f32 to vector<512x1xf32>
      %reduce_or3A_1211 = arith.select %ne3A_1207, %reduce_or3A_1209, %reduce_or3A_1210 : vector<512x1xi1>, vector<512x1xf32>
      %reduce_or3A_1212 = vector.shape_cast %reduce_or3A_1211 : vector<512x1xf32> to vector<1x512x1xf32>
      %reduce_or3A_1213 = arith.constant dense<0xFF800000> : vector<1xf32>
      %reduce_or3A_1214 = vector.multi_reduction <maximumf>, %reduce_or3A_1212, %reduce_or3A_1213 [1, 2] : vector<1x512x1xf32> to vector<1xf32>
      %reduce_or3A_1215 = vector.shape_cast %reduce_or3A_1214 : vector<1xf32> to vector<1x1x1xf32>
      %reduce_or3A_1216 = vector.extract %reduce_or3A_1215[0, 0, 0] : f32 from vector<1x1x1xf32>
      %reduce_or3A_1217 = arith.constant 0.000000e+00 : f32
      %reduce_or3A_1218 = arith.cmpf ogt, %reduce_or3A_1216, %reduce_or3A_1217 : f32
      scf.yield %select_n3A_1206, %reduce_or3A_1218 : vector<512x1xf32>, i1
    }
    %concatenate3A = tpu.concatenate %while3A_71#0, %while3A_166#0, %while3A_270#0, %while3A_381#0, %while3A_499#0, %while3A_624#0, %while3A_756#0, %while3A_895#0, %while3A_1041#0, %while3A_1194#0 in 0 : vector<512x1xf32>, vector<512x1xf32>, vector<512x1xf32>, vector<512x1xf32>, vector<512x1xf32>, vector<512x1xf32>, vector<512x1xf32>, vector<512x1xf32>, vector<512x1xf32>, vector<512x1xf32> -> vector<5120x1xf32>
    %swap3A_1195 = arith.constant 0 : index
    %swap3A_1196 = arith.constant 0 : index
    %swap3A_1197 = vector.load %arg3[%swap3A_1195, %swap3A_1196] : memref<5120x1xf32, #tpu.memory_space<vmem>>, vector<5120x1xf32>
    tpu.vector_store %arg3[%swap3A_1195, %swap3A_1196], %concatenate3A {strides = array<i32>} : memref<5120x1xf32, #tpu.memory_space<vmem>>, vector<5120x1xf32>,
    return
  }
}

module attributes {stable_mosaic.version = 14 : i64} {
  func.func @_filter_body(%arg0: i32, %arg1: memref<128x64x64xf32, #tpu.memory_space<vmem>>, %arg2: memref<128x4xf32, #tpu.memory_space<vmem>>, %arg3: memref<128x1xf32, #tpu.memory_space<vmem>>, %arg4: memref<128x64x64xf32, #tpu.memory_space<vmem>>, %arg5: memref<128x4xf32, #tpu.memory_space<vmem>>) attributes {dimension_semantics = [#tpu.dimension_semantics<arbitrary>], iteration_bounds = array<i64: 40>, scalar_prefetch = 0 : i64, scratch_operands = 0 : i64, tpu.core_type = #tpu.core_type<tc>, window_params = [{transform_indices = @transform_0, window_bounds = array<i64: 128, 64, 64>}, {transform_indices = @transform_1, window_bounds = array<i64: 128, 4>}, {transform_indices = @transform_2, window_bounds = array<i64: 128, 1>}, {transform_indices = @transform_3, window_bounds = array<i64: 128, 64, 64>}, {transform_indices = @transform_4, window_bounds = array<i64: 128, 4>}]} {
    %get3A = arith.constant 0 : index
    %get3A_0 = arith.constant 0 : index
    %get3A_1 = vector.load %arg3[%get3A, %get3A_0] : memref<128x1xf32, #tpu.memory_space<vmem>>, vector<128x1xf32>
    %get3A_2 = arith.constant 0 : index
    %get3A_3 = arith.constant 0 : index
    %get3A_4 = arith.constant 0 : index
    %get3A_5 = vector.load %arg1[%get3A_2, %get3A_3, %get3A_4] : memref<128x64x64xf32, #tpu.memory_space<vmem>>, vector<128x64x64xf32>
    %broadcast_in_dim3A = vector.shape_cast %get3A_1 : vector<128x1xf32> to vector<128x1x1xf32>
    %mul3A = vector.broadcast %broadcast_in_dim3A : vector<128x1x1xf32> to vector<128x64x64xf32>
    %mul3A_6 = arith.mulf %get3A_5, %mul3A : vector<128x64x64xf32>
    %swap3A = arith.constant 0 : index
    %swap3A_7 = arith.constant 0 : index
    %swap3A_8 = arith.constant 0 : index
    %swap3A_9 = vector.load %arg4[%swap3A, %swap3A_7, %swap3A_8] : memref<128x64x64xf32, #tpu.memory_space<vmem>>, vector<128x64x64xf32>
    tpu.vector_store %arg4[%swap3A, %swap3A_7, %swap3A_8], %mul3A_6 {strides = array<i32>} : memref<128x64x64xf32, #tpu.memory_space<vmem>>, vector<128x64x64xf32>,
    %get3A_10 = arith.constant 0 : index
    %get3A_11 = arith.constant 0 : index
    %get3A_12 = vector.load %arg2[%get3A_10, %get3A_11] : memref<128x4xf32, #tpu.memory_space<vmem>>, vector<128x4xf32>
    %mul3A_13 = vector.broadcast %get3A_1 : vector<128x1xf32> to vector<128x4xf32>
    %mul3A_14 = arith.mulf %get3A_12, %mul3A_13 : vector<128x4xf32>
    %swap3A_15 = arith.constant 0 : index
    %swap3A_16 = arith.constant 0 : index
    %swap3A_17 = vector.load %arg5[%swap3A_15, %swap3A_16] : memref<128x4xf32, #tpu.memory_space<vmem>>, vector<128x4xf32>
    tpu.vector_store %arg5[%swap3A_15, %swap3A_16], %mul3A_14 {strides = array<i32>} : memref<128x4xf32, #tpu.memory_space<vmem>>, vector<128x4xf32>,
    return
  }
  func.func @transform_0(%arg0: i32) -> (i32, i32, i32) {
    %c0_i32 = arith.constant 0 : i32
    %c0_i32_0 = arith.constant 0 : i32
    %c0_i32_1 = arith.constant 0 : i32
    return %arg0, %c0_i32, %c0_i32_0 : i32, i32, i32
  }
  func.func @transform_1(%arg0: i32) -> (i32, i32) {
    %c0_i32 = arith.constant 0 : i32
    %c0_i32_0 = arith.constant 0 : i32
    return %arg0, %c0_i32 : i32, i32
  }
  func.func @transform_2(%arg0: i32) -> (i32, i32) {
    %c0_i32 = arith.constant 0 : i32
    %c0_i32_0 = arith.constant 0 : i32
    return %arg0, %c0_i32 : i32, i32
  }
  func.func @transform_3(%arg0: i32) -> (i32, i32, i32) {
    %c0_i32 = arith.constant 0 : i32
    %c0_i32_0 = arith.constant 0 : i32
    %c0_i32_1 = arith.constant 0 : i32
    return %arg0, %c0_i32, %c0_i32_0 : i32, i32, i32
  }
  func.func @transform_4(%arg0: i32) -> (i32, i32) {
    %c0_i32 = arith.constant 0 : i32
    %c0_i32_0 = arith.constant 0 : i32
    return %arg0, %c0_i32 : i32, i32
  }
}

</mosaic_0001>

<sc_bundles>
// kernel: gather_offload_async_start
scs
__scs_entry_jumppad:
0x0: {  	(pc) =	sbr.rel $0x88, $3  }
0x1: {  	(tag) =	ssettag $0x0;
	lr =	simm.s32 $0x1  }
0x2: {  	[smem:$0x3F9D] =	sst lr;
	_ =	strace $0xD0000000  }
0x3: {  	_ = 	snop  }
0x4: {  	_ = 	snop  }
0x5: {  	_ = 	snop  }
0x6: {  	_ = 	snop  }
0x7: {  	_ = 	snop  }
__scs_overlays_trampoline_lowered:
0x8: {  	[smem:$0x3FAC] =	sst s0  }
0x9: {  	[smem:$0x3FAD] =	sst s1  }
0xa: {  	[smem:$0x3FAE] =	sst s2  }
0xb: {  	[smem:$0x3FAF] =	sst s3  }
0xc: {  	[smem:$0x3FB0] =	sst s4  }
0xd: {  	[smem:$0x3FB1] =	sst s5  }
0xe: {  	[smem:$0x3FB2] =	sst s6  }
0xf: {  	[smem:$0x3FB3] =	sst s7  }
0x10: {  	[smem:$0x3FB4] =	sst s8  }
0x11: {  	[smem:$0x3FB5] =	sst s9;
	s0 =	simm.s32 @!p0 $0x0  }
0x12: {  	s1 =	sld [smem:$0x3F9B];
	s0 =	simm.s32 @p0 $0x1  }
0x13: {  	[smem:$0x3FB6] =	sst s0;
	s0 =	simm.s32 @!p1 $0x0  }
0x14: {  	s2 =	sld [smem:$0x3F9A];
	s0 =	simm.s32 @p1 $0x1  }
0x15: {  	[smem:$0x3FB7] =	sst s0;
	s0 =	simm.s32 @!p2 $0x0  }
0x16: {  	s3 =	sld [smem:$0x3FDB];
	s0 =	simm.s32 @p2 $0x1  }
0x17: {  	s4 =	simm.s32 $0x1BF5;
	[smem:$0x3FB9] =	sst s0  }
0x18: {  	s0 =	sld [smem:$0x3F9C];
	_ =	swait.ge [sflag:s4], $0x0  }
0x19: {  	s7 =	sld [smem:$0x3F9D]  }
0x1a: {  	s8 =	sadd.s32 $0xFFFFE003, lr  }
0x1b: {  	s9 =	sadd.s32 $0xFFFFFEF7, lr;
	s5 =	simm.s32 $0xFFFFFFFF;
	p2 =	slt.u32 s8, $0xFFFFF086  }
0x1c: {  	p1 =	slt.u32 s9, $0xF7A;
	s5 =	simm.s32 @!p2 $0x0  }
0x1d: {  	s5 =	simm.s32 @p1 $0x1;
	p0 =	seq.s32 s7, s2  }
0x1e: {  	s7 =	smul.u32 @!p0 $0xF7A, s2;
	p2 =	seq.s32 @!p0 s5, $0x0  }
0x1f: {  	s9 =	smul.u32 $0xF7A, s1;
	s8 =	simm.s32 @!p0 $0x1BF5;
	p2 =	por !p2, p0  }
0x20: {  	[sflag:s8] =	ssyncset.s32 @!p0 $0xFFFFF086;
	s6 =	sadd.s32 @!p0 s3, s7;
	s7 =	simm.s32 @!p0 $0x108  }
0x21: {  	s3 =	sadd.s32 s3, s9;
	s6 =	sadd.s32 @!p0 $0x88, s6;
	s7 =	simm.s32 @p2 $0x1082  }
0x22: {  	[simem:s7], [sflag:s8] =	dma.local @!p0 [hbm:s6], $0xF7A  }
0x23: {  	s9 =	sor.u32 $0xD0000000, s2;
	s6 =	simm.s32 $0x108;
	_ =	swait.ge @!p0 [sflag:s8], $0x0  }
0x24: {  	s3 =	sadd.s32 $0x88, s3;
	s6 =	simm.s32 @!p1 $0x1082;
	[sflag:s4] =	ssyncset.s32 $0xFFFFF086  }
0x25: {  	[simem:s6], [sflag:s4] =	dma.local [hbm:s3], $0xF7A  }
0x26: {  	[smem:$0x3F9D] =	sst s1;
	(tag) =	ssettag s2;
	_ =	strace s9  }
0x27: {  	s1 =	sld [smem:$0x3FAD]  }
0x28: {  	s2 =	sld [smem:$0x3FAE]  }
0x29: {  	s4 =	sld [smem:$0x3FB0]  }
0x2a: {  	p0 =	seq.s32 s5, $0x0;
	s5 =	sld [smem:$0x3FB1]  }
0x2b: {  	s6 =	sld [smem:$0x3FB2]  }
0x2c: {  	s7 =	sld [smem:$0x3FB3]  }
0x2d: {  	s3 =	simm.s32 $0x108;
	s8 =	sld [smem:$0x3FB4]  }
0x2e: {  	s3 =	simm.s32 @!p0 $0x1082;
	s9 =	sld [smem:$0x3FB5]  }
0x2f: {  	lr =	sadd.s32 s0, s3;
	s0 =	sld [smem:$0x3FAC]  }
0x30: {  	s3 =	sld [smem:$0x3FAF]  }
0x31: {  	[smem:$0x3FB8] =	sst s10  }
0x32: {  	s10 =	sld [smem:$0x3FB6];
	_ =	sdelay $0x3  }
0x33: {  	p0 =	seq.s32 s10, $0x1;
	s10 =	sld [smem:$0x3FB8];
	_ =	sdelay $0x3  }
0x34: {  	[smem:$0x3FB8] =	sst s10  }
0x35: {  	s10 =	sld [smem:$0x3FB7];
	_ =	sdelay $0x3  }
0x36: {  	p1 =	seq.s32 s10, $0x1;
	s10 =	sld [smem:$0x3FB8];
	_ =	sdelay $0x3  }
0x37: {  	[smem:$0x3FB8] =	sst s10  }
0x38: {  	s10 =	sld [smem:$0x3FB9]  }
0x39: {  	_ = 	snop;
	(pc) =	sbr.ind lr, $3  }
0x3a: {  	_ = 	snop  }
0x3b: {  	_ = 	snop  }
0x3c: {  	p2 =	seq.s32 s10, $0x1;
	s10 =	sld [smem:$0x3FB8]  }
0x3d: {  	_ =	shalt  }
0x3e: {  	_ =	shalt  }
0x3f: {  	_ =	shalt  }
0x40: {  	_ =	shalt  }
0x41: {  	_ =	shalt  }
0x42: {  	_ =	shalt  }
0x43: {  	_ =	shalt  }
0x44: {  	_ =	shalt  }
0x45: {  	_ =	shalt  }
0x46: {  	_ =	shalt  }
0x47: {  	_ =	shalt  }
0x48: {  	_ =	shalt  }
0x49: {  	_ =	shalt  }
0x4a: {  	_ =	shalt  }
0x4b: {  	_ =	shalt  }
0x4c: {  	_ =	shalt  }
0x4d: {  	_ =	shalt  }
0x4e: {  	_ =	shalt  }
0x4f: {  	_ =	shalt  }
0x50: {  	_ =	shalt  }
0x51: {  	_ =	shalt  }
0x52: {  	_ =	shalt  }
0x53: {  	_ =	shalt  }
0x54: {  	_ =	shalt  }
0x55: {  	_ =	shalt  }
0x56: {  	_ =	shalt  }
0x57: {  	_ =	shalt  }
0x58: {  	_ =	shalt  }
0x59: {  	_ =	shalt  }
0x5a: {  	_ =	shalt  }
0x5b: {  	_ =	shalt  }
0x5c: {  	_ =	shalt  }
0x5d: {  	_ =	shalt  }
0x5e: {  	_ =	shalt  }
0x5f: {  	_ =	shalt  }
0x60: {  	_ =	shalt  }
0x61: {  	_ =	shalt  }
0x62: {  	_ =	shalt  }
0x63: {  	_ =	shalt  }
0x64: {  	_ =	shalt  }
0x65: {  	_ =	shalt  }
0x66: {  	_ =	shalt  }
0x67: {  	_ =	shalt  }
0x68: {  	_ =	shalt  }
0x69: {  	_ =	shalt  }
0x6a: {  	_ =	shalt  }
0x6b: {  	_ =	shalt  }
0x6c: {  	_ =	shalt  }
0x6d: {  	_ =	shalt  }
0x6e: {  	_ =	shalt  }
0x6f: {  	_ =	shalt  }
0x70: {  	_ =	shalt  }
0x71: {  	_ =	shalt  }
0x72: {  	_ =	shalt  }
0x73: {  	_ =	shalt  }
0x74: {  	_ =	shalt  }
0x75: {  	_ =	shalt  }
0x76: {  	_ =	shalt  }
0x77: {  	_ =	shalt  }
0x78: {  	_ =	shalt  }
0x79: {  	_ =	shalt  }
0x7a: {  	_ =	shalt  }
0x7b: {  	_ =	shalt  }
0x7c: {  	_ =	shalt  }
0x7d: {  	_ =	shalt  }
0x7e: {  	_ =	shalt  }
0x7f: {  	_ =	shalt  }
0x80: {  	_ =	shalt  }
0x81: {  	_ =	shalt  }
0x82: {  	_ =	shalt  }
0x83: {  	_ =	shalt  }
0x84: {  	_ =	shalt  }
0x85: {  	_ =	shalt  }
0x86: {  	_ =	shalt  }
0x87: {  	_ =	shalt  }
.Lfunc_end0:
.L_simem_size_0:
called_computation_lowered:
.L_overlay_start_0:
0x88: {  	s2 =	sld [smem:$0x3FD9]  }
0x89: {  	s3 =	sld [smem:$0x3FFE];
	_ =	sdelay $0x1  }
0x8a: {  	s1 =	srdreg.scid  }
0x8b: {  	s0 =	sand.u32 $0x1, s1  }
0x8c: {  	s14 =	sshll.u32 s0, $0xA;
	s2 =	sadd.s32 s3, s2  }
0x8d: {  	s2 =	sadd.s32 s2, s14  }
0x8e: {  	[smem:$0x3FC4] =	sst s2  }
0x8f: {  	_ = 	snop  }
0x90: {  	s2 =	sld [smem:$0x3FD0];
	_ =	sdelay $0x2  }
0x91: {  	s15 =	simm.s32 $0xA;
	s4 =	simm.s32 $0x10  }
0x92: {  	[smem:s4], [sflag:s15] =	dma.local [hbm:s2], $0x1  }
0x93: {  	_ =	swait.eq [sflag:s15], $0x1  }
0x94: {  	[sflag:s15] =	ssyncset.done $0x0  }
0x95: {  	s16 =	sld [smem:$0x10];
	[sflag:s15] =	ssyncadd.s32 $0xFFFFFFFF  }
0x96: {  	s17 =	sld [smem:$0x11];
	(tm) =	ssettm $0x1  }
0x97: {  	s18 =	sld [smem:$0x3FFB];
	_ =	sdelay $0x3  }
0x98: {  	_ =	strace s18  }
0x99: {  	s4 =	sld [smem:$0x3FFC];
	_ =	sdelay $0x3  }
0x9a: {  	_ =	strace s4  }
0x9b: {  	s4 =	sld [smem:$0x3FFD];
	_ =	sdelay $0x3  }
0x9c: {  	_ =	strace s4  }
0x9d: {  	_ =	strace $0x8FFFFFFF  }
0x9e: {  	s19 =	sld [smem:$0x3FDB];
	_ =	sdelay $0x1  }
0x9f: {  	s5 =	simm.s32 $_scs_section_size  }
0xa0: {  	s6 =	simm.s32 $_size__tile_overlayer_lowered;
	s7 =	simm.s32 $_tile_overlayer_lowered  }
0xa1: {  	s22 =	simm.s32 $0x1BFF;
	s21 =	sshll.u32 s7, $0x1;
	s4 =	sadd.s32 s5, s19  }
0xa2: {  	s8 =	simm.s32 $0x0;
	s20 =	sshll.u32 s6, $0x1;
	s6 =	sadd.s32 s21, s4  }
0xa3: {  	[timem:s8], [sflag:s22] =	dma.local [hbm:s6], s20  }
0xa4: {  	_ =	swait.ge [sflag:s22], s20  }
0xa5: {  	s5 =	ssub.s32 $0x0, s20;
	[sflag:s22] =	ssyncset.done $0x0  }
0xa6: {  	[sflag:s22] =	ssyncadd.s32 s5;
	_ =	sdelay $0x1  }
0xa7: {  	s23 =	simm.s32 $0x1B8B  }
0xa8: {  	_ =	swait.ge [sflag:s23], $0x1  }
0xa9: {  	[sflag:s23] =	ssyncset.done $0x0  }
0xaa: {  	s25 =	simm.s32 $0x1B8E;
	s24 =	sld [smem:$0x3FFE];
	[sflag:s23] =	ssyncadd.s32 $0xFFFFFFFF  }
0xab: {  	s26 =	simm.s32 $execute0_lowered;
	[smem:$0x3FD2] =	sst s25  }
0xac: {  	s6 =	sshll.u32 s26, $0x1;
	_ =	strace $0x80000046;
	[dreg:$0x1] =	wrdreg $0xFFFFFFFF  }
0xad: {  	s28 =	simm.s32 $_size_execute0_lowered;
	s4 =	sadd.s32 s4, s6;
	[dreg:$0x0] =	wrdreg $0x0  }
0xae: {  	s6 =	sshll.u32 s28, $0x1;
	[dreg:$0x2] =	wrdreg s4  }
0xaf: {  	[dreg:$0x3] =	wrdreg s6  }
0xb0: {  	[dreg:$0x4] =	wrdreg $0xC0  }
0xb1: {  	_ =	task [dreg:s8], $0x5FFFF  }
0xb2: {  	[dreg:$0x1] =	wrdreg $0xFFFFFFFF  }
0xb3: {  	[dreg:$0x0] =	wrdreg $0x60  }
0xb4: {  	[dreg:$0x2] =	wrdreg s16  }
0xb5: {  	[dreg:$0x3] =	wrdreg s17  }
0xb6: {  	[dreg:$0x4] =	wrdreg s24  }
0xb7: {  	[dreg:$0x5] =	wrdreg $0x9  }
0xb8: {  	_ =	task.clear_ibuf [dreg:s8], $0x6FFFF;
	_ =	strace $0x90000046  }
0xb9: {  	s29 =	simm.s32 $0x9;
	_ =	strace $0x80000048  }
0xba: {  	_ =	swait.ge [sflag:s29], $0x1  }
0xbb: {  	[sflag:s29] =	ssyncadd.s32 $0xFFFFFFFF  }
0xbc: {  	_ =	strace $0x90000048  }
0xbd: {  	_ =	sfence  }
0xbe: {  	s30 =	sld [smem:$0x0];
	_ =	sdelay $0x2  }
0xbf: {  	s31 =	sshll.u32 s1, $0xD;
	s1 =	sshrl.u32 s1, $0x2  }
0xc0: {  	s3 =	sand.u32 $0x4000, s31;
	s1 =	sadd.s32 s1, s30  }
0xc1: {  	s0 =	sor.u32 s3, s0;
	s1 =	sshll.u32 s1, $0x11  }
0xc2: {  	s0 =	sor.u32 s1, s0  }
0xc3: {  	s0 =	sadd.s32 $0x8F2B, s0  }
0xc4: {  	[sflag:s0] =	ssyncadd.remote.s32 $0x1  }
0xc5: {  	_ =	sfence.sel $0xFFFF  }
0xc6: {  	[dreg:$0x0] =	wrdreg $0xFFFFFFFF;
	(pc) =	sbr.abs _section_cstart, $3  }
0xc7: {  	[dreg:$0x1] =	wrdreg $0xFFFFFFFF  }
0xc8: {  	_ =	task.clear_ibuf [dreg:s8], $0x2FFFF;
	_ =	strace $0x9FFFFFFF  }
0xc9: {  	(tm) =	ssettm $0x7FFFFFFF  }
tec
execute0_lowered:
.L_overlay_start_1:
0x0: {  	(tag) =	ssettag $0x1  }
0x1: {  	s0 =	srdreg.scid  }
0x2: {  	s1 =	sshll.u32 s0, $0x4  }
0x3: {  	s0 =	stileid.u32;
	s1 =	sand.u32 $0x10, s1  }
0x4: {  	s4 =	rddreg [dreg:$0x1];
	s1 =	sor.u32 s0, s1  }
0x5: {  	s9 =	rddreg [dreg:$0x2];
	s2 =	smin.u32 s1, $0x8  }
0x6: {  	p0 =	slt.u32 s1, $0x8;
	s3 =	sadd.s32 s1, s2;
	s1 =	simm.s32 $0x100  }
0x7: {  	s6 =	simm.s32 $0x1;
	s3 =	sshll.u32 s3, $0x7;
	s1 =	simm.s32 @!p0 $0x80  }
0x8: {  	s7 =	simm.s32 $0x2;
	s10 =	simm.s32 $0x3;
	s1 =	sadd.s32 s1, s3  }
0x9: {  	s13 =	simm.s32 $0x0;
	s12 =	simm.s32 $0x0;
	s5 =	smin.u32 s1, $0x1400  }
.Ltmp0:
0xa: {  	s2 =	rddreg [dreg:$0x0];
	s8 =	ssub.s32 s5, s3;
	(pc) =	sbr.rel .LBB2_1-.Ltmp0, $4  }
0xb: {  	s1 =	rddreg [dreg:$0x3];
	_ =	strace $0x80000047;
	p0 =	sgt.s32 s8, $0x0  }
0xc: {  	s9 =	sadd.s32 $0x4E2000, s9;
	[sflag:s6] =	ssyncpa.u1 $0x0;
	s8 =	simm.s32 @!p0 $0x0  }
0xd: {  	s11 =	smov.u32 s3;
	[sflag:s7] =	ssyncpa.u1 $0x0;
	s8 =	sshrl.u32 s8, $0x7  }
0xe: {  	vm0 =	vmmov $0xff;
	vm1 =	vcmask $0x3F20;
	[sflag:s10] =	ssyncpa.u1 $0x0;
	p0 =	por $0x0, $0x0;
	s10 =	sadd.s32 $0x1, s8  }
.LBB2_6:
0xf: {  	[hbm:s17] =	stream.linear.scatter [tilespmem:s14], [sflag:$0x3], $0x400, $0x38;
	[tilespmem:$0x8100] =	vst v63  }
.LBB2_7:
0x10: {  	s13 =	sadd.s32 $0x80, s11  }
0x11: {  	s15 =	smov.u32 s3;
	p2 =	slt.s32 s13, s5  }
0x12: {  	s15 =	smov.u32 @p2 s13;
	p2 =	sne.s32 s12, s10  }
.Ltmp1:
0x13: {  	p1 =	slt.u32 s12, $0x2;
	(pc) =	sbr.rel @!p2 .LBB2_8-.Ltmp1, $4  }
0x14: {  	s14 =	simm.s32 @!p1 $0x3  }
0x15: {  	s16 =	sadd.s32 $0x1, s12;
	_ =	swait.ge @!p1 [sflag:s14], $0x4000  }
0x16: {  	p0 =	por !p0, !p0;
	s13 =	smov.u32 s11;
	[sflag:s14] =	ssyncset.done @!p1 $0x0  }
0x17: {  	s12 =	smov.u32 s16;
	s11 =	smov.u32 s15;
	[sflag:s14] =	ssyncadd.s32 @!p1 $0xFFFFC000  }
.LBB2_1:
0x18: {  	p1 =	sge.u32 s12, s8  }
0x19: {  	s14 =	sxor.u32 @!p1 $0xFFFFFFFF, s12  }
0x1a: {  	s31 =	sadd.s32 $0xFFFFFFFF, s12;
	s15 =	sshrl.u32 @!p1 s11, $0x3;
	s14 =	sshll.u32 @!p1 s14, $0x7  }
0x1b: {  	s16 =	sand.u32 @!p1 $0x7, s11;
	s15 =	sadd.s32 @!p1 s4, s15;
	s14 =	sand.u32 @!p1 $0x80, s14  }
0x1c: {  	[tilespmem:s14], [sflag:$0x2] =	stream.linear.gather @!p1 [hbm4b:s15+s16], $0x80, $0x38;
	[tilespmem:$0x8100] =	vst v63  }
0x1d: {  	p1 =	sge.u32 s31, s8  }
.Ltmp2:
0x1e: {  	_ = 	snop;
	(pc) =	sbr.rel @p1 .LBB2_7-.Ltmp2, $1  }
0x1f: {  	_ =	sdelay $0x3  }
0x20: {  	s14 =	simm.s32 $0x1  }
0x21: {  	_ =	swait.ge [sflag:s7], $0x80;
	s14 =	simm.s32 @!p0 $0x0  }
0x22: {  	[sflag:s7] =	ssyncset.done $0x0;
	s16 =	sshll.u32 s14, $0x7  }
0x23: {  	[sflag:s7] =	ssyncadd.s32 $0xFFFFFF80;
	s15 =	sadd.s32 $0x0, s16  }
0x24: {  	v0 =	vld.msk [tilespmem:s15+$0x0 ss:$0x1], $0xffff;
	_ =	sdelay $0x4  }
0x25: {  	vm2 =	vgt.s32 v0, $0x0  }
0x26: {  	v0 =	vnsel vm2, $0x0, v0  }
0x27: {  	v0 =	vmin.u32 v0, $0x13FF  }
0x28: {  	v0 =	vshll.u32 v0, $0x4;
	_ =	sdelay $0x2  }
0x29: {  	s14 =	sshll.u32 s14, $0xE  }
0x2a: {  	s14 =	sor.u32 $0x100, s14  }
0x2b: {  	[tilespmem:s14], [sflag:$0x1] =	stream.indirect_vreg.gather [hbm:s2], $0x80, v0, vm0, $0x38;
	[tilespmem:$0x8100] =	vst v63  }
0x2c: {  	s17 =	sadd.s32 $0x10, s16;
	s15 =	sadd.s32 $0x400, s14  }
0x2d: {  	[tilespmem:s15], [sflag:$0x1] =	stream.indirect_vreg.gather [hbm:s2], $0x80, v0, vm1, $0x38;
	[tilespmem:$0x8100] =	vst v63  }
0x2e: {  	s18 =	simm.s32 $0x80;
	v0 =	vld.msk [tilespmem:s17+$0x0 ss:$0x1], $0xffff;
	s17 =	smov.u32 s14  }
.LBB2_3:
0x2f: {  	p1 =	sne.s32 s18, $0x1C0;
	_ =	sdelay $0x4  }
0x30: {  	vm2 =	vgt.s32 v0, $0x0  }
0x31: {  	v0 =	vnsel vm2, $0x0, v0  }
0x32: {  	v0 =	vmin.u32 v0, $0x13FF  }
0x33: {  	v0 =	vshll.u32 v0, $0x4;
	_ =	sdelay $0x3  }
.Ltmp3:
0x34: {  	s19 =	sshra.s32 s18, $0x2;
	s17 =	sadd.s32 $0x800, s17;
	(pc) =	sbr.rel @p1 .LBB2_3-.Ltmp3, $4  }
0x35: {  	[tilespmem:s17], [sflag:$0x1] =	stream.indirect_vreg.gather [hbm:s2], $0x80, v0, vm0, $0x38;
	[tilespmem:$0x8100] =	vst v63  }
0x36: {  	s19 =	sadd.s32 s19, s16;
	s20 =	sadd.s32 $0x400, s17  }
0x37: {  	[tilespmem:s20], [sflag:$0x1] =	stream.indirect_vreg.gather [hbm:s2], $0x80, v0, vm1, $0x38;
	[tilespmem:$0x8100] =	vst v63  }
0x38: {  	s18 =	sadd.s32 $0x40, s18;
	v0 =	vld.msk [tilespmem:s19+$0x0 ss:$0x1], $0xffff  }
0x39: {  	_ =	sdelay $0x3  }
0x3a: {  	vm2 =	vgt.s32 v0, $0x0  }
0x3b: {  	v0 =	vnsel vm2, $0x0, v0  }
0x3c: {  	v0 =	vmin.u32 v0, $0x13FF  }
0x3d: {  	v0 =	vshll.u32 v0, $0x4;
	_ =	sdelay $0x3  }
0x3e: {  	s16 =	sadd.s32 $0x800, s17  }
0x3f: {  	[tilespmem:s16], [sflag:$0x1] =	stream.indirect_vreg.gather [hbm:s2], $0x80, v0, vm0, $0x38;
	[tilespmem:$0x8100] =	vst v63  }
0x40: {  	s16 =	sadd.s32 $0x400, s16  }
0x41: {  	[tilespmem:s16], [sflag:$0x1] =	stream.indirect_vreg.gather [hbm:s2], $0x80, v0, vm1, $0x38;
	[tilespmem:$0x8100] =	vst v63  }
0x42: {  	s13 =	sshll.u32 s13, $0x4;
	_ =	swait.ge [sflag:s6], $0x4000  }
0x43: {  	s13 =	sadd.s32 s13, s9;
	[sflag:s6] =	ssyncset.done $0x0  }
0x44: {  	s17 =	sadd.s32 $0x0, s13;
	s16 =	simm.s32 $0x80;
	[sflag:s6] =	ssyncadd.s32 $0xFFFFC000  }
.LBB2_5:
0x45: {  	[hbm:s17] =	stream.linear.scatter [tilespmem:s14], [sflag:$0x3], $0x400, $0x38;
	[tilespmem:$0x8100] =	vst v63  }
0x46: {  	s17 =	smov.u32 s16;
	s14 =	smov.u32 s15;
	p1 =	sne.s32 s16, $0x780  }
.Ltmp4:
0x47: {  	s16 =	sadd.s32 $0x80, s16;
	(pc) =	sbr.rel @p1 .LBB2_5-.Ltmp4, $2  }
0x48: {  	_ =	sdelay $0x2  }
0x49: {  	s15 =	sadd.s32 $0x400, s15;
	s17 =	sadd.s32 s17, s13  }
.Ltmp5:
0x4a: {  	_ = 	snop;
	(pc) =	sbr.rel .LBB2_6-.Ltmp5, $1  }
0x4b: {  	_ =	sdelay $0x3  }
.LBB2_8:
0x4c: {  	_ =	sfence.sel $0x180000  }
0x4d: {  	s2 =	simm.s32 $0x2;
	[bflag:$0x0] =	sbarrier.arrive $0xFFFF  }
0x4e: {  	s30 =	simm.s32 $0x3;
	[sflag:s2] =	ssyncpa.u1 $0x1  }
0x4f: {  	s31 =	simm.s32 $0x1;
	[sflag:s30] =	ssyncpa.u1 $0x1  }
0x50: {  	[sflag:s31] =	ssyncpa.u1 $0x1  }
0x51: {  	p0 =	sne.s32 s0, $0x0;
	_ =	strace $0x90000047  }
0x52: {  	s0 =	sadd.s32 @!p0 $0x100000, s1;
	[bflag:$0x2] =	sbarrier.arrive $0xFFFF  }
0x53: {  	[sflag:s0] =	ssyncadd.tile.s32 @!p0 $0x1;
	_ =	shalt  }
.Lfunc_end2:
_tile_overlayer_lowered:
.L_overlay_start_2:
0x54: {  	(tag) =	ssettag $0x2  }
0x55: {  	s0 =	rddreg [dreg:$0x0];
	s2 =	stileid.u32  }
0x56: {  	s1 =	rddreg [dreg:$0x1];
	p0 =	sne.s32 s2, $0x0  }
0x57: {  	s3 =	rddreg [dreg:$0x2];
	[bflag:$0x3] =	sbarrier.arrive $0xFFFF;
	s2 =	simm.s32 @!p0 $0x1C01  }
0x58: {  	[timem:s3], [sflag:s2] =	dma.local @!p0 [hbm:s0], s1  }
0x59: {  	s0 =	simm.s32 @!p0 $0x1  }
0x5a: {  	_ =	swait.ge @!p0 [sflag:s0], s1  }
0x5b: {  	s1 =	ssub.s32 @!p0 $0x0, s1;
	[sflag:s0] =	ssyncset.done @!p0 $0x0  }
0x5c: {  	[sflag:s0] =	ssyncadd.s32 @!p0 s1  }
0x5d: {  	[bflag:$0x3] =	sbarrier.arrive $0xFFFF  }
0x5e: {  	_ =	shalt  }

</sc_bundles>
